<compile_context>
chip_gen: v7x
topology: tpu7x:2x2x1
jax: 0.10.2.dev20260603
libtpu: 0.0.44.dev20260713+nightly
codegen_flags: <defaults>
</compile_context>

<pallas_src>
import jax
import jax.numpy as jnp
from jax import lax
from jax.experimental import pallas as pl
from jax.experimental.pallas import tpu as pltpu
from jax.experimental.pallas import tpu_sc as plsc

EMB = 128
NG = EMB // 16
CHUNK = 128
ROWS_PER_WORKER = 2048
NCHUNK = ROWS_PER_WORKER // CHUNK
NBUF = 4
UNROLL = 4


def _hrm_sc(item_hbm, user_hbm, idx_hbm, uidx_hbm, iidx_hbm, out_hbm,
            idx_v, buf0, buf1, buf2, buf3, accv, shared, merged, uiv, iiv,
            urows, irows, outv, sem0, sem1, sem2, sem3, semu, semi):
    c = lax.axis_index("c")
    s = lax.axis_index("s")
    r = c * 16 + s

    pltpu.sync_copy(idx_hbm.at[r], idx_v)

    bufs = (buf0, buf1, buf2, buf3)
    sems = (sem0, sem1, sem2, sem3)

    for t in range(NBUF):
        pltpu.async_copy(item_hbm.at[idx_v.at[t]], bufs[t], sems[t])

    @pl.when(s == 0)
    def _():
        pltpu.sync_copy(uidx_hbm.at[pl.ds(c * 8, 8)], uiv)
        pltpu.sync_copy(iidx_hbm.at[pl.ds(c * 8, 8)], iiv)
        pltpu.async_copy(user_hbm.at[uiv], urows, semu)
        pltpu.async_copy(item_hbm.at[iiv], irows, semi)

    neg = jnp.full((16,), -jnp.inf, dtype=jnp.float32)
    acc0 = (neg,) * NG

    def outer(jj, acc):
        for t in range(NBUF):
            ci = jj * NBUF + t
            pltpu.make_async_copy(item_hbm.at[idx_v.at[ci]], bufs[t],
                                  sems[t]).wait()
            bt = bufs[t]

            def row_body(rr, a, bt=bt):
                base = rr * UNROLL
                for u in range(UNROLL):
                    a = tuple(
                        jnp.maximum(a[g], bt[base + u, pl.ds(16 * g, 16)])
                        for g in range(NG))
                return a

            acc = lax.fori_loop(0, CHUNK // UNROLL, row_body, acc)

            nxt = ci + NBUF

            @pl.when(nxt < NCHUNK)
            def _(t=t, nxt=nxt):
                pltpu.async_copy(item_hbm.at[idx_v.at[nxt]], bufs[t], sems[t])
        return acc

    acc = lax.fori_loop(0, NCHUNK // NBUF, outer, acc0)

    for g in range(NG):
        accv[pl.ds(16 * g, 16)] = acc[g]
    pltpu.sync_copy(accv, shared.at[s])
    plsc.subcore_barrier()

    @pl.when(s == 0)
    def _():
        pltpu.sync_copy(shared, merged)
        pltpu.make_async_copy(user_hbm.at[uiv], urows, semu).wait()
        pltpu.make_async_copy(item_hbm.at[iiv], irows, semi).wait()

        lanes = lax.iota(jnp.int32, 16)
        svec = jnp.zeros((16,), jnp.float32)
        for i in range(8):
            tot = jnp.zeros((16,), jnp.float32)
            for g in range(NG):
                sl = pl.ds(16 * g, 16)
                pooled = jnp.maximum(merged[2 * i, sl], merged[2 * i + 1, sl])
                hyb = jnp.maximum(pooled, urows[i, sl])
                tot = tot + hyb * irows[i, sl]
            for sh in (8, 4, 2, 1):
                tot = tot + tot.at[lanes ^ sh].get(mode="promise_in_bounds")
            svec = jnp.where(lanes == i, tot, svec)
        outv[...] = svec
        pltpu.sync_copy(outv.at[pl.ds(0, 8)], out_hbm.at[pl.ds(c * 8, 8)])


@jax.jit
def kernel(user_table, item_table, user_inputs, L_inputs, S_inputs,
           item_inputs):
    batch = user_inputs.shape[0]
    idx_all = jnp.concatenate(
        [L_inputs.astype(jnp.int32)[:, None, :],
         S_inputs.astype(jnp.int32)[:, None, :]], axis=1)
    idx_all = idx_all.reshape(2 * batch, NCHUNK, CHUNK)

    mesh = plsc.VectorSubcoreMesh(core_axis_name="c", subcore_axis_name="s")
    out = pl.kernel(
        _hrm_sc,
        out_type=jax.ShapeDtypeStruct((batch,), jnp.float32),
        mesh=mesh,
        scratch_types=[
            pltpu.VMEM((NCHUNK, CHUNK), jnp.int32),
            pltpu.VMEM((CHUNK, EMB), jnp.float32),
            pltpu.VMEM((CHUNK, EMB), jnp.float32),
            pltpu.VMEM((CHUNK, EMB), jnp.float32),
            pltpu.VMEM((CHUNK, EMB), jnp.float32),
            pltpu.VMEM((EMB,), jnp.float32),
            pltpu.VMEM_SHARED((16, EMB), jnp.float32),
            pltpu.VMEM((16, EMB), jnp.float32),
            pltpu.VMEM((8,), jnp.int32),
            pltpu.VMEM((8,), jnp.int32),
            pltpu.VMEM((8, EMB), jnp.float32),
            pltpu.VMEM((8, EMB), jnp.float32),
            pltpu.VMEM((16,), jnp.float32),
            pltpu.SemaphoreType.DMA,
            pltpu.SemaphoreType.DMA,
            pltpu.SemaphoreType.DMA,
            pltpu.SemaphoreType.DMA,
            pltpu.SemaphoreType.DMA,
            pltpu.SemaphoreType.DMA,
        ],
    )(item_table, user_table, idx_all,
      user_inputs.astype(jnp.int32), item_inputs.astype(jnp.int32))
    return out.reshape(batch, 1)

# --- scband reference (transcript-rebuilt; emitter-appended) ---
"""Pipeline reference for scband-hrm-47184510714066 (READ-ONLY COPY).

The authoritative reference and input builder live on the scoring server;
editing this copy changes nothing except your own understanding.
"""

import jax, jax.numpy as jnp
import numpy as np

NUM_USERS = 100000
NUM_ITEMS = 100000
EMB_DIM = 128
BATCH = 16
L_LEN = 2048
S_LEN = 2048


def setup_inputs(seed: int = 0) -> dict:
    key = jax.random.key(seed)
    k1, k2, k3, k4, k5, k6 = jax.random.split(key, 6)
    user_inputs = jax.random.randint(k1, (BATCH,), 0, NUM_USERS)
    L_inputs = jax.random.randint(k2, (BATCH, L_LEN), 0, NUM_ITEMS)
    S_inputs = jax.random.randint(k3, (BATCH, S_LEN), 0, NUM_ITEMS)
    item_inputs = jax.random.randint(k4, (BATCH,), 0, NUM_ITEMS)
    user_table = 0.01 * jax.random.normal(k5, (NUM_USERS, EMB_DIM), dtype=jnp.float32)
    item_table = 0.01 * jax.random.normal(k6, (NUM_ITEMS, EMB_DIM), dtype=jnp.float32)
    return {
        "user_table": user_table,
        "item_table": item_table,
        "user_inputs": user_inputs,
        "L_inputs": L_inputs,
        "S_inputs": S_inputs,
        "item_inputs": item_inputs,
    }


def _hier_max(x):
    # x: [n, d]; repeated MaxPool1d(kernel=2, stride=2) along n,
    # dropping the odd tail element each round, until length == 1.
    while x.shape[0] != 1:
        m = x.shape[0] // 2
        x = jnp.max(x[: 2 * m].reshape(m, 2, x.shape[1]), axis=1)
    return x[0]


def reference(user_table, item_table, user_inputs, L_inputs, S_inputs, item_inputs):
    scores = []
    for b in range(user_inputs.shape[0]):
        # inputs are drawn from [0, NUM_ITEMS), so no -1 padding ever occurs:
        # the ragged filter is identically the full row for every seed.
        item_set = jnp.concatenate([L_inputs[b], S_inputs[b]])
        item_set_embed = jnp.take(item_table, item_set, axis=0)  # [n, d]
        user_embed = user_table[user_inputs[b]]  # [d]
        item_embed = item_table[item_inputs[b]]  # [d]
        pooled = _hier_max(item_set_embed)   # [d]  hierarchical max over item set
        hybrid = jnp.maximum(user_embed, pooled)  # maxpool over (user, pooled) pair
        score = jnp.dot(item_embed, hybrid)
        scores.append(score.reshape(1, 1))
    return jnp.concatenate(scores, axis=0)  # [BATCH, 1]

if __name__ == "__main__":
    import jax
    _d = setup_inputs()
    print(jax.jit(kernel)(*tuple(_d.values())))

</pallas_src>

<mosaic_0001>
#map = affine_map<(d0, d1) -> (0, 0)>
#map1 = affine_map<(d0, d1) -> (0, 0, 0)>
#map2 = affine_map<(d0, d1) -> (0)>
module attributes {stable_mosaic.version = 14 : i64} {
  func.func @_hrm_sc(%arg0: i32, %arg1: i32, %arg2: memref<100000x128xf32, #tpu.memory_space<hbm>>, %arg3: memref<100000x128xf32, #tpu.memory_space<hbm>>, %arg4: memref<32x16x128xi32, #tpu.memory_space<hbm>>, %arg5: memref<16xi32, #tpu.memory_space<hbm>>, %arg6: memref<16xi32, #tpu.memory_space<hbm>>, %arg7: memref<16xf32, #tpu.memory_space<hbm>>, %arg8: memref<16x128xi32, #tpu.memory_space<vmem>>, %arg9: memref<128x128xf32, #tpu.memory_space<vmem>>, %arg10: memref<128x128xf32, #tpu.memory_space<vmem>>, %arg11: memref<128x128xf32, #tpu.memory_space<vmem>>, %arg12: memref<128x128xf32, #tpu.memory_space<vmem>>, %arg13: memref<128xf32, #tpu.memory_space<vmem>>, %arg14: memref<16x128xf32, #tpu.memory_space<vmem_shared>>, %arg15: memref<16x128xf32, #tpu.memory_space<vmem>>, %arg16: memref<8xi32, #tpu.memory_space<vmem>>, %arg17: memref<8xi32, #tpu.memory_space<vmem>>, %arg18: memref<8x128xf32, #tpu.memory_space<vmem>>, %arg19: memref<8x128xf32, #tpu.memory_space<vmem>>, %arg20: memref<16xf32, #tpu.memory_space<vmem>>, %arg21: memref<!tpu.dma_semaphore, #tpu.memory_space<semaphore_mem>>, %arg22: memref<!tpu.dma_semaphore, #tpu.memory_space<semaphore_mem>>, %arg23: memref<!tpu.dma_semaphore, #tpu.memory_space<semaphore_mem>>, %arg24: memref<!tpu.dma_semaphore, #tpu.memory_space<semaphore_mem>>, %arg25: memref<!tpu.dma_semaphore, #tpu.memory_space<semaphore_mem>>, %arg26: memref<!tpu.dma_semaphore, #tpu.memory_space<semaphore_mem>>) attributes {dimension_semantics = [#tpu.dimension_semantics<core_parallel>, #tpu.dimension_semantics<subcore_parallel>], iteration_bounds = array<i64: 2, 16>, scalar_prefetch = 0 : i64, scratch_operands = 19 : i64, tpu.core_type = #tpu.core_type<sc_vector_subcore>, window_params = [{transform_indices = #map}, {transform_indices = #map}, {transform_indices = #map1}, {transform_indices = #map2}, {transform_indices = #map2}, {transform_indices = #map2}]} {
    %mul3A = arith.constant 16 : i32
    %mul3A_0 = arith.muli %arg0, %mul3A : i32
    %add3A = arith.addi %mul3A_0, %arg1 : i32
    "tpu.region"() ({
      %run_scoped3A = tpu.sem_alloc : memref<!tpu.dma_semaphore, #tpu.memory_space<semaphore_mem>>
      %dma_start3A_72 = arith.constant 0 : i32
      %dma_start3A_73 = arith.constant 0 : i32
      %dma_start3A_74 = tpu.memref_slice %arg4[%add3A, %dma_start3A_72, %dma_start3A_73] : memref<32x16x128xi32, #tpu.memory_space<hbm>> -> memref<1x16x128xi32, #tpu.memory_space<hbm>>
      %dma_start3A_75 = tpu.memref_squeeze %dma_start3A_74 : memref<1x16x128xi32, #tpu.memory_space<hbm>> -> memref<16x128xi32, #tpu.memory_space<hbm>>
      %dma_start3A_76 = arith.constant 0 : i32
      %dma_start3A_77 = arith.constant 0 : i32
      %dma_start3A_78 = tpu.memref_slice %arg4[%add3A, %dma_start3A_76, %dma_start3A_77] : memref<32x16x128xi32, #tpu.memory_space<hbm>> -> memref<1x16x128xi32, #tpu.memory_space<hbm>>
      %dma_start3A_79 = tpu.memref_squeeze %dma_start3A_78 : memref<1x16x128xi32, #tpu.memory_space<hbm>> -> memref<16x128xi32, #tpu.memory_space<hbm>>
      tpu.enqueue_dma source(%dma_start3A_79 : memref<16x128xi32, #tpu.memory_space<hbm>>) target(%arg8 : memref<16x128xi32, #tpu.memory_space<vmem>>) target_semaphore(%run_scoped3A : memref<!tpu.dma_semaphore, #tpu.memory_space<semaphore_mem>>)
      %dma_wait3A = arith.constant 0 : i32
      %dma_wait3A_80 = arith.constant 0 : i32
      %dma_wait3A_81 = tpu.memref_slice %arg4[%add3A, %dma_wait3A, %dma_wait3A_80] : memref<32x16x128xi32, #tpu.memory_space<hbm>> -> memref<1x16x128xi32, #tpu.memory_space<hbm>>
      %dma_wait3A_82 = tpu.memref_squeeze %dma_wait3A_81 : memref<1x16x128xi32, #tpu.memory_space<hbm>> -> memref<16x128xi32, #tpu.memory_space<hbm>>
      %dma_wait3A_83 = arith.constant 0 : i32
      %dma_wait3A_84 = arith.constant 0 : i32
      %dma_wait3A_85 = tpu.memref_slice %arg4[%add3A, %dma_wait3A_83, %dma_wait3A_84] : memref<32x16x128xi32, #tpu.memory_space<hbm>> -> memref<1x16x128xi32, #tpu.memory_space<hbm>>
      %dma_wait3A_86 = tpu.memref_squeeze %dma_wait3A_85 : memref<1x16x128xi32, #tpu.memory_space<hbm>> -> memref<16x128xi32, #tpu.memory_space<hbm>>
      tpu.wait_dma2 semaphore(%run_scoped3A : memref<!tpu.dma_semaphore, #tpu.memory_space<semaphore_mem>>) src(%dma_wait3A_86 : memref<16x128xi32, #tpu.memory_space<hbm>>) dst(%arg8 : memref<16x128xi32, #tpu.memory_space<vmem>>)
      tpu.yield
    }) : () -> ()
    %dma_start3A = arith.constant 0 : i32
    %dma_start3A_1 = arith.constant 0 : i32
    %dma_start3A_2 = tpu.memref_slice %arg8[%dma_start3A, %dma_start3A_1] : memref<16x128xi32, #tpu.memory_space<vmem>> -> memref<1x128xi32, #tpu.memory_space<vmem>>
    %dma_start3A_3 = tpu.memref_squeeze %dma_start3A_2 : memref<1x128xi32, #tpu.memory_space<vmem>> -> memref<128xi32, #tpu.memory_space<vmem>>
    %dma_start3A_4 = arith.constant 0 : i32
    %dma_start3A_5 = arith.constant 0 : i32
    %dma_start3A_6 = tpu.memref_slice %arg2[%dma_start3A_4, %dma_start3A_5] : memref<100000x128xf32, #tpu.memory_space<hbm>> -> memref<100000x128xf32, #tpu.memory_space<hbm>>
    tpu.enqueue_indirect_dma source(%dma_start3A_6 : memref<100000x128xf32, #tpu.memory_space<hbm>>) target(%arg9 : memref<128x128xf32, #tpu.memory_space<vmem>>) offsets(%dma_start3A_3 : memref<128xi32, #tpu.memory_space<vmem>>) semaphore(%arg21 : memref<!tpu.dma_semaphore, #tpu.memory_space<semaphore_mem>>)
    %dma_start3A_7 = arith.constant 1 : i32
    %dma_start3A_8 = arith.constant 0 : i32
    %dma_start3A_9 = tpu.memref_slice %arg8[%dma_start3A_7, %dma_start3A_8] : memref<16x128xi32, #tpu.memory_space<vmem>> -> memref<1x128xi32, #tpu.memory_space<vmem>>
    %dma_start3A_10 = tpu.memref_squeeze %dma_start3A_9 : memref<1x128xi32, #tpu.memory_space<vmem>> -> memref<128xi32, #tpu.memory_space<vmem>>
    %dma_start3A_11 = arith.constant 0 : i32
    %dma_start3A_12 = arith.constant 0 : i32
    %dma_start3A_13 = tpu.memref_slice %arg2[%dma_start3A_11, %dma_start3A_12] : memref<100000x128xf32, #tpu.memory_space<hbm>> -> memref<100000x128xf32, #tpu.memory_space<hbm>>
    tpu.enqueue_indirect_dma source(%dma_start3A_13 : memref<100000x128xf32, #tpu.memory_space<hbm>>) target(%arg10 : memref<128x128xf32, #tpu.memory_space<vmem>>) offsets(%dma_start3A_10 : memref<128xi32, #tpu.memory_space<vmem>>) semaphore(%arg22 : memref<!tpu.dma_semaphore, #tpu.memory_space<semaphore_mem>>)
    %dma_start3A_14 = arith.constant 2 : i32
    %dma_start3A_15 = arith.constant 0 : i32
    %dma_start3A_16 = tpu.memref_slice %arg8[%dma_start3A_14, %dma_start3A_15] : memref<16x128xi32, #tpu.memory_space<vmem>> -> memref<1x128xi32, #tpu.memory_space<vmem>>
    %dma_start3A_17 = tpu.memref_squeeze %dma_start3A_16 : memref<1x128xi32, #tpu.memory_space<vmem>> -> memref<128xi32, #tpu.memory_space<vmem>>
    %dma_start3A_18 = arith.constant 0 : i32
    %dma_start3A_19 = arith.constant 0 : i32
    %dma_start3A_20 = tpu.memref_slice %arg2[%dma_start3A_18, %dma_start3A_19] : memref<100000x128xf32, #tpu.memory_space<hbm>> -> memref<100000x128xf32, #tpu.memory_space<hbm>>
    tpu.enqueue_indirect_dma source(%dma_start3A_20 : memref<100000x128xf32, #tpu.memory_space<hbm>>) target(%arg11 : memref<128x128xf32, #tpu.memory_space<vmem>>) offsets(%dma_start3A_17 : memref<128xi32, #tpu.memory_space<vmem>>) semaphore(%arg23 : memref<!tpu.dma_semaphore, #tpu.memory_space<semaphore_mem>>)
    %dma_start3A_21 = arith.constant 3 : i32
    %dma_start3A_22 = arith.constant 0 : i32
    %dma_start3A_23 = tpu.memref_slice %arg8[%dma_start3A_21, %dma_start3A_22] : memref<16x128xi32, #tpu.memory_space<vmem>> -> memref<1x128xi32, #tpu.memory_space<vmem>>
    %dma_start3A_24 = tpu.memref_squeeze %dma_start3A_23 : memref<1x128xi32, #tpu.memory_space<vmem>> -> memref<128xi32, #tpu.memory_space<vmem>>
    %dma_start3A_25 = arith.constant 0 : i32
    %dma_start3A_26 = arith.constant 0 : i32
    %dma_start3A_27 = tpu.memref_slice %arg2[%dma_start3A_25, %dma_start3A_26] : memref<100000x128xf32, #tpu.memory_space<hbm>> -> memref<100000x128xf32, #tpu.memory_space<hbm>>
    tpu.enqueue_indirect_dma source(%dma_start3A_27 : memref<100000x128xf32, #tpu.memory_space<hbm>>) target(%arg12 : memref<128x128xf32, #tpu.memory_space<vmem>>) offsets(%dma_start3A_24 : memref<128xi32, #tpu.memory_space<vmem>>) semaphore(%arg24 : memref<!tpu.dma_semaphore, #tpu.memory_space<semaphore_mem>>)
    %eq3A = arith.constant 0 : i32
    %eq3A_28 = arith.cmpi eq, %arg1, %eq3A : i32
    %convert_element_type3A = arith.extui %eq3A_28 : i1 to i32
    %cond3A = arith.constant 0 : i32
    %cond3A_29 = arith.cmpi ne, %convert_element_type3A, %cond3A : i32
    scf.if %cond3A_29 {
      %mul3A_72 = arith.constant 8 : i32
      %mul3A_73 = arith.muli %arg0, %mul3A_72 : i32
      "tpu.region"() ({
        %run_scoped3A = tpu.sem_alloc : memref<!tpu.dma_semaphore, #tpu.memory_space<semaphore_mem>>
        %dma_start3A_82 = tpu.memref_slice %arg5[%mul3A_73] : memref<16xi32, #tpu.memory_space<hbm>> -> memref<8xi32, #tpu.memory_space<hbm>>
        %dma_start3A_83 = tpu.memref_slice %arg5[%mul3A_73] : memref<16xi32, #tpu.memory_space<hbm>> -> memref<8xi32, #tpu.memory_space<hbm>>
        tpu.enqueue_dma source(%dma_start3A_83 : memref<8xi32, #tpu.memory_space<hbm>>) target(%arg16 : memref<8xi32, #tpu.memory_space<vmem>>) target_semaphore(%run_scoped3A : memref<!tpu.dma_semaphore, #tpu.memory_space<semaphore_mem>>)
        %dma_wait3A = tpu.memref_slice %arg5[%mul3A_73] : memref<16xi32, #tpu.memory_space<hbm>> -> memref<8xi32, #tpu.memory_space<hbm>>
        %dma_wait3A_84 = tpu.memref_slice %arg5[%mul3A_73] : memref<16xi32, #tpu.memory_space<hbm>> -> memref<8xi32, #tpu.memory_space<hbm>>
        tpu.wait_dma2 semaphore(%run_scoped3A : memref<!tpu.dma_semaphore, #tpu.memory_space<semaphore_mem>>) src(%dma_wait3A_84 : memref<8xi32, #tpu.memory_space<hbm>>) dst(%arg16 : memref<8xi32, #tpu.memory_space<vmem>>)
        tpu.yield
      }) : () -> ()
      %mul3A_74 = arith.constant 8 : i32
      %mul3A_75 = arith.muli %arg0, %mul3A_74 : i32
      "tpu.region"() ({
        %run_scoped3A = tpu.sem_alloc : memref<!tpu.dma_semaphore, #tpu.memory_space<semaphore_mem>>
        %dma_start3A_82 = tpu.memref_slice %arg6[%mul3A_75] : memref<16xi32, #tpu.memory_space<hbm>> -> memref<8xi32, #tpu.memory_space<hbm>>
        %dma_start3A_83 = tpu.memref_slice %arg6[%mul3A_75] : memref<16xi32, #tpu.memory_space<hbm>> -> memref<8xi32, #tpu.memory_space<hbm>>
        tpu.enqueue_dma source(%dma_start3A_83 : memref<8xi32, #tpu.memory_space<hbm>>) target(%arg17 : memref<8xi32, #tpu.memory_space<vmem>>) target_semaphore(%run_scoped3A : memref<!tpu.dma_semaphore, #tpu.memory_space<semaphore_mem>>)
        %dma_wait3A = tpu.memref_slice %arg6[%mul3A_75] : memref<16xi32, #tpu.memory_space<hbm>> -> memref<8xi32, #tpu.memory_space<hbm>>
        %dma_wait3A_84 = tpu.memref_slice %arg6[%mul3A_75] : memref<16xi32, #tpu.memory_space<hbm>> -> memref<8xi32, #tpu.memory_space<hbm>>
        tpu.wait_dma2 semaphore(%run_scoped3A : memref<!tpu.dma_semaphore, #tpu.memory_space<semaphore_mem>>) src(%dma_wait3A_84 : memref<8xi32, #tpu.memory_space<hbm>>) dst(%arg17 : memref<8xi32, #tpu.memory_space<vmem>>)
        tpu.yield
      }) : () -> ()
      %dma_start3A_76 = arith.constant 0 : i32
      %dma_start3A_77 = arith.constant 0 : i32
      %dma_start3A_78 = tpu.memref_slice %arg3[%dma_start3A_76, %dma_start3A_77] : memref<100000x128xf32, #tpu.memory_space<hbm>> -> memref<100000x128xf32, #tpu.memory_space<hbm>>
      tpu.enqueue_indirect_dma source(%dma_start3A_78 : memref<100000x128xf32, #tpu.memory_space<hbm>>) target(%arg18 : memref<8x128xf32, #tpu.memory_space<vmem>>) offsets(%arg16 : memref<8xi32, #tpu.memory_space<vmem>>) semaphore(%arg25 : memref<!tpu.dma_semaphore, #tpu.memory_space<semaphore_mem>>)
      %dma_start3A_79 = arith.constant 0 : i32
      %dma_start3A_80 = arith.constant 0 : i32
      %dma_start3A_81 = tpu.memref_slice %arg2[%dma_start3A_79, %dma_start3A_80] : memref<100000x128xf32, #tpu.memory_space<hbm>> -> memref<100000x128xf32, #tpu.memory_space<hbm>>
      tpu.enqueue_indirect_dma source(%dma_start3A_81 : memref<100000x128xf32, #tpu.memory_space<hbm>>) target(%arg19 : memref<8x128xf32, #tpu.memory_space<vmem>>) offsets(%arg17 : memref<8xi32, #tpu.memory_space<vmem>>) semaphore(%arg26 : memref<!tpu.dma_semaphore, #tpu.memory_space<semaphore_mem>>)
    } else {
    }
    %broadcast_in_dim3A = arith.constant 0xFF800000 : f32
    %broadcast_in_dim3A_30 = vector.broadcast %broadcast_in_dim3A : f32 to vector<16xf32>
    %scan3A = arith.constant 0 : i32
    %scan3A_31 = arith.constant 4 : i32
    %scan3A_32 = arith.addi %scan3A, %scan3A_31 : i32
    %scan3A_33 = arith.constant 1 : i32
    %scan3A_34:8 = scf.for %scan3A_72 = %scan3A to %scan3A_32 step %scan3A_33 iter_args(%scan3A_73 = %broadcast_in_dim3A_30, %scan3A_74 = %broadcast_in_dim3A_30, %scan3A_75 = %broadcast_in_dim3A_30, %scan3A_76 = %broadcast_in_dim3A_30, %scan3A_77 = %broadcast_in_dim3A_30, %scan3A_78 = %broadcast_in_dim3A_30, %scan3A_79 = %broadcast_in_dim3A_30, %scan3A_80 = %broadcast_in_dim3A_30) -> (vector<16xf32>, vector<16xf32>, vector<16xf32>, vector<16xf32>, vector<16xf32>, vector<16xf32>, vector<16xf32>, vector<16xf32>)  : i32 {
      %mul3A_81 = arith.constant 4 : i32
      %mul3A_82 = arith.muli %scan3A_72, %mul3A_81 : i32
      %add3A_83 = arith.constant 0 : i32
      %add3A_84 = arith.addi %mul3A_82, %add3A_83 : i32
      %dma_wait3A = arith.constant 0 : i32
      %dma_wait3A_85 = tpu.memref_slice %arg8[%add3A_84, %dma_wait3A] : memref<16x128xi32, #tpu.memory_space<vmem>> -> memref<1x128xi32, #tpu.memory_space<vmem>>
      %dma_wait3A_86 = tpu.memref_squeeze %dma_wait3A_85 : memref<1x128xi32, #tpu.memory_space<vmem>> -> memref<128xi32, #tpu.memory_space<vmem>>
      %dma_wait3A_87 = arith.constant 0 : i32
      %dma_wait3A_88 = arith.constant 0 : i32
      %dma_wait3A_89 = tpu.memref_slice %arg2[%dma_wait3A_87, %dma_wait3A_88] : memref<100000x128xf32, #tpu.memory_space<hbm>> -> memref<100000x128xf32, #tpu.memory_space<hbm>>
      tpu.wait_indirect_dma semaphore(%arg21 : memref<!tpu.dma_semaphore, #tpu.memory_space<semaphore_mem>>) src(%dma_wait3A_89 : memref<100000x128xf32, #tpu.memory_space<hbm>>) dst(%arg9 : memref<128x128xf32, #tpu.memory_space<vmem>>)
      %scan3A_90 = arith.constant 0 : i32
      %scan3A_91 = arith.constant 32 : i32
      %scan3A_92 = arith.addi %scan3A_90, %scan3A_91 : i32
      %scan3A_93 = arith.constant 1 : i32
      %scan3A_94:8 = scf.for %scan3A_171 = %scan3A_90 to %scan3A_92 step %scan3A_93 iter_args(%scan3A_172 = %scan3A_73, %scan3A_173 = %scan3A_74, %scan3A_174 = %scan3A_75, %scan3A_175 = %scan3A_76, %scan3A_176 = %scan3A_77, %scan3A_177 = %scan3A_78, %scan3A_178 = %scan3A_79, %scan3A_179 = %scan3A_80) -> (vector<16xf32>, vector<16xf32>, vector<16xf32>, vector<16xf32>, vector<16xf32>, vector<16xf32>, vector<16xf32>, vector<16xf32>)  : i32 {
        %mul3A_180 = arith.constant 4 : i32
        %mul3A_181 = arith.muli %scan3A_171, %mul3A_180 : i32
        %add3A_182 = arith.constant 0 : i32
        %add3A_183 = arith.addi %mul3A_181, %add3A_182 : i32
        %get3A = arith.index_cast %add3A_183 : i32 to index
        %get3A_184 = arith.constant 0 : index
        %get3A_185 = tpu.vector_load %arg9[%get3A, %get3A_184] {strides = array<i32>} : memref<128x128xf32, #tpu.memory_space<vmem>>, vector<1x16xf32>,
        %get3A_186 = vector.shape_cast %get3A_185 : vector<1x16xf32> to vector<16xf32>
        %max3A = arith.maximumf %scan3A_172, %get3A_186 : vector<16xf32>
        %add3A_187 = arith.constant 0 : i32
        %add3A_188 = arith.addi %mul3A_181, %add3A_187 : i32
        %get3A_189 = arith.index_cast %add3A_188 : i32 to index
        %get3A_190 = arith.constant 16 : index
        %get3A_191 = tpu.vector_load %arg9[%get3A_189, %get3A_190] {strides = array<i32>} : memref<128x128xf32, #tpu.memory_space<vmem>>, vector<1x16xf32>,
        %get3A_192 = vector.shape_cast %get3A_191 : vector<1x16xf32> to vector<16xf32>
        %max3A_193 = arith.maximumf %scan3A_173, %get3A_192 : vector<16xf32>
        %add3A_194 = arith.constant 0 : i32
        %add3A_195 = arith.addi %mul3A_181, %add3A_194 : i32
        %get3A_196 = arith.index_cast %add3A_195 : i32 to index
        %get3A_197 = arith.constant 32 : index
        %get3A_198 = tpu.vector_load %arg9[%get3A_196, %get3A_197] {strides = array<i32>} : memref<128x128xf32, #tpu.memory_space<vmem>>, vector<1x16xf32>,
        %get3A_199 = vector.shape_cast %get3A_198 : vector<1x16xf32> to vector<16xf32>
        %max3A_200 = arith.maximumf %scan3A_174, %get3A_199 : vector<16xf32>
        %add3A_201 = arith.constant 0 : i32
        %add3A_202 = arith.addi %mul3A_181, %add3A_201 : i32
        %get3A_203 = arith.index_cast %add3A_202 : i32 to index
        %get3A_204 = arith.constant 48 : index
        %get3A_205 = tpu.vector_load %arg9[%get3A_203, %get3A_204] {strides = array<i32>} : memref<128x128xf32, #tpu.memory_space<vmem>>, vector<1x16xf32>,
        %get3A_206 = vector.shape_cast %get3A_205 : vector<1x16xf32> to vector<16xf32>
        %max3A_207 = arith.maximumf %scan3A_175, %get3A_206 : vector<16xf32>
        %add3A_208 = arith.constant 0 : i32
        %add3A_209 = arith.addi %mul3A_181, %add3A_208 : i32
        %get3A_210 = arith.index_cast %add3A_209 : i32 to index
        %get3A_211 = arith.constant 64 : index
        %get3A_212 = tpu.vector_load %arg9[%get3A_210, %get3A_211] {strides = array<i32>} : memref<128x128xf32, #tpu.memory_space<vmem>>, vector<1x16xf32>,
        %get3A_213 = vector.shape_cast %get3A_212 : vector<1x16xf32> to vector<16xf32>
        %max3A_214 = arith.maximumf %scan3A_176, %get3A_213 : vector<16xf32>
        %add3A_215 = arith.constant 0 : i32
        %add3A_216 = arith.addi %mul3A_181, %add3A_215 : i32
        %get3A_217 = arith.index_cast %add3A_216 : i32 to index
        %get3A_218 = arith.constant 80 : index
        %get3A_219 = tpu.vector_load %arg9[%get3A_217, %get3A_218] {strides = array<i32>} : memref<128x128xf32, #tpu.memory_space<vmem>>, vector<1x16xf32>,
        %get3A_220 = vector.shape_cast %get3A_219 : vector<1x16xf32> to vector<16xf32>
        %max3A_221 = arith.maximumf %scan3A_177, %get3A_220 : vector<16xf32>
        %add3A_222 = arith.constant 0 : i32
        %add3A_223 = arith.addi %mul3A_181, %add3A_222 : i32
        %get3A_224 = arith.index_cast %add3A_223 : i32 to index
        %get3A_225 = arith.constant 96 : index
        %get3A_226 = tpu.vector_load %arg9[%get3A_224, %get3A_225] {strides = array<i32>} : memref<128x128xf32, #tpu.memory_space<vmem>>, vector<1x16xf32>,
        %get3A_227 = vector.shape_cast %get3A_226 : vector<1x16xf32> to vector<16xf32>
        %max3A_228 = arith.maximumf %scan3A_178, %get3A_227 : vector<16xf32>
        %add3A_229 = arith.constant 0 : i32
        %add3A_230 = arith.addi %mul3A_181, %add3A_229 : i32
        %get3A_231 = arith.index_cast %add3A_230 : i32 to index
        %get3A_232 = arith.constant 112 : index
        %get3A_233 = tpu.vector_load %arg9[%get3A_231, %get3A_232] {strides = array<i32>} : memref<128x128xf32, #tpu.memory_space<vmem>>, vector<1x16xf32>,
        %get3A_234 = vector.shape_cast %get3A_233 : vector<1x16xf32> to vector<16xf32>
        %max3A_235 = arith.maximumf %scan3A_179, %get3A_234 : vector<16xf32>
        %add3A_236 = arith.constant 1 : i32
        %add3A_237 = arith.addi %mul3A_181, %add3A_236 : i32
        %get3A_238 = arith.index_cast %add3A_237 : i32 to index
        %get3A_239 = arith.constant 0 : index
        %get3A_240 = tpu.vector_load %arg9[%get3A_238, %get3A_239] {strides = array<i32>} : memref<128x128xf32, #tpu.memory_space<vmem>>, vector<1x16xf32>,
        %get3A_241 = vector.shape_cast %get3A_240 : vector<1x16xf32> to vector<16xf32>
        %max3A_242 = arith.maximumf %max3A, %get3A_241 : vector<16xf32>
        %add3A_243 = arith.constant 1 : i32
        %add3A_244 = arith.addi %mul3A_181, %add3A_243 : i32
        %get3A_245 = arith.index_cast %add3A_244 : i32 to index
        %get3A_246 = arith.constant 16 : index
        %get3A_247 = tpu.vector_load %arg9[%get3A_245, %get3A_246] {strides = array<i32>} : memref<128x128xf32, #tpu.memory_space<vmem>>, vector<1x16xf32>,
        %get3A_248 = vector.shape_cast %get3A_247 : vector<1x16xf32> to vector<16xf32>
        %max3A_249 = arith.maximumf %max3A_193, %get3A_248 : vector<16xf32>
        %add3A_250 = arith.constant 1 : i32
        %add3A_251 = arith.addi %mul3A_181, %add3A_250 : i32
        %get3A_252 = arith.index_cast %add3A_251 : i32 to index
        %get3A_253 = arith.constant 32 : index
        %get3A_254 = tpu.vector_load %arg9[%get3A_252, %get3A_253] {strides = array<i32>} : memref<128x128xf32, #tpu.memory_space<vmem>>, vector<1x16xf32>,
        %get3A_255 = vector.shape_cast %get3A_254 : vector<1x16xf32> to vector<16xf32>
        %max3A_256 = arith.maximumf %max3A_200, %get3A_255 : vector<16xf32>
        %add3A_257 = arith.constant 1 : i32
        %add3A_258 = arith.addi %mul3A_181, %add3A_257 : i32
        %get3A_259 = arith.index_cast %add3A_258 : i32 to index
        %get3A_260 = arith.constant 48 : index
        %get3A_261 = tpu.vector_load %arg9[%get3A_259, %get3A_260] {strides = array<i32>} : memref<128x128xf32, #tpu.memory_space<vmem>>, vector<1x16xf32>,
        %get3A_262 = vector.shape_cast %get3A_261 : vector<1x16xf32> to vector<16xf32>
        %max3A_263 = arith.maximumf %max3A_207, %get3A_262 : vector<16xf32>
        %add3A_264 = arith.constant 1 : i32
        %add3A_265 = arith.addi %mul3A_181, %add3A_264 : i32
        %get3A_266 = arith.index_cast %add3A_265 : i32 to index
        %get3A_267 = arith.constant 64 : index
        %get3A_268 = tpu.vector_load %arg9[%get3A_266, %get3A_267] {strides = array<i32>} : memref<128x128xf32, #tpu.memory_space<vmem>>, vector<1x16xf32>,
        %get3A_269 = vector.shape_cast %get3A_268 : vector<1x16xf32> to vector<16xf32>
        %max3A_270 = arith.maximumf %max3A_214, %get3A_269 : vector<16xf32>
        %add3A_271 = arith.constant 1 : i32
        %add3A_272 = arith.addi %mul3A_181, %add3A_271 : i32
        %get3A_273 = arith.index_cast %add3A_272 : i32 to index
        %get3A_274 = arith.constant 80 : index
        %get3A_275 = tpu.vector_load %arg9[%get3A_273, %get3A_274] {strides = array<i32>} : memref<128x128xf32, #tpu.memory_space<vmem>>, vector<1x16xf32>,
        %get3A_276 = vector.shape_cast %get3A_275 : vector<1x16xf32> to vector<16xf32>
        %max3A_277 = arith.maximumf %max3A_221, %get3A_276 : vector<16xf32>
        %add3A_278 = arith.constant 1 : i32
        %add3A_279 = arith.addi %mul3A_181, %add3A_278 : i32
        %get3A_280 = arith.index_cast %add3A_279 : i32 to index
        %get3A_281 = arith.constant 96 : index
        %get3A_282 = tpu.vector_load %arg9[%get3A_280, %get3A_281] {strides = array<i32>} : memref<128x128xf32, #tpu.memory_space<vmem>>, vector<1x16xf32>,
        %get3A_283 = vector.shape_cast %get3A_282 : vector<1x16xf32> to vector<16xf32>
        %max3A_284 = arith.maximumf %max3A_228, %get3A_283 : vector<16xf32>
        %add3A_285 = arith.constant 1 : i32
        %add3A_286 = arith.addi %mul3A_181, %add3A_285 : i32
        %get3A_287 = arith.index_cast %add3A_286 : i32 to index
        %get3A_288 = arith.constant 112 : index
        %get3A_289 = tpu.vector_load %arg9[%get3A_287, %get3A_288] {strides = array<i32>} : memref<128x128xf32, #tpu.memory_space<vmem>>, vector<1x16xf32>,
        %get3A_290 = vector.shape_cast %get3A_289 : vector<1x16xf32> to vector<16xf32>
        %max3A_291 = arith.maximumf %max3A_235, %get3A_290 : vector<16xf32>
        %add3A_292 = arith.constant 2 : i32
        %add3A_293 = arith.addi %mul3A_181, %add3A_292 : i32
        %get3A_294 = arith.index_cast %add3A_293 : i32 to index
        %get3A_295 = arith.constant 0 : index
        %get3A_296 = tpu.vector_load %arg9[%get3A_294, %get3A_295] {strides = array<i32>} : memref<128x128xf32, #tpu.memory_space<vmem>>, vector<1x16xf32>,
        %get3A_297 = vector.shape_cast %get3A_296 : vector<1x16xf32> to vector<16xf32>
        %max3A_298 = arith.maximumf %max3A_242, %get3A_297 : vector<16xf32>
        %add3A_299 = arith.constant 2 : i32
        %add3A_300 = arith.addi %mul3A_181, %add3A_299 : i32
        %get3A_301 = arith.index_cast %add3A_300 : i32 to index
        %get3A_302 = arith.constant 16 : index
        %get3A_303 = tpu.vector_load %arg9[%get3A_301, %get3A_302] {strides = array<i32>} : memref<128x128xf32, #tpu.memory_space<vmem>>, vector<1x16xf32>,
        %get3A_304 = vector.shape_cast %get3A_303 : vector<1x16xf32> to vector<16xf32>
        %max3A_305 = arith.maximumf %max3A_249, %get3A_304 : vector<16xf32>
        %add3A_306 = arith.constant 2 : i32
        %add3A_307 = arith.addi %mul3A_181, %add3A_306 : i32
        %get3A_308 = arith.index_cast %add3A_307 : i32 to index
        %get3A_309 = arith.constant 32 : index
        %get3A_310 = tpu.vector_load %arg9[%get3A_308, %get3A_309] {strides = array<i32>} : memref<128x128xf32, #tpu.memory_space<vmem>>, vector<1x16xf32>,
        %get3A_311 = vector.shape_cast %get3A_310 : vector<1x16xf32> to vector<16xf32>
        %max3A_312 = arith.maximumf %max3A_256, %get3A_311 : vector<16xf32>
        %add3A_313 = arith.constant 2 : i32
        %add3A_314 = arith.addi %mul3A_181, %add3A_313 : i32
        %get3A_315 = arith.index_cast %add3A_314 : i32 to index
        %get3A_316 = arith.constant 48 : index
        %get3A_317 = tpu.vector_load %arg9[%get3A_315, %get3A_316] {strides = array<i32>} : memref<128x128xf32, #tpu.memory_space<vmem>>, vector<1x16xf32>,
        %get3A_318 = vector.shape_cast %get3A_317 : vector<1x16xf32> to vector<16xf32>
        %max3A_319 = arith.maximumf %max3A_263, %get3A_318 : vector<16xf32>
        %add3A_320 = arith.constant 2 : i32
        %add3A_321 = arith.addi %mul3A_181, %add3A_320 : i32
        %get3A_322 = arith.index_cast %add3A_321 : i32 to index
        %get3A_323 = arith.constant 64 : index
        %get3A_324 = tpu.vector_load %arg9[%get3A_322, %get3A_323] {strides = array<i32>} : memref<128x128xf32, #tpu.memory_space<vmem>>, vector<1x16xf32>,
        %get3A_325 = vector.shape_cast %get3A_324 : vector<1x16xf32> to vector<16xf32>
        %max3A_326 = arith.maximumf %max3A_270, %get3A_325 : vector<16xf32>
        %add3A_327 = arith.constant 2 : i32
        %add3A_328 = arith.addi %mul3A_181, %add3A_327 : i32
        %get3A_329 = arith.index_cast %add3A_328 : i32 to index
        %get3A_330 = arith.constant 80 : index
        %get3A_331 = tpu.vector_load %arg9[%get3A_329, %get3A_330] {strides = array<i32>} : memref<128x128xf32, #tpu.memory_space<vmem>>, vector<1x16xf32>,
        %get3A_332 = vector.shape_cast %get3A_331 : vector<1x16xf32> to vector<16xf32>
        %max3A_333 = arith.maximumf %max3A_277, %get3A_332 : vector<16xf32>
        %add3A_334 = arith.constant 2 : i32
        %add3A_335 = arith.addi %mul3A_181, %add3A_334 : i32
        %get3A_336 = arith.index_cast %add3A_335 : i32 to index
        %get3A_337 = arith.constant 96 : index
        %get3A_338 = tpu.vector_load %arg9[%get3A_336, %get3A_337] {strides = array<i32>} : memref<128x128xf32, #tpu.memory_space<vmem>>, vector<1x16xf32>,
        %get3A_339 = vector.shape_cast %get3A_338 : vector<1x16xf32> to vector<16xf32>
        %max3A_340 = arith.maximumf %max3A_284, %get3A_339 : vector<16xf32>
        %add3A_341 = arith.constant 2 : i32
        %add3A_342 = arith.addi %mul3A_181, %add3A_341 : i32
        %get3A_343 = arith.index_cast %add3A_342 : i32 to index
        %get3A_344 = arith.constant 112 : index
        %get3A_345 = tpu.vector_load %arg9[%get3A_343, %get3A_344] {strides = array<i32>} : memref<128x128xf32, #tpu.memory_space<vmem>>, vector<1x16xf32>,
        %get3A_346 = vector.shape_cast %get3A_345 : vector<1x16xf32> to vector<16xf32>
        %max3A_347 = arith.maximumf %max3A_291, %get3A_346 : vector<16xf32>
        %add3A_348 = arith.constant 3 : i32
        %add3A_349 = arith.addi %mul3A_181, %add3A_348 : i32
        %get3A_350 = arith.index_cast %add3A_349 : i32 to index
        %get3A_351 = arith.constant 0 : index
        %get3A_352 = tpu.vector_load %arg9[%get3A_350, %get3A_351] {strides = array<i32>} : memref<128x128xf32, #tpu.memory_space<vmem>>, vector<1x16xf32>,
        %get3A_353 = vector.shape_cast %get3A_352 : vector<1x16xf32> to vector<16xf32>
        %max3A_354 = arith.maximumf %max3A_298, %get3A_353 : vector<16xf32>
        %add3A_355 = arith.constant 3 : i32
        %add3A_356 = arith.addi %mul3A_181, %add3A_355 : i32
        %get3A_357 = arith.index_cast %add3A_356 : i32 to index
        %get3A_358 = arith.constant 16 : index
        %get3A_359 = tpu.vector_load %arg9[%get3A_357, %get3A_358] {strides = array<i32>} : memref<128x128xf32, #tpu.memory_space<vmem>>, vector<1x16xf32>,
        %get3A_360 = vector.shape_cast %get3A_359 : vector<1x16xf32> to vector<16xf32>
        %max3A_361 = arith.maximumf %max3A_305, %get3A_360 : vector<16xf32>
        %add3A_362 = arith.constant 3 : i32
        %add3A_363 = arith.addi %mul3A_181, %add3A_362 : i32
        %get3A_364 = arith.index_cast %add3A_363 : i32 to index
        %get3A_365 = arith.constant 32 : index
        %get3A_366 = tpu.vector_load %arg9[%get3A_364, %get3A_365] {strides = array<i32>} : memref<128x128xf32, #tpu.memory_space<vmem>>, vector<1x16xf32>,
        %get3A_367 = vector.shape_cast %get3A_366 : vector<1x16xf32> to vector<16xf32>
        %max3A_368 = arith.maximumf %max3A_312, %get3A_367 : vector<16xf32>
        %add3A_369 = arith.constant 3 : i32
        %add3A_370 = arith.addi %mul3A_181, %add3A_369 : i32
        %get3A_371 = arith.index_cast %add3A_370 : i32 to index
        %get3A_372 = arith.constant 48 : index
        %get3A_373 = tpu.vector_load %arg9[%get3A_371, %get3A_372] {strides = array<i32>} : memref<128x128xf32, #tpu.memory_space<vmem>>, vector<1x16xf32>,
        %get3A_374 = vector.shape_cast %get3A_373 : vector<1x16xf32> to vector<16xf32>
        %max3A_375 = arith.maximumf %max3A_319, %get3A_374 : vector<16xf32>
        %add3A_376 = arith.constant 3 : i32
        %add3A_377 = arith.addi %mul3A_181, %add3A_376 : i32
        %get3A_378 = arith.index_cast %add3A_377 : i32 to index
        %get3A_379 = arith.constant 64 : index
        %get3A_380 = tpu.vector_load %arg9[%get3A_378, %get3A_379] {strides = array<i32>} : memref<128x128xf32, #tpu.memory_space<vmem>>, vector<1x16xf32>,
        %get3A_381 = vector.shape_cast %get3A_380 : vector<1x16xf32> to vector<16xf32>
        %max3A_382 = arith.maximumf %max3A_326, %get3A_381 : vector<16xf32>
        %add3A_383 = arith.constant 3 : i32
        %add3A_384 = arith.addi %mul3A_181, %add3A_383 : i32
        %get3A_385 = arith.index_cast %add3A_384 : i32 to index
        %get3A_386 = arith.constant 80 : index
        %get3A_387 = tpu.vector_load %arg9[%get3A_385, %get3A_386] {strides = array<i32>} : memref<128x128xf32, #tpu.memory_space<vmem>>, vector<1x16xf32>,
        %get3A_388 = vector.shape_cast %get3A_387 : vector<1x16xf32> to vector<16xf32>
        %max3A_389 = arith.maximumf %max3A_333, %get3A_388 : vector<16xf32>
        %add3A_390 = arith.constant 3 : i32
        %add3A_391 = arith.addi %mul3A_181, %add3A_390 : i32
        %get3A_392 = arith.index_cast %add3A_391 : i32 to index
        %get3A_393 = arith.constant 96 : index
        %get3A_394 = tpu.vector_load %arg9[%get3A_392, %get3A_393] {strides = array<i32>} : memref<128x128xf32, #tpu.memory_space<vmem>>, vector<1x16xf32>,
        %get3A_395 = vector.shape_cast %get3A_394 : vector<1x16xf32> to vector<16xf32>
        %max3A_396 = arith.maximumf %max3A_340, %get3A_395 : vector<16xf32>
        %add3A_397 = arith.constant 3 : i32
        %add3A_398 = arith.addi %mul3A_181, %add3A_397 : i32
        %get3A_399 = arith.index_cast %add3A_398 : i32 to index
        %get3A_400 = arith.constant 112 : index
        %get3A_401 = tpu.vector_load %arg9[%get3A_399, %get3A_400] {strides = array<i32>} : memref<128x128xf32, #tpu.memory_space<vmem>>, vector<1x16xf32>,
        %get3A_402 = vector.shape_cast %get3A_401 : vector<1x16xf32> to vector<16xf32>
        %max3A_403 = arith.maximumf %max3A_347, %get3A_402 : vector<16xf32>
        scf.yield %max3A_354, %max3A_361, %max3A_368, %max3A_375, %max3A_382, %max3A_389, %max3A_396, %max3A_403 : vector<16xf32>, vector<16xf32>, vector<16xf32>, vector<16xf32>, vector<16xf32>, vector<16xf32>, vector<16xf32>, vector<16xf32>
      }
      %scan3A_95 = arith.constant 32 : i32
      %add3A_96 = arith.constant 4 : i32
      %add3A_97 = arith.addi %add3A_84, %add3A_96 : i32
      %lt3A = arith.constant 16 : i32
      %lt3A_98 = arith.cmpi slt, %add3A_97, %lt3A : i32
      %convert_element_type3A_99 = arith.extui %lt3A_98 : i1 to i32
      %cond3A_100 = arith.constant 0 : i32
      %cond3A_101 = arith.cmpi ne, %convert_element_type3A_99, %cond3A_100 : i32
      scf.if %cond3A_101 {
        %dma_start3A_171 = arith.constant 0 : i32
        %dma_start3A_172 = tpu.memref_slice %arg8[%add3A_97, %dma_start3A_171] : memref<16x128xi32, #tpu.memory_space<vmem>> -> memref<1x128xi32, #tpu.memory_space<vmem>>
        %dma_start3A_173 = tpu.memref_squeeze %dma_start3A_172 : memref<1x128xi32, #tpu.memory_space<vmem>> -> memref<128xi32, #tpu.memory_space<vmem>>
        %dma_start3A_174 = arith.constant 0 : i32
        %dma_start3A_175 = arith.constant 0 : i32
        %dma_start3A_176 = tpu.memref_slice %arg2[%dma_start3A_174, %dma_start3A_175] : memref<100000x128xf32, #tpu.memory_space<hbm>> -> memref<100000x128xf32, #tpu.memory_space<hbm>>
        tpu.enqueue_indirect_dma source(%dma_start3A_176 : memref<100000x128xf32, #tpu.memory_space<hbm>>) target(%arg9 : memref<128x128xf32, #tpu.memory_space<vmem>>) offsets(%dma_start3A_173 : memref<128xi32, #tpu.memory_space<vmem>>) semaphore(%arg21 : memref<!tpu.dma_semaphore, #tpu.memory_space<semaphore_mem>>)
      } else {
      }
      %mul3A_102 = arith.constant 4 : i32
      %mul3A_103 = arith.muli %scan3A_72, %mul3A_102 : i32
      %add3A_104 = arith.constant 1 : i32
      %add3A_105 = arith.addi %mul3A_103, %add3A_104 : i32
      %dma_wait3A_106 = arith.constant 0 : i32
      %dma_wait3A_107 = tpu.memref_slice %arg8[%add3A_105, %dma_wait3A_106] : memref<16x128xi32, #tpu.memory_space<vmem>> -> memref<1x128xi32, #tpu.memory_space<vmem>>
      %dma_wait3A_108 = tpu.memref_squeeze %dma_wait3A_107 : memref<1x128xi32, #tpu.memory_space<vmem>> -> memref<128xi32, #tpu.memory_space<vmem>>
      %dma_wait3A_109 = arith.constant 0 : i32
      %dma_wait3A_110 = arith.constant 0 : i32
      %dma_wait3A_111 = tpu.memref_slice %arg2[%dma_wait3A_109, %dma_wait3A_110] : memref<100000x128xf32, #tpu.memory_space<hbm>> -> memref<100000x128xf32, #tpu.memory_space<hbm>>
      tpu.wait_indirect_dma semaphore(%arg22 : memref<!tpu.dma_semaphore, #tpu.memory_space<semaphore_mem>>) src(%dma_wait3A_111 : memref<100000x128xf32, #tpu.memory_space<hbm>>) dst(%arg10 : memref<128x128xf32, #tpu.memory_space<vmem>>)
      %scan3A_112 = arith.constant 0 : i32
      %scan3A_113 = arith.constant 32 : i32
      %scan3A_114 = arith.addi %scan3A_112, %scan3A_113 : i32
      %scan3A_115 = arith.constant 1 : i32
      %scan3A_116:8 = scf.for %scan3A_171 = %scan3A_112 to %scan3A_114 step %scan3A_115 iter_args(%scan3A_172 = %scan3A_94#0, %scan3A_173 = %scan3A_94#1, %scan3A_174 = %scan3A_94#2, %scan3A_175 = %scan3A_94#3, %scan3A_176 = %scan3A_94#4, %scan3A_177 = %scan3A_94#5, %scan3A_178 = %scan3A_94#6, %scan3A_179 = %scan3A_94#7) -> (vector<16xf32>, vector<16xf32>, vector<16xf32>, vector<16xf32>, vector<16xf32>, vector<16xf32>, vector<16xf32>, vector<16xf32>)  : i32 {
        %mul3A_180 = arith.constant 4 : i32
        %mul3A_181 = arith.muli %scan3A_171, %mul3A_180 : i32
        %add3A_182 = arith.constant 0 : i32
        %add3A_183 = arith.addi %mul3A_181, %add3A_182 : i32
        %get3A = arith.index_cast %add3A_183 : i32 to index
        %get3A_184 = arith.constant 0 : index
        %get3A_185 = tpu.vector_load %arg10[%get3A, %get3A_184] {strides = array<i32>} : memref<128x128xf32, #tpu.memory_space<vmem>>, vector<1x16xf32>,
        %get3A_186 = vector.shape_cast %get3A_185 : vector<1x16xf32> to vector<16xf32>
        %max3A = arith.maximumf %scan3A_172, %get3A_186 : vector<16xf32>
        %add3A_187 = arith.constant 0 : i32
        %add3A_188 = arith.addi %mul3A_181, %add3A_187 : i32
        %get3A_189 = arith.index_cast %add3A_188 : i32 to index
        %get3A_190 = arith.constant 16 : index
        %get3A_191 = tpu.vector_load %arg10[%get3A_189, %get3A_190] {strides = array<i32>} : memref<128x128xf32, #tpu.memory_space<vmem>>, vector<1x16xf32>,
        %get3A_192 = vector.shape_cast %get3A_191 : vector<1x16xf32> to vector<16xf32>
        %max3A_193 = arith.maximumf %scan3A_173, %get3A_192 : vector<16xf32>
        %add3A_194 = arith.constant 0 : i32
        %add3A_195 = arith.addi %mul3A_181, %add3A_194 : i32
        %get3A_196 = arith.index_cast %add3A_195 : i32 to index
        %get3A_197 = arith.constant 32 : index
        %get3A_198 = tpu.vector_load %arg10[%get3A_196, %get3A_197] {strides = array<i32>} : memref<128x128xf32, #tpu.memory_space<vmem>>, vector<1x16xf32>,
        %get3A_199 = vector.shape_cast %get3A_198 : vector<1x16xf32> to vector<16xf32>
        %max3A_200 = arith.maximumf %scan3A_174, %get3A_199 : vector<16xf32>
        %add3A_201 = arith.constant 0 : i32
        %add3A_202 = arith.addi %mul3A_181, %add3A_201 : i32
        %get3A_203 = arith.index_cast %add3A_202 : i32 to index
        %get3A_204 = arith.constant 48 : index
        %get3A_205 = tpu.vector_load %arg10[%get3A_203, %get3A_204] {strides = array<i32>} : memref<128x128xf32, #tpu.memory_space<vmem>>, vector<1x16xf32>,
        %get3A_206 = vector.shape_cast %get3A_205 : vector<1x16xf32> to vector<16xf32>
        %max3A_207 = arith.maximumf %scan3A_175, %get3A_206 : vector<16xf32>
        %add3A_208 = arith.constant 0 : i32
        %add3A_209 = arith.addi %mul3A_181, %add3A_208 : i32
        %get3A_210 = arith.index_cast %add3A_209 : i32 to index
        %get3A_211 = arith.constant 64 : index
        %get3A_212 = tpu.vector_load %arg10[%get3A_210, %get3A_211] {strides = array<i32>} : memref<128x128xf32, #tpu.memory_space<vmem>>, vector<1x16xf32>,
        %get3A_213 = vector.shape_cast %get3A_212 : vector<1x16xf32> to vector<16xf32>
        %max3A_214 = arith.maximumf %scan3A_176, %get3A_213 : vector<16xf32>
        %add3A_215 = arith.constant 0 : i32
        %add3A_216 = arith.addi %mul3A_181, %add3A_215 : i32
        %get3A_217 = arith.index_cast %add3A_216 : i32 to index
        %get3A_218 = arith.constant 80 : index
        %get3A_219 = tpu.vector_load %arg10[%get3A_217, %get3A_218] {strides = array<i32>} : memref<128x128xf32, #tpu.memory_space<vmem>>, vector<1x16xf32>,
        %get3A_220 = vector.shape_cast %get3A_219 : vector<1x16xf32> to vector<16xf32>
        %max3A_221 = arith.maximumf %scan3A_177, %get3A_220 : vector<16xf32>
        %add3A_222 = arith.constant 0 : i32
        %add3A_223 = arith.addi %mul3A_181, %add3A_222 : i32
        %get3A_224 = arith.index_cast %add3A_223 : i32 to index
        %get3A_225 = arith.constant 96 : index
        %get3A_226 = tpu.vector_load %arg10[%get3A_224, %get3A_225] {strides = array<i32>} : memref<128x128xf32, #tpu.memory_space<vmem>>, vector<1x16xf32>,
        %get3A_227 = vector.shape_cast %get3A_226 : vector<1x16xf32> to vector<16xf32>
        %max3A_228 = arith.maximumf %scan3A_178, %get3A_227 : vector<16xf32>
        %add3A_229 = arith.constant 0 : i32
        %add3A_230 = arith.addi %mul3A_181, %add3A_229 : i32
        %get3A_231 = arith.index_cast %add3A_230 : i32 to index
        %get3A_232 = arith.constant 112 : index
        %get3A_233 = tpu.vector_load %arg10[%get3A_231, %get3A_232] {strides = array<i32>} : memref<128x128xf32, #tpu.memory_space<vmem>>, vector<1x16xf32>,
        %get3A_234 = vector.shape_cast %get3A_233 : vector<1x16xf32> to vector<16xf32>
        %max3A_235 = arith.maximumf %scan3A_179, %get3A_234 : vector<16xf32>
        %add3A_236 = arith.constant 1 : i32
        %add3A_237 = arith.addi %mul3A_181, %add3A_236 : i32
        %get3A_238 = arith.index_cast %add3A_237 : i32 to index
        %get3A_239 = arith.constant 0 : index
        %get3A_240 = tpu.vector_load %arg10[%get3A_238, %get3A_239] {strides = array<i32>} : memref<128x128xf32, #tpu.memory_space<vmem>>, vector<1x16xf32>,
        %get3A_241 = vector.shape_cast %get3A_240 : vector<1x16xf32> to vector<16xf32>
        %max3A_242 = arith.maximumf %max3A, %get3A_241 : vector<16xf32>
        %add3A_243 = arith.constant 1 : i32
        %add3A_244 = arith.addi %mul3A_181, %add3A_243 : i32
        %get3A_245 = arith.index_cast %add3A_244 : i32 to index
        %get3A_246 = arith.constant 16 : index
        %get3A_247 = tpu.vector_load %arg10[%get3A_245, %get3A_246] {strides = array<i32>} : memref<128x128xf32, #tpu.memory_space<vmem>>, vector<1x16xf32>,
        %get3A_248 = vector.shape_cast %get3A_247 : vector<1x16xf32> to vector<16xf32>
        %max3A_249 = arith.maximumf %max3A_193, %get3A_248 : vector<16xf32>
        %add3A_250 = arith.constant 1 : i32
        %add3A_251 = arith.addi %mul3A_181, %add3A_250 : i32
        %get3A_252 = arith.index_cast %add3A_251 : i32 to index
        %get3A_253 = arith.constant 32 : index
        %get3A_254 = tpu.vector_load %arg10[%get3A_252, %get3A_253] {strides = array<i32>} : memref<128x128xf32, #tpu.memory_space<vmem>>, vector<1x16xf32>,
        %get3A_255 = vector.shape_cast %get3A_254 : vector<1x16xf32> to vector<16xf32>
        %max3A_256 = arith.maximumf %max3A_200, %get3A_255 : vector<16xf32>
        %add3A_257 = arith.constant 1 : i32
        %add3A_258 = arith.addi %mul3A_181, %add3A_257 : i32
        %get3A_259 = arith.index_cast %add3A_258 : i32 to index
        %get3A_260 = arith.constant 48 : index
        %get3A_261 = tpu.vector_load %arg10[%get3A_259, %get3A_260] {strides = array<i32>} : memref<128x128xf32, #tpu.memory_space<vmem>>, vector<1x16xf32>,
        %get3A_262 = vector.shape_cast %get3A_261 : vector<1x16xf32> to vector<16xf32>
        %max3A_263 = arith.maximumf %max3A_207, %get3A_262 : vector<16xf32>
        %add3A_264 = arith.constant 1 : i32
        %add3A_265 = arith.addi %mul3A_181, %add3A_264 : i32
        %get3A_266 = arith.index_cast %add3A_265 : i32 to index
        %get3A_267 = arith.constant 64 : index
        %get3A_268 = tpu.vector_load %arg10[%get3A_266, %get3A_267] {strides = array<i32>} : memref<128x128xf32, #tpu.memory_space<vmem>>, vector<1x16xf32>,
        %get3A_269 = vector.shape_cast %get3A_268 : vector<1x16xf32> to vector<16xf32>
        %max3A_270 = arith.maximumf %max3A_214, %get3A_269 : vector<16xf32>
        %add3A_271 = arith.constant 1 : i32
        %add3A_272 = arith.addi %mul3A_181, %add3A_271 : i32
        %get3A_273 = arith.index_cast %add3A_272 : i32 to index
        %get3A_274 = arith.constant 80 : index
        %get3A_275 = tpu.vector_load %arg10[%get3A_273, %get3A_274] {strides = array<i32>} : memref<128x128xf32, #tpu.memory_space<vmem>>, vector<1x16xf32>,
        %get3A_276 = vector.shape_cast %get3A_275 : vector<1x16xf32> to vector<16xf32>
        %max3A_277 = arith.maximumf %max3A_221, %get3A_276 : vector<16xf32>
        %add3A_278 = arith.constant 1 : i32
        %add3A_279 = arith.addi %mul3A_181, %add3A_278 : i32
        %get3A_280 = arith.index_cast %add3A_279 : i32 to index
        %get3A_281 = arith.constant 96 : index
        %get3A_282 = tpu.vector_load %arg10[%get3A_280, %get3A_281] {strides = array<i32>} : memref<128x128xf32, #tpu.memory_space<vmem>>, vector<1x16xf32>,
        %get3A_283 = vector.shape_cast %get3A_282 : vector<1x16xf32> to vector<16xf32>
        %max3A_284 = arith.maximumf %max3A_228, %get3A_283 : vector<16xf32>
        %add3A_285 = arith.constant 1 : i32
        %add3A_286 = arith.addi %mul3A_181, %add3A_285 : i32
        %get3A_287 = arith.index_cast %add3A_286 : i32 to index
        %get3A_288 = arith.constant 112 : index
        %get3A_289 = tpu.vector_load %arg10[%get3A_287, %get3A_288] {strides = array<i32>} : memref<128x128xf32, #tpu.memory_space<vmem>>, vector<1x16xf32>,
        %get3A_290 = vector.shape_cast %get3A_289 : vector<1x16xf32> to vector<16xf32>
        %max3A_291 = arith.maximumf %max3A_235, %get3A_290 : vector<16xf32>
        %add3A_292 = arith.constant 2 : i32
        %add3A_293 = arith.addi %mul3A_181, %add3A_292 : i32
        %get3A_294 = arith.index_cast %add3A_293 : i32 to index
        %get3A_295 = arith.constant 0 : index
        %get3A_296 = tpu.vector_load %arg10[%get3A_294, %get3A_295] {strides = array<i32>} : memref<128x128xf32, #tpu.memory_space<vmem>>, vector<1x16xf32>,
        %get3A_297 = vector.shape_cast %get3A_296 : vector<1x16xf32> to vector<16xf32>
        %max3A_298 = arith.maximumf %max3A_242, %get3A_297 : vector<16xf32>
        %add3A_299 = arith.constant 2 : i32
        %add3A_300 = arith.addi %mul3A_181, %add3A_299 : i32
        %get3A_301 = arith.index_cast %add3A_300 : i32 to index
        %get3A_302 = arith.constant 16 : index
        %get3A_303 = tpu.vector_load %arg10[%get3A_301, %get3A_302] {strides = array<i32>} : memref<128x128xf32, #tpu.memory_space<vmem>>, vector<1x16xf32>,
        %get3A_304 = vector.shape_cast %get3A_303 : vector<1x16xf32> to vector<16xf32>
        %max3A_305 = arith.maximumf %max3A_249, %get3A_304 : vector<16xf32>
        %add3A_306 = arith.constant 2 : i32
        %add3A_307 = arith.addi %mul3A_181, %add3A_306 : i32
        %get3A_308 = arith.index_cast %add3A_307 : i32 to index
        %get3A_309 = arith.constant 32 : index
        %get3A_310 = tpu.vector_load %arg10[%get3A_308, %get3A_309] {strides = array<i32>} : memref<128x128xf32, #tpu.memory_space<vmem>>, vector<1x16xf32>,
        %get3A_311 = vector.shape_cast %get3A_310 : vector<1x16xf32> to vector<16xf32>
        %max3A_312 = arith.maximumf %max3A_256, %get3A_311 : vector<16xf32>
        %add3A_313 = arith.constant 2 : i32
        %add3A_314 = arith.addi %mul3A_181, %add3A_313 : i32
        %get3A_315 = arith.index_cast %add3A_314 : i32 to index
        %get3A_316 = arith.constant 48 : index
        %get3A_317 = tpu.vector_load %arg10[%get3A_315, %get3A_316] {strides = array<i32>} : memref<128x128xf32, #tpu.memory_space<vmem>>, vector<1x16xf32>,
        %get3A_318 = vector.shape_cast %get3A_317 : vector<1x16xf32> to vector<16xf32>
        %max3A_319 = arith.maximumf %max3A_263, %get3A_318 : vector<16xf32>
        %add3A_320 = arith.constant 2 : i32
        %add3A_321 = arith.addi %mul3A_181, %add3A_320 : i32
        %get3A_322 = arith.index_cast %add3A_321 : i32 to index
        %get3A_323 = arith.constant 64 : index
        %get3A_324 = tpu.vector_load %arg10[%get3A_322, %get3A_323] {strides = array<i32>} : memref<128x128xf32, #tpu.memory_space<vmem>>, vector<1x16xf32>,
        %get3A_325 = vector.shape_cast %get3A_324 : vector<1x16xf32> to vector<16xf32>
        %max3A_326 = arith.maximumf %max3A_270, %get3A_325 : vector<16xf32>
        %add3A_327 = arith.constant 2 : i32
        %add3A_328 = arith.addi %mul3A_181, %add3A_327 : i32
        %get3A_329 = arith.index_cast %add3A_328 : i32 to index
        %get3A_330 = arith.constant 80 : index
        %get3A_331 = tpu.vector_load %arg10[%get3A_329, %get3A_330] {strides = array<i32>} : memref<128x128xf32, #tpu.memory_space<vmem>>, vector<1x16xf32>,
        %get3A_332 = vector.shape_cast %get3A_331 : vector<1x16xf32> to vector<16xf32>
        %max3A_333 = arith.maximumf %max3A_277, %get3A_332 : vector<16xf32>
        %add3A_334 = arith.constant 2 : i32
        %add3A_335 = arith.addi %mul3A_181, %add3A_334 : i32
        %get3A_336 = arith.index_cast %add3A_335 : i32 to index
        %get3A_337 = arith.constant 96 : index
        %get3A_338 = tpu.vector_load %arg10[%get3A_336, %get3A_337] {strides = array<i32>} : memref<128x128xf32, #tpu.memory_space<vmem>>, vector<1x16xf32>,
        %get3A_339 = vector.shape_cast %get3A_338 : vector<1x16xf32> to vector<16xf32>
        %max3A_340 = arith.maximumf %max3A_284, %get3A_339 : vector<16xf32>
        %add3A_341 = arith.constant 2 : i32
        %add3A_342 = arith.addi %mul3A_181, %add3A_341 : i32
        %get3A_343 = arith.index_cast %add3A_342 : i32 to index
        %get3A_344 = arith.constant 112 : index
        %get3A_345 = tpu.vector_load %arg10[%get3A_343, %get3A_344] {strides = array<i32>} : memref<128x128xf32, #tpu.memory_space<vmem>>, vector<1x16xf32>,
        %get3A_346 = vector.shape_cast %get3A_345 : vector<1x16xf32> to vector<16xf32>
        %max3A_347 = arith.maximumf %max3A_291, %get3A_346 : vector<16xf32>
        %add3A_348 = arith.constant 3 : i32
        %add3A_349 = arith.addi %mul3A_181, %add3A_348 : i32
        %get3A_350 = arith.index_cast %add3A_349 : i32 to index
        %get3A_351 = arith.constant 0 : index
        %get3A_352 = tpu.vector_load %arg10[%get3A_350, %get3A_351] {strides = array<i32>} : memref<128x128xf32, #tpu.memory_space<vmem>>, vector<1x16xf32>,
        %get3A_353 = vector.shape_cast %get3A_352 : vector<1x16xf32> to vector<16xf32>
        %max3A_354 = arith.maximumf %max3A_298, %get3A_353 : vector<16xf32>
        %add3A_355 = arith.constant 3 : i32
        %add3A_356 = arith.addi %mul3A_181, %add3A_355 : i32
        %get3A_357 = arith.index_cast %add3A_356 : i32 to index
        %get3A_358 = arith.constant 16 : index
        %get3A_359 = tpu.vector_load %arg10[%get3A_357, %get3A_358] {strides = array<i32>} : memref<128x128xf32, #tpu.memory_space<vmem>>, vector<1x16xf32>,
        %get3A_360 = vector.shape_cast %get3A_359 : vector<1x16xf32> to vector<16xf32>
        %max3A_361 = arith.maximumf %max3A_305, %get3A_360 : vector<16xf32>
        %add3A_362 = arith.constant 3 : i32
        %add3A_363 = arith.addi %mul3A_181, %add3A_362 : i32
        %get3A_364 = arith.index_cast %add3A_363 : i32 to index
        %get3A_365 = arith.constant 32 : index
        %get3A_366 = tpu.vector_load %arg10[%get3A_364, %get3A_365] {strides = array<i32>} : memref<128x128xf32, #tpu.memory_space<vmem>>, vector<1x16xf32>,
        %get3A_367 = vector.shape_cast %get3A_366 : vector<1x16xf32> to vector<16xf32>
        %max3A_368 = arith.maximumf %max3A_312, %get3A_367 : vector<16xf32>
        %add3A_369 = arith.constant 3 : i32
        %add3A_370 = arith.addi %mul3A_181, %add3A_369 : i32
        %get3A_371 = arith.index_cast %add3A_370 : i32 to index
        %get3A_372 = arith.constant 48 : index
        %get3A_373 = tpu.vector_load %arg10[%get3A_371, %get3A_372] {strides = array<i32>} : memref<128x128xf32, #tpu.memory_space<vmem>>, vector<1x16xf32>,
        %get3A_374 = vector.shape_cast %get3A_373 : vector<1x16xf32> to vector<16xf32>
        %max3A_375 = arith.maximumf %max3A_319, %get3A_374 : vector<16xf32>
        %add3A_376 = arith.constant 3 : i32
        %add3A_377 = arith.addi %mul3A_181, %add3A_376 : i32
        %get3A_378 = arith.index_cast %add3A_377 : i32 to index
        %get3A_379 = arith.constant 64 : index
        %get3A_380 = tpu.vector_load %arg10[%get3A_378, %get3A_379] {strides = array<i32>} : memref<128x128xf32, #tpu.memory_space<vmem>>, vector<1x16xf32>,
        %get3A_381 = vector.shape_cast %get3A_380 : vector<1x16xf32> to vector<16xf32>
        %max3A_382 = arith.maximumf %max3A_326, %get3A_381 : vector<16xf32>
        %add3A_383 = arith.constant 3 : i32
        %add3A_384 = arith.addi %mul3A_181, %add3A_383 : i32
        %get3A_385 = arith.index_cast %add3A_384 : i32 to index
        %get3A_386 = arith.constant 80 : index
        %get3A_387 = tpu.vector_load %arg10[%get3A_385, %get3A_386] {strides = array<i32>} : memref<128x128xf32, #tpu.memory_space<vmem>>, vector<1x16xf32>,
        %get3A_388 = vector.shape_cast %get3A_387 : vector<1x16xf32> to vector<16xf32>
        %max3A_389 = arith.maximumf %max3A_333, %get3A_388 : vector<16xf32>
        %add3A_390 = arith.constant 3 : i32
        %add3A_391 = arith.addi %mul3A_181, %add3A_390 : i32
        %get3A_392 = arith.index_cast %add3A_391 : i32 to index
        %get3A_393 = arith.constant 96 : index
        %get3A_394 = tpu.vector_load %arg10[%get3A_392, %get3A_393] {strides = array<i32>} : memref<128x128xf32, #tpu.memory_space<vmem>>, vector<1x16xf32>,
        %get3A_395 = vector.shape_cast %get3A_394 : vector<1x16xf32> to vector<16xf32>
        %max3A_396 = arith.maximumf %max3A_340, %get3A_395 : vector<16xf32>
        %add3A_397 = arith.constant 3 : i32
        %add3A_398 = arith.addi %mul3A_181, %add3A_397 : i32
        %get3A_399 = arith.index_cast %add3A_398 : i32 to index
        %get3A_400 = arith.constant 112 : index
        %get3A_401 = tpu.vector_load %arg10[%get3A_399, %get3A_400] {strides = array<i32>} : memref<128x128xf32, #tpu.memory_space<vmem>>, vector<1x16xf32>,
        %get3A_402 = vector.shape_cast %get3A_401 : vector<1x16xf32> to vector<16xf32>
        %max3A_403 = arith.maximumf %max3A_347, %get3A_402 : vector<16xf32>
        scf.yield %max3A_354, %max3A_361, %max3A_368, %max3A_375, %max3A_382, %max3A_389, %max3A_396, %max3A_403 : vector<16xf32>, vector<16xf32>, vector<16xf32>, vector<16xf32>, vector<16xf32>, vector<16xf32>, vector<16xf32>, vector<16xf32>
      }
      %scan3A_117 = arith.constant 32 : i32
      %add3A_118 = arith.constant 4 : i32
      %add3A_119 = arith.addi %add3A_105, %add3A_118 : i32
      %lt3A_120 = arith.constant 16 : i32
      %lt3A_121 = arith.cmpi slt, %add3A_119, %lt3A_120 : i32
      %convert_element_type3A_122 = arith.extui %lt3A_121 : i1 to i32
      %cond3A_123 = arith.constant 0 : i32
      %cond3A_124 = arith.cmpi ne, %convert_element_type3A_122, %cond3A_123 : i32
      scf.if %cond3A_124 {
        %dma_start3A_171 = arith.constant 0 : i32
        %dma_start3A_172 = tpu.memref_slice %arg8[%add3A_119, %dma_start3A_171] : memref<16x128xi32, #tpu.memory_space<vmem>> -> memref<1x128xi32, #tpu.memory_space<vmem>>
        %dma_start3A_173 = tpu.memref_squeeze %dma_start3A_172 : memref<1x128xi32, #tpu.memory_space<vmem>> -> memref<128xi32, #tpu.memory_space<vmem>>
        %dma_start3A_174 = arith.constant 0 : i32
        %dma_start3A_175 = arith.constant 0 : i32
        %dma_start3A_176 = tpu.memref_slice %arg2[%dma_start3A_174, %dma_start3A_175] : memref<100000x128xf32, #tpu.memory_space<hbm>> -> memref<100000x128xf32, #tpu.memory_space<hbm>>
        tpu.enqueue_indirect_dma source(%dma_start3A_176 : memref<100000x128xf32, #tpu.memory_space<hbm>>) target(%arg10 : memref<128x128xf32, #tpu.memory_space<vmem>>) offsets(%dma_start3A_173 : memref<128xi32, #tpu.memory_space<vmem>>) semaphore(%arg22 : memref<!tpu.dma_semaphore, #tpu.memory_space<semaphore_mem>>)
      } else {
      }
      %mul3A_125 = arith.constant 4 : i32
      %mul3A_126 = arith.muli %scan3A_72, %mul3A_125 : i32
      %add3A_127 = arith.constant 2 : i32
      %add3A_128 = arith.addi %mul3A_126, %add3A_127 : i32
      %dma_wait3A_129 = arith.constant 0 : i32
      %dma_wait3A_130 = tpu.memref_slice %arg8[%add3A_128, %dma_wait3A_129] : memref<16x128xi32, #tpu.memory_space<vmem>> -> memref<1x128xi32, #tpu.memory_space<vmem>>
      %dma_wait3A_131 = tpu.memref_squeeze %dma_wait3A_130 : memref<1x128xi32, #tpu.memory_space<vmem>> -> memref<128xi32, #tpu.memory_space<vmem>>
      %dma_wait3A_132 = arith.constant 0 : i32
      %dma_wait3A_133 = arith.constant 0 : i32
      %dma_wait3A_134 = tpu.memref_slice %arg2[%dma_wait3A_132, %dma_wait3A_133] : memref<100000x128xf32, #tpu.memory_space<hbm>> -> memref<100000x128xf32, #tpu.memory_space<hbm>>
      tpu.wait_indirect_dma semaphore(%arg23 : memref<!tpu.dma_semaphore, #tpu.memory_space<semaphore_mem>>) src(%dma_wait3A_134 : memref<100000x128xf32, #tpu.memory_space<hbm>>) dst(%arg11 : memref<128x128xf32, #tpu.memory_space<vmem>>)
      %scan3A_135 = arith.constant 0 : i32
      %scan3A_136 = arith.constant 32 : i32
      %scan3A_137 = arith.addi %scan3A_135, %scan3A_136 : i32
      %scan3A_138 = arith.constant 1 : i32
      %scan3A_139:8 = scf.for %scan3A_171 = %scan3A_135 to %scan3A_137 step %scan3A_138 iter_args(%scan3A_172 = %scan3A_116#0, %scan3A_173 = %scan3A_116#1, %scan3A_174 = %scan3A_116#2, %scan3A_175 = %scan3A_116#3, %scan3A_176 = %scan3A_116#4, %scan3A_177 = %scan3A_116#5, %scan3A_178 = %scan3A_116#6, %scan3A_179 = %scan3A_116#7) -> (vector<16xf32>, vector<16xf32>, vector<16xf32>, vector<16xf32>, vector<16xf32>, vector<16xf32>, vector<16xf32>, vector<16xf32>)  : i32 {
        %mul3A_180 = arith.constant 4 : i32
        %mul3A_181 = arith.muli %scan3A_171, %mul3A_180 : i32
        %add3A_182 = arith.constant 0 : i32
        %add3A_183 = arith.addi %mul3A_181, %add3A_182 : i32
        %get3A = arith.index_cast %add3A_183 : i32 to index
        %get3A_184 = arith.constant 0 : index
        %get3A_185 = tpu.vector_load %arg11[%get3A, %get3A_184] {strides = array<i32>} : memref<128x128xf32, #tpu.memory_space<vmem>>, vector<1x16xf32>,
        %get3A_186 = vector.shape_cast %get3A_185 : vector<1x16xf32> to vector<16xf32>
        %max3A = arith.maximumf %scan3A_172, %get3A_186 : vector<16xf32>
        %add3A_187 = arith.constant 0 : i32
        %add3A_188 = arith.addi %mul3A_181, %add3A_187 : i32
        %get3A_189 = arith.index_cast %add3A_188 : i32 to index
        %get3A_190 = arith.constant 16 : index
        %get3A_191 = tpu.vector_load %arg11[%get3A_189, %get3A_190] {strides = array<i32>} : memref<128x128xf32, #tpu.memory_space<vmem>>, vector<1x16xf32>,
        %get3A_192 = vector.shape_cast %get3A_191 : vector<1x16xf32> to vector<16xf32>
        %max3A_193 = arith.maximumf %scan3A_173, %get3A_192 : vector<16xf32>
        %add3A_194 = arith.constant 0 : i32
        %add3A_195 = arith.addi %mul3A_181, %add3A_194 : i32
        %get3A_196 = arith.index_cast %add3A_195 : i32 to index
        %get3A_197 = arith.constant 32 : index
        %get3A_198 = tpu.vector_load %arg11[%get3A_196, %get3A_197] {strides = array<i32>} : memref<128x128xf32, #tpu.memory_space<vmem>>, vector<1x16xf32>,
        %get3A_199 = vector.shape_cast %get3A_198 : vector<1x16xf32> to vector<16xf32>
        %max3A_200 = arith.maximumf %scan3A_174, %get3A_199 : vector<16xf32>
        %add3A_201 = arith.constant 0 : i32
        %add3A_202 = arith.addi %mul3A_181, %add3A_201 : i32
        %get3A_203 = arith.index_cast %add3A_202 : i32 to index
        %get3A_204 = arith.constant 48 : index
        %get3A_205 = tpu.vector_load %arg11[%get3A_203, %get3A_204] {strides = array<i32>} : memref<128x128xf32, #tpu.memory_space<vmem>>, vector<1x16xf32>,
        %get3A_206 = vector.shape_cast %get3A_205 : vector<1x16xf32> to vector<16xf32>
        %max3A_207 = arith.maximumf %scan3A_175, %get3A_206 : vector<16xf32>
        %add3A_208 = arith.constant 0 : i32
        %add3A_209 = arith.addi %mul3A_181, %add3A_208 : i32
        %get3A_210 = arith.index_cast %add3A_209 : i32 to index
        %get3A_211 = arith.constant 64 : index
        %get3A_212 = tpu.vector_load %arg11[%get3A_210, %get3A_211] {strides = array<i32>} : memref<128x128xf32, #tpu.memory_space<vmem>>, vector<1x16xf32>,
        %get3A_213 = vector.shape_cast %get3A_212 : vector<1x16xf32> to vector<16xf32>
        %max3A_214 = arith.maximumf %scan3A_176, %get3A_213 : vector<16xf32>
        %add3A_215 = arith.constant 0 : i32
        %add3A_216 = arith.addi %mul3A_181, %add3A_215 : i32
        %get3A_217 = arith.index_cast %add3A_216 : i32 to index
        %get3A_218 = arith.constant 80 : index
        %get3A_219 = tpu.vector_load %arg11[%get3A_217, %get3A_218] {strides = array<i32>} : memref<128x128xf32, #tpu.memory_space<vmem>>, vector<1x16xf32>,
        %get3A_220 = vector.shape_cast %get3A_219 : vector<1x16xf32> to vector<16xf32>
        %max3A_221 = arith.maximumf %scan3A_177, %get3A_220 : vector<16xf32>
        %add3A_222 = arith.constant 0 : i32
        %add3A_223 = arith.addi %mul3A_181, %add3A_222 : i32
        %get3A_224 = arith.index_cast %add3A_223 : i32 to index
        %get3A_225 = arith.constant 96 : index
        %get3A_226 = tpu.vector_load %arg11[%get3A_224, %get3A_225] {strides = array<i32>} : memref<128x128xf32, #tpu.memory_space<vmem>>, vector<1x16xf32>,
        %get3A_227 = vector.shape_cast %get3A_226 : vector<1x16xf32> to vector<16xf32>
        %max3A_228 = arith.maximumf %scan3A_178, %get3A_227 : vector<16xf32>
        %add3A_229 = arith.constant 0 : i32
        %add3A_230 = arith.addi %mul3A_181, %add3A_229 : i32
        %get3A_231 = arith.index_cast %add3A_230 : i32 to index
        %get3A_232 = arith.constant 112 : index
        %get3A_233 = tpu.vector_load %arg11[%get3A_231, %get3A_232] {strides = array<i32>} : memref<128x128xf32, #tpu.memory_space<vmem>>, vector<1x16xf32>,
        %get3A_234 = vector.shape_cast %get3A_233 : vector<1x16xf32> to vector<16xf32>
        %max3A_235 = arith.maximumf %scan3A_179, %get3A_234 : vector<16xf32>
        %add3A_236 = arith.constant 1 : i32
        %add3A_237 = arith.addi %mul3A_181, %add3A_236 : i32
        %get3A_238 = arith.index_cast %add3A_237 : i32 to index
        %get3A_239 = arith.constant 0 : index
        %get3A_240 = tpu.vector_load %arg11[%get3A_238, %get3A_239] {strides = array<i32>} : memref<128x128xf32, #tpu.memory_space<vmem>>, vector<1x16xf32>,
        %get3A_241 = vector.shape_cast %get3A_240 : vector<1x16xf32> to vector<16xf32>
        %max3A_242 = arith.maximumf %max3A, %get3A_241 : vector<16xf32>
        %add3A_243 = arith.constant 1 : i32
        %add3A_244 = arith.addi %mul3A_181, %add3A_243 : i32
        %get3A_245 = arith.index_cast %add3A_244 : i32 to index
        %get3A_246 = arith.constant 16 : index
        %get3A_247 = tpu.vector_load %arg11[%get3A_245, %get3A_246] {strides = array<i32>} : memref<128x128xf32, #tpu.memory_space<vmem>>, vector<1x16xf32>,
        %get3A_248 = vector.shape_cast %get3A_247 : vector<1x16xf32> to vector<16xf32>
        %max3A_249 = arith.maximumf %max3A_193, %get3A_248 : vector<16xf32>
        %add3A_250 = arith.constant 1 : i32
        %add3A_251 = arith.addi %mul3A_181, %add3A_250 : i32
        %get3A_252 = arith.index_cast %add3A_251 : i32 to index
        %get3A_253 = arith.constant 32 : index
        %get3A_254 = tpu.vector_load %arg11[%get3A_252, %get3A_253] {strides = array<i32>} : memref<128x128xf32, #tpu.memory_space<vmem>>, vector<1x16xf32>,
        %get3A_255 = vector.shape_cast %get3A_254 : vector<1x16xf32> to vector<16xf32>
        %max3A_256 = arith.maximumf %max3A_200, %get3A_255 : vector<16xf32>
        %add3A_257 = arith.constant 1 : i32
        %add3A_258 = arith.addi %mul3A_181, %add3A_257 : i32
        %get3A_259 = arith.index_cast %add3A_258 : i32 to index
        %get3A_260 = arith.constant 48 : index
        %get3A_261 = tpu.vector_load %arg11[%get3A_259, %get3A_260] {strides = array<i32>} : memref<128x128xf32, #tpu.memory_space<vmem>>, vector<1x16xf32>,
        %get3A_262 = vector.shape_cast %get3A_261 : vector<1x16xf32> to vector<16xf32>
        %max3A_263 = arith.maximumf %max3A_207, %get3A_262 : vector<16xf32>
        %add3A_264 = arith.constant 1 : i32
        %add3A_265 = arith.addi %mul3A_181, %add3A_264 : i32
        %get3A_266 = arith.index_cast %add3A_265 : i32 to index
        %get3A_267 = arith.constant 64 : index
        %get3A_268 = tpu.vector_load %arg11[%get3A_266, %get3A_267] {strides = array<i32>} : memref<128x128xf32, #tpu.memory_space<vmem>>, vector<1x16xf32>,
        %get3A_269 = vector.shape_cast %get3A_268 : vector<1x16xf32> to vector<16xf32>
        %max3A_270 = arith.maximumf %max3A_214, %get3A_269 : vector<16xf32>
        %add3A_271 = arith.constant 1 : i32
        %add3A_272 = arith.addi %mul3A_181, %add3A_271 : i32
        %get3A_273 = arith.index_cast %add3A_272 : i32 to index
        %get3A_274 = arith.constant 80 : index
        %get3A_275 = tpu.vector_load %arg11[%get3A_273, %get3A_274] {strides = array<i32>} : memref<128x128xf32, #tpu.memory_space<vmem>>, vector<1x16xf32>,
        %get3A_276 = vector.shape_cast %get3A_275 : vector<1x16xf32> to vector<16xf32>
        %max3A_277 = arith.maximumf %max3A_221, %get3A_276 : vector<16xf32>
        %add3A_278 = arith.constant 1 : i32
        %add3A_279 = arith.addi %mul3A_181, %add3A_278 : i32
        %get3A_280 = arith.index_cast %add3A_279 : i32 to index
        %get3A_281 = arith.constant 96 : index
        %get3A_282 = tpu.vector_load %arg11[%get3A_280, %get3A_281] {strides = array<i32>} : memref<128x128xf32, #tpu.memory_space<vmem>>, vector<1x16xf32>,
        %get3A_283 = vector.shape_cast %get3A_282 : vector<1x16xf32> to vector<16xf32>
        %max3A_284 = arith.maximumf %max3A_228, %get3A_283 : vector<16xf32>
        %add3A_285 = arith.constant 1 : i32
        %add3A_286 = arith.addi %mul3A_181, %add3A_285 : i32
        %get3A_287 = arith.index_cast %add3A_286 : i32 to index
        %get3A_288 = arith.constant 112 : index
        %get3A_289 = tpu.vector_load %arg11[%get3A_287, %get3A_288] {strides = array<i32>} : memref<128x128xf32, #tpu.memory_space<vmem>>, vector<1x16xf32>,
        %get3A_290 = vector.shape_cast %get3A_289 : vector<1x16xf32> to vector<16xf32>
        %max3A_291 = arith.maximumf %max3A_235, %get3A_290 : vector<16xf32>
        %add3A_292 = arith.constant 2 : i32
        %add3A_293 = arith.addi %mul3A_181, %add3A_292 : i32
        %get3A_294 = arith.index_cast %add3A_293 : i32 to index
        %get3A_295 = arith.constant 0 : index
        %get3A_296 = tpu.vector_load %arg11[%get3A_294, %get3A_295] {strides = array<i32>} : memref<128x128xf32, #tpu.memory_space<vmem>>, vector<1x16xf32>,
        %get3A_297 = vector.shape_cast %get3A_296 : vector<1x16xf32> to vector<16xf32>
        %max3A_298 = arith.maximumf %max3A_242, %get3A_297 : vector<16xf32>
        %add3A_299 = arith.constant 2 : i32
        %add3A_300 = arith.addi %mul3A_181, %add3A_299 : i32
        %get3A_301 = arith.index_cast %add3A_300 : i32 to index
        %get3A_302 = arith.constant 16 : index
        %get3A_303 = tpu.vector_load %arg11[%get3A_301, %get3A_302] {strides = array<i32>} : memref<128x128xf32, #tpu.memory_space<vmem>>, vector<1x16xf32>,
        %get3A_304 = vector.shape_cast %get3A_303 : vector<1x16xf32> to vector<16xf32>
        %max3A_305 = arith.maximumf %max3A_249, %get3A_304 : vector<16xf32>
        %add3A_306 = arith.constant 2 : i32
        %add3A_307 = arith.addi %mul3A_181, %add3A_306 : i32
        %get3A_308 = arith.index_cast %add3A_307 : i32 to index
        %get3A_309 = arith.constant 32 : index
        %get3A_310 = tpu.vector_load %arg11[%get3A_308, %get3A_309] {strides = array<i32>} : memref<128x128xf32, #tpu.memory_space<vmem>>, vector<1x16xf32>,
        %get3A_311 = vector.shape_cast %get3A_310 : vector<1x16xf32> to vector<16xf32>
        %max3A_312 = arith.maximumf %max3A_256, %get3A_311 : vector<16xf32>
        %add3A_313 = arith.constant 2 : i32
        %add3A_314 = arith.addi %mul3A_181, %add3A_313 : i32
        %get3A_315 = arith.index_cast %add3A_314 : i32 to index
        %get3A_316 = arith.constant 48 : index
        %get3A_317 = tpu.vector_load %arg11[%get3A_315, %get3A_316] {strides = array<i32>} : memref<128x128xf32, #tpu.memory_space<vmem>>, vector<1x16xf32>,
        %get3A_318 = vector.shape_cast %get3A_317 : vector<1x16xf32> to vector<16xf32>
        %max3A_319 = arith.maximumf %max3A_263, %get3A_318 : vector<16xf32>
        %add3A_320 = arith.constant 2 : i32
        %add3A_321 = arith.addi %mul3A_181, %add3A_320 : i32
        %get3A_322 = arith.index_cast %add3A_321 : i32 to index
        %get3A_323 = arith.constant 64 : index
        %get3A_324 = tpu.vector_load %arg11[%get3A_322, %get3A_323] {strides = array<i32>} : memref<128x128xf32, #tpu.memory_space<vmem>>, vector<1x16xf32>,
        %get3A_325 = vector.shape_cast %get3A_324 : vector<1x16xf32> to vector<16xf32>
        %max3A_326 = arith.maximumf %max3A_270, %get3A_325 : vector<16xf32>
        %add3A_327 = arith.constant 2 : i32
        %add3A_328 = arith.addi %mul3A_181, %add3A_327 : i32
        %get3A_329 = arith.index_cast %add3A_328 : i32 to index
        %get3A_330 = arith.constant 80 : index
        %get3A_331 = tpu.vector_load %arg11[%get3A_329, %get3A_330] {strides = array<i32>} : memref<128x128xf32, #tpu.memory_space<vmem>>, vector<1x16xf32>,
        %get3A_332 = vector.shape_cast %get3A_331 : vector<1x16xf32> to vector<16xf32>
        %max3A_333 = arith.maximumf %max3A_277, %get3A_332 : vector<16xf32>
        %add3A_334 = arith.constant 2 : i32
        %add3A_335 = arith.addi %mul3A_181, %add3A_334 : i32
        %get3A_336 = arith.index_cast %add3A_335 : i32 to index
        %get3A_337 = arith.constant 96 : index
        %get3A_338 = tpu.vector_load %arg11[%get3A_336, %get3A_337] {strides = array<i32>} : memref<128x128xf32, #tpu.memory_space<vmem>>, vector<1x16xf32>,
        %get3A_339 = vector.shape_cast %get3A_338 : vector<1x16xf32> to vector<16xf32>
        %max3A_340 = arith.maximumf %max3A_284, %get3A_339 : vector<16xf32>
        %add3A_341 = arith.constant 2 : i32
        %add3A_342 = arith.addi %mul3A_181, %add3A_341 : i32
        %get3A_343 = arith.index_cast %add3A_342 : i32 to index
        %get3A_344 = arith.constant 112 : index
        %get3A_345 = tpu.vector_load %arg11[%get3A_343, %get3A_344] {strides = array<i32>} : memref<128x128xf32, #tpu.memory_space<vmem>>, vector<1x16xf32>,
        %get3A_346 = vector.shape_cast %get3A_345 : vector<1x16xf32> to vector<16xf32>
        %max3A_347 = arith.maximumf %max3A_291, %get3A_346 : vector<16xf32>
        %add3A_348 = arith.constant 3 : i32
        %add3A_349 = arith.addi %mul3A_181, %add3A_348 : i32
        %get3A_350 = arith.index_cast %add3A_349 : i32 to index
        %get3A_351 = arith.constant 0 : index
        %get3A_352 = tpu.vector_load %arg11[%get3A_350, %get3A_351] {strides = array<i32>} : memref<128x128xf32, #tpu.memory_space<vmem>>, vector<1x16xf32>,
        %get3A_353 = vector.shape_cast %get3A_352 : vector<1x16xf32> to vector<16xf32>
        %max3A_354 = arith.maximumf %max3A_298, %get3A_353 : vector<16xf32>
        %add3A_355 = arith.constant 3 : i32
        %add3A_356 = arith.addi %mul3A_181, %add3A_355 : i32
        %get3A_357 = arith.index_cast %add3A_356 : i32 to index
        %get3A_358 = arith.constant 16 : index
        %get3A_359 = tpu.vector_load %arg11[%get3A_357, %get3A_358] {strides = array<i32>} : memref<128x128xf32, #tpu.memory_space<vmem>>, vector<1x16xf32>,
        %get3A_360 = vector.shape_cast %get3A_359 : vector<1x16xf32> to vector<16xf32>
        %max3A_361 = arith.maximumf %max3A_305, %get3A_360 : vector<16xf32>
        %add3A_362 = arith.constant 3 : i32
        %add3A_363 = arith.addi %mul3A_181, %add3A_362 : i32
        %get3A_364 = arith.index_cast %add3A_363 : i32 to index
        %get3A_365 = arith.constant 32 : index
        %get3A_366 = tpu.vector_load %arg11[%get3A_364, %get3A_365] {strides = array<i32>} : memref<128x128xf32, #tpu.memory_space<vmem>>, vector<1x16xf32>,
        %get3A_367 = vector.shape_cast %get3A_366 : vector<1x16xf32> to vector<16xf32>
        %max3A_368 = arith.maximumf %max3A_312, %get3A_367 : vector<16xf32>
        %add3A_369 = arith.constant 3 : i32
        %add3A_370 = arith.addi %mul3A_181, %add3A_369 : i32
        %get3A_371 = arith.index_cast %add3A_370 : i32 to index
        %get3A_372 = arith.constant 48 : index
        %get3A_373 = tpu.vector_load %arg11[%get3A_371, %get3A_372] {strides = array<i32>} : memref<128x128xf32, #tpu.memory_space<vmem>>, vector<1x16xf32>,
        %get3A_374 = vector.shape_cast %get3A_373 : vector<1x16xf32> to vector<16xf32>
        %max3A_375 = arith.maximumf %max3A_319, %get3A_374 : vector<16xf32>
        %add3A_376 = arith.constant 3 : i32
        %add3A_377 = arith.addi %mul3A_181, %add3A_376 : i32
        %get3A_378 = arith.index_cast %add3A_377 : i32 to index
        %get3A_379 = arith.constant 64 : index
        %get3A_380 = tpu.vector_load %arg11[%get3A_378, %get3A_379] {strides = array<i32>} : memref<128x128xf32, #tpu.memory_space<vmem>>, vector<1x16xf32>,
        %get3A_381 = vector.shape_cast %get3A_380 : vector<1x16xf32> to vector<16xf32>
        %max3A_382 = arith.maximumf %max3A_326, %get3A_381 : vector<16xf32>
        %add3A_383 = arith.constant 3 : i32
        %add3A_384 = arith.addi %mul3A_181, %add3A_383 : i32
        %get3A_385 = arith.index_cast %add3A_384 : i32 to index
        %get3A_386 = arith.constant 80 : index
        %get3A_387 = tpu.vector_load %arg11[%get3A_385, %get3A_386] {strides = array<i32>} : memref<128x128xf32, #tpu.memory_space<vmem>>, vector<1x16xf32>,
        %get3A_388 = vector.shape_cast %get3A_387 : vector<1x16xf32> to vector<16xf32>
        %max3A_389 = arith.maximumf %max3A_333, %get3A_388 : vector<16xf32>
        %add3A_390 = arith.constant 3 : i32
        %add3A_391 = arith.addi %mul3A_181, %add3A_390 : i32
        %get3A_392 = arith.index_cast %add3A_391 : i32 to index
        %get3A_393 = arith.constant 96 : index
        %get3A_394 = tpu.vector_load %arg11[%get3A_392, %get3A_393] {strides = array<i32>} : memref<128x128xf32, #tpu.memory_space<vmem>>, vector<1x16xf32>,
        %get3A_395 = vector.shape_cast %get3A_394 : vector<1x16xf32> to vector<16xf32>
        %max3A_396 = arith.maximumf %max3A_340, %get3A_395 : vector<16xf32>
        %add3A_397 = arith.constant 3 : i32
        %add3A_398 = arith.addi %mul3A_181, %add3A_397 : i32
        %get3A_399 = arith.index_cast %add3A_398 : i32 to index
        %get3A_400 = arith.constant 112 : index
        %get3A_401 = tpu.vector_load %arg11[%get3A_399, %get3A_400] {strides = array<i32>} : memref<128x128xf32, #tpu.memory_space<vmem>>, vector<1x16xf32>,
        %get3A_402 = vector.shape_cast %get3A_401 : vector<1x16xf32> to vector<16xf32>
        %max3A_403 = arith.maximumf %max3A_347, %get3A_402 : vector<16xf32>
        scf.yield %max3A_354, %max3A_361, %max3A_368, %max3A_375, %max3A_382, %max3A_389, %max3A_396, %max3A_403 : vector<16xf32>, vector<16xf32>, vector<16xf32>, vector<16xf32>, vector<16xf32>, vector<16xf32>, vector<16xf32>, vector<16xf32>
      }
      %scan3A_140 = arith.constant 32 : i32
      %add3A_141 = arith.constant 4 : i32
      %add3A_142 = arith.addi %add3A_128, %add3A_141 : i32
      %lt3A_143 = arith.constant 16 : i32
      %lt3A_144 = arith.cmpi slt, %add3A_142, %lt3A_143 : i32
      %convert_element_type3A_145 = arith.extui %lt3A_144 : i1 to i32
      %cond3A_146 = arith.constant 0 : i32
      %cond3A_147 = arith.cmpi ne, %convert_element_type3A_145, %cond3A_146 : i32
      scf.if %cond3A_147 {
        %dma_start3A_171 = arith.constant 0 : i32
        %dma_start3A_172 = tpu.memref_slice %arg8[%add3A_142, %dma_start3A_171] : memref<16x128xi32, #tpu.memory_space<vmem>> -> memref<1x128xi32, #tpu.memory_space<vmem>>
        %dma_start3A_173 = tpu.memref_squeeze %dma_start3A_172 : memref<1x128xi32, #tpu.memory_space<vmem>> -> memref<128xi32, #tpu.memory_space<vmem>>
        %dma_start3A_174 = arith.constant 0 : i32
        %dma_start3A_175 = arith.constant 0 : i32
        %dma_start3A_176 = tpu.memref_slice %arg2[%dma_start3A_174, %dma_start3A_175] : memref<100000x128xf32, #tpu.memory_space<hbm>> -> memref<100000x128xf32, #tpu.memory_space<hbm>>
        tpu.enqueue_indirect_dma source(%dma_start3A_176 : memref<100000x128xf32, #tpu.memory_space<hbm>>) target(%arg11 : memref<128x128xf32, #tpu.memory_space<vmem>>) offsets(%dma_start3A_173 : memref<128xi32, #tpu.memory_space<vmem>>) semaphore(%arg23 : memref<!tpu.dma_semaphore, #tpu.memory_space<semaphore_mem>>)
      } else {
      }
      %mul3A_148 = arith.constant 4 : i32
      %mul3A_149 = arith.muli %scan3A_72, %mul3A_148 : i32
      %add3A_150 = arith.constant 3 : i32
      %add3A_151 = arith.addi %mul3A_149, %add3A_150 : i32
      %dma_wait3A_152 = arith.constant 0 : i32
      %dma_wait3A_153 = tpu.memref_slice %arg8[%add3A_151, %dma_wait3A_152] : memref<16x128xi32, #tpu.memory_space<vmem>> -> memref<1x128xi32, #tpu.memory_space<vmem>>
      %dma_wait3A_154 = tpu.memref_squeeze %dma_wait3A_153 : memref<1x128xi32, #tpu.memory_space<vmem>> -> memref<128xi32, #tpu.memory_space<vmem>>
      %dma_wait3A_155 = arith.constant 0 : i32
      %dma_wait3A_156 = arith.constant 0 : i32
      %dma_wait3A_157 = tpu.memref_slice %arg2[%dma_wait3A_155, %dma_wait3A_156] : memref<100000x128xf32, #tpu.memory_space<hbm>> -> memref<100000x128xf32, #tpu.memory_space<hbm>>
      tpu.wait_indirect_dma semaphore(%arg24 : memref<!tpu.dma_semaphore, #tpu.memory_space<semaphore_mem>>) src(%dma_wait3A_157 : memref<100000x128xf32, #tpu.memory_space<hbm>>) dst(%arg12 : memref<128x128xf32, #tpu.memory_space<vmem>>)
      %scan3A_158 = arith.constant 0 : i32
      %scan3A_159 = arith.constant 32 : i32
      %scan3A_160 = arith.addi %scan3A_158, %scan3A_159 : i32
      %scan3A_161 = arith.constant 1 : i32
      %scan3A_162:8 = scf.for %scan3A_171 = %scan3A_158 to %scan3A_160 step %scan3A_161 iter_args(%scan3A_172 = %scan3A_139#0, %scan3A_173 = %scan3A_139#1, %scan3A_174 = %scan3A_139#2, %scan3A_175 = %scan3A_139#3, %scan3A_176 = %scan3A_139#4, %scan3A_177 = %scan3A_139#5, %scan3A_178 = %scan3A_139#6, %scan3A_179 = %scan3A_139#7) -> (vector<16xf32>, vector<16xf32>, vector<16xf32>, vector<16xf32>, vector<16xf32>, vector<16xf32>, vector<16xf32>, vector<16xf32>)  : i32 {
        %mul3A_180 = arith.constant 4 : i32
        %mul3A_181 = arith.muli %scan3A_171, %mul3A_180 : i32
        %add3A_182 = arith.constant 0 : i32
        %add3A_183 = arith.addi %mul3A_181, %add3A_182 : i32
        %get3A = arith.index_cast %add3A_183 : i32 to index
        %get3A_184 = arith.constant 0 : index
        %get3A_185 = tpu.vector_load %arg12[%get3A, %get3A_184] {strides = array<i32>} : memref<128x128xf32, #tpu.memory_space<vmem>>, vector<1x16xf32>,
        %get3A_186 = vector.shape_cast %get3A_185 : vector<1x16xf32> to vector<16xf32>
        %max3A = arith.maximumf %scan3A_172, %get3A_186 : vector<16xf32>
        %add3A_187 = arith.constant 0 : i32
        %add3A_188 = arith.addi %mul3A_181, %add3A_187 : i32
        %get3A_189 = arith.index_cast %add3A_188 : i32 to index
        %get3A_190 = arith.constant 16 : index
        %get3A_191 = tpu.vector_load %arg12[%get3A_189, %get3A_190] {strides = array<i32>} : memref<128x128xf32, #tpu.memory_space<vmem>>, vector<1x16xf32>,
        %get3A_192 = vector.shape_cast %get3A_191 : vector<1x16xf32> to vector<16xf32>
        %max3A_193 = arith.maximumf %scan3A_173, %get3A_192 : vector<16xf32>
        %add3A_194 = arith.constant 0 : i32
        %add3A_195 = arith.addi %mul3A_181, %add3A_194 : i32
        %get3A_196 = arith.index_cast %add3A_195 : i32 to index
        %get3A_197 = arith.constant 32 : index
        %get3A_198 = tpu.vector_load %arg12[%get3A_196, %get3A_197] {strides = array<i32>} : memref<128x128xf32, #tpu.memory_space<vmem>>, vector<1x16xf32>,
        %get3A_199 = vector.shape_cast %get3A_198 : vector<1x16xf32> to vector<16xf32>
        %max3A_200 = arith.maximumf %scan3A_174, %get3A_199 : vector<16xf32>
        %add3A_201 = arith.constant 0 : i32
        %add3A_202 = arith.addi %mul3A_181, %add3A_201 : i32
        %get3A_203 = arith.index_cast %add3A_202 : i32 to index
        %get3A_204 = arith.constant 48 : index
        %get3A_205 = tpu.vector_load %arg12[%get3A_203, %get3A_204] {strides = array<i32>} : memref<128x128xf32, #tpu.memory_space<vmem>>, vector<1x16xf32>,
        %get3A_206 = vector.shape_cast %get3A_205 : vector<1x16xf32> to vector<16xf32>
        %max3A_207 = arith.maximumf %scan3A_175, %get3A_206 : vector<16xf32>
        %add3A_208 = arith.constant 0 : i32
        %add3A_209 = arith.addi %mul3A_181, %add3A_208 : i32
        %get3A_210 = arith.index_cast %add3A_209 : i32 to index
        %get3A_211 = arith.constant 64 : index
        %get3A_212 = tpu.vector_load %arg12[%get3A_210, %get3A_211] {strides = array<i32>} : memref<128x128xf32, #tpu.memory_space<vmem>>, vector<1x16xf32>,
        %get3A_213 = vector.shape_cast %get3A_212 : vector<1x16xf32> to vector<16xf32>
        %max3A_214 = arith.maximumf %scan3A_176, %get3A_213 : vector<16xf32>
        %add3A_215 = arith.constant 0 : i32
        %add3A_216 = arith.addi %mul3A_181, %add3A_215 : i32
        %get3A_217 = arith.index_cast %add3A_216 : i32 to index
        %get3A_218 = arith.constant 80 : index
        %get3A_219 = tpu.vector_load %arg12[%get3A_217, %get3A_218] {strides = array<i32>} : memref<128x128xf32, #tpu.memory_space<vmem>>, vector<1x16xf32>,
        %get3A_220 = vector.shape_cast %get3A_219 : vector<1x16xf32> to vector<16xf32>
        %max3A_221 = arith.maximumf %scan3A_177, %get3A_220 : vector<16xf32>
        %add3A_222 = arith.constant 0 : i32
        %add3A_223 = arith.addi %mul3A_181, %add3A_222 : i32
        %get3A_224 = arith.index_cast %add3A_223 : i32 to index
        %get3A_225 = arith.constant 96 : index
        %get3A_226 = tpu.vector_load %arg12[%get3A_224, %get3A_225] {strides = array<i32>} : memref<128x128xf32, #tpu.memory_space<vmem>>, vector<1x16xf32>,
        %get3A_227 = vector.shape_cast %get3A_226 : vector<1x16xf32> to vector<16xf32>
        %max3A_228 = arith.maximumf %scan3A_178, %get3A_227 : vector<16xf32>
        %add3A_229 = arith.constant 0 : i32
        %add3A_230 = arith.addi %mul3A_181, %add3A_229 : i32
        %get3A_231 = arith.index_cast %add3A_230 : i32 to index
        %get3A_232 = arith.constant 112 : index
        %get3A_233 = tpu.vector_load %arg12[%get3A_231, %get3A_232] {strides = array<i32>} : memref<128x128xf32, #tpu.memory_space<vmem>>, vector<1x16xf32>,
        %get3A_234 = vector.shape_cast %get3A_233 : vector<1x16xf32> to vector<16xf32>
        %max3A_235 = arith.maximumf %scan3A_179, %get3A_234 : vector<16xf32>
        %add3A_236 = arith.constant 1 : i32
        %add3A_237 = arith.addi %mul3A_181, %add3A_236 : i32
        %get3A_238 = arith.index_cast %add3A_237 : i32 to index
        %get3A_239 = arith.constant 0 : index
        %get3A_240 = tpu.vector_load %arg12[%get3A_238, %get3A_239] {strides = array<i32>} : memref<128x128xf32, #tpu.memory_space<vmem>>, vector<1x16xf32>,
        %get3A_241 = vector.shape_cast %get3A_240 : vector<1x16xf32> to vector<16xf32>
        %max3A_242 = arith.maximumf %max3A, %get3A_241 : vector<16xf32>
        %add3A_243 = arith.constant 1 : i32
        %add3A_244 = arith.addi %mul3A_181, %add3A_243 : i32
        %get3A_245 = arith.index_cast %add3A_244 : i32 to index
        %get3A_246 = arith.constant 16 : index
        %get3A_247 = tpu.vector_load %arg12[%get3A_245, %get3A_246] {strides = array<i32>} : memref<128x128xf32, #tpu.memory_space<vmem>>, vector<1x16xf32>,
        %get3A_248 = vector.shape_cast %get3A_247 : vector<1x16xf32> to vector<16xf32>
        %max3A_249 = arith.maximumf %max3A_193, %get3A_248 : vector<16xf32>
        %add3A_250 = arith.constant 1 : i32
        %add3A_251 = arith.addi %mul3A_181, %add3A_250 : i32
        %get3A_252 = arith.index_cast %add3A_251 : i32 to index
        %get3A_253 = arith.constant 32 : index
        %get3A_254 = tpu.vector_load %arg12[%get3A_252, %get3A_253] {strides = array<i32>} : memref<128x128xf32, #tpu.memory_space<vmem>>, vector<1x16xf32>,
        %get3A_255 = vector.shape_cast %get3A_254 : vector<1x16xf32> to vector<16xf32>
        %max3A_256 = arith.maximumf %max3A_200, %get3A_255 : vector<16xf32>
        %add3A_257 = arith.constant 1 : i32
        %add3A_258 = arith.addi %mul3A_181, %add3A_257 : i32
        %get3A_259 = arith.index_cast %add3A_258 : i32 to index
        %get3A_260 = arith.constant 48 : index
        %get3A_261 = tpu.vector_load %arg12[%get3A_259, %get3A_260] {strides = array<i32>} : memref<128x128xf32, #tpu.memory_space<vmem>>, vector<1x16xf32>,
        %get3A_262 = vector.shape_cast %get3A_261 : vector<1x16xf32> to vector<16xf32>
        %max3A_263 = arith.maximumf %max3A_207, %get3A_262 : vector<16xf32>
        %add3A_264 = arith.constant 1 : i32
        %add3A_265 = arith.addi %mul3A_181, %add3A_264 : i32
        %get3A_266 = arith.index_cast %add3A_265 : i32 to index
        %get3A_267 = arith.constant 64 : index
        %get3A_268 = tpu.vector_load %arg12[%get3A_266, %get3A_267] {strides = array<i32>} : memref<128x128xf32, #tpu.memory_space<vmem>>, vector<1x16xf32>,
        %get3A_269 = vector.shape_cast %get3A_268 : vector<1x16xf32> to vector<16xf32>
        %max3A_270 = arith.maximumf %max3A_214, %get3A_269 : vector<16xf32>
        %add3A_271 = arith.constant 1 : i32
        %add3A_272 = arith.addi %mul3A_181, %add3A_271 : i32
        %get3A_273 = arith.index_cast %add3A_272 : i32 to index
        %get3A_274 = arith.constant 80 : index
        %get3A_275 = tpu.vector_load %arg12[%get3A_273, %get3A_274] {strides = array<i32>} : memref<128x128xf32, #tpu.memory_space<vmem>>, vector<1x16xf32>,
        %get3A_276 = vector.shape_cast %get3A_275 : vector<1x16xf32> to vector<16xf32>
        %max3A_277 = arith.maximumf %max3A_221, %get3A_276 : vector<16xf32>
        %add3A_278 = arith.constant 1 : i32
        %add3A_279 = arith.addi %mul3A_181, %add3A_278 : i32
        %get3A_280 = arith.index_cast %add3A_279 : i32 to index
        %get3A_281 = arith.constant 96 : index
        %get3A_282 = tpu.vector_load %arg12[%get3A_280, %get3A_281] {strides = array<i32>} : memref<128x128xf32, #tpu.memory_space<vmem>>, vector<1x16xf32>,
        %get3A_283 = vector.shape_cast %get3A_282 : vector<1x16xf32> to vector<16xf32>
        %max3A_284 = arith.maximumf %max3A_228, %get3A_283 : vector<16xf32>
        %add3A_285 = arith.constant 1 : i32
        %add3A_286 = arith.addi %mul3A_181, %add3A_285 : i32
        %get3A_287 = arith.index_cast %add3A_286 : i32 to index
        %get3A_288 = arith.constant 112 : index
        %get3A_289 = tpu.vector_load %arg12[%get3A_287, %get3A_288] {strides = array<i32>} : memref<128x128xf32, #tpu.memory_space<vmem>>, vector<1x16xf32>,
        %get3A_290 = vector.shape_cast %get3A_289 : vector<1x16xf32> to vector<16xf32>
        %max3A_291 = arith.maximumf %max3A_235, %get3A_290 : vector<16xf32>
        %add3A_292 = arith.constant 2 : i32
        %add3A_293 = arith.addi %mul3A_181, %add3A_292 : i32
        %get3A_294 = arith.index_cast %add3A_293 : i32 to index
        %get3A_295 = arith.constant 0 : index
        %get3A_296 = tpu.vector_load %arg12[%get3A_294, %get3A_295] {strides = array<i32>} : memref<128x128xf32, #tpu.memory_space<vmem>>, vector<1x16xf32>,
        %get3A_297 = vector.shape_cast %get3A_296 : vector<1x16xf32> to vector<16xf32>
        %max3A_298 = arith.maximumf %max3A_242, %get3A_297 : vector<16xf32>
        %add3A_299 = arith.constant 2 : i32
        %add3A_300 = arith.addi %mul3A_181, %add3A_299 : i32
        %get3A_301 = arith.index_cast %add3A_300 : i32 to index
        %get3A_302 = arith.constant 16 : index
        %get3A_303 = tpu.vector_load %arg12[%get3A_301, %get3A_302] {strides = array<i32>} : memref<128x128xf32, #tpu.memory_space<vmem>>, vector<1x16xf32>,
        %get3A_304 = vector.shape_cast %get3A_303 : vector<1x16xf32> to vector<16xf32>
        %max3A_305 = arith.maximumf %max3A_249, %get3A_304 : vector<16xf32>
        %add3A_306 = arith.constant 2 : i32
        %add3A_307 = arith.addi %mul3A_181, %add3A_306 : i32
        %get3A_308 = arith.index_cast %add3A_307 : i32 to index
        %get3A_309 = arith.constant 32 : index
        %get3A_310 = tpu.vector_load %arg12[%get3A_308, %get3A_309] {strides = array<i32>} : memref<128x128xf32, #tpu.memory_space<vmem>>, vector<1x16xf32>,
        %get3A_311 = vector.shape_cast %get3A_310 : vector<1x16xf32> to vector<16xf32>
        %max3A_312 = arith.maximumf %max3A_256, %get3A_311 : vector<16xf32>
        %add3A_313 = arith.constant 2 : i32
        %add3A_314 = arith.addi %mul3A_181, %add3A_313 : i32
        %get3A_315 = arith.index_cast %add3A_314 : i32 to index
        %get3A_316 = arith.constant 48 : index
        %get3A_317 = tpu.vector_load %arg12[%get3A_315, %get3A_316] {strides = array<i32>} : memref<128x128xf32, #tpu.memory_space<vmem>>, vector<1x16xf32>,
        %get3A_318 = vector.shape_cast %get3A_317 : vector<1x16xf32> to vector<16xf32>
        %max3A_319 = arith.maximumf %max3A_263, %get3A_318 : vector<16xf32>
        %add3A_320 = arith.constant 2 : i32
        %add3A_321 = arith.addi %mul3A_181, %add3A_320 : i32
        %get3A_322 = arith.index_cast %add3A_321 : i32 to index
        %get3A_323 = arith.constant 64 : index
        %get3A_324 = tpu.vector_load %arg12[%get3A_322, %get3A_323] {strides = array<i32>} : memref<128x128xf32, #tpu.memory_space<vmem>>, vector<1x16xf32>,
        %get3A_325 = vector.shape_cast %get3A_324 : vector<1x16xf32> to vector<16xf32>
        %max3A_326 = arith.maximumf %max3A_270, %get3A_325 : vector<16xf32>
        %add3A_327 = arith.constant 2 : i32
        %add3A_328 = arith.addi %mul3A_181, %add3A_327 : i32
        %get3A_329 = arith.index_cast %add3A_328 : i32 to index
        %get3A_330 = arith.constant 80 : index
        %get3A_331 = tpu.vector_load %arg12[%get3A_329, %get3A_330] {strides = array<i32>} : memref<128x128xf32, #tpu.memory_space<vmem>>, vector<1x16xf32>,
        %get3A_332 = vector.shape_cast %get3A_331 : vector<1x16xf32> to vector<16xf32>
        %max3A_333 = arith.maximumf %max3A_277, %get3A_332 : vector<16xf32>
        %add3A_334 = arith.constant 2 : i32
        %add3A_335 = arith.addi %mul3A_181, %add3A_334 : i32
        %get3A_336 = arith.index_cast %add3A_335 : i32 to index
        %get3A_337 = arith.constant 96 : index
        %get3A_338 = tpu.vector_load %arg12[%get3A_336, %get3A_337] {strides = array<i32>} : memref<128x128xf32, #tpu.memory_space<vmem>>, vector<1x16xf32>,
        %get3A_339 = vector.shape_cast %get3A_338 : vector<1x16xf32> to vector<16xf32>
        %max3A_340 = arith.maximumf %max3A_284, %get3A_339 : vector<16xf32>
        %add3A_341 = arith.constant 2 : i32
        %add3A_342 = arith.addi %mul3A_181, %add3A_341 : i32
        %get3A_343 = arith.index_cast %add3A_342 : i32 to index
        %get3A_344 = arith.constant 112 : index
        %get3A_345 = tpu.vector_load %arg12[%get3A_343, %get3A_344] {strides = array<i32>} : memref<128x128xf32, #tpu.memory_space<vmem>>, vector<1x16xf32>,
        %get3A_346 = vector.shape_cast %get3A_345 : vector<1x16xf32> to vector<16xf32>
        %max3A_347 = arith.maximumf %max3A_291, %get3A_346 : vector<16xf32>
        %add3A_348 = arith.constant 3 : i32
        %add3A_349 = arith.addi %mul3A_181, %add3A_348 : i32
        %get3A_350 = arith.index_cast %add3A_349 : i32 to index
        %get3A_351 = arith.constant 0 : index
        %get3A_352 = tpu.vector_load %arg12[%get3A_350, %get3A_351] {strides = array<i32>} : memref<128x128xf32, #tpu.memory_space<vmem>>, vector<1x16xf32>,
        %get3A_353 = vector.shape_cast %get3A_352 : vector<1x16xf32> to vector<16xf32>
        %max3A_354 = arith.maximumf %max3A_298, %get3A_353 : vector<16xf32>
        %add3A_355 = arith.constant 3 : i32
        %add3A_356 = arith.addi %mul3A_181, %add3A_355 : i32
        %get3A_357 = arith.index_cast %add3A_356 : i32 to index
        %get3A_358 = arith.constant 16 : index
        %get3A_359 = tpu.vector_load %arg12[%get3A_357, %get3A_358] {strides = array<i32>} : memref<128x128xf32, #tpu.memory_space<vmem>>, vector<1x16xf32>,
        %get3A_360 = vector.shape_cast %get3A_359 : vector<1x16xf32> to vector<16xf32>
        %max3A_361 = arith.maximumf %max3A_305, %get3A_360 : vector<16xf32>
        %add3A_362 = arith.constant 3 : i32
        %add3A_363 = arith.addi %mul3A_181, %add3A_362 : i32
        %get3A_364 = arith.index_cast %add3A_363 : i32 to index
        %get3A_365 = arith.constant 32 : index
        %get3A_366 = tpu.vector_load %arg12[%get3A_364, %get3A_365] {strides = array<i32>} : memref<128x128xf32, #tpu.memory_space<vmem>>, vector<1x16xf32>,
        %get3A_367 = vector.shape_cast %get3A_366 : vector<1x16xf32> to vector<16xf32>
        %max3A_368 = arith.maximumf %max3A_312, %get3A_367 : vector<16xf32>
        %add3A_369 = arith.constant 3 : i32
        %add3A_370 = arith.addi %mul3A_181, %add3A_369 : i32
        %get3A_371 = arith.index_cast %add3A_370 : i32 to index
        %get3A_372 = arith.constant 48 : index
        %get3A_373 = tpu.vector_load %arg12[%get3A_371, %get3A_372] {strides = array<i32>} : memref<128x128xf32, #tpu.memory_space<vmem>>, vector<1x16xf32>,
        %get3A_374 = vector.shape_cast %get3A_373 : vector<1x16xf32> to vector<16xf32>
        %max3A_375 = arith.maximumf %max3A_319, %get3A_374 : vector<16xf32>
        %add3A_376 = arith.constant 3 : i32
        %add3A_377 = arith.addi %mul3A_181, %add3A_376 : i32
        %get3A_378 = arith.index_cast %add3A_377 : i32 to index
        %get3A_379 = arith.constant 64 : index
        %get3A_380 = tpu.vector_load %arg12[%get3A_378, %get3A_379] {strides = array<i32>} : memref<128x128xf32, #tpu.memory_space<vmem>>, vector<1x16xf32>,
        %get3A_381 = vector.shape_cast %get3A_380 : vector<1x16xf32> to vector<16xf32>
        %max3A_382 = arith.maximumf %max3A_326, %get3A_381 : vector<16xf32>
        %add3A_383 = arith.constant 3 : i32
        %add3A_384 = arith.addi %mul3A_181, %add3A_383 : i32
        %get3A_385 = arith.index_cast %add3A_384 : i32 to index
        %get3A_386 = arith.constant 80 : index
        %get3A_387 = tpu.vector_load %arg12[%get3A_385, %get3A_386] {strides = array<i32>} : memref<128x128xf32, #tpu.memory_space<vmem>>, vector<1x16xf32>,
        %get3A_388 = vector.shape_cast %get3A_387 : vector<1x16xf32> to vector<16xf32>
        %max3A_389 = arith.maximumf %max3A_333, %get3A_388 : vector<16xf32>
        %add3A_390 = arith.constant 3 : i32
        %add3A_391 = arith.addi %mul3A_181, %add3A_390 : i32
        %get3A_392 = arith.index_cast %add3A_391 : i32 to index
        %get3A_393 = arith.constant 96 : index
        %get3A_394 = tpu.vector_load %arg12[%get3A_392, %get3A_393] {strides = array<i32>} : memref<128x128xf32, #tpu.memory_space<vmem>>, vector<1x16xf32>,
        %get3A_395 = vector.shape_cast %get3A_394 : vector<1x16xf32> to vector<16xf32>
        %max3A_396 = arith.maximumf %max3A_340, %get3A_395 : vector<16xf32>
        %add3A_397 = arith.constant 3 : i32
        %add3A_398 = arith.addi %mul3A_181, %add3A_397 : i32
        %get3A_399 = arith.index_cast %add3A_398 : i32 to index
        %get3A_400 = arith.constant 112 : index
        %get3A_401 = tpu.vector_load %arg12[%get3A_399, %get3A_400] {strides = array<i32>} : memref<128x128xf32, #tpu.memory_space<vmem>>, vector<1x16xf32>,
        %get3A_402 = vector.shape_cast %get3A_401 : vector<1x16xf32> to vector<16xf32>
        %max3A_403 = arith.maximumf %max3A_347, %get3A_402 : vector<16xf32>
        scf.yield %max3A_354, %max3A_361, %max3A_368, %max3A_375, %max3A_382, %max3A_389, %max3A_396, %max3A_403 : vector<16xf32>, vector<16xf32>, vector<16xf32>, vector<16xf32>, vector<16xf32>, vector<16xf32>, vector<16xf32>, vector<16xf32>
      }
      %scan3A_163 = arith.constant 32 : i32
      %add3A_164 = arith.constant 4 : i32
      %add3A_165 = arith.addi %add3A_151, %add3A_164 : i32
      %lt3A_166 = arith.constant 16 : i32
      %lt3A_167 = arith.cmpi slt, %add3A_165, %lt3A_166 : i32
      %convert_element_type3A_168 = arith.extui %lt3A_167 : i1 to i32
      %cond3A_169 = arith.constant 0 : i32
      %cond3A_170 = arith.cmpi ne, %convert_element_type3A_168, %cond3A_169 : i32
      scf.if %cond3A_170 {
        %dma_start3A_171 = arith.constant 0 : i32
        %dma_start3A_172 = tpu.memref_slice %arg8[%add3A_165, %dma_start3A_171] : memref<16x128xi32, #tpu.memory_space<vmem>> -> memref<1x128xi32, #tpu.memory_space<vmem>>
        %dma_start3A_173 = tpu.memref_squeeze %dma_start3A_172 : memref<1x128xi32, #tpu.memory_space<vmem>> -> memref<128xi32, #tpu.memory_space<vmem>>
        %dma_start3A_174 = arith.constant 0 : i32
        %dma_start3A_175 = arith.constant 0 : i32
        %dma_start3A_176 = tpu.memref_slice %arg2[%dma_start3A_174, %dma_start3A_175] : memref<100000x128xf32, #tpu.memory_space<hbm>> -> memref<100000x128xf32, #tpu.memory_space<hbm>>
        tpu.enqueue_indirect_dma source(%dma_start3A_176 : memref<100000x128xf32, #tpu.memory_space<hbm>>) target(%arg12 : memref<128x128xf32, #tpu.memory_space<vmem>>) offsets(%dma_start3A_173 : memref<128xi32, #tpu.memory_space<vmem>>) semaphore(%arg24 : memref<!tpu.dma_semaphore, #tpu.memory_space<semaphore_mem>>)
      } else {
      }
      scf.yield %scan3A_162#0, %scan3A_162#1, %scan3A_162#2, %scan3A_162#3, %scan3A_162#4, %scan3A_162#5, %scan3A_162#6, %scan3A_162#7 : vector<16xf32>, vector<16xf32>, vector<16xf32>, vector<16xf32>, vector<16xf32>, vector<16xf32>, vector<16xf32>, vector<16xf32>
    }
    %scan3A_35 = arith.constant 4 : i32
    %swap3A = arith.constant 0 : index
    %swap3A_36 = tpu.vector_load %arg13[%swap3A] {strides = array<i32>} : memref<128xf32, #tpu.memory_space<vmem>>, vector<16xf32>,
    %swap3A_37 = vector.shape_cast %swap3A_36 : vector<16xf32> to vector<16xf32>
    %swap3A_38 = vector.shape_cast %scan3A_34#0 : vector<16xf32> to vector<16xf32>
    tpu.vector_store %arg13[%swap3A], %swap3A_38 {strides = array<i32>} : memref<128xf32, #tpu.memory_space<vmem>>, vector<16xf32>,
    %swap3A_39 = arith.constant 16 : index
    %swap3A_40 = tpu.vector_load %arg13[%swap3A_39] {strides = array<i32>} : memref<128xf32, #tpu.memory_space<vmem>>, vector<16xf32>,
    %swap3A_41 = vector.shape_cast %swap3A_40 : vector<16xf32> to vector<16xf32>
    %swap3A_42 = vector.shape_cast %scan3A_34#1 : vector<16xf32> to vector<16xf32>
    tpu.vector_store %arg13[%swap3A_39], %swap3A_42 {strides = array<i32>} : memref<128xf32, #tpu.memory_space<vmem>>, vector<16xf32>,
    %swap3A_43 = arith.constant 32 : index
    %swap3A_44 = tpu.vector_load %arg13[%swap3A_43] {strides = array<i32>} : memref<128xf32, #tpu.memory_space<vmem>>, vector<16xf32>,
    %swap3A_45 = vector.shape_cast %swap3A_44 : vector<16xf32> to vector<16xf32>
    %swap3A_46 = vector.shape_cast %scan3A_34#2 : vector<16xf32> to vector<16xf32>
    tpu.vector_store %arg13[%swap3A_43], %swap3A_46 {strides = array<i32>} : memref<128xf32, #tpu.memory_space<vmem>>, vector<16xf32>,
    %swap3A_47 = arith.constant 48 : index
    %swap3A_48 = tpu.vector_load %arg13[%swap3A_47] {strides = array<i32>} : memref<128xf32, #tpu.memory_space<vmem>>, vector<16xf32>,
    %swap3A_49 = vector.shape_cast %swap3A_48 : vector<16xf32> to vector<16xf32>
    %swap3A_50 = vector.shape_cast %scan3A_34#3 : vector<16xf32> to vector<16xf32>
    tpu.vector_store %arg13[%swap3A_47], %swap3A_50 {strides = array<i32>} : memref<128xf32, #tpu.memory_space<vmem>>, vector<16xf32>,
    %swap3A_51 = arith.constant 64 : index
    %swap3A_52 = tpu.vector_load %arg13[%swap3A_51] {strides = array<i32>} : memref<128xf32, #tpu.memory_space<vmem>>, vector<16xf32>,
    %swap3A_53 = vector.shape_cast %swap3A_52 : vector<16xf32> to vector<16xf32>
    %swap3A_54 = vector.shape_cast %scan3A_34#4 : vector<16xf32> to vector<16xf32>
    tpu.vector_store %arg13[%swap3A_51], %swap3A_54 {strides = array<i32>} : memref<128xf32, #tpu.memory_space<vmem>>, vector<16xf32>,
    %swap3A_55 = arith.constant 80 : index
    %swap3A_56 = tpu.vector_load %arg13[%swap3A_55] {strides = array<i32>} : memref<128xf32, #tpu.memory_space<vmem>>, vector<16xf32>,
    %swap3A_57 = vector.shape_cast %swap3A_56 : vector<16xf32> to vector<16xf32>
    %swap3A_58 = vector.shape_cast %scan3A_34#5 : vector<16xf32> to vector<16xf32>
    tpu.vector_store %arg13[%swap3A_55], %swap3A_58 {strides = array<i32>} : memref<128xf32, #tpu.memory_space<vmem>>, vector<16xf32>,
    %swap3A_59 = arith.constant 96 : index
    %swap3A_60 = tpu.vector_load %arg13[%swap3A_59] {strides = array<i32>} : memref<128xf32, #tpu.memory_space<vmem>>, vector<16xf32>,
    %swap3A_61 = vector.shape_cast %swap3A_60 : vector<16xf32> to vector<16xf32>
    %swap3A_62 = vector.shape_cast %scan3A_34#6 : vector<16xf32> to vector<16xf32>
    tpu.vector_store %arg13[%swap3A_59], %swap3A_62 {strides = array<i32>} : memref<128xf32, #tpu.memory_space<vmem>>, vector<16xf32>,
    %swap3A_63 = arith.constant 112 : index
    %swap3A_64 = tpu.vector_load %arg13[%swap3A_63] {strides = array<i32>} : memref<128xf32, #tpu.memory_space<vmem>>, vector<16xf32>,
    %swap3A_65 = vector.shape_cast %swap3A_64 : vector<16xf32> to vector<16xf32>
    %swap3A_66 = vector.shape_cast %scan3A_34#7 : vector<16xf32> to vector<16xf32>
    tpu.vector_store %arg13[%swap3A_63], %swap3A_66 {strides = array<i32>} : memref<128xf32, #tpu.memory_space<vmem>>, vector<16xf32>,
    "tpu.region"() ({
      %run_scoped3A = tpu.sem_alloc : memref<!tpu.dma_semaphore, #tpu.memory_space<semaphore_mem>>
      %dma_start3A_72 = arith.constant 0 : i32
      %dma_start3A_73 = tpu.memref_slice %arg14[%arg1, %dma_start3A_72] : memref<16x128xf32, #tpu.memory_space<vmem_shared>> -> memref<1x128xf32, #tpu.memory_space<vmem_shared>>
      %dma_start3A_74 = tpu.memref_squeeze %dma_start3A_73 : memref<1x128xf32, #tpu.memory_space<vmem_shared>> -> memref<128xf32, #tpu.memory_space<vmem_shared>>
      %dma_start3A_75 = arith.constant 0 : i32
      %dma_start3A_76 = tpu.memref_slice %arg14[%arg1, %dma_start3A_75] : memref<16x128xf32, #tpu.memory_space<vmem_shared>> -> memref<1x128xf32, #tpu.memory_space<vmem_shared>>
      %dma_start3A_77 = tpu.memref_squeeze %dma_start3A_76 : memref<1x128xf32, #tpu.memory_space<vmem_shared>> -> memref<128xf32, #tpu.memory_space<vmem_shared>>
      tpu.enqueue_dma source(%arg13 : memref<128xf32, #tpu.memory_space<vmem>>) target(%dma_start3A_77 : memref<128xf32, #tpu.memory_space<vmem_shared>>) target_semaphore(%run_scoped3A : memref<!tpu.dma_semaphore, #tpu.memory_space<semaphore_mem>>)
      %dma_wait3A = arith.constant 0 : i32
      %dma_wait3A_78 = tpu.memref_slice %arg14[%arg1, %dma_wait3A] : memref<16x128xf32, #tpu.memory_space<vmem_shared>> -> memref<1x128xf32, #tpu.memory_space<vmem_shared>>
      %dma_wait3A_79 = tpu.memref_squeeze %dma_wait3A_78 : memref<1x128xf32, #tpu.memory_space<vmem_shared>> -> memref<128xf32, #tpu.memory_space<vmem_shared>>
      %dma_wait3A_80 = arith.constant 0 : i32
      %dma_wait3A_81 = tpu.memref_slice %arg14[%arg1, %dma_wait3A_80] : memref<16x128xf32, #tpu.memory_space<vmem_shared>> -> memref<1x128xf32, #tpu.memory_space<vmem_shared>>
      %dma_wait3A_82 = tpu.memref_squeeze %dma_wait3A_81 : memref<1x128xf32, #tpu.memory_space<vmem_shared>> -> memref<128xf32, #tpu.memory_space<vmem_shared>>
      tpu.wait_dma2 semaphore(%run_scoped3A : memref<!tpu.dma_semaphore, #tpu.memory_space<semaphore_mem>>) src(%arg13 : memref<128xf32, #tpu.memory_space<vmem>>) dst(%dma_wait3A_82 : memref<128xf32, #tpu.memory_space<vmem_shared>>)
      tpu.yield
    }) : () -> ()
    %barrier3A = arith.constant 0 : index
    tpu.barrier barrier_id(%barrier3A)
    %eq3A_67 = arith.constant 0 : i32
    %eq3A_68 = arith.cmpi eq, %arg1, %eq3A_67 : i32
    %convert_element_type3A_69 = arith.extui %eq3A_68 : i1 to i32
    %cond3A_70 = arith.constant 0 : i32
    %cond3A_71 = arith.cmpi ne, %convert_element_type3A_69, %cond3A_70 : i32
    scf.if %cond3A_71 {
      "tpu.region"() ({
        %run_scoped3A = tpu.sem_alloc : memref<!tpu.dma_semaphore, #tpu.memory_space<semaphore_mem>>
        tpu.enqueue_dma source(%arg14 : memref<16x128xf32, #tpu.memory_space<vmem_shared>>) target(%arg15 : memref<16x128xf32, #tpu.memory_space<vmem>>) target_semaphore(%run_scoped3A : memref<!tpu.dma_semaphore, #tpu.memory_space<semaphore_mem>>)
        tpu.wait_dma2 semaphore(%run_scoped3A : memref<!tpu.dma_semaphore, #tpu.memory_space<semaphore_mem>>) src(%arg14 : memref<16x128xf32, #tpu.memory_space<vmem_shared>>) dst(%arg15 : memref<16x128xf32, #tpu.memory_space<vmem>>)
        tpu.yield
      }) : () -> ()
      %dma_wait3A = arith.constant 0 : i32
      %dma_wait3A_72 = arith.constant 0 : i32
      %dma_wait3A_73 = tpu.memref_slice %arg3[%dma_wait3A, %dma_wait3A_72] : memref<100000x128xf32, #tpu.memory_space<hbm>> -> memref<100000x128xf32, #tpu.memory_space<hbm>>
      tpu.wait_indirect_dma semaphore(%arg25 : memref<!tpu.dma_semaphore, #tpu.memory_space<semaphore_mem>>) src(%dma_wait3A_73 : memref<100000x128xf32, #tpu.memory_space<hbm>>) dst(%arg18 : memref<8x128xf32, #tpu.memory_space<vmem>>)
      %dma_wait3A_74 = arith.constant 0 : i32
      %dma_wait3A_75 = arith.constant 0 : i32
      %dma_wait3A_76 = tpu.memref_slice %arg2[%dma_wait3A_74, %dma_wait3A_75] : memref<100000x128xf32, #tpu.memory_space<hbm>> -> memref<100000x128xf32, #tpu.memory_space<hbm>>
      tpu.wait_indirect_dma semaphore(%arg26 : memref<!tpu.dma_semaphore, #tpu.memory_space<semaphore_mem>>) src(%dma_wait3A_76 : memref<100000x128xf32, #tpu.memory_space<hbm>>) dst(%arg19 : memref<8x128xf32, #tpu.memory_space<vmem>>)
      %iota3A = tpu.iota {dimensions = array<i32: 0>} : vector<16xi32>
      %broadcast_in_dim3A_77 = arith.constant 0.000000e+00 : f32
      %broadcast_in_dim3A_78 = vector.broadcast %broadcast_in_dim3A_77 : f32 to vector<16xf32>
      %broadcast_in_dim3A_79 = arith.constant 0.000000e+00 : f32
      %broadcast_in_dim3A_80 = vector.broadcast %broadcast_in_dim3A_79 : f32 to vector<16xf32>
      %get3A = arith.constant 0 : i32
      %get3A_81 = arith.index_cast %get3A : i32 to index
      %get3A_82 = arith.constant 0 : index
      %get3A_83 = tpu.vector_load %arg15[%get3A_81, %get3A_82] {strides = array<i32>} : memref<16x128xf32, #tpu.memory_space<vmem>>, vector<1x16xf32>,
      %get3A_84 = vector.shape_cast %get3A_83 : vector<1x16xf32> to vector<16xf32>
      %get3A_85 = arith.constant 1 : i32
      %get3A_86 = arith.index_cast %get3A_85 : i32 to index
      %get3A_87 = arith.constant 0 : index
      %get3A_88 = tpu.vector_load %arg15[%get3A_86, %get3A_87] {strides = array<i32>} : memref<16x128xf32, #tpu.memory_space<vmem>>, vector<1x16xf32>,
      %get3A_89 = vector.shape_cast %get3A_88 : vector<1x16xf32> to vector<16xf32>
      %max3A = arith.maximumf %get3A_84, %get3A_89 : vector<16xf32>
      %get3A_90 = arith.constant 0 : i32
      %get3A_91 = arith.index_cast %get3A_90 : i32 to index
      %get3A_92 = arith.constant 0 : index
      %get3A_93 = tpu.vector_load %arg18[%get3A_91, %get3A_92] {strides = array<i32>} : memref<8x128xf32, #tpu.memory_space<vmem>>, vector<1x16xf32>,
      %get3A_94 = vector.shape_cast %get3A_93 : vector<1x16xf32> to vector<16xf32>
      %max3A_95 = arith.maximumf %max3A, %get3A_94 : vector<16xf32>
      %get3A_96 = arith.constant 0 : i32
      %get3A_97 = arith.index_cast %get3A_96 : i32 to index
      %get3A_98 = arith.constant 0 : index
      %get3A_99 = tpu.vector_load %arg19[%get3A_97, %get3A_98] {strides = array<i32>} : memref<8x128xf32, #tpu.memory_space<vmem>>, vector<1x16xf32>,
      %get3A_100 = vector.shape_cast %get3A_99 : vector<1x16xf32> to vector<16xf32>
      %mul3A_101 = arith.mulf %max3A_95, %get3A_100 : vector<16xf32>
      %add3A_102 = arith.addf %broadcast_in_dim3A_80, %mul3A_101 : vector<16xf32>
      %get3A_103 = arith.constant 0 : i32
      %get3A_104 = arith.index_cast %get3A_103 : i32 to index
      %get3A_105 = arith.constant 16 : index
      %get3A_106 = tpu.vector_load %arg15[%get3A_104, %get3A_105] {strides = array<i32>} : memref<16x128xf32, #tpu.memory_space<vmem>>, vector<1x16xf32>,
      %get3A_107 = vector.shape_cast %get3A_106 : vector<1x16xf32> to vector<16xf32>
      %get3A_108 = arith.constant 1 : i32
      %get3A_109 = arith.index_cast %get3A_108 : i32 to index
      %get3A_110 = arith.constant 16 : index
      %get3A_111 = tpu.vector_load %arg15[%get3A_109, %get3A_110] {strides = array<i32>} : memref<16x128xf32, #tpu.memory_space<vmem>>, vector<1x16xf32>,
      %get3A_112 = vector.shape_cast %get3A_111 : vector<1x16xf32> to vector<16xf32>
      %max3A_113 = arith.maximumf %get3A_107, %get3A_112 : vector<16xf32>
      %get3A_114 = arith.constant 0 : i32
      %get3A_115 = arith.index_cast %get3A_114 : i32 to index
      %get3A_116 = arith.constant 16 : index
      %get3A_117 = tpu.vector_load %arg18[%get3A_115, %get3A_116] {strides = array<i32>} : memref<8x128xf32, #tpu.memory_space<vmem>>, vector<1x16xf32>,
      %get3A_118 = vector.shape_cast %get3A_117 : vector<1x16xf32> to vector<16xf32>
      %max3A_119 = arith.maximumf %max3A_113, %get3A_118 : vector<16xf32>
      %get3A_120 = arith.constant 0 : i32
      %get3A_121 = arith.index_cast %get3A_120 : i32 to index
      %get3A_122 = arith.constant 16 : index
      %get3A_123 = tpu.vector_load %arg19[%get3A_121, %get3A_122] {strides = array<i32>} : memref<8x128xf32, #tpu.memory_space<vmem>>, vector<1x16xf32>,
      %get3A_124 = vector.shape_cast %get3A_123 : vector<1x16xf32> to vector<16xf32>
      %mul3A_125 = arith.mulf %max3A_119, %get3A_124 : vector<16xf32>
      %add3A_126 = arith.addf %add3A_102, %mul3A_125 : vector<16xf32>
      %get3A_127 = arith.constant 0 : i32
      %get3A_128 = arith.index_cast %get3A_127 : i32 to index
      %get3A_129 = arith.constant 32 : index
      %get3A_130 = tpu.vector_load %arg15[%get3A_128, %get3A_129] {strides = array<i32>} : memref<16x128xf32, #tpu.memory_space<vmem>>, vector<1x16xf32>,
      %get3A_131 = vector.shape_cast %get3A_130 : vector<1x16xf32> to vector<16xf32>
      %get3A_132 = arith.constant 1 : i32
      %get3A_133 = arith.index_cast %get3A_132 : i32 to index
      %get3A_134 = arith.constant 32 : index
      %get3A_135 = tpu.vector_load %arg15[%get3A_133, %get3A_134] {strides = array<i32>} : memref<16x128xf32, #tpu.memory_space<vmem>>, vector<1x16xf32>,
      %get3A_136 = vector.shape_cast %get3A_135 : vector<1x16xf32> to vector<16xf32>
      %max3A_137 = arith.maximumf %get3A_131, %get3A_136 : vector<16xf32>
      %get3A_138 = arith.constant 0 : i32
      %get3A_139 = arith.index_cast %get3A_138 : i32 to index
      %get3A_140 = arith.constant 32 : index
      %get3A_141 = tpu.vector_load %arg18[%get3A_139, %get3A_140] {strides = array<i32>} : memref<8x128xf32, #tpu.memory_space<vmem>>, vector<1x16xf32>,
      %get3A_142 = vector.shape_cast %get3A_141 : vector<1x16xf32> to vector<16xf32>
      %max3A_143 = arith.maximumf %max3A_137, %get3A_142 : vector<16xf32>
      %get3A_144 = arith.constant 0 : i32
      %get3A_145 = arith.index_cast %get3A_144 : i32 to index
      %get3A_146 = arith.constant 32 : index
      %get3A_147 = tpu.vector_load %arg19[%get3A_145, %get3A_146] {strides = array<i32>} : memref<8x128xf32, #tpu.memory_space<vmem>>, vector<1x16xf32>,
      %get3A_148 = vector.shape_cast %get3A_147 : vector<1x16xf32> to vector<16xf32>
      %mul3A_149 = arith.mulf %max3A_143, %get3A_148 : vector<16xf32>
      %add3A_150 = arith.addf %add3A_126, %mul3A_149 : vector<16xf32>
      %get3A_151 = arith.constant 0 : i32
      %get3A_152 = arith.index_cast %get3A_151 : i32 to index
      %get3A_153 = arith.constant 48 : index
      %get3A_154 = tpu.vector_load %arg15[%get3A_152, %get3A_153] {strides = array<i32>} : memref<16x128xf32, #tpu.memory_space<vmem>>, vector<1x16xf32>,
      %get3A_155 = vector.shape_cast %get3A_154 : vector<1x16xf32> to vector<16xf32>
      %get3A_156 = arith.constant 1 : i32
      %get3A_157 = arith.index_cast %get3A_156 : i32 to index
      %get3A_158 = arith.constant 48 : index
      %get3A_159 = tpu.vector_load %arg15[%get3A_157, %get3A_158] {strides = array<i32>} : memref<16x128xf32, #tpu.memory_space<vmem>>, vector<1x16xf32>,
      %get3A_160 = vector.shape_cast %get3A_159 : vector<1x16xf32> to vector<16xf32>
      %max3A_161 = arith.maximumf %get3A_155, %get3A_160 : vector<16xf32>
      %get3A_162 = arith.constant 0 : i32
      %get3A_163 = arith.index_cast %get3A_162 : i32 to index
      %get3A_164 = arith.constant 48 : index
      %get3A_165 = tpu.vector_load %arg18[%get3A_163, %get3A_164] {strides = array<i32>} : memref<8x128xf32, #tpu.memory_space<vmem>>, vector<1x16xf32>,
      %get3A_166 = vector.shape_cast %get3A_165 : vector<1x16xf32> to vector<16xf32>
      %max3A_167 = arith.maximumf %max3A_161, %get3A_166 : vector<16xf32>
      %get3A_168 = arith.constant 0 : i32
      %get3A_169 = arith.index_cast %get3A_168 : i32 to index
      %get3A_170 = arith.constant 48 : index
      %get3A_171 = tpu.vector_load %arg19[%get3A_169, %get3A_170] {strides = array<i32>} : memref<8x128xf32, #tpu.memory_space<vmem>>, vector<1x16xf32>,
      %get3A_172 = vector.shape_cast %get3A_171 : vector<1x16xf32> to vector<16xf32>
      %mul3A_173 = arith.mulf %max3A_167, %get3A_172 : vector<16xf32>
      %add3A_174 = arith.addf %add3A_150, %mul3A_173 : vector<16xf32>
      %get3A_175 = arith.constant 0 : i32
      %get3A_176 = arith.index_cast %get3A_175 : i32 to index
      %get3A_177 = arith.constant 64 : index
      %get3A_178 = tpu.vector_load %arg15[%get3A_176, %get3A_177] {strides = array<i32>} : memref<16x128xf32, #tpu.memory_space<vmem>>, vector<1x16xf32>,
      %get3A_179 = vector.shape_cast %get3A_178 : vector<1x16xf32> to vector<16xf32>
      %get3A_180 = arith.constant 1 : i32
      %get3A_181 = arith.index_cast %get3A_180 : i32 to index
      %get3A_182 = arith.constant 64 : index
      %get3A_183 = tpu.vector_load %arg15[%get3A_181, %get3A_182] {strides = array<i32>} : memref<16x128xf32, #tpu.memory_space<vmem>>, vector<1x16xf32>,
      %get3A_184 = vector.shape_cast %get3A_183 : vector<1x16xf32> to vector<16xf32>
      %max3A_185 = arith.maximumf %get3A_179, %get3A_184 : vector<16xf32>
      %get3A_186 = arith.constant 0 : i32
      %get3A_187 = arith.index_cast %get3A_186 : i32 to index
      %get3A_188 = arith.constant 64 : index
      %get3A_189 = tpu.vector_load %arg18[%get3A_187, %get3A_188] {strides = array<i32>} : memref<8x128xf32, #tpu.memory_space<vmem>>, vector<1x16xf32>,
      %get3A_190 = vector.shape_cast %get3A_189 : vector<1x16xf32> to vector<16xf32>
      %max3A_191 = arith.maximumf %max3A_185, %get3A_190 : vector<16xf32>
      %get3A_192 = arith.constant 0 : i32
      %get3A_193 = arith.index_cast %get3A_192 : i32 to index
      %get3A_194 = arith.constant 64 : index
      %get3A_195 = tpu.vector_load %arg19[%get3A_193, %get3A_194] {strides = array<i32>} : memref<8x128xf32, #tpu.memory_space<vmem>>, vector<1x16xf32>,
      %get3A_196 = vector.shape_cast %get3A_195 : vector<1x16xf32> to vector<16xf32>
      %mul3A_197 = arith.mulf %max3A_191, %get3A_196 : vector<16xf32>
      %add3A_198 = arith.addf %add3A_174, %mul3A_197 : vector<16xf32>
      %get3A_199 = arith.constant 0 : i32
      %get3A_200 = arith.index_cast %get3A_199 : i32 to index
      %get3A_201 = arith.constant 80 : index
      %get3A_202 = tpu.vector_load %arg15[%get3A_200, %get3A_201] {strides = array<i32>} : memref<16x128xf32, #tpu.memory_space<vmem>>, vector<1x16xf32>,
      %get3A_203 = vector.shape_cast %get3A_202 : vector<1x16xf32> to vector<16xf32>
      %get3A_204 = arith.constant 1 : i32
      %get3A_205 = arith.index_cast %get3A_204 : i32 to index
      %get3A_206 = arith.constant 80 : index
      %get3A_207 = tpu.vector_load %arg15[%get3A_205, %get3A_206] {strides = array<i32>} : memref<16x128xf32, #tpu.memory_space<vmem>>, vector<1x16xf32>,
      %get3A_208 = vector.shape_cast %get3A_207 : vector<1x16xf32> to vector<16xf32>
      %max3A_209 = arith.maximumf %get3A_203, %get3A_208 : vector<16xf32>
      %get3A_210 = arith.constant 0 : i32
      %get3A_211 = arith.index_cast %get3A_210 : i32 to index
      %get3A_212 = arith.constant 80 : index
      %get3A_213 = tpu.vector_load %arg18[%get3A_211, %get3A_212] {strides = array<i32>} : memref<8x128xf32, #tpu.memory_space<vmem>>, vector<1x16xf32>,
      %get3A_214 = vector.shape_cast %get3A_213 : vector<1x16xf32> to vector<16xf32>
      %max3A_215 = arith.maximumf %max3A_209, %get3A_214 : vector<16xf32>
      %get3A_216 = arith.constant 0 : i32
      %get3A_217 = arith.index_cast %get3A_216 : i32 to index
      %get3A_218 = arith.constant 80 : index
      %get3A_219 = tpu.vector_load %arg19[%get3A_217, %get3A_218] {strides = array<i32>} : memref<8x128xf32, #tpu.memory_space<vmem>>, vector<1x16xf32>,
      %get3A_220 = vector.shape_cast %get3A_219 : vector<1x16xf32> to vector<16xf32>
      %mul3A_221 = arith.mulf %max3A_215, %get3A_220 : vector<16xf32>
      %add3A_222 = arith.addf %add3A_198, %mul3A_221 : vector<16xf32>
      %get3A_223 = arith.constant 0 : i32
      %get3A_224 = arith.index_cast %get3A_223 : i32 to index
      %get3A_225 = arith.constant 96 : index
      %get3A_226 = tpu.vector_load %arg15[%get3A_224, %get3A_225] {strides = array<i32>} : memref<16x128xf32, #tpu.memory_space<vmem>>, vector<1x16xf32>,
      %get3A_227 = vector.shape_cast %get3A_226 : vector<1x16xf32> to vector<16xf32>
      %get3A_228 = arith.constant 1 : i32
      %get3A_229 = arith.index_cast %get3A_228 : i32 to index
      %get3A_230 = arith.constant 96 : index
      %get3A_231 = tpu.vector_load %arg15[%get3A_229, %get3A_230] {strides = array<i32>} : memref<16x128xf32, #tpu.memory_space<vmem>>, vector<1x16xf32>,
      %get3A_232 = vector.shape_cast %get3A_231 : vector<1x16xf32> to vector<16xf32>
      %max3A_233 = arith.maximumf %get3A_227, %get3A_232 : vector<16xf32>
      %get3A_234 = arith.constant 0 : i32
      %get3A_235 = arith.index_cast %get3A_234 : i32 to index
      %get3A_236 = arith.constant 96 : index
      %get3A_237 = tpu.vector_load %arg18[%get3A_235, %get3A_236] {strides = array<i32>} : memref<8x128xf32, #tpu.memory_space<vmem>>, vector<1x16xf32>,
      %get3A_238 = vector.shape_cast %get3A_237 : vector<1x16xf32> to vector<16xf32>
      %max3A_239 = arith.maximumf %max3A_233, %get3A_238 : vector<16xf32>
      %get3A_240 = arith.constant 0 : i32
      %get3A_241 = arith.index_cast %get3A_240 : i32 to index
      %get3A_242 = arith.constant 96 : index
      %get3A_243 = tpu.vector_load %arg19[%get3A_241, %get3A_242] {strides = array<i32>} : memref<8x128xf32, #tpu.memory_space<vmem>>, vector<1x16xf32>,
      %get3A_244 = vector.shape_cast %get3A_243 : vector<1x16xf32> to vector<16xf32>
      %mul3A_245 = arith.mulf %max3A_239, %get3A_244 : vector<16xf32>
      %add3A_246 = arith.addf %add3A_222, %mul3A_245 : vector<16xf32>
      %get3A_247 = arith.constant 0 : i32
      %get3A_248 = arith.index_cast %get3A_247 : i32 to index
      %get3A_249 = arith.constant 112 : index
      %get3A_250 = tpu.vector_load %arg15[%get3A_248, %get3A_249] {strides = array<i32>} : memref<16x128xf32, #tpu.memory_space<vmem>>, vector<1x16xf32>,
      %get3A_251 = vector.shape_cast %get3A_250 : vector<1x16xf32> to vector<16xf32>
      %get3A_252 = arith.constant 1 : i32
      %get3A_253 = arith.index_cast %get3A_252 : i32 to index
      %get3A_254 = arith.constant 112 : index
      %get3A_255 = tpu.vector_load %arg15[%get3A_253, %get3A_254] {strides = array<i32>} : memref<16x128xf32, #tpu.memory_space<vmem>>, vector<1x16xf32>,
      %get3A_256 = vector.shape_cast %get3A_255 : vector<1x16xf32> to vector<16xf32>
      %max3A_257 = arith.maximumf %get3A_251, %get3A_256 : vector<16xf32>
      %get3A_258 = arith.constant 0 : i32
      %get3A_259 = arith.index_cast %get3A_258 : i32 to index
      %get3A_260 = arith.constant 112 : index
      %get3A_261 = tpu.vector_load %arg18[%get3A_259, %get3A_260] {strides = array<i32>} : memref<8x128xf32, #tpu.memory_space<vmem>>, vector<1x16xf32>,
      %get3A_262 = vector.shape_cast %get3A_261 : vector<1x16xf32> to vector<16xf32>
      %max3A_263 = arith.maximumf %max3A_257, %get3A_262 : vector<16xf32>
      %get3A_264 = arith.constant 0 : i32
      %get3A_265 = arith.index_cast %get3A_264 : i32 to index
      %get3A_266 = arith.constant 112 : index
      %get3A_267 = tpu.vector_load %arg19[%get3A_265, %get3A_266] {strides = array<i32>} : memref<8x128xf32, #tpu.memory_space<vmem>>, vector<1x16xf32>,
      %get3A_268 = vector.shape_cast %get3A_267 : vector<1x16xf32> to vector<16xf32>
      %mul3A_269 = arith.mulf %max3A_263, %get3A_268 : vector<16xf32>
      %add3A_270 = arith.addf %add3A_246, %mul3A_269 : vector<16xf32>
      %xor3A = arith.constant 8 : i32
      %xor3A_271 = vector.broadcast %xor3A : i32 to vector<16xi32>
      %xor3A_272 = arith.xori %iota3A, %xor3A_271 : vector<16xi32>
      %lt3A = arith.constant 0 : i32
      %lt3A_273 = vector.broadcast %lt3A : i32 to vector<16xi32>
      %lt3A_274 = arith.cmpi slt, %xor3A_272, %lt3A_273 : vector<16xi32>
      %add3A_275 = arith.constant 16 : i32
      %add3A_276 = vector.broadcast %add3A_275 : i32 to vector<16xi32>
      %add3A_277 = arith.addi %xor3A_272, %add3A_276 : vector<16xi32>
      %select_n3A = arith.select %lt3A_274, %add3A_277, %xor3A_272 : vector<16xi1>, vector<16xi32>
      %broadcast_in_dim3A_278 = vector.shape_cast %select_n3A : vector<16xi32> to vector<16x1xi32>
      %gather3A = vector.shape_cast %broadcast_in_dim3A_278 : vector<16x1xi32> to vector<16xi32>
      %gather3A_279 = tpu.dynamic_gather %add3A_270[%gather3A] in [0] : vector<16xf32>, vector<16xi32> -> vector<16xf32>
      %add3A_280 = arith.addf %add3A_270, %gather3A_279 : vector<16xf32>
      %xor3A_281 = arith.constant 4 : i32
      %xor3A_282 = vector.broadcast %xor3A_281 : i32 to vector<16xi32>
      %xor3A_283 = arith.xori %iota3A, %xor3A_282 : vector<16xi32>
      %lt3A_284 = arith.constant 0 : i32
      %lt3A_285 = vector.broadcast %lt3A_284 : i32 to vector<16xi32>
      %lt3A_286 = arith.cmpi slt, %xor3A_283, %lt3A_285 : vector<16xi32>
      %add3A_287 = arith.constant 16 : i32
      %add3A_288 = vector.broadcast %add3A_287 : i32 to vector<16xi32>
      %add3A_289 = arith.addi %xor3A_283, %add3A_288 : vector<16xi32>
      %select_n3A_290 = arith.select %lt3A_286, %add3A_289, %xor3A_283 : vector<16xi1>, vector<16xi32>
      %broadcast_in_dim3A_291 = vector.shape_cast %select_n3A_290 : vector<16xi32> to vector<16x1xi32>
      %gather3A_292 = vector.shape_cast %broadcast_in_dim3A_291 : vector<16x1xi32> to vector<16xi32>
      %gather3A_293 = tpu.dynamic_gather %add3A_280[%gather3A_292] in [0] : vector<16xf32>, vector<16xi32> -> vector<16xf32>
      %add3A_294 = arith.addf %add3A_280, %gather3A_293 : vector<16xf32>
      %xor3A_295 = arith.constant 2 : i32
      %xor3A_296 = vector.broadcast %xor3A_295 : i32 to vector<16xi32>
      %xor3A_297 = arith.xori %iota3A, %xor3A_296 : vector<16xi32>
      %lt3A_298 = arith.constant 0 : i32
      %lt3A_299 = vector.broadcast %lt3A_298 : i32 to vector<16xi32>
      %lt3A_300 = arith.cmpi slt, %xor3A_297, %lt3A_299 : vector<16xi32>
      %add3A_301 = arith.constant 16 : i32
      %add3A_302 = vector.broadcast %add3A_301 : i32 to vector<16xi32>
      %add3A_303 = arith.addi %xor3A_297, %add3A_302 : vector<16xi32>
      %select_n3A_304 = arith.select %lt3A_300, %add3A_303, %xor3A_297 : vector<16xi1>, vector<16xi32>
      %broadcast_in_dim3A_305 = vector.shape_cast %select_n3A_304 : vector<16xi32> to vector<16x1xi32>
      %gather3A_306 = vector.shape_cast %broadcast_in_dim3A_305 : vector<16x1xi32> to vector<16xi32>
      %gather3A_307 = tpu.dynamic_gather %add3A_294[%gather3A_306] in [0] : vector<16xf32>, vector<16xi32> -> vector<16xf32>
      %add3A_308 = arith.addf %add3A_294, %gather3A_307 : vector<16xf32>
      %xor3A_309 = arith.constant 1 : i32
      %xor3A_310 = vector.broadcast %xor3A_309 : i32 to vector<16xi32>
      %xor3A_311 = arith.xori %iota3A, %xor3A_310 : vector<16xi32>
      %lt3A_312 = arith.constant 0 : i32
      %lt3A_313 = vector.broadcast %lt3A_312 : i32 to vector<16xi32>
      %lt3A_314 = arith.cmpi slt, %xor3A_311, %lt3A_313 : vector<16xi32>
      %add3A_315 = arith.constant 16 : i32
      %add3A_316 = vector.broadcast %add3A_315 : i32 to vector<16xi32>
      %add3A_317 = arith.addi %xor3A_311, %add3A_316 : vector<16xi32>
      %select_n3A_318 = arith.select %lt3A_314, %add3A_317, %xor3A_311 : vector<16xi1>, vector<16xi32>
      %broadcast_in_dim3A_319 = vector.shape_cast %select_n3A_318 : vector<16xi32> to vector<16x1xi32>
      %gather3A_320 = vector.shape_cast %broadcast_in_dim3A_319 : vector<16x1xi32> to vector<16xi32>
      %gather3A_321 = tpu.dynamic_gather %add3A_308[%gather3A_320] in [0] : vector<16xf32>, vector<16xi32> -> vector<16xf32>
      %add3A_322 = arith.addf %add3A_308, %gather3A_321 : vector<16xf32>
      %eq3A_323 = arith.constant 0 : i32
      %eq3A_324 = vector.broadcast %eq3A_323 : i32 to vector<16xi32>
      %eq3A_325 = arith.cmpi eq, %iota3A, %eq3A_324 : vector<16xi32>
      %select_n3A_326 = arith.select %eq3A_325, %add3A_322, %broadcast_in_dim3A_78 : vector<16xi1>, vector<16xf32>
      %broadcast_in_dim3A_327 = arith.constant 0.000000e+00 : f32
      %broadcast_in_dim3A_328 = vector.broadcast %broadcast_in_dim3A_327 : f32 to vector<16xf32>
      %get3A_329 = arith.constant 2 : i32
      %get3A_330 = arith.index_cast %get3A_329 : i32 to index
      %get3A_331 = arith.constant 0 : index
      %get3A_332 = tpu.vector_load %arg15[%get3A_330, %get3A_331] {strides = array<i32>} : memref<16x128xf32, #tpu.memory_space<vmem>>, vector<1x16xf32>,
      %get3A_333 = vector.shape_cast %get3A_332 : vector<1x16xf32> to vector<16xf32>
      %get3A_334 = arith.constant 3 : i32
      %get3A_335 = arith.index_cast %get3A_334 : i32 to index
      %get3A_336 = arith.constant 0 : index
      %get3A_337 = tpu.vector_load %arg15[%get3A_335, %get3A_336] {strides = array<i32>} : memref<16x128xf32, #tpu.memory_space<vmem>>, vector<1x16xf32>,
      %get3A_338 = vector.shape_cast %get3A_337 : vector<1x16xf32> to vector<16xf32>
      %max3A_339 = arith.maximumf %get3A_333, %get3A_338 : vector<16xf32>
      %get3A_340 = arith.constant 1 : i32
      %get3A_341 = arith.index_cast %get3A_340 : i32 to index
      %get3A_342 = arith.constant 0 : index
      %get3A_343 = tpu.vector_load %arg18[%get3A_341, %get3A_342] {strides = array<i32>} : memref<8x128xf32, #tpu.memory_space<vmem>>, vector<1x16xf32>,
      %get3A_344 = vector.shape_cast %get3A_343 : vector<1x16xf32> to vector<16xf32>
      %max3A_345 = arith.maximumf %max3A_339, %get3A_344 : vector<16xf32>
      %get3A_346 = arith.constant 1 : i32
      %get3A_347 = arith.index_cast %get3A_346 : i32 to index
      %get3A_348 = arith.constant 0 : index
      %get3A_349 = tpu.vector_load %arg19[%get3A_347, %get3A_348] {strides = array<i32>} : memref<8x128xf32, #tpu.memory_space<vmem>>, vector<1x16xf32>,
      %get3A_350 = vector.shape_cast %get3A_349 : vector<1x16xf32> to vector<16xf32>
      %mul3A_351 = arith.mulf %max3A_345, %get3A_350 : vector<16xf32>
      %add3A_352 = arith.addf %broadcast_in_dim3A_328, %mul3A_351 : vector<16xf32>
      %get3A_353 = arith.constant 2 : i32
      %get3A_354 = arith.index_cast %get3A_353 : i32 to index
      %get3A_355 = arith.constant 16 : index
      %get3A_356 = tpu.vector_load %arg15[%get3A_354, %get3A_355] {strides = array<i32>} : memref<16x128xf32, #tpu.memory_space<vmem>>, vector<1x16xf32>,
      %get3A_357 = vector.shape_cast %get3A_356 : vector<1x16xf32> to vector<16xf32>
      %get3A_358 = arith.constant 3 : i32
      %get3A_359 = arith.index_cast %get3A_358 : i32 to index
      %get3A_360 = arith.constant 16 : index
      %get3A_361 = tpu.vector_load %arg15[%get3A_359, %get3A_360] {strides = array<i32>} : memref<16x128xf32, #tpu.memory_space<vmem>>, vector<1x16xf32>,
      %get3A_362 = vector.shape_cast %get3A_361 : vector<1x16xf32> to vector<16xf32>
      %max3A_363 = arith.maximumf %get3A_357, %get3A_362 : vector<16xf32>
      %get3A_364 = arith.constant 1 : i32
      %get3A_365 = arith.index_cast %get3A_364 : i32 to index
      %get3A_366 = arith.constant 16 : index
      %get3A_367 = tpu.vector_load %arg18[%get3A_365, %get3A_366] {strides = array<i32>} : memref<8x128xf32, #tpu.memory_space<vmem>>, vector<1x16xf32>,
      %get3A_368 = vector.shape_cast %get3A_367 : vector<1x16xf32> to vector<16xf32>
      %max3A_369 = arith.maximumf %max3A_363, %get3A_368 : vector<16xf32>
      %get3A_370 = arith.constant 1 : i32
      %get3A_371 = arith.index_cast %get3A_370 : i32 to index
      %get3A_372 = arith.constant 16 : index
      %get3A_373 = tpu.vector_load %arg19[%get3A_371, %get3A_372] {strides = array<i32>} : memref<8x128xf32, #tpu.memory_space<vmem>>, vector<1x16xf32>,
      %get3A_374 = vector.shape_cast %get3A_373 : vector<1x16xf32> to vector<16xf32>
      %mul3A_375 = arith.mulf %max3A_369, %get3A_374 : vector<16xf32>
      %add3A_376 = arith.addf %add3A_352, %mul3A_375 : vector<16xf32>
      %get3A_377 = arith.constant 2 : i32
      %get3A_378 = arith.index_cast %get3A_377 : i32 to index
      %get3A_379 = arith.constant 32 : index
      %get3A_380 = tpu.vector_load %arg15[%get3A_378, %get3A_379] {strides = array<i32>} : memref<16x128xf32, #tpu.memory_space<vmem>>, vector<1x16xf32>,
      %get3A_381 = vector.shape_cast %get3A_380 : vector<1x16xf32> to vector<16xf32>
      %get3A_382 = arith.constant 3 : i32
      %get3A_383 = arith.index_cast %get3A_382 : i32 to index
      %get3A_384 = arith.constant 32 : index
      %get3A_385 = tpu.vector_load %arg15[%get3A_383, %get3A_384] {strides = array<i32>} : memref<16x128xf32, #tpu.memory_space<vmem>>, vector<1x16xf32>,
      %get3A_386 = vector.shape_cast %get3A_385 : vector<1x16xf32> to vector<16xf32>
      %max3A_387 = arith.maximumf %get3A_381, %get3A_386 : vector<16xf32>
      %get3A_388 = arith.constant 1 : i32
      %get3A_389 = arith.index_cast %get3A_388 : i32 to index
      %get3A_390 = arith.constant 32 : index
      %get3A_391 = tpu.vector_load %arg18[%get3A_389, %get3A_390] {strides = array<i32>} : memref<8x128xf32, #tpu.memory_space<vmem>>, vector<1x16xf32>,
      %get3A_392 = vector.shape_cast %get3A_391 : vector<1x16xf32> to vector<16xf32>
      %max3A_393 = arith.maximumf %max3A_387, %get3A_392 : vector<16xf32>
      %get3A_394 = arith.constant 1 : i32
      %get3A_395 = arith.index_cast %get3A_394 : i32 to index
      %get3A_396 = arith.constant 32 : index
      %get3A_397 = tpu.vector_load %arg19[%get3A_395, %get3A_396] {strides = array<i32>} : memref<8x128xf32, #tpu.memory_space<vmem>>, vector<1x16xf32>,
      %get3A_398 = vector.shape_cast %get3A_397 : vector<1x16xf32> to vector<16xf32>
      %mul3A_399 = arith.mulf %max3A_393, %get3A_398 : vector<16xf32>
      %add3A_400 = arith.addf %add3A_376, %mul3A_399 : vector<16xf32>
      %get3A_401 = arith.constant 2 : i32
      %get3A_402 = arith.index_cast %get3A_401 : i32 to index
      %get3A_403 = arith.constant 48 : index
      %get3A_404 = tpu.vector_load %arg15[%get3A_402, %get3A_403] {strides = array<i32>} : memref<16x128xf32, #tpu.memory_space<vmem>>, vector<1x16xf32>,
      %get3A_405 = vector.shape_cast %get3A_404 : vector<1x16xf32> to vector<16xf32>
      %get3A_406 = arith.constant 3 : i32
      %get3A_407 = arith.index_cast %get3A_406 : i32 to index
      %get3A_408 = arith.constant 48 : index
      %get3A_409 = tpu.vector_load %arg15[%get3A_407, %get3A_408] {strides = array<i32>} : memref<16x128xf32, #tpu.memory_space<vmem>>, vector<1x16xf32>,
      %get3A_410 = vector.shape_cast %get3A_409 : vector<1x16xf32> to vector<16xf32>
      %max3A_411 = arith.maximumf %get3A_405, %get3A_410 : vector<16xf32>
      %get3A_412 = arith.constant 1 : i32
      %get3A_413 = arith.index_cast %get3A_412 : i32 to index
      %get3A_414 = arith.constant 48 : index
      %get3A_415 = tpu.vector_load %arg18[%get3A_413, %get3A_414] {strides = array<i32>} : memref<8x128xf32, #tpu.memory_space<vmem>>, vector<1x16xf32>,
      %get3A_416 = vector.shape_cast %get3A_415 : vector<1x16xf32> to vector<16xf32>
      %max3A_417 = arith.maximumf %max3A_411, %get3A_416 : vector<16xf32>
      %get3A_418 = arith.constant 1 : i32
      %get3A_419 = arith.index_cast %get3A_418 : i32 to index
      %get3A_420 = arith.constant 48 : index
      %get3A_421 = tpu.vector_load %arg19[%get3A_419, %get3A_420] {strides = array<i32>} : memref<8x128xf32, #tpu.memory_space<vmem>>, vector<1x16xf32>,
      %get3A_422 = vector.shape_cast %get3A_421 : vector<1x16xf32> to vector<16xf32>
      %mul3A_423 = arith.mulf %max3A_417, %get3A_422 : vector<16xf32>
      %add3A_424 = arith.addf %add3A_400, %mul3A_423 : vector<16xf32>
      %get3A_425 = arith.constant 2 : i32
      %get3A_426 = arith.index_cast %get3A_425 : i32 to index
      %get3A_427 = arith.constant 64 : index
      %get3A_428 = tpu.vector_load %arg15[%get3A_426, %get3A_427] {strides = array<i32>} : memref<16x128xf32, #tpu.memory_space<vmem>>, vector<1x16xf32>,
      %get3A_429 = vector.shape_cast %get3A_428 : vector<1x16xf32> to vector<16xf32>
      %get3A_430 = arith.constant 3 : i32
      %get3A_431 = arith.index_cast %get3A_430 : i32 to index
      %get3A_432 = arith.constant 64 : index
      %get3A_433 = tpu.vector_load %arg15[%get3A_431, %get3A_432] {strides = array<i32>} : memref<16x128xf32, #tpu.memory_space<vmem>>, vector<1x16xf32>,
      %get3A_434 = vector.shape_cast %get3A_433 : vector<1x16xf32> to vector<16xf32>
      %max3A_435 = arith.maximumf %get3A_429, %get3A_434 : vector<16xf32>
      %get3A_436 = arith.constant 1 : i32
      %get3A_437 = arith.index_cast %get3A_436 : i32 to index
      %get3A_438 = arith.constant 64 : index
      %get3A_439 = tpu.vector_load %arg18[%get3A_437, %get3A_438] {strides = array<i32>} : memref<8x128xf32, #tpu.memory_space<vmem>>, vector<1x16xf32>,
      %get3A_440 = vector.shape_cast %get3A_439 : vector<1x16xf32> to vector<16xf32>
      %max3A_441 = arith.maximumf %max3A_435, %get3A_440 : vector<16xf32>
      %get3A_442 = arith.constant 1 : i32
      %get3A_443 = arith.index_cast %get3A_442 : i32 to index
      %get3A_444 = arith.constant 64 : index
      %get3A_445 = tpu.vector_load %arg19[%get3A_443, %get3A_444] {strides = array<i32>} : memref<8x128xf32, #tpu.memory_space<vmem>>, vector<1x16xf32>,
      %get3A_446 = vector.shape_cast %get3A_445 : vector<1x16xf32> to vector<16xf32>
      %mul3A_447 = arith.mulf %max3A_441, %get3A_446 : vector<16xf32>
      %add3A_448 = arith.addf %add3A_424, %mul3A_447 : vector<16xf32>
      %get3A_449 = arith.constant 2 : i32
      %get3A_450 = arith.index_cast %get3A_449 : i32 to index
      %get3A_451 = arith.constant 80 : index
      %get3A_452 = tpu.vector_load %arg15[%get3A_450, %get3A_451] {strides = array<i32>} : memref<16x128xf32, #tpu.memory_space<vmem>>, vector<1x16xf32>,
      %get3A_453 = vector.shape_cast %get3A_452 : vector<1x16xf32> to vector<16xf32>
      %get3A_454 = arith.constant 3 : i32
      %get3A_455 = arith.index_cast %get3A_454 : i32 to index
      %get3A_456 = arith.constant 80 : index
      %get3A_457 = tpu.vector_load %arg15[%get3A_455, %get3A_456] {strides = array<i32>} : memref<16x128xf32, #tpu.memory_space<vmem>>, vector<1x16xf32>,
      %get3A_458 = vector.shape_cast %get3A_457 : vector<1x16xf32> to vector<16xf32>
      %max3A_459 = arith.maximumf %get3A_453, %get3A_458 : vector<16xf32>
      %get3A_460 = arith.constant 1 : i32
      %get3A_461 = arith.index_cast %get3A_460 : i32 to index
      %get3A_462 = arith.constant 80 : index
      %get3A_463 = tpu.vector_load %arg18[%get3A_461, %get3A_462] {strides = array<i32>} : memref<8x128xf32, #tpu.memory_space<vmem>>, vector<1x16xf32>,
      %get3A_464 = vector.shape_cast %get3A_463 : vector<1x16xf32> to vector<16xf32>
      %max3A_465 = arith.maximumf %max3A_459, %get3A_464 : vector<16xf32>
      %get3A_466 = arith.constant 1 : i32
      %get3A_467 = arith.index_cast %get3A_466 : i32 to index
      %get3A_468 = arith.constant 80 : index
      %get3A_469 = tpu.vector_load %arg19[%get3A_467, %get3A_468] {strides = array<i32>} : memref<8x128xf32, #tpu.memory_space<vmem>>, vector<1x16xf32>,
      %get3A_470 = vector.shape_cast %get3A_469 : vector<1x16xf32> to vector<16xf32>
      %mul3A_471 = arith.mulf %max3A_465, %get3A_470 : vector<16xf32>
      %add3A_472 = arith.addf %add3A_448, %mul3A_471 : vector<16xf32>
      %get3A_473 = arith.constant 2 : i32
      %get3A_474 = arith.index_cast %get3A_473 : i32 to index
      %get3A_475 = arith.constant 96 : index
      %get3A_476 = tpu.vector_load %arg15[%get3A_474, %get3A_475] {strides = array<i32>} : memref<16x128xf32, #tpu.memory_space<vmem>>, vector<1x16xf32>,
      %get3A_477 = vector.shape_cast %get3A_476 : vector<1x16xf32> to vector<16xf32>
      %get3A_478 = arith.constant 3 : i32
      %get3A_479 = arith.index_cast %get3A_478 : i32 to index
      %get3A_480 = arith.constant 96 : index
      %get3A_481 = tpu.vector_load %arg15[%get3A_479, %get3A_480] {strides = array<i32>} : memref<16x128xf32, #tpu.memory_space<vmem>>, vector<1x16xf32>,
      %get3A_482 = vector.shape_cast %get3A_481 : vector<1x16xf32> to vector<16xf32>
      %max3A_483 = arith.maximumf %get3A_477, %get3A_482 : vector<16xf32>
      %get3A_484 = arith.constant 1 : i32
      %get3A_485 = arith.index_cast %get3A_484 : i32 to index
      %get3A_486 = arith.constant 96 : index
      %get3A_487 = tpu.vector_load %arg18[%get3A_485, %get3A_486] {strides = array<i32>} : memref<8x128xf32, #tpu.memory_space<vmem>>, vector<1x16xf32>,
      %get3A_488 = vector.shape_cast %get3A_487 : vector<1x16xf32> to vector<16xf32>
      %max3A_489 = arith.maximumf %max3A_483, %get3A_488 : vector<16xf32>
      %get3A_490 = arith.constant 1 : i32
      %get3A_491 = arith.index_cast %get3A_490 : i32 to index
      %get3A_492 = arith.constant 96 : index
      %get3A_493 = tpu.vector_load %arg19[%get3A_491, %get3A_492] {strides = array<i32>} : memref<8x128xf32, #tpu.memory_space<vmem>>, vector<1x16xf32>,
      %get3A_494 = vector.shape_cast %get3A_493 : vector<1x16xf32> to vector<16xf32>
      %mul3A_495 = arith.mulf %max3A_489, %get3A_494 : vector<16xf32>
      %add3A_496 = arith.addf %add3A_472, %mul3A_495 : vector<16xf32>
      %get3A_497 = arith.constant 2 : i32
      %get3A_498 = arith.index_cast %get3A_497 : i32 to index
      %get3A_499 = arith.constant 112 : index
      %get3A_500 = tpu.vector_load %arg15[%get3A_498, %get3A_499] {strides = array<i32>} : memref<16x128xf32, #tpu.memory_space<vmem>>, vector<1x16xf32>,
      %get3A_501 = vector.shape_cast %get3A_500 : vector<1x16xf32> to vector<16xf32>
      %get3A_502 = arith.constant 3 : i32
      %get3A_503 = arith.index_cast %get3A_502 : i32 to index
      %get3A_504 = arith.constant 112 : index
      %get3A_505 = tpu.vector_load %arg15[%get3A_503, %get3A_504] {strides = array<i32>} : memref<16x128xf32, #tpu.memory_space<vmem>>, vector<1x16xf32>,
      %get3A_506 = vector.shape_cast %get3A_505 : vector<1x16xf32> to vector<16xf32>
      %max3A_507 = arith.maximumf %get3A_501, %get3A_506 : vector<16xf32>
      %get3A_508 = arith.constant 1 : i32
      %get3A_509 = arith.index_cast %get3A_508 : i32 to index
      %get3A_510 = arith.constant 112 : index
      %get3A_511 = tpu.vector_load %arg18[%get3A_509, %get3A_510] {strides = array<i32>} : memref<8x128xf32, #tpu.memory_space<vmem>>, vector<1x16xf32>,
      %get3A_512 = vector.shape_cast %get3A_511 : vector<1x16xf32> to vector<16xf32>
      %max3A_513 = arith.maximumf %max3A_507, %get3A_512 : vector<16xf32>
      %get3A_514 = arith.constant 1 : i32
      %get3A_515 = arith.index_cast %get3A_514 : i32 to index
      %get3A_516 = arith.constant 112 : index
      %get3A_517 = tpu.vector_load %arg19[%get3A_515, %get3A_516] {strides = array<i32>} : memref<8x128xf32, #tpu.memory_space<vmem>>, vector<1x16xf32>,
      %get3A_518 = vector.shape_cast %get3A_517 : vector<1x16xf32> to vector<16xf32>
      %mul3A_519 = arith.mulf %max3A_513, %get3A_518 : vector<16xf32>
      %add3A_520 = arith.addf %add3A_496, %mul3A_519 : vector<16xf32>
      %xor3A_521 = arith.constant 8 : i32
      %xor3A_522 = vector.broadcast %xor3A_521 : i32 to vector<16xi32>
      %xor3A_523 = arith.xori %iota3A, %xor3A_522 : vector<16xi32>
      %lt3A_524 = arith.constant 0 : i32
      %lt3A_525 = vector.broadcast %lt3A_524 : i32 to vector<16xi32>
      %lt3A_526 = arith.cmpi slt, %xor3A_523, %lt3A_525 : vector<16xi32>
      %add3A_527 = arith.constant 16 : i32
      %add3A_528 = vector.broadcast %add3A_527 : i32 to vector<16xi32>
      %add3A_529 = arith.addi %xor3A_523, %add3A_528 : vector<16xi32>
      %select_n3A_530 = arith.select %lt3A_526, %add3A_529, %xor3A_523 : vector<16xi1>, vector<16xi32>
      %broadcast_in_dim3A_531 = vector.shape_cast %select_n3A_530 : vector<16xi32> to vector<16x1xi32>
      %gather3A_532 = vector.shape_cast %broadcast_in_dim3A_531 : vector<16x1xi32> to vector<16xi32>
      %gather3A_533 = tpu.dynamic_gather %add3A_520[%gather3A_532] in [0] : vector<16xf32>, vector<16xi32> -> vector<16xf32>
      %add3A_534 = arith.addf %add3A_520, %gather3A_533 : vector<16xf32>
      %xor3A_535 = arith.constant 4 : i32
      %xor3A_536 = vector.broadcast %xor3A_535 : i32 to vector<16xi32>
      %xor3A_537 = arith.xori %iota3A, %xor3A_536 : vector<16xi32>
      %lt3A_538 = arith.constant 0 : i32
      %lt3A_539 = vector.broadcast %lt3A_538 : i32 to vector<16xi32>
      %lt3A_540 = arith.cmpi slt, %xor3A_537, %lt3A_539 : vector<16xi32>
      %add3A_541 = arith.constant 16 : i32
      %add3A_542 = vector.broadcast %add3A_541 : i32 to vector<16xi32>
      %add3A_543 = arith.addi %xor3A_537, %add3A_542 : vector<16xi32>
      %select_n3A_544 = arith.select %lt3A_540, %add3A_543, %xor3A_537 : vector<16xi1>, vector<16xi32>
      %broadcast_in_dim3A_545 = vector.shape_cast %select_n3A_544 : vector<16xi32> to vector<16x1xi32>
      %gather3A_546 = vector.shape_cast %broadcast_in_dim3A_545 : vector<16x1xi32> to vector<16xi32>
      %gather3A_547 = tpu.dynamic_gather %add3A_534[%gather3A_546] in [0] : vector<16xf32>, vector<16xi32> -> vector<16xf32>
      %add3A_548 = arith.addf %add3A_534, %gather3A_547 : vector<16xf32>
      %xor3A_549 = arith.constant 2 : i32
      %xor3A_550 = vector.broadcast %xor3A_549 : i32 to vector<16xi32>
      %xor3A_551 = arith.xori %iota3A, %xor3A_550 : vector<16xi32>
      %lt3A_552 = arith.constant 0 : i32
      %lt3A_553 = vector.broadcast %lt3A_552 : i32 to vector<16xi32>
      %lt3A_554 = arith.cmpi slt, %xor3A_551, %lt3A_553 : vector<16xi32>
      %add3A_555 = arith.constant 16 : i32
      %add3A_556 = vector.broadcast %add3A_555 : i32 to vector<16xi32>
      %add3A_557 = arith.addi %xor3A_551, %add3A_556 : vector<16xi32>
      %select_n3A_558 = arith.select %lt3A_554, %add3A_557, %xor3A_551 : vector<16xi1>, vector<16xi32>
      %broadcast_in_dim3A_559 = vector.shape_cast %select_n3A_558 : vector<16xi32> to vector<16x1xi32>
      %gather3A_560 = vector.shape_cast %broadcast_in_dim3A_559 : vector<16x1xi32> to vector<16xi32>
      %gather3A_561 = tpu.dynamic_gather %add3A_548[%gather3A_560] in [0] : vector<16xf32>, vector<16xi32> -> vector<16xf32>
      %add3A_562 = arith.addf %add3A_548, %gather3A_561 : vector<16xf32>
      %xor3A_563 = arith.constant 1 : i32
      %xor3A_564 = vector.broadcast %xor3A_563 : i32 to vector<16xi32>
      %xor3A_565 = arith.xori %iota3A, %xor3A_564 : vector<16xi32>
      %lt3A_566 = arith.constant 0 : i32
      %lt3A_567 = vector.broadcast %lt3A_566 : i32 to vector<16xi32>
      %lt3A_568 = arith.cmpi slt, %xor3A_565, %lt3A_567 : vector<16xi32>
      %add3A_569 = arith.constant 16 : i32
      %add3A_570 = vector.broadcast %add3A_569 : i32 to vector<16xi32>
      %add3A_571 = arith.addi %xor3A_565, %add3A_570 : vector<16xi32>
      %select_n3A_572 = arith.select %lt3A_568, %add3A_571, %xor3A_565 : vector<16xi1>, vector<16xi32>
      %broadcast_in_dim3A_573 = vector.shape_cast %select_n3A_572 : vector<16xi32> to vector<16x1xi32>
      %gather3A_574 = vector.shape_cast %broadcast_in_dim3A_573 : vector<16x1xi32> to vector<16xi32>
      %gather3A_575 = tpu.dynamic_gather %add3A_562[%gather3A_574] in [0] : vector<16xf32>, vector<16xi32> -> vector<16xf32>
      %add3A_576 = arith.addf %add3A_562, %gather3A_575 : vector<16xf32>
      %eq3A_577 = arith.constant 1 : i32
      %eq3A_578 = vector.broadcast %eq3A_577 : i32 to vector<16xi32>
      %eq3A_579 = arith.cmpi eq, %iota3A, %eq3A_578 : vector<16xi32>
      %select_n3A_580 = arith.select %eq3A_579, %add3A_576, %select_n3A_326 : vector<16xi1>, vector<16xf32>
      %broadcast_in_dim3A_581 = arith.constant 0.000000e+00 : f32
      %broadcast_in_dim3A_582 = vector.broadcast %broadcast_in_dim3A_581 : f32 to vector<16xf32>
      %get3A_583 = arith.constant 4 : i32
      %get3A_584 = arith.index_cast %get3A_583 : i32 to index
      %get3A_585 = arith.constant 0 : index
      %get3A_586 = tpu.vector_load %arg15[%get3A_584, %get3A_585] {strides = array<i32>} : memref<16x128xf32, #tpu.memory_space<vmem>>, vector<1x16xf32>,
      %get3A_587 = vector.shape_cast %get3A_586 : vector<1x16xf32> to vector<16xf32>
      %get3A_588 = arith.constant 5 : i32
      %get3A_589 = arith.index_cast %get3A_588 : i32 to index
      %get3A_590 = arith.constant 0 : index
      %get3A_591 = tpu.vector_load %arg15[%get3A_589, %get3A_590] {strides = array<i32>} : memref<16x128xf32, #tpu.memory_space<vmem>>, vector<1x16xf32>,
      %get3A_592 = vector.shape_cast %get3A_591 : vector<1x16xf32> to vector<16xf32>
      %max3A_593 = arith.maximumf %get3A_587, %get3A_592 : vector<16xf32>
      %get3A_594 = arith.constant 2 : i32
      %get3A_595 = arith.index_cast %get3A_594 : i32 to index
      %get3A_596 = arith.constant 0 : index
      %get3A_597 = tpu.vector_load %arg18[%get3A_595, %get3A_596] {strides = array<i32>} : memref<8x128xf32, #tpu.memory_space<vmem>>, vector<1x16xf32>,
      %get3A_598 = vector.shape_cast %get3A_597 : vector<1x16xf32> to vector<16xf32>
      %max3A_599 = arith.maximumf %max3A_593, %get3A_598 : vector<16xf32>
      %get3A_600 = arith.constant 2 : i32
      %get3A_601 = arith.index_cast %get3A_600 : i32 to index
      %get3A_602 = arith.constant 0 : index
      %get3A_603 = tpu.vector_load %arg19[%get3A_601, %get3A_602] {strides = array<i32>} : memref<8x128xf32, #tpu.memory_space<vmem>>, vector<1x16xf32>,
      %get3A_604 = vector.shape_cast %get3A_603 : vector<1x16xf32> to vector<16xf32>
      %mul3A_605 = arith.mulf %max3A_599, %get3A_604 : vector<16xf32>
      %add3A_606 = arith.addf %broadcast_in_dim3A_582, %mul3A_605 : vector<16xf32>
      %get3A_607 = arith.constant 4 : i32
      %get3A_608 = arith.index_cast %get3A_607 : i32 to index
      %get3A_609 = arith.constant 16 : index
      %get3A_610 = tpu.vector_load %arg15[%get3A_608, %get3A_609] {strides = array<i32>} : memref<16x128xf32, #tpu.memory_space<vmem>>, vector<1x16xf32>,
      %get3A_611 = vector.shape_cast %get3A_610 : vector<1x16xf32> to vector<16xf32>
      %get3A_612 = arith.constant 5 : i32
      %get3A_613 = arith.index_cast %get3A_612 : i32 to index
      %get3A_614 = arith.constant 16 : index
      %get3A_615 = tpu.vector_load %arg15[%get3A_613, %get3A_614] {strides = array<i32>} : memref<16x128xf32, #tpu.memory_space<vmem>>, vector<1x16xf32>,
      %get3A_616 = vector.shape_cast %get3A_615 : vector<1x16xf32> to vector<16xf32>
      %max3A_617 = arith.maximumf %get3A_611, %get3A_616 : vector<16xf32>
      %get3A_618 = arith.constant 2 : i32
      %get3A_619 = arith.index_cast %get3A_618 : i32 to index
      %get3A_620 = arith.constant 16 : index
      %get3A_621 = tpu.vector_load %arg18[%get3A_619, %get3A_620] {strides = array<i32>} : memref<8x128xf32, #tpu.memory_space<vmem>>, vector<1x16xf32>,
      %get3A_622 = vector.shape_cast %get3A_621 : vector<1x16xf32> to vector<16xf32>
      %max3A_623 = arith.maximumf %max3A_617, %get3A_622 : vector<16xf32>
      %get3A_624 = arith.constant 2 : i32
      %get3A_625 = arith.index_cast %get3A_624 : i32 to index
      %get3A_626 = arith.constant 16 : index
      %get3A_627 = tpu.vector_load %arg19[%get3A_625, %get3A_626] {strides = array<i32>} : memref<8x128xf32, #tpu.memory_space<vmem>>, vector<1x16xf32>,
      %get3A_628 = vector.shape_cast %get3A_627 : vector<1x16xf32> to vector<16xf32>
      %mul3A_629 = arith.mulf %max3A_623, %get3A_628 : vector<16xf32>
      %add3A_630 = arith.addf %add3A_606, %mul3A_629 : vector<16xf32>
      %get3A_631 = arith.constant 4 : i32
      %get3A_632 = arith.index_cast %get3A_631 : i32 to index
      %get3A_633 = arith.constant 32 : index
      %get3A_634 = tpu.vector_load %arg15[%get3A_632, %get3A_633] {strides = array<i32>} : memref<16x128xf32, #tpu.memory_space<vmem>>, vector<1x16xf32>,
      %get3A_635 = vector.shape_cast %get3A_634 : vector<1x16xf32> to vector<16xf32>
      %get3A_636 = arith.constant 5 : i32
      %get3A_637 = arith.index_cast %get3A_636 : i32 to index
      %get3A_638 = arith.constant 32 : index
      %get3A_639 = tpu.vector_load %arg15[%get3A_637, %get3A_638] {strides = array<i32>} : memref<16x128xf32, #tpu.memory_space<vmem>>, vector<1x16xf32>,
      %get3A_640 = vector.shape_cast %get3A_639 : vector<1x16xf32> to vector<16xf32>
      %max3A_641 = arith.maximumf %get3A_635, %get3A_640 : vector<16xf32>
      %get3A_642 = arith.constant 2 : i32
      %get3A_643 = arith.index_cast %get3A_642 : i32 to index
      %get3A_644 = arith.constant 32 : index
      %get3A_645 = tpu.vector_load %arg18[%get3A_643, %get3A_644] {strides = array<i32>} : memref<8x128xf32, #tpu.memory_space<vmem>>, vector<1x16xf32>,
      %get3A_646 = vector.shape_cast %get3A_645 : vector<1x16xf32> to vector<16xf32>
      %max3A_647 = arith.maximumf %max3A_641, %get3A_646 : vector<16xf32>
      %get3A_648 = arith.constant 2 : i32
      %get3A_649 = arith.index_cast %get3A_648 : i32 to index
      %get3A_650 = arith.constant 32 : index
      %get3A_651 = tpu.vector_load %arg19[%get3A_649, %get3A_650] {strides = array<i32>} : memref<8x128xf32, #tpu.memory_space<vmem>>, vector<1x16xf32>,
      %get3A_652 = vector.shape_cast %get3A_651 : vector<1x16xf32> to vector<16xf32>
      %mul3A_653 = arith.mulf %max3A_647, %get3A_652 : vector<16xf32>
      %add3A_654 = arith.addf %add3A_630, %mul3A_653 : vector<16xf32>
      %get3A_655 = arith.constant 4 : i32
      %get3A_656 = arith.index_cast %get3A_655 : i32 to index
      %get3A_657 = arith.constant 48 : index
      %get3A_658 = tpu.vector_load %arg15[%get3A_656, %get3A_657] {strides = array<i32>} : memref<16x128xf32, #tpu.memory_space<vmem>>, vector<1x16xf32>,
      %get3A_659 = vector.shape_cast %get3A_658 : vector<1x16xf32> to vector<16xf32>
      %get3A_660 = arith.constant 5 : i32
      %get3A_661 = arith.index_cast %get3A_660 : i32 to index
      %get3A_662 = arith.constant 48 : index
      %get3A_663 = tpu.vector_load %arg15[%get3A_661, %get3A_662] {strides = array<i32>} : memref<16x128xf32, #tpu.memory_space<vmem>>, vector<1x16xf32>,
      %get3A_664 = vector.shape_cast %get3A_663 : vector<1x16xf32> to vector<16xf32>
      %max3A_665 = arith.maximumf %get3A_659, %get3A_664 : vector<16xf32>
      %get3A_666 = arith.constant 2 : i32
      %get3A_667 = arith.index_cast %get3A_666 : i32 to index
      %get3A_668 = arith.constant 48 : index
      %get3A_669 = tpu.vector_load %arg18[%get3A_667, %get3A_668] {strides = array<i32>} : memref<8x128xf32, #tpu.memory_space<vmem>>, vector<1x16xf32>,
      %get3A_670 = vector.shape_cast %get3A_669 : vector<1x16xf32> to vector<16xf32>
      %max3A_671 = arith.maximumf %max3A_665, %get3A_670 : vector<16xf32>
      %get3A_672 = arith.constant 2 : i32
      %get3A_673 = arith.index_cast %get3A_672 : i32 to index
      %get3A_674 = arith.constant 48 : index
      %get3A_675 = tpu.vector_load %arg19[%get3A_673, %get3A_674] {strides = array<i32>} : memref<8x128xf32, #tpu.memory_space<vmem>>, vector<1x16xf32>,
      %get3A_676 = vector.shape_cast %get3A_675 : vector<1x16xf32> to vector<16xf32>
      %mul3A_677 = arith.mulf %max3A_671, %get3A_676 : vector<16xf32>
      %add3A_678 = arith.addf %add3A_654, %mul3A_677 : vector<16xf32>
      %get3A_679 = arith.constant 4 : i32
      %get3A_680 = arith.index_cast %get3A_679 : i32 to index
      %get3A_681 = arith.constant 64 : index
      %get3A_682 = tpu.vector_load %arg15[%get3A_680, %get3A_681] {strides = array<i32>} : memref<16x128xf32, #tpu.memory_space<vmem>>, vector<1x16xf32>,
      %get3A_683 = vector.shape_cast %get3A_682 : vector<1x16xf32> to vector<16xf32>
      %get3A_684 = arith.constant 5 : i32
      %get3A_685 = arith.index_cast %get3A_684 : i32 to index
      %get3A_686 = arith.constant 64 : index
      %get3A_687 = tpu.vector_load %arg15[%get3A_685, %get3A_686] {strides = array<i32>} : memref<16x128xf32, #tpu.memory_space<vmem>>, vector<1x16xf32>,
      %get3A_688 = vector.shape_cast %get3A_687 : vector<1x16xf32> to vector<16xf32>
      %max3A_689 = arith.maximumf %get3A_683, %get3A_688 : vector<16xf32>
      %get3A_690 = arith.constant 2 : i32
      %get3A_691 = arith.index_cast %get3A_690 : i32 to index
      %get3A_692 = arith.constant 64 : index
      %get3A_693 = tpu.vector_load %arg18[%get3A_691, %get3A_692] {strides = array<i32>} : memref<8x128xf32, #tpu.memory_space<vmem>>, vector<1x16xf32>,
      %get3A_694 = vector.shape_cast %get3A_693 : vector<1x16xf32> to vector<16xf32>
      %max3A_695 = arith.maximumf %max3A_689, %get3A_694 : vector<16xf32>
      %get3A_696 = arith.constant 2 : i32
      %get3A_697 = arith.index_cast %get3A_696 : i32 to index
      %get3A_698 = arith.constant 64 : index
      %get3A_699 = tpu.vector_load %arg19[%get3A_697, %get3A_698] {strides = array<i32>} : memref<8x128xf32, #tpu.memory_space<vmem>>, vector<1x16xf32>,
      %get3A_700 = vector.shape_cast %get3A_699 : vector<1x16xf32> to vector<16xf32>
      %mul3A_701 = arith.mulf %max3A_695, %get3A_700 : vector<16xf32>
      %add3A_702 = arith.addf %add3A_678, %mul3A_701 : vector<16xf32>
      %get3A_703 = arith.constant 4 : i32
      %get3A_704 = arith.index_cast %get3A_703 : i32 to index
      %get3A_705 = arith.constant 80 : index
      %get3A_706 = tpu.vector_load %arg15[%get3A_704, %get3A_705] {strides = array<i32>} : memref<16x128xf32, #tpu.memory_space<vmem>>, vector<1x16xf32>,
      %get3A_707 = vector.shape_cast %get3A_706 : vector<1x16xf32> to vector<16xf32>
      %get3A_708 = arith.constant 5 : i32
      %get3A_709 = arith.index_cast %get3A_708 : i32 to index
      %get3A_710 = arith.constant 80 : index
      %get3A_711 = tpu.vector_load %arg15[%get3A_709, %get3A_710] {strides = array<i32>} : memref<16x128xf32, #tpu.memory_space<vmem>>, vector<1x16xf32>,
      %get3A_712 = vector.shape_cast %get3A_711 : vector<1x16xf32> to vector<16xf32>
      %max3A_713 = arith.maximumf %get3A_707, %get3A_712 : vector<16xf32>
      %get3A_714 = arith.constant 2 : i32
      %get3A_715 = arith.index_cast %get3A_714 : i32 to index
      %get3A_716 = arith.constant 80 : index
      %get3A_717 = tpu.vector_load %arg18[%get3A_715, %get3A_716] {strides = array<i32>} : memref<8x128xf32, #tpu.memory_space<vmem>>, vector<1x16xf32>,
      %get3A_718 = vector.shape_cast %get3A_717 : vector<1x16xf32> to vector<16xf32>
      %max3A_719 = arith.maximumf %max3A_713, %get3A_718 : vector<16xf32>
      %get3A_720 = arith.constant 2 : i32
      %get3A_721 = arith.index_cast %get3A_720 : i32 to index
      %get3A_722 = arith.constant 80 : index
      %get3A_723 = tpu.vector_load %arg19[%get3A_721, %get3A_722] {strides = array<i32>} : memref<8x128xf32, #tpu.memory_space<vmem>>, vector<1x16xf32>,
      %get3A_724 = vector.shape_cast %get3A_723 : vector<1x16xf32> to vector<16xf32>
      %mul3A_725 = arith.mulf %max3A_719, %get3A_724 : vector<16xf32>
      %add3A_726 = arith.addf %add3A_702, %mul3A_725 : vector<16xf32>
      %get3A_727 = arith.constant 4 : i32
      %get3A_728 = arith.index_cast %get3A_727 : i32 to index
      %get3A_729 = arith.constant 96 : index
      %get3A_730 = tpu.vector_load %arg15[%get3A_728, %get3A_729] {strides = array<i32>} : memref<16x128xf32, #tpu.memory_space<vmem>>, vector<1x16xf32>,
      %get3A_731 = vector.shape_cast %get3A_730 : vector<1x16xf32> to vector<16xf32>
      %get3A_732 = arith.constant 5 : i32
      %get3A_733 = arith.index_cast %get3A_732 : i32 to index
      %get3A_734 = arith.constant 96 : index
      %get3A_735 = tpu.vector_load %arg15[%get3A_733, %get3A_734] {strides = array<i32>} : memref<16x128xf32, #tpu.memory_space<vmem>>, vector<1x16xf32>,
      %get3A_736 = vector.shape_cast %get3A_735 : vector<1x16xf32> to vector<16xf32>
      %max3A_737 = arith.maximumf %get3A_731, %get3A_736 : vector<16xf32>
      %get3A_738 = arith.constant 2 : i32
      %get3A_739 = arith.index_cast %get3A_738 : i32 to index
      %get3A_740 = arith.constant 96 : index
      %get3A_741 = tpu.vector_load %arg18[%get3A_739, %get3A_740] {strides = array<i32>} : memref<8x128xf32, #tpu.memory_space<vmem>>, vector<1x16xf32>,
      %get3A_742 = vector.shape_cast %get3A_741 : vector<1x16xf32> to vector<16xf32>
      %max3A_743 = arith.maximumf %max3A_737, %get3A_742 : vector<16xf32>
      %get3A_744 = arith.constant 2 : i32
      %get3A_745 = arith.index_cast %get3A_744 : i32 to index
      %get3A_746 = arith.constant 96 : index
      %get3A_747 = tpu.vector_load %arg19[%get3A_745, %get3A_746] {strides = array<i32>} : memref<8x128xf32, #tpu.memory_space<vmem>>, vector<1x16xf32>,
      %get3A_748 = vector.shape_cast %get3A_747 : vector<1x16xf32> to vector<16xf32>
      %mul3A_749 = arith.mulf %max3A_743, %get3A_748 : vector<16xf32>
      %add3A_750 = arith.addf %add3A_726, %mul3A_749 : vector<16xf32>
      %get3A_751 = arith.constant 4 : i32
      %get3A_752 = arith.index_cast %get3A_751 : i32 to index
      %get3A_753 = arith.constant 112 : index
      %get3A_754 = tpu.vector_load %arg15[%get3A_752, %get3A_753] {strides = array<i32>} : memref<16x128xf32, #tpu.memory_space<vmem>>, vector<1x16xf32>,
      %get3A_755 = vector.shape_cast %get3A_754 : vector<1x16xf32> to vector<16xf32>
      %get3A_756 = arith.constant 5 : i32
      %get3A_757 = arith.index_cast %get3A_756 : i32 to index
      %get3A_758 = arith.constant 112 : index
      %get3A_759 = tpu.vector_load %arg15[%get3A_757, %get3A_758] {strides = array<i32>} : memref<16x128xf32, #tpu.memory_space<vmem>>, vector<1x16xf32>,
      %get3A_760 = vector.shape_cast %get3A_759 : vector<1x16xf32> to vector<16xf32>
      %max3A_761 = arith.maximumf %get3A_755, %get3A_760 : vector<16xf32>
      %get3A_762 = arith.constant 2 : i32
      %get3A_763 = arith.index_cast %get3A_762 : i32 to index
      %get3A_764 = arith.constant 112 : index
      %get3A_765 = tpu.vector_load %arg18[%get3A_763, %get3A_764] {strides = array<i32>} : memref<8x128xf32, #tpu.memory_space<vmem>>, vector<1x16xf32>,
      %get3A_766 = vector.shape_cast %get3A_765 : vector<1x16xf32> to vector<16xf32>
      %max3A_767 = arith.maximumf %max3A_761, %get3A_766 : vector<16xf32>
      %get3A_768 = arith.constant 2 : i32
      %get3A_769 = arith.index_cast %get3A_768 : i32 to index
      %get3A_770 = arith.constant 112 : index
      %get3A_771 = tpu.vector_load %arg19[%get3A_769, %get3A_770] {strides = array<i32>} : memref<8x128xf32, #tpu.memory_space<vmem>>, vector<1x16xf32>,
      %get3A_772 = vector.shape_cast %get3A_771 : vector<1x16xf32> to vector<16xf32>
      %mul3A_773 = arith.mulf %max3A_767, %get3A_772 : vector<16xf32>
      %add3A_774 = arith.addf %add3A_750, %mul3A_773 : vector<16xf32>
      %xor3A_775 = arith.constant 8 : i32
      %xor3A_776 = vector.broadcast %xor3A_775 : i32 to vector<16xi32>
      %xor3A_777 = arith.xori %iota3A, %xor3A_776 : vector<16xi32>
      %lt3A_778 = arith.constant 0 : i32
      %lt3A_779 = vector.broadcast %lt3A_778 : i32 to vector<16xi32>
      %lt3A_780 = arith.cmpi slt, %xor3A_777, %lt3A_779 : vector<16xi32>
      %add3A_781 = arith.constant 16 : i32
      %add3A_782 = vector.broadcast %add3A_781 : i32 to vector<16xi32>
      %add3A_783 = arith.addi %xor3A_777, %add3A_782 : vector<16xi32>
      %select_n3A_784 = arith.select %lt3A_780, %add3A_783, %xor3A_777 : vector<16xi1>, vector<16xi32>
      %broadcast_in_dim3A_785 = vector.shape_cast %select_n3A_784 : vector<16xi32> to vector<16x1xi32>
      %gather3A_786 = vector.shape_cast %broadcast_in_dim3A_785 : vector<16x1xi32> to vector<16xi32>
      %gather3A_787 = tpu.dynamic_gather %add3A_774[%gather3A_786] in [0] : vector<16xf32>, vector<16xi32> -> vector<16xf32>
      %add3A_788 = arith.addf %add3A_774, %gather3A_787 : vector<16xf32>
      %xor3A_789 = arith.constant 4 : i32
      %xor3A_790 = vector.broadcast %xor3A_789 : i32 to vector<16xi32>
      %xor3A_791 = arith.xori %iota3A, %xor3A_790 : vector<16xi32>
      %lt3A_792 = arith.constant 0 : i32
      %lt3A_793 = vector.broadcast %lt3A_792 : i32 to vector<16xi32>
      %lt3A_794 = arith.cmpi slt, %xor3A_791, %lt3A_793 : vector<16xi32>
      %add3A_795 = arith.constant 16 : i32
      %add3A_796 = vector.broadcast %add3A_795 : i32 to vector<16xi32>
      %add3A_797 = arith.addi %xor3A_791, %add3A_796 : vector<16xi32>
      %select_n3A_798 = arith.select %lt3A_794, %add3A_797, %xor3A_791 : vector<16xi1>, vector<16xi32>
      %broadcast_in_dim3A_799 = vector.shape_cast %select_n3A_798 : vector<16xi32> to vector<16x1xi32>
      %gather3A_800 = vector.shape_cast %broadcast_in_dim3A_799 : vector<16x1xi32> to vector<16xi32>
      %gather3A_801 = tpu.dynamic_gather %add3A_788[%gather3A_800] in [0] : vector<16xf32>, vector<16xi32> -> vector<16xf32>
      %add3A_802 = arith.addf %add3A_788, %gather3A_801 : vector<16xf32>
      %xor3A_803 = arith.constant 2 : i32
      %xor3A_804 = vector.broadcast %xor3A_803 : i32 to vector<16xi32>
      %xor3A_805 = arith.xori %iota3A, %xor3A_804 : vector<16xi32>
      %lt3A_806 = arith.constant 0 : i32
      %lt3A_807 = vector.broadcast %lt3A_806 : i32 to vector<16xi32>
      %lt3A_808 = arith.cmpi slt, %xor3A_805, %lt3A_807 : vector<16xi32>
      %add3A_809 = arith.constant 16 : i32
      %add3A_810 = vector.broadcast %add3A_809 : i32 to vector<16xi32>
      %add3A_811 = arith.addi %xor3A_805, %add3A_810 : vector<16xi32>
      %select_n3A_812 = arith.select %lt3A_808, %add3A_811, %xor3A_805 : vector<16xi1>, vector<16xi32>
      %broadcast_in_dim3A_813 = vector.shape_cast %select_n3A_812 : vector<16xi32> to vector<16x1xi32>
      %gather3A_814 = vector.shape_cast %broadcast_in_dim3A_813 : vector<16x1xi32> to vector<16xi32>
      %gather3A_815 = tpu.dynamic_gather %add3A_802[%gather3A_814] in [0] : vector<16xf32>, vector<16xi32> -> vector<16xf32>
      %add3A_816 = arith.addf %add3A_802, %gather3A_815 : vector<16xf32>
      %xor3A_817 = arith.constant 1 : i32
      %xor3A_818 = vector.broadcast %xor3A_817 : i32 to vector<16xi32>
      %xor3A_819 = arith.xori %iota3A, %xor3A_818 : vector<16xi32>
      %lt3A_820 = arith.constant 0 : i32
      %lt3A_821 = vector.broadcast %lt3A_820 : i32 to vector<16xi32>
      %lt3A_822 = arith.cmpi slt, %xor3A_819, %lt3A_821 : vector<16xi32>
      %add3A_823 = arith.constant 16 : i32
      %add3A_824 = vector.broadcast %add3A_823 : i32 to vector<16xi32>
      %add3A_825 = arith.addi %xor3A_819, %add3A_824 : vector<16xi32>
      %select_n3A_826 = arith.select %lt3A_822, %add3A_825, %xor3A_819 : vector<16xi1>, vector<16xi32>
      %broadcast_in_dim3A_827 = vector.shape_cast %select_n3A_826 : vector<16xi32> to vector<16x1xi32>
      %gather3A_828 = vector.shape_cast %broadcast_in_dim3A_827 : vector<16x1xi32> to vector<16xi32>
      %gather3A_829 = tpu.dynamic_gather %add3A_816[%gather3A_828] in [0] : vector<16xf32>, vector<16xi32> -> vector<16xf32>
      %add3A_830 = arith.addf %add3A_816, %gather3A_829 : vector<16xf32>
      %eq3A_831 = arith.constant 2 : i32
      %eq3A_832 = vector.broadcast %eq3A_831 : i32 to vector<16xi32>
      %eq3A_833 = arith.cmpi eq, %iota3A, %eq3A_832 : vector<16xi32>
      %select_n3A_834 = arith.select %eq3A_833, %add3A_830, %select_n3A_580 : vector<16xi1>, vector<16xf32>
      %broadcast_in_dim3A_835 = arith.constant 0.000000e+00 : f32
      %broadcast_in_dim3A_836 = vector.broadcast %broadcast_in_dim3A_835 : f32 to vector<16xf32>
      %get3A_837 = arith.constant 6 : i32
      %get3A_838 = arith.index_cast %get3A_837 : i32 to index
      %get3A_839 = arith.constant 0 : index
      %get3A_840 = tpu.vector_load %arg15[%get3A_838, %get3A_839] {strides = array<i32>} : memref<16x128xf32, #tpu.memory_space<vmem>>, vector<1x16xf32>,
      %get3A_841 = vector.shape_cast %get3A_840 : vector<1x16xf32> to vector<16xf32>
      %get3A_842 = arith.constant 7 : i32
      %get3A_843 = arith.index_cast %get3A_842 : i32 to index
      %get3A_844 = arith.constant 0 : index
      %get3A_845 = tpu.vector_load %arg15[%get3A_843, %get3A_844] {strides = array<i32>} : memref<16x128xf32, #tpu.memory_space<vmem>>, vector<1x16xf32>,
      %get3A_846 = vector.shape_cast %get3A_845 : vector<1x16xf32> to vector<16xf32>
      %max3A_847 = arith.maximumf %get3A_841, %get3A_846 : vector<16xf32>
      %get3A_848 = arith.constant 3 : i32
      %get3A_849 = arith.index_cast %get3A_848 : i32 to index
      %get3A_850 = arith.constant 0 : index
      %get3A_851 = tpu.vector_load %arg18[%get3A_849, %get3A_850] {strides = array<i32>} : memref<8x128xf32, #tpu.memory_space<vmem>>, vector<1x16xf32>,
      %get3A_852 = vector.shape_cast %get3A_851 : vector<1x16xf32> to vector<16xf32>
      %max3A_853 = arith.maximumf %max3A_847, %get3A_852 : vector<16xf32>
      %get3A_854 = arith.constant 3 : i32
      %get3A_855 = arith.index_cast %get3A_854 : i32 to index
      %get3A_856 = arith.constant 0 : index
      %get3A_857 = tpu.vector_load %arg19[%get3A_855, %get3A_856] {strides = array<i32>} : memref<8x128xf32, #tpu.memory_space<vmem>>, vector<1x16xf32>,
      %get3A_858 = vector.shape_cast %get3A_857 : vector<1x16xf32> to vector<16xf32>
      %mul3A_859 = arith.mulf %max3A_853, %get3A_858 : vector<16xf32>
      %add3A_860 = arith.addf %broadcast_in_dim3A_836, %mul3A_859 : vector<16xf32>
      %get3A_861 = arith.constant 6 : i32
      %get3A_862 = arith.index_cast %get3A_861 : i32 to index
      %get3A_863 = arith.constant 16 : index
      %get3A_864 = tpu.vector_load %arg15[%get3A_862, %get3A_863] {strides = array<i32>} : memref<16x128xf32, #tpu.memory_space<vmem>>, vector<1x16xf32>,
      %get3A_865 = vector.shape_cast %get3A_864 : vector<1x16xf32> to vector<16xf32>
      %get3A_866 = arith.constant 7 : i32
      %get3A_867 = arith.index_cast %get3A_866 : i32 to index
      %get3A_868 = arith.constant 16 : index
      %get3A_869 = tpu.vector_load %arg15[%get3A_867, %get3A_868] {strides = array<i32>} : memref<16x128xf32, #tpu.memory_space<vmem>>, vector<1x16xf32>,
      %get3A_870 = vector.shape_cast %get3A_869 : vector<1x16xf32> to vector<16xf32>
      %max3A_871 = arith.maximumf %get3A_865, %get3A_870 : vector<16xf32>
      %get3A_872 = arith.constant 3 : i32
      %get3A_873 = arith.index_cast %get3A_872 : i32 to index
      %get3A_874 = arith.constant 16 : index
      %get3A_875 = tpu.vector_load %arg18[%get3A_873, %get3A_874] {strides = array<i32>} : memref<8x128xf32, #tpu.memory_space<vmem>>, vector<1x16xf32>,
      %get3A_876 = vector.shape_cast %get3A_875 : vector<1x16xf32> to vector<16xf32>
      %max3A_877 = arith.maximumf %max3A_871, %get3A_876 : vector<16xf32>
      %get3A_878 = arith.constant 3 : i32
      %get3A_879 = arith.index_cast %get3A_878 : i32 to index
      %get3A_880 = arith.constant 16 : index
      %get3A_881 = tpu.vector_load %arg19[%get3A_879, %get3A_880] {strides = array<i32>} : memref<8x128xf32, #tpu.memory_space<vmem>>, vector<1x16xf32>,
      %get3A_882 = vector.shape_cast %get3A_881 : vector<1x16xf32> to vector<16xf32>
      %mul3A_883 = arith.mulf %max3A_877, %get3A_882 : vector<16xf32>
      %add3A_884 = arith.addf %add3A_860, %mul3A_883 : vector<16xf32>
      %get3A_885 = arith.constant 6 : i32
      %get3A_886 = arith.index_cast %get3A_885 : i32 to index
      %get3A_887 = arith.constant 32 : index
      %get3A_888 = tpu.vector_load %arg15[%get3A_886, %get3A_887] {strides = array<i32>} : memref<16x128xf32, #tpu.memory_space<vmem>>, vector<1x16xf32>,
      %get3A_889 = vector.shape_cast %get3A_888 : vector<1x16xf32> to vector<16xf32>
      %get3A_890 = arith.constant 7 : i32
      %get3A_891 = arith.index_cast %get3A_890 : i32 to index
      %get3A_892 = arith.constant 32 : index
      %get3A_893 = tpu.vector_load %arg15[%get3A_891, %get3A_892] {strides = array<i32>} : memref<16x128xf32, #tpu.memory_space<vmem>>, vector<1x16xf32>,
      %get3A_894 = vector.shape_cast %get3A_893 : vector<1x16xf32> to vector<16xf32>
      %max3A_895 = arith.maximumf %get3A_889, %get3A_894 : vector<16xf32>
      %get3A_896 = arith.constant 3 : i32
      %get3A_897 = arith.index_cast %get3A_896 : i32 to index
      %get3A_898 = arith.constant 32 : index
      %get3A_899 = tpu.vector_load %arg18[%get3A_897, %get3A_898] {strides = array<i32>} : memref<8x128xf32, #tpu.memory_space<vmem>>, vector<1x16xf32>,
      %get3A_900 = vector.shape_cast %get3A_899 : vector<1x16xf32> to vector<16xf32>
      %max3A_901 = arith.maximumf %max3A_895, %get3A_900 : vector<16xf32>
      %get3A_902 = arith.constant 3 : i32
      %get3A_903 = arith.index_cast %get3A_902 : i32 to index
      %get3A_904 = arith.constant 32 : index
      %get3A_905 = tpu.vector_load %arg19[%get3A_903, %get3A_904] {strides = array<i32>} : memref<8x128xf32, #tpu.memory_space<vmem>>, vector<1x16xf32>,
      %get3A_906 = vector.shape_cast %get3A_905 : vector<1x16xf32> to vector<16xf32>
      %mul3A_907 = arith.mulf %max3A_901, %get3A_906 : vector<16xf32>
      %add3A_908 = arith.addf %add3A_884, %mul3A_907 : vector<16xf32>
      %get3A_909 = arith.constant 6 : i32
      %get3A_910 = arith.index_cast %get3A_909 : i32 to index
      %get3A_911 = arith.constant 48 : index
      %get3A_912 = tpu.vector_load %arg15[%get3A_910, %get3A_911] {strides = array<i32>} : memref<16x128xf32, #tpu.memory_space<vmem>>, vector<1x16xf32>,
      %get3A_913 = vector.shape_cast %get3A_912 : vector<1x16xf32> to vector<16xf32>
      %get3A_914 = arith.constant 7 : i32
      %get3A_915 = arith.index_cast %get3A_914 : i32 to index
      %get3A_916 = arith.constant 48 : index
      %get3A_917 = tpu.vector_load %arg15[%get3A_915, %get3A_916] {strides = array<i32>} : memref<16x128xf32, #tpu.memory_space<vmem>>, vector<1x16xf32>,
      %get3A_918 = vector.shape_cast %get3A_917 : vector<1x16xf32> to vector<16xf32>
      %max3A_919 = arith.maximumf %get3A_913, %get3A_918 : vector<16xf32>
      %get3A_920 = arith.constant 3 : i32
      %get3A_921 = arith.index_cast %get3A_920 : i32 to index
      %get3A_922 = arith.constant 48 : index
      %get3A_923 = tpu.vector_load %arg18[%get3A_921, %get3A_922] {strides = array<i32>} : memref<8x128xf32, #tpu.memory_space<vmem>>, vector<1x16xf32>,
      %get3A_924 = vector.shape_cast %get3A_923 : vector<1x16xf32> to vector<16xf32>
      %max3A_925 = arith.maximumf %max3A_919, %get3A_924 : vector<16xf32>
      %get3A_926 = arith.constant 3 : i32
      %get3A_927 = arith.index_cast %get3A_926 : i32 to index
      %get3A_928 = arith.constant 48 : index
      %get3A_929 = tpu.vector_load %arg19[%get3A_927, %get3A_928] {strides = array<i32>} : memref<8x128xf32, #tpu.memory_space<vmem>>, vector<1x16xf32>,
      %get3A_930 = vector.shape_cast %get3A_929 : vector<1x16xf32> to vector<16xf32>
      %mul3A_931 = arith.mulf %max3A_925, %get3A_930 : vector<16xf32>
      %add3A_932 = arith.addf %add3A_908, %mul3A_931 : vector<16xf32>
      %get3A_933 = arith.constant 6 : i32
      %get3A_934 = arith.index_cast %get3A_933 : i32 to index
      %get3A_935 = arith.constant 64 : index
      %get3A_936 = tpu.vector_load %arg15[%get3A_934, %get3A_935] {strides = array<i32>} : memref<16x128xf32, #tpu.memory_space<vmem>>, vector<1x16xf32>,
      %get3A_937 = vector.shape_cast %get3A_936 : vector<1x16xf32> to vector<16xf32>
      %get3A_938 = arith.constant 7 : i32
      %get3A_939 = arith.index_cast %get3A_938 : i32 to index
      %get3A_940 = arith.constant 64 : index
      %get3A_941 = tpu.vector_load %arg15[%get3A_939, %get3A_940] {strides = array<i32>} : memref<16x128xf32, #tpu.memory_space<vmem>>, vector<1x16xf32>,
      %get3A_942 = vector.shape_cast %get3A_941 : vector<1x16xf32> to vector<16xf32>
      %max3A_943 = arith.maximumf %get3A_937, %get3A_942 : vector<16xf32>
      %get3A_944 = arith.constant 3 : i32
      %get3A_945 = arith.index_cast %get3A_944 : i32 to index
      %get3A_946 = arith.constant 64 : index
      %get3A_947 = tpu.vector_load %arg18[%get3A_945, %get3A_946] {strides = array<i32>} : memref<8x128xf32, #tpu.memory_space<vmem>>, vector<1x16xf32>,
      %get3A_948 = vector.shape_cast %get3A_947 : vector<1x16xf32> to vector<16xf32>
      %max3A_949 = arith.maximumf %max3A_943, %get3A_948 : vector<16xf32>
      %get3A_950 = arith.constant 3 : i32
      %get3A_951 = arith.index_cast %get3A_950 : i32 to index
      %get3A_952 = arith.constant 64 : index
      %get3A_953 = tpu.vector_load %arg19[%get3A_951, %get3A_952] {strides = array<i32>} : memref<8x128xf32, #tpu.memory_space<vmem>>, vector<1x16xf32>,
      %get3A_954 = vector.shape_cast %get3A_953 : vector<1x16xf32> to vector<16xf32>
      %mul3A_955 = arith.mulf %max3A_949, %get3A_954 : vector<16xf32>
      %add3A_956 = arith.addf %add3A_932, %mul3A_955 : vector<16xf32>
      %get3A_957 = arith.constant 6 : i32
      %get3A_958 = arith.index_cast %get3A_957 : i32 to index
      %get3A_959 = arith.constant 80 : index
      %get3A_960 = tpu.vector_load %arg15[%get3A_958, %get3A_959] {strides = array<i32>} : memref<16x128xf32, #tpu.memory_space<vmem>>, vector<1x16xf32>,
      %get3A_961 = vector.shape_cast %get3A_960 : vector<1x16xf32> to vector<16xf32>
      %get3A_962 = arith.constant 7 : i32
      %get3A_963 = arith.index_cast %get3A_962 : i32 to index
      %get3A_964 = arith.constant 80 : index
      %get3A_965 = tpu.vector_load %arg15[%get3A_963, %get3A_964] {strides = array<i32>} : memref<16x128xf32, #tpu.memory_space<vmem>>, vector<1x16xf32>,
      %get3A_966 = vector.shape_cast %get3A_965 : vector<1x16xf32> to vector<16xf32>
      %max3A_967 = arith.maximumf %get3A_961, %get3A_966 : vector<16xf32>
      %get3A_968 = arith.constant 3 : i32
      %get3A_969 = arith.index_cast %get3A_968 : i32 to index
      %get3A_970 = arith.constant 80 : index
      %get3A_971 = tpu.vector_load %arg18[%get3A_969, %get3A_970] {strides = array<i32>} : memref<8x128xf32, #tpu.memory_space<vmem>>, vector<1x16xf32>,
      %get3A_972 = vector.shape_cast %get3A_971 : vector<1x16xf32> to vector<16xf32>
      %max3A_973 = arith.maximumf %max3A_967, %get3A_972 : vector<16xf32>
      %get3A_974 = arith.constant 3 : i32
      %get3A_975 = arith.index_cast %get3A_974 : i32 to index
      %get3A_976 = arith.constant 80 : index
      %get3A_977 = tpu.vector_load %arg19[%get3A_975, %get3A_976] {strides = array<i32>} : memref<8x128xf32, #tpu.memory_space<vmem>>, vector<1x16xf32>,
      %get3A_978 = vector.shape_cast %get3A_977 : vector<1x16xf32> to vector<16xf32>
      %mul3A_979 = arith.mulf %max3A_973, %get3A_978 : vector<16xf32>
      %add3A_980 = arith.addf %add3A_956, %mul3A_979 : vector<16xf32>
      %get3A_981 = arith.constant 6 : i32
      %get3A_982 = arith.index_cast %get3A_981 : i32 to index
      %get3A_983 = arith.constant 96 : index
      %get3A_984 = tpu.vector_load %arg15[%get3A_982, %get3A_983] {strides = array<i32>} : memref<16x128xf32, #tpu.memory_space<vmem>>, vector<1x16xf32>,
      %get3A_985 = vector.shape_cast %get3A_984 : vector<1x16xf32> to vector<16xf32>
      %get3A_986 = arith.constant 7 : i32
      %get3A_987 = arith.index_cast %get3A_986 : i32 to index
      %get3A_988 = arith.constant 96 : index
      %get3A_989 = tpu.vector_load %arg15[%get3A_987, %get3A_988] {strides = array<i32>} : memref<16x128xf32, #tpu.memory_space<vmem>>, vector<1x16xf32>,
      %get3A_990 = vector.shape_cast %get3A_989 : vector<1x16xf32> to vector<16xf32>
      %max3A_991 = arith.maximumf %get3A_985, %get3A_990 : vector<16xf32>
      %get3A_992 = arith.constant 3 : i32
      %get3A_993 = arith.index_cast %get3A_992 : i32 to index
      %get3A_994 = arith.constant 96 : index
      %get3A_995 = tpu.vector_load %arg18[%get3A_993, %get3A_994] {strides = array<i32>} : memref<8x128xf32, #tpu.memory_space<vmem>>, vector<1x16xf32>,
      %get3A_996 = vector.shape_cast %get3A_995 : vector<1x16xf32> to vector<16xf32>
      %max3A_997 = arith.maximumf %max3A_991, %get3A_996 : vector<16xf32>
      %get3A_998 = arith.constant 3 : i32
      %get3A_999 = arith.index_cast %get3A_998 : i32 to index
      %get3A_1000 = arith.constant 96 : index
      %get3A_1001 = tpu.vector_load %arg19[%get3A_999, %get3A_1000] {strides = array<i32>} : memref<8x128xf32, #tpu.memory_space<vmem>>, vector<1x16xf32>,
      %get3A_1002 = vector.shape_cast %get3A_1001 : vector<1x16xf32> to vector<16xf32>
      %mul3A_1003 = arith.mulf %max3A_997, %get3A_1002 : vector<16xf32>
      %add3A_1004 = arith.addf %add3A_980, %mul3A_1003 : vector<16xf32>
      %get3A_1005 = arith.constant 6 : i32
      %get3A_1006 = arith.index_cast %get3A_1005 : i32 to index
      %get3A_1007 = arith.constant 112 : index
      %get3A_1008 = tpu.vector_load %arg15[%get3A_1006, %get3A_1007] {strides = array<i32>} : memref<16x128xf32, #tpu.memory_space<vmem>>, vector<1x16xf32>,
      %get3A_1009 = vector.shape_cast %get3A_1008 : vector<1x16xf32> to vector<16xf32>
      %get3A_1010 = arith.constant 7 : i32
      %get3A_1011 = arith.index_cast %get3A_1010 : i32 to index
      %get3A_1012 = arith.constant 112 : index
      %get3A_1013 = tpu.vector_load %arg15[%get3A_1011, %get3A_1012] {strides = array<i32>} : memref<16x128xf32, #tpu.memory_space<vmem>>, vector<1x16xf32>,
      %get3A_1014 = vector.shape_cast %get3A_1013 : vector<1x16xf32> to vector<16xf32>
      %max3A_1015 = arith.maximumf %get3A_1009, %get3A_1014 : vector<16xf32>
      %get3A_1016 = arith.constant 3 : i32
      %get3A_1017 = arith.index_cast %get3A_1016 : i32 to index
      %get3A_1018 = arith.constant 112 : index
      %get3A_1019 = tpu.vector_load %arg18[%get3A_1017, %get3A_1018] {strides = array<i32>} : memref<8x128xf32, #tpu.memory_space<vmem>>, vector<1x16xf32>,
      %get3A_1020 = vector.shape_cast %get3A_1019 : vector<1x16xf32> to vector<16xf32>
      %max3A_1021 = arith.maximumf %max3A_1015, %get3A_1020 : vector<16xf32>
      %get3A_1022 = arith.constant 3 : i32
      %get3A_1023 = arith.index_cast %get3A_1022 : i32 to index
      %get3A_1024 = arith.constant 112 : index
      %get3A_1025 = tpu.vector_load %arg19[%get3A_1023, %get3A_1024] {strides = array<i32>} : memref<8x128xf32, #tpu.memory_space<vmem>>, vector<1x16xf32>,
      %get3A_1026 = vector.shape_cast %get3A_1025 : vector<1x16xf32> to vector<16xf32>
      %mul3A_1027 = arith.mulf %max3A_1021, %get3A_1026 : vector<16xf32>
      %add3A_1028 = arith.addf %add3A_1004, %mul3A_1027 : vector<16xf32>
      %xor3A_1029 = arith.constant 8 : i32
      %xor3A_1030 = vector.broadcast %xor3A_1029 : i32 to vector<16xi32>
      %xor3A_1031 = arith.xori %iota3A, %xor3A_1030 : vector<16xi32>
      %lt3A_1032 = arith.constant 0 : i32
      %lt3A_1033 = vector.broadcast %lt3A_1032 : i32 to vector<16xi32>
      %lt3A_1034 = arith.cmpi slt, %xor3A_1031, %lt3A_1033 : vector<16xi32>
      %add3A_1035 = arith.constant 16 : i32
      %add3A_1036 = vector.broadcast %add3A_1035 : i32 to vector<16xi32>
      %add3A_1037 = arith.addi %xor3A_1031, %add3A_1036 : vector<16xi32>
      %select_n3A_1038 = arith.select %lt3A_1034, %add3A_1037, %xor3A_1031 : vector<16xi1>, vector<16xi32>
      %broadcast_in_dim3A_1039 = vector.shape_cast %select_n3A_1038 : vector<16xi32> to vector<16x1xi32>
      %gather3A_1040 = vector.shape_cast %broadcast_in_dim3A_1039 : vector<16x1xi32> to vector<16xi32>
      %gather3A_1041 = tpu.dynamic_gather %add3A_1028[%gather3A_1040] in [0] : vector<16xf32>, vector<16xi32> -> vector<16xf32>
      %add3A_1042 = arith.addf %add3A_1028, %gather3A_1041 : vector<16xf32>
      %xor3A_1043 = arith.constant 4 : i32
      %xor3A_1044 = vector.broadcast %xor3A_1043 : i32 to vector<16xi32>
      %xor3A_1045 = arith.xori %iota3A, %xor3A_1044 : vector<16xi32>
      %lt3A_1046 = arith.constant 0 : i32
      %lt3A_1047 = vector.broadcast %lt3A_1046 : i32 to vector<16xi32>
      %lt3A_1048 = arith.cmpi slt, %xor3A_1045, %lt3A_1047 : vector<16xi32>
      %add3A_1049 = arith.constant 16 : i32
      %add3A_1050 = vector.broadcast %add3A_1049 : i32 to vector<16xi32>
      %add3A_1051 = arith.addi %xor3A_1045, %add3A_1050 : vector<16xi32>
      %select_n3A_1052 = arith.select %lt3A_1048, %add3A_1051, %xor3A_1045 : vector<16xi1>, vector<16xi32>
      %broadcast_in_dim3A_1053 = vector.shape_cast %select_n3A_1052 : vector<16xi32> to vector<16x1xi32>
      %gather3A_1054 = vector.shape_cast %broadcast_in_dim3A_1053 : vector<16x1xi32> to vector<16xi32>
      %gather3A_1055 = tpu.dynamic_gather %add3A_1042[%gather3A_1054] in [0] : vector<16xf32>, vector<16xi32> -> vector<16xf32>
      %add3A_1056 = arith.addf %add3A_1042, %gather3A_1055 : vector<16xf32>
      %xor3A_1057 = arith.constant 2 : i32
      %xor3A_1058 = vector.broadcast %xor3A_1057 : i32 to vector<16xi32>
      %xor3A_1059 = arith.xori %iota3A, %xor3A_1058 : vector<16xi32>
      %lt3A_1060 = arith.constant 0 : i32
      %lt3A_1061 = vector.broadcast %lt3A_1060 : i32 to vector<16xi32>
      %lt3A_1062 = arith.cmpi slt, %xor3A_1059, %lt3A_1061 : vector<16xi32>
      %add3A_1063 = arith.constant 16 : i32
      %add3A_1064 = vector.broadcast %add3A_1063 : i32 to vector<16xi32>
      %add3A_1065 = arith.addi %xor3A_1059, %add3A_1064 : vector<16xi32>
      %select_n3A_1066 = arith.select %lt3A_1062, %add3A_1065, %xor3A_1059 : vector<16xi1>, vector<16xi32>
      %broadcast_in_dim3A_1067 = vector.shape_cast %select_n3A_1066 : vector<16xi32> to vector<16x1xi32>
      %gather3A_1068 = vector.shape_cast %broadcast_in_dim3A_1067 : vector<16x1xi32> to vector<16xi32>
      %gather3A_1069 = tpu.dynamic_gather %add3A_1056[%gather3A_1068] in [0] : vector<16xf32>, vector<16xi32> -> vector<16xf32>
      %add3A_1070 = arith.addf %add3A_1056, %gather3A_1069 : vector<16xf32>
      %xor3A_1071 = arith.constant 1 : i32
      %xor3A_1072 = vector.broadcast %xor3A_1071 : i32 to vector<16xi32>
      %xor3A_1073 = arith.xori %iota3A, %xor3A_1072 : vector<16xi32>
      %lt3A_1074 = arith.constant 0 : i32
      %lt3A_1075 = vector.broadcast %lt3A_1074 : i32 to vector<16xi32>
      %lt3A_1076 = arith.cmpi slt, %xor3A_1073, %lt3A_1075 : vector<16xi32>
      %add3A_1077 = arith.constant 16 : i32
      %add3A_1078 = vector.broadcast %add3A_1077 : i32 to vector<16xi32>
      %add3A_1079 = arith.addi %xor3A_1073, %add3A_1078 : vector<16xi32>
      %select_n3A_1080 = arith.select %lt3A_1076, %add3A_1079, %xor3A_1073 : vector<16xi1>, vector<16xi32>
      %broadcast_in_dim3A_1081 = vector.shape_cast %select_n3A_1080 : vector<16xi32> to vector<16x1xi32>
      %gather3A_1082 = vector.shape_cast %broadcast_in_dim3A_1081 : vector<16x1xi32> to vector<16xi32>
      %gather3A_1083 = tpu.dynamic_gather %add3A_1070[%gather3A_1082] in [0] : vector<16xf32>, vector<16xi32> -> vector<16xf32>
      %add3A_1084 = arith.addf %add3A_1070, %gather3A_1083 : vector<16xf32>
      %eq3A_1085 = arith.constant 3 : i32
      %eq3A_1086 = vector.broadcast %eq3A_1085 : i32 to vector<16xi32>
      %eq3A_1087 = arith.cmpi eq, %iota3A, %eq3A_1086 : vector<16xi32>
      %select_n3A_1088 = arith.select %eq3A_1087, %add3A_1084, %select_n3A_834 : vector<16xi1>, vector<16xf32>
      %broadcast_in_dim3A_1089 = arith.constant 0.000000e+00 : f32
      %broadcast_in_dim3A_1090 = vector.broadcast %broadcast_in_dim3A_1089 : f32 to vector<16xf32>
      %get3A_1091 = arith.constant 8 : i32
      %get3A_1092 = arith.index_cast %get3A_1091 : i32 to index
      %get3A_1093 = arith.constant 0 : index
      %get3A_1094 = tpu.vector_load %arg15[%get3A_1092, %get3A_1093] {strides = array<i32>} : memref<16x128xf32, #tpu.memory_space<vmem>>, vector<1x16xf32>,
      %get3A_1095 = vector.shape_cast %get3A_1094 : vector<1x16xf32> to vector<16xf32>
      %get3A_1096 = arith.constant 9 : i32
      %get3A_1097 = arith.index_cast %get3A_1096 : i32 to index
      %get3A_1098 = arith.constant 0 : index
      %get3A_1099 = tpu.vector_load %arg15[%get3A_1097, %get3A_1098] {strides = array<i32>} : memref<16x128xf32, #tpu.memory_space<vmem>>, vector<1x16xf32>,
      %get3A_1100 = vector.shape_cast %get3A_1099 : vector<1x16xf32> to vector<16xf32>
      %max3A_1101 = arith.maximumf %get3A_1095, %get3A_1100 : vector<16xf32>
      %get3A_1102 = arith.constant 4 : i32
      %get3A_1103 = arith.index_cast %get3A_1102 : i32 to index
      %get3A_1104 = arith.constant 0 : index
      %get3A_1105 = tpu.vector_load %arg18[%get3A_1103, %get3A_1104] {strides = array<i32>} : memref<8x128xf32, #tpu.memory_space<vmem>>, vector<1x16xf32>,
      %get3A_1106 = vector.shape_cast %get3A_1105 : vector<1x16xf32> to vector<16xf32>
      %max3A_1107 = arith.maximumf %max3A_1101, %get3A_1106 : vector<16xf32>
      %get3A_1108 = arith.constant 4 : i32
      %get3A_1109 = arith.index_cast %get3A_1108 : i32 to index
      %get3A_1110 = arith.constant 0 : index
      %get3A_1111 = tpu.vector_load %arg19[%get3A_1109, %get3A_1110] {strides = array<i32>} : memref<8x128xf32, #tpu.memory_space<vmem>>, vector<1x16xf32>,
      %get3A_1112 = vector.shape_cast %get3A_1111 : vector<1x16xf32> to vector<16xf32>
      %mul3A_1113 = arith.mulf %max3A_1107, %get3A_1112 : vector<16xf32>
      %add3A_1114 = arith.addf %broadcast_in_dim3A_1090, %mul3A_1113 : vector<16xf32>
      %get3A_1115 = arith.constant 8 : i32
      %get3A_1116 = arith.index_cast %get3A_1115 : i32 to index
      %get3A_1117 = arith.constant 16 : index
      %get3A_1118 = tpu.vector_load %arg15[%get3A_1116, %get3A_1117] {strides = array<i32>} : memref<16x128xf32, #tpu.memory_space<vmem>>, vector<1x16xf32>,
      %get3A_1119 = vector.shape_cast %get3A_1118 : vector<1x16xf32> to vector<16xf32>
      %get3A_1120 = arith.constant 9 : i32
      %get3A_1121 = arith.index_cast %get3A_1120 : i32 to index
      %get3A_1122 = arith.constant 16 : index
      %get3A_1123 = tpu.vector_load %arg15[%get3A_1121, %get3A_1122] {strides = array<i32>} : memref<16x128xf32, #tpu.memory_space<vmem>>, vector<1x16xf32>,
      %get3A_1124 = vector.shape_cast %get3A_1123 : vector<1x16xf32> to vector<16xf32>
      %max3A_1125 = arith.maximumf %get3A_1119, %get3A_1124 : vector<16xf32>
      %get3A_1126 = arith.constant 4 : i32
      %get3A_1127 = arith.index_cast %get3A_1126 : i32 to index
      %get3A_1128 = arith.constant 16 : index
      %get3A_1129 = tpu.vector_load %arg18[%get3A_1127, %get3A_1128] {strides = array<i32>} : memref<8x128xf32, #tpu.memory_space<vmem>>, vector<1x16xf32>,
      %get3A_1130 = vector.shape_cast %get3A_1129 : vector<1x16xf32> to vector<16xf32>
      %max3A_1131 = arith.maximumf %max3A_1125, %get3A_1130 : vector<16xf32>
      %get3A_1132 = arith.constant 4 : i32
      %get3A_1133 = arith.index_cast %get3A_1132 : i32 to index
      %get3A_1134 = arith.constant 16 : index
      %get3A_1135 = tpu.vector_load %arg19[%get3A_1133, %get3A_1134] {strides = array<i32>} : memref<8x128xf32, #tpu.memory_space<vmem>>, vector<1x16xf32>,
      %get3A_1136 = vector.shape_cast %get3A_1135 : vector<1x16xf32> to vector<16xf32>
      %mul3A_1137 = arith.mulf %max3A_1131, %get3A_1136 : vector<16xf32>
      %add3A_1138 = arith.addf %add3A_1114, %mul3A_1137 : vector<16xf32>
      %get3A_1139 = arith.constant 8 : i32
      %get3A_1140 = arith.index_cast %get3A_1139 : i32 to index
      %get3A_1141 = arith.constant 32 : index
      %get3A_1142 = tpu.vector_load %arg15[%get3A_1140, %get3A_1141] {strides = array<i32>} : memref<16x128xf32, #tpu.memory_space<vmem>>, vector<1x16xf32>,
      %get3A_1143 = vector.shape_cast %get3A_1142 : vector<1x16xf32> to vector<16xf32>
      %get3A_1144 = arith.constant 9 : i32
      %get3A_1145 = arith.index_cast %get3A_1144 : i32 to index
      %get3A_1146 = arith.constant 32 : index
      %get3A_1147 = tpu.vector_load %arg15[%get3A_1145, %get3A_1146] {strides = array<i32>} : memref<16x128xf32, #tpu.memory_space<vmem>>, vector<1x16xf32>,
      %get3A_1148 = vector.shape_cast %get3A_1147 : vector<1x16xf32> to vector<16xf32>
      %max3A_1149 = arith.maximumf %get3A_1143, %get3A_1148 : vector<16xf32>
      %get3A_1150 = arith.constant 4 : i32
      %get3A_1151 = arith.index_cast %get3A_1150 : i32 to index
      %get3A_1152 = arith.constant 32 : index
      %get3A_1153 = tpu.vector_load %arg18[%get3A_1151, %get3A_1152] {strides = array<i32>} : memref<8x128xf32, #tpu.memory_space<vmem>>, vector<1x16xf32>,
      %get3A_1154 = vector.shape_cast %get3A_1153 : vector<1x16xf32> to vector<16xf32>
      %max3A_1155 = arith.maximumf %max3A_1149, %get3A_1154 : vector<16xf32>
      %get3A_1156 = arith.constant 4 : i32
      %get3A_1157 = arith.index_cast %get3A_1156 : i32 to index
      %get3A_1158 = arith.constant 32 : index
      %get3A_1159 = tpu.vector_load %arg19[%get3A_1157, %get3A_1158] {strides = array<i32>} : memref<8x128xf32, #tpu.memory_space<vmem>>, vector<1x16xf32>,
      %get3A_1160 = vector.shape_cast %get3A_1159 : vector<1x16xf32> to vector<16xf32>
      %mul3A_1161 = arith.mulf %max3A_1155, %get3A_1160 : vector<16xf32>
      %add3A_1162 = arith.addf %add3A_1138, %mul3A_1161 : vector<16xf32>
      %get3A_1163 = arith.constant 8 : i32
      %get3A_1164 = arith.index_cast %get3A_1163 : i32 to index
      %get3A_1165 = arith.constant 48 : index
      %get3A_1166 = tpu.vector_load %arg15[%get3A_1164, %get3A_1165] {strides = array<i32>} : memref<16x128xf32, #tpu.memory_space<vmem>>, vector<1x16xf32>,
      %get3A_1167 = vector.shape_cast %get3A_1166 : vector<1x16xf32> to vector<16xf32>
      %get3A_1168 = arith.constant 9 : i32
      %get3A_1169 = arith.index_cast %get3A_1168 : i32 to index
      %get3A_1170 = arith.constant 48 : index
      %get3A_1171 = tpu.vector_load %arg15[%get3A_1169, %get3A_1170] {strides = array<i32>} : memref<16x128xf32, #tpu.memory_space<vmem>>, vector<1x16xf32>,
      %get3A_1172 = vector.shape_cast %get3A_1171 : vector<1x16xf32> to vector<16xf32>
      %max3A_1173 = arith.maximumf %get3A_1167, %get3A_1172 : vector<16xf32>
      %get3A_1174 = arith.constant 4 : i32
      %get3A_1175 = arith.index_cast %get3A_1174 : i32 to index
      %get3A_1176 = arith.constant 48 : index
      %get3A_1177 = tpu.vector_load %arg18[%get3A_1175, %get3A_1176] {strides = array<i32>} : memref<8x128xf32, #tpu.memory_space<vmem>>, vector<1x16xf32>,
      %get3A_1178 = vector.shape_cast %get3A_1177 : vector<1x16xf32> to vector<16xf32>
      %max3A_1179 = arith.maximumf %max3A_1173, %get3A_1178 : vector<16xf32>
      %get3A_1180 = arith.constant 4 : i32
      %get3A_1181 = arith.index_cast %get3A_1180 : i32 to index
      %get3A_1182 = arith.constant 48 : index
      %get3A_1183 = tpu.vector_load %arg19[%get3A_1181, %get3A_1182] {strides = array<i32>} : memref<8x128xf32, #tpu.memory_space<vmem>>, vector<1x16xf32>,
      %get3A_1184 = vector.shape_cast %get3A_1183 : vector<1x16xf32> to vector<16xf32>
      %mul3A_1185 = arith.mulf %max3A_1179, %get3A_1184 : vector<16xf32>
      %add3A_1186 = arith.addf %add3A_1162, %mul3A_1185 : vector<16xf32>
      %get3A_1187 = arith.constant 8 : i32
      %get3A_1188 = arith.index_cast %get3A_1187 : i32 to index
      %get3A_1189 = arith.constant 64 : index
      %get3A_1190 = tpu.vector_load %arg15[%get3A_1188, %get3A_1189] {strides = array<i32>} : memref<16x128xf32, #tpu.memory_space<vmem>>, vector<1x16xf32>,
      %get3A_1191 = vector.shape_cast %get3A_1190 : vector<1x16xf32> to vector<16xf32>
      %get3A_1192 = arith.constant 9 : i32
      %get3A_1193 = arith.index_cast %get3A_1192 : i32 to index
      %get3A_1194 = arith.constant 64 : index
      %get3A_1195 = tpu.vector_load %arg15[%get3A_1193, %get3A_1194] {strides = array<i32>} : memref<16x128xf32, #tpu.memory_space<vmem>>, vector<1x16xf32>,
      %get3A_1196 = vector.shape_cast %get3A_1195 : vector<1x16xf32> to vector<16xf32>
      %max3A_1197 = arith.maximumf %get3A_1191, %get3A_1196 : vector<16xf32>
      %get3A_1198 = arith.constant 4 : i32
      %get3A_1199 = arith.index_cast %get3A_1198 : i32 to index
      %get3A_1200 = arith.constant 64 : index
      %get3A_1201 = tpu.vector_load %arg18[%get3A_1199, %get3A_1200] {strides = array<i32>} : memref<8x128xf32, #tpu.memory_space<vmem>>, vector<1x16xf32>,
      %get3A_1202 = vector.shape_cast %get3A_1201 : vector<1x16xf32> to vector<16xf32>
      %max3A_1203 = arith.maximumf %max3A_1197, %get3A_1202 : vector<16xf32>
      %get3A_1204 = arith.constant 4 : i32
      %get3A_1205 = arith.index_cast %get3A_1204 : i32 to index
      %get3A_1206 = arith.constant 64 : index
      %get3A_1207 = tpu.vector_load %arg19[%get3A_1205, %get3A_1206] {strides = array<i32>} : memref<8x128xf32, #tpu.memory_space<vmem>>, vector<1x16xf32>,
      %get3A_1208 = vector.shape_cast %get3A_1207 : vector<1x16xf32> to vector<16xf32>
      %mul3A_1209 = arith.mulf %max3A_1203, %get3A_1208 : vector<16xf32>
      %add3A_1210 = arith.addf %add3A_1186, %mul3A_1209 : vector<16xf32>
      %get3A_1211 = arith.constant 8 : i32
      %get3A_1212 = arith.index_cast %get3A_1211 : i32 to index
      %get3A_1213 = arith.constant 80 : index
      %get3A_1214 = tpu.vector_load %arg15[%get3A_1212, %get3A_1213] {strides = array<i32>} : memref<16x128xf32, #tpu.memory_space<vmem>>, vector<1x16xf32>,
      %get3A_1215 = vector.shape_cast %get3A_1214 : vector<1x16xf32> to vector<16xf32>
      %get3A_1216 = arith.constant 9 : i32
      %get3A_1217 = arith.index_cast %get3A_1216 : i32 to index
      %get3A_1218 = arith.constant 80 : index
      %get3A_1219 = tpu.vector_load %arg15[%get3A_1217, %get3A_1218] {strides = array<i32>} : memref<16x128xf32, #tpu.memory_space<vmem>>, vector<1x16xf32>,
      %get3A_1220 = vector.shape_cast %get3A_1219 : vector<1x16xf32> to vector<16xf32>
      %max3A_1221 = arith.maximumf %get3A_1215, %get3A_1220 : vector<16xf32>
      %get3A_1222 = arith.constant 4 : i32
      %get3A_1223 = arith.index_cast %get3A_1222 : i32 to index
      %get3A_1224 = arith.constant 80 : index
      %get3A_1225 = tpu.vector_load %arg18[%get3A_1223, %get3A_1224] {strides = array<i32>} : memref<8x128xf32, #tpu.memory_space<vmem>>, vector<1x16xf32>,
      %get3A_1226 = vector.shape_cast %get3A_1225 : vector<1x16xf32> to vector<16xf32>
      %max3A_1227 = arith.maximumf %max3A_1221, %get3A_1226 : vector<16xf32>
      %get3A_1228 = arith.constant 4 : i32
      %get3A_1229 = arith.index_cast %get3A_1228 : i32 to index
      %get3A_1230 = arith.constant 80 : index
      %get3A_1231 = tpu.vector_load %arg19[%get3A_1229, %get3A_1230] {strides = array<i32>} : memref<8x128xf32, #tpu.memory_space<vmem>>, vector<1x16xf32>,
      %get3A_1232 = vector.shape_cast %get3A_1231 : vector<1x16xf32> to vector<16xf32>
      %mul3A_1233 = arith.mulf %max3A_1227, %get3A_1232 : vector<16xf32>
      %add3A_1234 = arith.addf %add3A_1210, %mul3A_1233 : vector<16xf32>
      %get3A_1235 = arith.constant 8 : i32
      %get3A_1236 = arith.index_cast %get3A_1235 : i32 to index
      %get3A_1237 = arith.constant 96 : index
      %get3A_1238 = tpu.vector_load %arg15[%get3A_1236, %get3A_1237] {strides = array<i32>} : memref<16x128xf32, #tpu.memory_space<vmem>>, vector<1x16xf32>,
      %get3A_1239 = vector.shape_cast %get3A_1238 : vector<1x16xf32> to vector<16xf32>
      %get3A_1240 = arith.constant 9 : i32
      %get3A_1241 = arith.index_cast %get3A_1240 : i32 to index
      %get3A_1242 = arith.constant 96 : index
      %get3A_1243 = tpu.vector_load %arg15[%get3A_1241, %get3A_1242] {strides = array<i32>} : memref<16x128xf32, #tpu.memory_space<vmem>>, vector<1x16xf32>,
      %get3A_1244 = vector.shape_cast %get3A_1243 : vector<1x16xf32> to vector<16xf32>
      %max3A_1245 = arith.maximumf %get3A_1239, %get3A_1244 : vector<16xf32>
      %get3A_1246 = arith.constant 4 : i32
      %get3A_1247 = arith.index_cast %get3A_1246 : i32 to index
      %get3A_1248 = arith.constant 96 : index
      %get3A_1249 = tpu.vector_load %arg18[%get3A_1247, %get3A_1248] {strides = array<i32>} : memref<8x128xf32, #tpu.memory_space<vmem>>, vector<1x16xf32>,
      %get3A_1250 = vector.shape_cast %get3A_1249 : vector<1x16xf32> to vector<16xf32>
      %max3A_1251 = arith.maximumf %max3A_1245, %get3A_1250 : vector<16xf32>
      %get3A_1252 = arith.constant 4 : i32
      %get3A_1253 = arith.index_cast %get3A_1252 : i32 to index
      %get3A_1254 = arith.constant 96 : index
      %get3A_1255 = tpu.vector_load %arg19[%get3A_1253, %get3A_1254] {strides = array<i32>} : memref<8x128xf32, #tpu.memory_space<vmem>>, vector<1x16xf32>,
      %get3A_1256 = vector.shape_cast %get3A_1255 : vector<1x16xf32> to vector<16xf32>
      %mul3A_1257 = arith.mulf %max3A_1251, %get3A_1256 : vector<16xf32>
      %add3A_1258 = arith.addf %add3A_1234, %mul3A_1257 : vector<16xf32>
      %get3A_1259 = arith.constant 8 : i32
      %get3A_1260 = arith.index_cast %get3A_1259 : i32 to index
      %get3A_1261 = arith.constant 112 : index
      %get3A_1262 = tpu.vector_load %arg15[%get3A_1260, %get3A_1261] {strides = array<i32>} : memref<16x128xf32, #tpu.memory_space<vmem>>, vector<1x16xf32>,
      %get3A_1263 = vector.shape_cast %get3A_1262 : vector<1x16xf32> to vector<16xf32>
      %get3A_1264 = arith.constant 9 : i32
      %get3A_1265 = arith.index_cast %get3A_1264 : i32 to index
      %get3A_1266 = arith.constant 112 : index
      %get3A_1267 = tpu.vector_load %arg15[%get3A_1265, %get3A_1266] {strides = array<i32>} : memref<16x128xf32, #tpu.memory_space<vmem>>, vector<1x16xf32>,
      %get3A_1268 = vector.shape_cast %get3A_1267 : vector<1x16xf32> to vector<16xf32>
      %max3A_1269 = arith.maximumf %get3A_1263, %get3A_1268 : vector<16xf32>
      %get3A_1270 = arith.constant 4 : i32
      %get3A_1271 = arith.index_cast %get3A_1270 : i32 to index
      %get3A_1272 = arith.constant 112 : index
      %get3A_1273 = tpu.vector_load %arg18[%get3A_1271, %get3A_1272] {strides = array<i32>} : memref<8x128xf32, #tpu.memory_space<vmem>>, vector<1x16xf32>,
      %get3A_1274 = vector.shape_cast %get3A_1273 : vector<1x16xf32> to vector<16xf32>
      %max3A_1275 = arith.maximumf %max3A_1269, %get3A_1274 : vector<16xf32>
      %get3A_1276 = arith.constant 4 : i32
      %get3A_1277 = arith.index_cast %get3A_1276 : i32 to index
      %get3A_1278 = arith.constant 112 : index
      %get3A_1279 = tpu.vector_load %arg19[%get3A_1277, %get3A_1278] {strides = array<i32>} : memref<8x128xf32, #tpu.memory_space<vmem>>, vector<1x16xf32>,
      %get3A_1280 = vector.shape_cast %get3A_1279 : vector<1x16xf32> to vector<16xf32>
      %mul3A_1281 = arith.mulf %max3A_1275, %get3A_1280 : vector<16xf32>
      %add3A_1282 = arith.addf %add3A_1258, %mul3A_1281 : vector<16xf32>
      %xor3A_1283 = arith.constant 8 : i32
      %xor3A_1284 = vector.broadcast %xor3A_1283 : i32 to vector<16xi32>
      %xor3A_1285 = arith.xori %iota3A, %xor3A_1284 : vector<16xi32>
      %lt3A_1286 = arith.constant 0 : i32
      %lt3A_1287 = vector.broadcast %lt3A_1286 : i32 to vector<16xi32>
      %lt3A_1288 = arith.cmpi slt, %xor3A_1285, %lt3A_1287 : vector<16xi32>
      %add3A_1289 = arith.constant 16 : i32
      %add3A_1290 = vector.broadcast %add3A_1289 : i32 to vector<16xi32>
      %add3A_1291 = arith.addi %xor3A_1285, %add3A_1290 : vector<16xi32>
      %select_n3A_1292 = arith.select %lt3A_1288, %add3A_1291, %xor3A_1285 : vector<16xi1>, vector<16xi32>
      %broadcast_in_dim3A_1293 = vector.shape_cast %select_n3A_1292 : vector<16xi32> to vector<16x1xi32>
      %gather3A_1294 = vector.shape_cast %broadcast_in_dim3A_1293 : vector<16x1xi32> to vector<16xi32>
      %gather3A_1295 = tpu.dynamic_gather %add3A_1282[%gather3A_1294] in [0] : vector<16xf32>, vector<16xi32> -> vector<16xf32>
      %add3A_1296 = arith.addf %add3A_1282, %gather3A_1295 : vector<16xf32>
      %xor3A_1297 = arith.constant 4 : i32
      %xor3A_1298 = vector.broadcast %xor3A_1297 : i32 to vector<16xi32>
      %xor3A_1299 = arith.xori %iota3A, %xor3A_1298 : vector<16xi32>
      %lt3A_1300 = arith.constant 0 : i32
      %lt3A_1301 = vector.broadcast %lt3A_1300 : i32 to vector<16xi32>
      %lt3A_1302 = arith.cmpi slt, %xor3A_1299, %lt3A_1301 : vector<16xi32>
      %add3A_1303 = arith.constant 16 : i32
      %add3A_1304 = vector.broadcast %add3A_1303 : i32 to vector<16xi32>
      %add3A_1305 = arith.addi %xor3A_1299, %add3A_1304 : vector<16xi32>
      %select_n3A_1306 = arith.select %lt3A_1302, %add3A_1305, %xor3A_1299 : vector<16xi1>, vector<16xi32>
      %broadcast_in_dim3A_1307 = vector.shape_cast %select_n3A_1306 : vector<16xi32> to vector<16x1xi32>
      %gather3A_1308 = vector.shape_cast %broadcast_in_dim3A_1307 : vector<16x1xi32> to vector<16xi32>
      %gather3A_1309 = tpu.dynamic_gather %add3A_1296[%gather3A_1308] in [0] : vector<16xf32>, vector<16xi32> -> vector<16xf32>
      %add3A_1310 = arith.addf %add3A_1296, %gather3A_1309 : vector<16xf32>
      %xor3A_1311 = arith.constant 2 : i32
      %xor3A_1312 = vector.broadcast %xor3A_1311 : i32 to vector<16xi32>
      %xor3A_1313 = arith.xori %iota3A, %xor3A_1312 : vector<16xi32>
      %lt3A_1314 = arith.constant 0 : i32
      %lt3A_1315 = vector.broadcast %lt3A_1314 : i32 to vector<16xi32>
      %lt3A_1316 = arith.cmpi slt, %xor3A_1313, %lt3A_1315 : vector<16xi32>
      %add3A_1317 = arith.constant 16 : i32
      %add3A_1318 = vector.broadcast %add3A_1317 : i32 to vector<16xi32>
      %add3A_1319 = arith.addi %xor3A_1313, %add3A_1318 : vector<16xi32>
      %select_n3A_1320 = arith.select %lt3A_1316, %add3A_1319, %xor3A_1313 : vector<16xi1>, vector<16xi32>
      %broadcast_in_dim3A_1321 = vector.shape_cast %select_n3A_1320 : vector<16xi32> to vector<16x1xi32>
      %gather3A_1322 = vector.shape_cast %broadcast_in_dim3A_1321 : vector<16x1xi32> to vector<16xi32>
      %gather3A_1323 = tpu.dynamic_gather %add3A_1310[%gather3A_1322] in [0] : vector<16xf32>, vector<16xi32> -> vector<16xf32>
      %add3A_1324 = arith.addf %add3A_1310, %gather3A_1323 : vector<16xf32>
      %xor3A_1325 = arith.constant 1 : i32
      %xor3A_1326 = vector.broadcast %xor3A_1325 : i32 to vector<16xi32>
      %xor3A_1327 = arith.xori %iota3A, %xor3A_1326 : vector<16xi32>
      %lt3A_1328 = arith.constant 0 : i32
      %lt3A_1329 = vector.broadcast %lt3A_1328 : i32 to vector<16xi32>
      %lt3A_1330 = arith.cmpi slt, %xor3A_1327, %lt3A_1329 : vector<16xi32>
      %add3A_1331 = arith.constant 16 : i32
      %add3A_1332 = vector.broadcast %add3A_1331 : i32 to vector<16xi32>
      %add3A_1333 = arith.addi %xor3A_1327, %add3A_1332 : vector<16xi32>
      %select_n3A_1334 = arith.select %lt3A_1330, %add3A_1333, %xor3A_1327 : vector<16xi1>, vector<16xi32>
      %broadcast_in_dim3A_1335 = vector.shape_cast %select_n3A_1334 : vector<16xi32> to vector<16x1xi32>
      %gather3A_1336 = vector.shape_cast %broadcast_in_dim3A_1335 : vector<16x1xi32> to vector<16xi32>
      %gather3A_1337 = tpu.dynamic_gather %add3A_1324[%gather3A_1336] in [0] : vector<16xf32>, vector<16xi32> -> vector<16xf32>
      %add3A_1338 = arith.addf %add3A_1324, %gather3A_1337 : vector<16xf32>
      %eq3A_1339 = arith.constant 4 : i32
      %eq3A_1340 = vector.broadcast %eq3A_1339 : i32 to vector<16xi32>
      %eq3A_1341 = arith.cmpi eq, %iota3A, %eq3A_1340 : vector<16xi32>
      %select_n3A_1342 = arith.select %eq3A_1341, %add3A_1338, %select_n3A_1088 : vector<16xi1>, vector<16xf32>
      %broadcast_in_dim3A_1343 = arith.constant 0.000000e+00 : f32
      %broadcast_in_dim3A_1344 = vector.broadcast %broadcast_in_dim3A_1343 : f32 to vector<16xf32>
      %get3A_1345 = arith.constant 10 : i32
      %get3A_1346 = arith.index_cast %get3A_1345 : i32 to index
      %get3A_1347 = arith.constant 0 : index
      %get3A_1348 = tpu.vector_load %arg15[%get3A_1346, %get3A_1347] {strides = array<i32>} : memref<16x128xf32, #tpu.memory_space<vmem>>, vector<1x16xf32>,
      %get3A_1349 = vector.shape_cast %get3A_1348 : vector<1x16xf32> to vector<16xf32>
      %get3A_1350 = arith.constant 11 : i32
      %get3A_1351 = arith.index_cast %get3A_1350 : i32 to index
      %get3A_1352 = arith.constant 0 : index
      %get3A_1353 = tpu.vector_load %arg15[%get3A_1351, %get3A_1352] {strides = array<i32>} : memref<16x128xf32, #tpu.memory_space<vmem>>, vector<1x16xf32>,
      %get3A_1354 = vector.shape_cast %get3A_1353 : vector<1x16xf32> to vector<16xf32>
      %max3A_1355 = arith.maximumf %get3A_1349, %get3A_1354 : vector<16xf32>
      %get3A_1356 = arith.constant 5 : i32
      %get3A_1357 = arith.index_cast %get3A_1356 : i32 to index
      %get3A_1358 = arith.constant 0 : index
      %get3A_1359 = tpu.vector_load %arg18[%get3A_1357, %get3A_1358] {strides = array<i32>} : memref<8x128xf32, #tpu.memory_space<vmem>>, vector<1x16xf32>,
      %get3A_1360 = vector.shape_cast %get3A_1359 : vector<1x16xf32> to vector<16xf32>
      %max3A_1361 = arith.maximumf %max3A_1355, %get3A_1360 : vector<16xf32>
      %get3A_1362 = arith.constant 5 : i32
      %get3A_1363 = arith.index_cast %get3A_1362 : i32 to index
      %get3A_1364 = arith.constant 0 : index
      %get3A_1365 = tpu.vector_load %arg19[%get3A_1363, %get3A_1364] {strides = array<i32>} : memref<8x128xf32, #tpu.memory_space<vmem>>, vector<1x16xf32>,
      %get3A_1366 = vector.shape_cast %get3A_1365 : vector<1x16xf32> to vector<16xf32>
      %mul3A_1367 = arith.mulf %max3A_1361, %get3A_1366 : vector<16xf32>
      %add3A_1368 = arith.addf %broadcast_in_dim3A_1344, %mul3A_1367 : vector<16xf32>
      %get3A_1369 = arith.constant 10 : i32
      %get3A_1370 = arith.index_cast %get3A_1369 : i32 to index
      %get3A_1371 = arith.constant 16 : index
      %get3A_1372 = tpu.vector_load %arg15[%get3A_1370, %get3A_1371] {strides = array<i32>} : memref<16x128xf32, #tpu.memory_space<vmem>>, vector<1x16xf32>,
      %get3A_1373 = vector.shape_cast %get3A_1372 : vector<1x16xf32> to vector<16xf32>
      %get3A_1374 = arith.constant 11 : i32
      %get3A_1375 = arith.index_cast %get3A_1374 : i32 to index
      %get3A_1376 = arith.constant 16 : index
      %get3A_1377 = tpu.vector_load %arg15[%get3A_1375, %get3A_1376] {strides = array<i32>} : memref<16x128xf32, #tpu.memory_space<vmem>>, vector<1x16xf32>,
      %get3A_1378 = vector.shape_cast %get3A_1377 : vector<1x16xf32> to vector<16xf32>
      %max3A_1379 = arith.maximumf %get3A_1373, %get3A_1378 : vector<16xf32>
      %get3A_1380 = arith.constant 5 : i32
      %get3A_1381 = arith.index_cast %get3A_1380 : i32 to index
      %get3A_1382 = arith.constant 16 : index
      %get3A_1383 = tpu.vector_load %arg18[%get3A_1381, %get3A_1382] {strides = array<i32>} : memref<8x128xf32, #tpu.memory_space<vmem>>, vector<1x16xf32>,
      %get3A_1384 = vector.shape_cast %get3A_1383 : vector<1x16xf32> to vector<16xf32>
      %max3A_1385 = arith.maximumf %max3A_1379, %get3A_1384 : vector<16xf32>
      %get3A_1386 = arith.constant 5 : i32
      %get3A_1387 = arith.index_cast %get3A_1386 : i32 to index
      %get3A_1388 = arith.constant 16 : index
      %get3A_1389 = tpu.vector_load %arg19[%get3A_1387, %get3A_1388] {strides = array<i32>} : memref<8x128xf32, #tpu.memory_space<vmem>>, vector<1x16xf32>,
      %get3A_1390 = vector.shape_cast %get3A_1389 : vector<1x16xf32> to vector<16xf32>
      %mul3A_1391 = arith.mulf %max3A_1385, %get3A_1390 : vector<16xf32>
      %add3A_1392 = arith.addf %add3A_1368, %mul3A_1391 : vector<16xf32>
      %get3A_1393 = arith.constant 10 : i32
      %get3A_1394 = arith.index_cast %get3A_1393 : i32 to index
      %get3A_1395 = arith.constant 32 : index
      %get3A_1396 = tpu.vector_load %arg15[%get3A_1394, %get3A_1395] {strides = array<i32>} : memref<16x128xf32, #tpu.memory_space<vmem>>, vector<1x16xf32>,
      %get3A_1397 = vector.shape_cast %get3A_1396 : vector<1x16xf32> to vector<16xf32>
      %get3A_1398 = arith.constant 11 : i32
      %get3A_1399 = arith.index_cast %get3A_1398 : i32 to index
      %get3A_1400 = arith.constant 32 : index
      %get3A_1401 = tpu.vector_load %arg15[%get3A_1399, %get3A_1400] {strides = array<i32>} : memref<16x128xf32, #tpu.memory_space<vmem>>, vector<1x16xf32>,
      %get3A_1402 = vector.shape_cast %get3A_1401 : vector<1x16xf32> to vector<16xf32>
      %max3A_1403 = arith.maximumf %get3A_1397, %get3A_1402 : vector<16xf32>
      %get3A_1404 = arith.constant 5 : i32
      %get3A_1405 = arith.index_cast %get3A_1404 : i32 to index
      %get3A_1406 = arith.constant 32 : index
      %get3A_1407 = tpu.vector_load %arg18[%get3A_1405, %get3A_1406] {strides = array<i32>} : memref<8x128xf32, #tpu.memory_space<vmem>>, vector<1x16xf32>,
      %get3A_1408 = vector.shape_cast %get3A_1407 : vector<1x16xf32> to vector<16xf32>
      %max3A_1409 = arith.maximumf %max3A_1403, %get3A_1408 : vector<16xf32>
      %get3A_1410 = arith.constant 5 : i32
      %get3A_1411 = arith.index_cast %get3A_1410 : i32 to index
      %get3A_1412 = arith.constant 32 : index
      %get3A_1413 = tpu.vector_load %arg19[%get3A_1411, %get3A_1412] {strides = array<i32>} : memref<8x128xf32, #tpu.memory_space<vmem>>, vector<1x16xf32>,
      %get3A_1414 = vector.shape_cast %get3A_1413 : vector<1x16xf32> to vector<16xf32>
      %mul3A_1415 = arith.mulf %max3A_1409, %get3A_1414 : vector<16xf32>
      %add3A_1416 = arith.addf %add3A_1392, %mul3A_1415 : vector<16xf32>
      %get3A_1417 = arith.constant 10 : i32
      %get3A_1418 = arith.index_cast %get3A_1417 : i32 to index
      %get3A_1419 = arith.constant 48 : index
      %get3A_1420 = tpu.vector_load %arg15[%get3A_1418, %get3A_1419] {strides = array<i32>} : memref<16x128xf32, #tpu.memory_space<vmem>>, vector<1x16xf32>,
      %get3A_1421 = vector.shape_cast %get3A_1420 : vector<1x16xf32> to vector<16xf32>
      %get3A_1422 = arith.constant 11 : i32
      %get3A_1423 = arith.index_cast %get3A_1422 : i32 to index
      %get3A_1424 = arith.constant 48 : index
      %get3A_1425 = tpu.vector_load %arg15[%get3A_1423, %get3A_1424] {strides = array<i32>} : memref<16x128xf32, #tpu.memory_space<vmem>>, vector<1x16xf32>,
      %get3A_1426 = vector.shape_cast %get3A_1425 : vector<1x16xf32> to vector<16xf32>
      %max3A_1427 = arith.maximumf %get3A_1421, %get3A_1426 : vector<16xf32>
      %get3A_1428 = arith.constant 5 : i32
      %get3A_1429 = arith.index_cast %get3A_1428 : i32 to index
      %get3A_1430 = arith.constant 48 : index
      %get3A_1431 = tpu.vector_load %arg18[%get3A_1429, %get3A_1430] {strides = array<i32>} : memref<8x128xf32, #tpu.memory_space<vmem>>, vector<1x16xf32>,
      %get3A_1432 = vector.shape_cast %get3A_1431 : vector<1x16xf32> to vector<16xf32>
      %max3A_1433 = arith.maximumf %max3A_1427, %get3A_1432 : vector<16xf32>
      %get3A_1434 = arith.constant 5 : i32
      %get3A_1435 = arith.index_cast %get3A_1434 : i32 to index
      %get3A_1436 = arith.constant 48 : index
      %get3A_1437 = tpu.vector_load %arg19[%get3A_1435, %get3A_1436] {strides = array<i32>} : memref<8x128xf32, #tpu.memory_space<vmem>>, vector<1x16xf32>,
      %get3A_1438 = vector.shape_cast %get3A_1437 : vector<1x16xf32> to vector<16xf32>
      %mul3A_1439 = arith.mulf %max3A_1433, %get3A_1438 : vector<16xf32>
      %add3A_1440 = arith.addf %add3A_1416, %mul3A_1439 : vector<16xf32>
      %get3A_1441 = arith.constant 10 : i32
      %get3A_1442 = arith.index_cast %get3A_1441 : i32 to index
      %get3A_1443 = arith.constant 64 : index
      %get3A_1444 = tpu.vector_load %arg15[%get3A_1442, %get3A_1443] {strides = array<i32>} : memref<16x128xf32, #tpu.memory_space<vmem>>, vector<1x16xf32>,
      %get3A_1445 = vector.shape_cast %get3A_1444 : vector<1x16xf32> to vector<16xf32>
      %get3A_1446 = arith.constant 11 : i32
      %get3A_1447 = arith.index_cast %get3A_1446 : i32 to index
      %get3A_1448 = arith.constant 64 : index
      %get3A_1449 = tpu.vector_load %arg15[%get3A_1447, %get3A_1448] {strides = array<i32>} : memref<16x128xf32, #tpu.memory_space<vmem>>, vector<1x16xf32>,
      %get3A_1450 = vector.shape_cast %get3A_1449 : vector<1x16xf32> to vector<16xf32>
      %max3A_1451 = arith.maximumf %get3A_1445, %get3A_1450 : vector<16xf32>
      %get3A_1452 = arith.constant 5 : i32
      %get3A_1453 = arith.index_cast %get3A_1452 : i32 to index
      %get3A_1454 = arith.constant 64 : index
      %get3A_1455 = tpu.vector_load %arg18[%get3A_1453, %get3A_1454] {strides = array<i32>} : memref<8x128xf32, #tpu.memory_space<vmem>>, vector<1x16xf32>,
      %get3A_1456 = vector.shape_cast %get3A_1455 : vector<1x16xf32> to vector<16xf32>
      %max3A_1457 = arith.maximumf %max3A_1451, %get3A_1456 : vector<16xf32>
      %get3A_1458 = arith.constant 5 : i32
      %get3A_1459 = arith.index_cast %get3A_1458 : i32 to index
      %get3A_1460 = arith.constant 64 : index
      %get3A_1461 = tpu.vector_load %arg19[%get3A_1459, %get3A_1460] {strides = array<i32>} : memref<8x128xf32, #tpu.memory_space<vmem>>, vector<1x16xf32>,
      %get3A_1462 = vector.shape_cast %get3A_1461 : vector<1x16xf32> to vector<16xf32>
      %mul3A_1463 = arith.mulf %max3A_1457, %get3A_1462 : vector<16xf32>
      %add3A_1464 = arith.addf %add3A_1440, %mul3A_1463 : vector<16xf32>
      %get3A_1465 = arith.constant 10 : i32
      %get3A_1466 = arith.index_cast %get3A_1465 : i32 to index
      %get3A_1467 = arith.constant 80 : index
      %get3A_1468 = tpu.vector_load %arg15[%get3A_1466, %get3A_1467] {strides = array<i32>} : memref<16x128xf32, #tpu.memory_space<vmem>>, vector<1x16xf32>,
      %get3A_1469 = vector.shape_cast %get3A_1468 : vector<1x16xf32> to vector<16xf32>
      %get3A_1470 = arith.constant 11 : i32
      %get3A_1471 = arith.index_cast %get3A_1470 : i32 to index
      %get3A_1472 = arith.constant 80 : index
      %get3A_1473 = tpu.vector_load %arg15[%get3A_1471, %get3A_1472] {strides = array<i32>} : memref<16x128xf32, #tpu.memory_space<vmem>>, vector<1x16xf32>,
      %get3A_1474 = vector.shape_cast %get3A_1473 : vector<1x16xf32> to vector<16xf32>
      %max3A_1475 = arith.maximumf %get3A_1469, %get3A_1474 : vector<16xf32>
      %get3A_1476 = arith.constant 5 : i32
      %get3A_1477 = arith.index_cast %get3A_1476 : i32 to index
      %get3A_1478 = arith.constant 80 : index
      %get3A_1479 = tpu.vector_load %arg18[%get3A_1477, %get3A_1478] {strides = array<i32>} : memref<8x128xf32, #tpu.memory_space<vmem>>, vector<1x16xf32>,
      %get3A_1480 = vector.shape_cast %get3A_1479 : vector<1x16xf32> to vector<16xf32>
      %max3A_1481 = arith.maximumf %max3A_1475, %get3A_1480 : vector<16xf32>
      %get3A_1482 = arith.constant 5 : i32
      %get3A_1483 = arith.index_cast %get3A_1482 : i32 to index
      %get3A_1484 = arith.constant 80 : index
      %get3A_1485 = tpu.vector_load %arg19[%get3A_1483, %get3A_1484] {strides = array<i32>} : memref<8x128xf32, #tpu.memory_space<vmem>>, vector<1x16xf32>,
      %get3A_1486 = vector.shape_cast %get3A_1485 : vector<1x16xf32> to vector<16xf32>
      %mul3A_1487 = arith.mulf %max3A_1481, %get3A_1486 : vector<16xf32>
      %add3A_1488 = arith.addf %add3A_1464, %mul3A_1487 : vector<16xf32>
      %get3A_1489 = arith.constant 10 : i32
      %get3A_1490 = arith.index_cast %get3A_1489 : i32 to index
      %get3A_1491 = arith.constant 96 : index
      %get3A_1492 = tpu.vector_load %arg15[%get3A_1490, %get3A_1491] {strides = array<i32>} : memref<16x128xf32, #tpu.memory_space<vmem>>, vector<1x16xf32>,
      %get3A_1493 = vector.shape_cast %get3A_1492 : vector<1x16xf32> to vector<16xf32>
      %get3A_1494 = arith.constant 11 : i32
      %get3A_1495 = arith.index_cast %get3A_1494 : i32 to index
      %get3A_1496 = arith.constant 96 : index
      %get3A_1497 = tpu.vector_load %arg15[%get3A_1495, %get3A_1496] {strides = array<i32>} : memref<16x128xf32, #tpu.memory_space<vmem>>, vector<1x16xf32>,
      %get3A_1498 = vector.shape_cast %get3A_1497 : vector<1x16xf32> to vector<16xf32>
      %max3A_1499 = arith.maximumf %get3A_1493, %get3A_1498 : vector<16xf32>
      %get3A_1500 = arith.constant 5 : i32
      %get3A_1501 = arith.index_cast %get3A_1500 : i32 to index
      %get3A_1502 = arith.constant 96 : index
      %get3A_1503 = tpu.vector_load %arg18[%get3A_1501, %get3A_1502] {strides = array<i32>} : memref<8x128xf32, #tpu.memory_space<vmem>>, vector<1x16xf32>,
      %get3A_1504 = vector.shape_cast %get3A_1503 : vector<1x16xf32> to vector<16xf32>
      %max3A_1505 = arith.maximumf %max3A_1499, %get3A_1504 : vector<16xf32>
      %get3A_1506 = arith.constant 5 : i32
      %get3A_1507 = arith.index_cast %get3A_1506 : i32 to index
      %get3A_1508 = arith.constant 96 : index
      %get3A_1509 = tpu.vector_load %arg19[%get3A_1507, %get3A_1508] {strides = array<i32>} : memref<8x128xf32, #tpu.memory_space<vmem>>, vector<1x16xf32>,
      %get3A_1510 = vector.shape_cast %get3A_1509 : vector<1x16xf32> to vector<16xf32>
      %mul3A_1511 = arith.mulf %max3A_1505, %get3A_1510 : vector<16xf32>
      %add3A_1512 = arith.addf %add3A_1488, %mul3A_1511 : vector<16xf32>
      %get3A_1513 = arith.constant 10 : i32
      %get3A_1514 = arith.index_cast %get3A_1513 : i32 to index
      %get3A_1515 = arith.constant 112 : index
      %get3A_1516 = tpu.vector_load %arg15[%get3A_1514, %get3A_1515] {strides = array<i32>} : memref<16x128xf32, #tpu.memory_space<vmem>>, vector<1x16xf32>,
      %get3A_1517 = vector.shape_cast %get3A_1516 : vector<1x16xf32> to vector<16xf32>
      %get3A_1518 = arith.constant 11 : i32
      %get3A_1519 = arith.index_cast %get3A_1518 : i32 to index
      %get3A_1520 = arith.constant 112 : index
      %get3A_1521 = tpu.vector_load %arg15[%get3A_1519, %get3A_1520] {strides = array<i32>} : memref<16x128xf32, #tpu.memory_space<vmem>>, vector<1x16xf32>,
      %get3A_1522 = vector.shape_cast %get3A_1521 : vector<1x16xf32> to vector<16xf32>
      %max3A_1523 = arith.maximumf %get3A_1517, %get3A_1522 : vector<16xf32>
      %get3A_1524 = arith.constant 5 : i32
      %get3A_1525 = arith.index_cast %get3A_1524 : i32 to index
      %get3A_1526 = arith.constant 112 : index
      %get3A_1527 = tpu.vector_load %arg18[%get3A_1525, %get3A_1526] {strides = array<i32>} : memref<8x128xf32, #tpu.memory_space<vmem>>, vector<1x16xf32>,
      %get3A_1528 = vector.shape_cast %get3A_1527 : vector<1x16xf32> to vector<16xf32>
      %max3A_1529 = arith.maximumf %max3A_1523, %get3A_1528 : vector<16xf32>
      %get3A_1530 = arith.constant 5 : i32
      %get3A_1531 = arith.index_cast %get3A_1530 : i32 to index
      %get3A_1532 = arith.constant 112 : index
      %get3A_1533 = tpu.vector_load %arg19[%get3A_1531, %get3A_1532] {strides = array<i32>} : memref<8x128xf32, #tpu.memory_space<vmem>>, vector<1x16xf32>,
      %get3A_1534 = vector.shape_cast %get3A_1533 : vector<1x16xf32> to vector<16xf32>
      %mul3A_1535 = arith.mulf %max3A_1529, %get3A_1534 : vector<16xf32>
      %add3A_1536 = arith.addf %add3A_1512, %mul3A_1535 : vector<16xf32>
      %xor3A_1537 = arith.constant 8 : i32
      %xor3A_1538 = vector.broadcast %xor3A_1537 : i32 to vector<16xi32>
      %xor3A_1539 = arith.xori %iota3A, %xor3A_1538 : vector<16xi32>
      %lt3A_1540 = arith.constant 0 : i32
      %lt3A_1541 = vector.broadcast %lt3A_1540 : i32 to vector<16xi32>
      %lt3A_1542 = arith.cmpi slt, %xor3A_1539, %lt3A_1541 : vector<16xi32>
      %add3A_1543 = arith.constant 16 : i32
      %add3A_1544 = vector.broadcast %add3A_1543 : i32 to vector<16xi32>
      %add3A_1545 = arith.addi %xor3A_1539, %add3A_1544 : vector<16xi32>
      %select_n3A_1546 = arith.select %lt3A_1542, %add3A_1545, %xor3A_1539 : vector<16xi1>, vector<16xi32>
      %broadcast_in_dim3A_1547 = vector.shape_cast %select_n3A_1546 : vector<16xi32> to vector<16x1xi32>
      %gather3A_1548 = vector.shape_cast %broadcast_in_dim3A_1547 : vector<16x1xi32> to vector<16xi32>
      %gather3A_1549 = tpu.dynamic_gather %add3A_1536[%gather3A_1548] in [0] : vector<16xf32>, vector<16xi32> -> vector<16xf32>
      %add3A_1550 = arith.addf %add3A_1536, %gather3A_1549 : vector<16xf32>
      %xor3A_1551 = arith.constant 4 : i32
      %xor3A_1552 = vector.broadcast %xor3A_1551 : i32 to vector<16xi32>
      %xor3A_1553 = arith.xori %iota3A, %xor3A_1552 : vector<16xi32>
      %lt3A_1554 = arith.constant 0 : i32
      %lt3A_1555 = vector.broadcast %lt3A_1554 : i32 to vector<16xi32>
      %lt3A_1556 = arith.cmpi slt, %xor3A_1553, %lt3A_1555 : vector<16xi32>
      %add3A_1557 = arith.constant 16 : i32
      %add3A_1558 = vector.broadcast %add3A_1557 : i32 to vector<16xi32>
      %add3A_1559 = arith.addi %xor3A_1553, %add3A_1558 : vector<16xi32>
      %select_n3A_1560 = arith.select %lt3A_1556, %add3A_1559, %xor3A_1553 : vector<16xi1>, vector<16xi32>
      %broadcast_in_dim3A_1561 = vector.shape_cast %select_n3A_1560 : vector<16xi32> to vector<16x1xi32>
      %gather3A_1562 = vector.shape_cast %broadcast_in_dim3A_1561 : vector<16x1xi32> to vector<16xi32>
      %gather3A_1563 = tpu.dynamic_gather %add3A_1550[%gather3A_1562] in [0] : vector<16xf32>, vector<16xi32> -> vector<16xf32>
      %add3A_1564 = arith.addf %add3A_1550, %gather3A_1563 : vector<16xf32>
      %xor3A_1565 = arith.constant 2 : i32
      %xor3A_1566 = vector.broadcast %xor3A_1565 : i32 to vector<16xi32>
      %xor3A_1567 = arith.xori %iota3A, %xor3A_1566 : vector<16xi32>
      %lt3A_1568 = arith.constant 0 : i32
      %lt3A_1569 = vector.broadcast %lt3A_1568 : i32 to vector<16xi32>
      %lt3A_1570 = arith.cmpi slt, %xor3A_1567, %lt3A_1569 : vector<16xi32>
      %add3A_1571 = arith.constant 16 : i32
      %add3A_1572 = vector.broadcast %add3A_1571 : i32 to vector<16xi32>
      %add3A_1573 = arith.addi %xor3A_1567, %add3A_1572 : vector<16xi32>
      %select_n3A_1574 = arith.select %lt3A_1570, %add3A_1573, %xor3A_1567 : vector<16xi1>, vector<16xi32>
      %broadcast_in_dim3A_1575 = vector.shape_cast %select_n3A_1574 : vector<16xi32> to vector<16x1xi32>
      %gather3A_1576 = vector.shape_cast %broadcast_in_dim3A_1575 : vector<16x1xi32> to vector<16xi32>
      %gather3A_1577 = tpu.dynamic_gather %add3A_1564[%gather3A_1576] in [0] : vector<16xf32>, vector<16xi32> -> vector<16xf32>
      %add3A_1578 = arith.addf %add3A_1564, %gather3A_1577 : vector<16xf32>
      %xor3A_1579 = arith.constant 1 : i32
      %xor3A_1580 = vector.broadcast %xor3A_1579 : i32 to vector<16xi32>
      %xor3A_1581 = arith.xori %iota3A, %xor3A_1580 : vector<16xi32>
      %lt3A_1582 = arith.constant 0 : i32
      %lt3A_1583 = vector.broadcast %lt3A_1582 : i32 to vector<16xi32>
      %lt3A_1584 = arith.cmpi slt, %xor3A_1581, %lt3A_1583 : vector<16xi32>
      %add3A_1585 = arith.constant 16 : i32
      %add3A_1586 = vector.broadcast %add3A_1585 : i32 to vector<16xi32>
      %add3A_1587 = arith.addi %xor3A_1581, %add3A_1586 : vector<16xi32>
      %select_n3A_1588 = arith.select %lt3A_1584, %add3A_1587, %xor3A_1581 : vector<16xi1>, vector<16xi32>
      %broadcast_in_dim3A_1589 = vector.shape_cast %select_n3A_1588 : vector<16xi32> to vector<16x1xi32>
      %gather3A_1590 = vector.shape_cast %broadcast_in_dim3A_1589 : vector<16x1xi32> to vector<16xi32>
      %gather3A_1591 = tpu.dynamic_gather %add3A_1578[%gather3A_1590] in [0] : vector<16xf32>, vector<16xi32> -> vector<16xf32>
      %add3A_1592 = arith.addf %add3A_1578, %gather3A_1591 : vector<16xf32>
      %eq3A_1593 = arith.constant 5 : i32
      %eq3A_1594 = vector.broadcast %eq3A_1593 : i32 to vector<16xi32>
      %eq3A_1595 = arith.cmpi eq, %iota3A, %eq3A_1594 : vector<16xi32>
      %select_n3A_1596 = arith.select %eq3A_1595, %add3A_1592, %select_n3A_1342 : vector<16xi1>, vector<16xf32>
      %broadcast_in_dim3A_1597 = arith.constant 0.000000e+00 : f32
      %broadcast_in_dim3A_1598 = vector.broadcast %broadcast_in_dim3A_1597 : f32 to vector<16xf32>
      %get3A_1599 = arith.constant 12 : i32
      %get3A_1600 = arith.index_cast %get3A_1599 : i32 to index
      %get3A_1601 = arith.constant 0 : index
      %get3A_1602 = tpu.vector_load %arg15[%get3A_1600, %get3A_1601] {strides = array<i32>} : memref<16x128xf32, #tpu.memory_space<vmem>>, vector<1x16xf32>,
      %get3A_1603 = vector.shape_cast %get3A_1602 : vector<1x16xf32> to vector<16xf32>
      %get3A_1604 = arith.constant 13 : i32
      %get3A_1605 = arith.index_cast %get3A_1604 : i32 to index
      %get3A_1606 = arith.constant 0 : index
      %get3A_1607 = tpu.vector_load %arg15[%get3A_1605, %get3A_1606] {strides = array<i32>} : memref<16x128xf32, #tpu.memory_space<vmem>>, vector<1x16xf32>,
      %get3A_1608 = vector.shape_cast %get3A_1607 : vector<1x16xf32> to vector<16xf32>
      %max3A_1609 = arith.maximumf %get3A_1603, %get3A_1608 : vector<16xf32>
      %get3A_1610 = arith.constant 6 : i32
      %get3A_1611 = arith.index_cast %get3A_1610 : i32 to index
      %get3A_1612 = arith.constant 0 : index
      %get3A_1613 = tpu.vector_load %arg18[%get3A_1611, %get3A_1612] {strides = array<i32>} : memref<8x128xf32, #tpu.memory_space<vmem>>, vector<1x16xf32>,
      %get3A_1614 = vector.shape_cast %get3A_1613 : vector<1x16xf32> to vector<16xf32>
      %max3A_1615 = arith.maximumf %max3A_1609, %get3A_1614 : vector<16xf32>
      %get3A_1616 = arith.constant 6 : i32
      %get3A_1617 = arith.index_cast %get3A_1616 : i32 to index
      %get3A_1618 = arith.constant 0 : index
      %get3A_1619 = tpu.vector_load %arg19[%get3A_1617, %get3A_1618] {strides = array<i32>} : memref<8x128xf32, #tpu.memory_space<vmem>>, vector<1x16xf32>,
      %get3A_1620 = vector.shape_cast %get3A_1619 : vector<1x16xf32> to vector<16xf32>
      %mul3A_1621 = arith.mulf %max3A_1615, %get3A_1620 : vector<16xf32>
      %add3A_1622 = arith.addf %broadcast_in_dim3A_1598, %mul3A_1621 : vector<16xf32>
      %get3A_1623 = arith.constant 12 : i32
      %get3A_1624 = arith.index_cast %get3A_1623 : i32 to index
      %get3A_1625 = arith.constant 16 : index
      %get3A_1626 = tpu.vector_load %arg15[%get3A_1624, %get3A_1625] {strides = array<i32>} : memref<16x128xf32, #tpu.memory_space<vmem>>, vector<1x16xf32>,
      %get3A_1627 = vector.shape_cast %get3A_1626 : vector<1x16xf32> to vector<16xf32>
      %get3A_1628 = arith.constant 13 : i32
      %get3A_1629 = arith.index_cast %get3A_1628 : i32 to index
      %get3A_1630 = arith.constant 16 : index
      %get3A_1631 = tpu.vector_load %arg15[%get3A_1629, %get3A_1630] {strides = array<i32>} : memref<16x128xf32, #tpu.memory_space<vmem>>, vector<1x16xf32>,
      %get3A_1632 = vector.shape_cast %get3A_1631 : vector<1x16xf32> to vector<16xf32>
      %max3A_1633 = arith.maximumf %get3A_1627, %get3A_1632 : vector<16xf32>
      %get3A_1634 = arith.constant 6 : i32
      %get3A_1635 = arith.index_cast %get3A_1634 : i32 to index
      %get3A_1636 = arith.constant 16 : index
      %get3A_1637 = tpu.vector_load %arg18[%get3A_1635, %get3A_1636] {strides = array<i32>} : memref<8x128xf32, #tpu.memory_space<vmem>>, vector<1x16xf32>,
      %get3A_1638 = vector.shape_cast %get3A_1637 : vector<1x16xf32> to vector<16xf32>
      %max3A_1639 = arith.maximumf %max3A_1633, %get3A_1638 : vector<16xf32>
      %get3A_1640 = arith.constant 6 : i32
      %get3A_1641 = arith.index_cast %get3A_1640 : i32 to index
      %get3A_1642 = arith.constant 16 : index
      %get3A_1643 = tpu.vector_load %arg19[%get3A_1641, %get3A_1642] {strides = array<i32>} : memref<8x128xf32, #tpu.memory_space<vmem>>, vector<1x16xf32>,
      %get3A_1644 = vector.shape_cast %get3A_1643 : vector<1x16xf32> to vector<16xf32>
      %mul3A_1645 = arith.mulf %max3A_1639, %get3A_1644 : vector<16xf32>
      %add3A_1646 = arith.addf %add3A_1622, %mul3A_1645 : vector<16xf32>
      %get3A_1647 = arith.constant 12 : i32
      %get3A_1648 = arith.index_cast %get3A_1647 : i32 to index
      %get3A_1649 = arith.constant 32 : index
      %get3A_1650 = tpu.vector_load %arg15[%get3A_1648, %get3A_1649] {strides = array<i32>} : memref<16x128xf32, #tpu.memory_space<vmem>>, vector<1x16xf32>,
      %get3A_1651 = vector.shape_cast %get3A_1650 : vector<1x16xf32> to vector<16xf32>
      %get3A_1652 = arith.constant 13 : i32
      %get3A_1653 = arith.index_cast %get3A_1652 : i32 to index
      %get3A_1654 = arith.constant 32 : index
      %get3A_1655 = tpu.vector_load %arg15[%get3A_1653, %get3A_1654] {strides = array<i32>} : memref<16x128xf32, #tpu.memory_space<vmem>>, vector<1x16xf32>,
      %get3A_1656 = vector.shape_cast %get3A_1655 : vector<1x16xf32> to vector<16xf32>
      %max3A_1657 = arith.maximumf %get3A_1651, %get3A_1656 : vector<16xf32>
      %get3A_1658 = arith.constant 6 : i32
      %get3A_1659 = arith.index_cast %get3A_1658 : i32 to index
      %get3A_1660 = arith.constant 32 : index
      %get3A_1661 = tpu.vector_load %arg18[%get3A_1659, %get3A_1660] {strides = array<i32>} : memref<8x128xf32, #tpu.memory_space<vmem>>, vector<1x16xf32>,
      %get3A_1662 = vector.shape_cast %get3A_1661 : vector<1x16xf32> to vector<16xf32>
      %max3A_1663 = arith.maximumf %max3A_1657, %get3A_1662 : vector<16xf32>
      %get3A_1664 = arith.constant 6 : i32
      %get3A_1665 = arith.index_cast %get3A_1664 : i32 to index
      %get3A_1666 = arith.constant 32 : index
      %get3A_1667 = tpu.vector_load %arg19[%get3A_1665, %get3A_1666] {strides = array<i32>} : memref<8x128xf32, #tpu.memory_space<vmem>>, vector<1x16xf32>,
      %get3A_1668 = vector.shape_cast %get3A_1667 : vector<1x16xf32> to vector<16xf32>
      %mul3A_1669 = arith.mulf %max3A_1663, %get3A_1668 : vector<16xf32>
      %add3A_1670 = arith.addf %add3A_1646, %mul3A_1669 : vector<16xf32>
      %get3A_1671 = arith.constant 12 : i32
      %get3A_1672 = arith.index_cast %get3A_1671 : i32 to index
      %get3A_1673 = arith.constant 48 : index
      %get3A_1674 = tpu.vector_load %arg15[%get3A_1672, %get3A_1673] {strides = array<i32>} : memref<16x128xf32, #tpu.memory_space<vmem>>, vector<1x16xf32>,
      %get3A_1675 = vector.shape_cast %get3A_1674 : vector<1x16xf32> to vector<16xf32>
      %get3A_1676 = arith.constant 13 : i32
      %get3A_1677 = arith.index_cast %get3A_1676 : i32 to index
      %get3A_1678 = arith.constant 48 : index
      %get3A_1679 = tpu.vector_load %arg15[%get3A_1677, %get3A_1678] {strides = array<i32>} : memref<16x128xf32, #tpu.memory_space<vmem>>, vector<1x16xf32>,
      %get3A_1680 = vector.shape_cast %get3A_1679 : vector<1x16xf32> to vector<16xf32>
      %max3A_1681 = arith.maximumf %get3A_1675, %get3A_1680 : vector<16xf32>
      %get3A_1682 = arith.constant 6 : i32
      %get3A_1683 = arith.index_cast %get3A_1682 : i32 to index
      %get3A_1684 = arith.constant 48 : index
      %get3A_1685 = tpu.vector_load %arg18[%get3A_1683, %get3A_1684] {strides = array<i32>} : memref<8x128xf32, #tpu.memory_space<vmem>>, vector<1x16xf32>,
      %get3A_1686 = vector.shape_cast %get3A_1685 : vector<1x16xf32> to vector<16xf32>
      %max3A_1687 = arith.maximumf %max3A_1681, %get3A_1686 : vector<16xf32>
      %get3A_1688 = arith.constant 6 : i32
      %get3A_1689 = arith.index_cast %get3A_1688 : i32 to index
      %get3A_1690 = arith.constant 48 : index
      %get3A_1691 = tpu.vector_load %arg19[%get3A_1689, %get3A_1690] {strides = array<i32>} : memref<8x128xf32, #tpu.memory_space<vmem>>, vector<1x16xf32>,
      %get3A_1692 = vector.shape_cast %get3A_1691 : vector<1x16xf32> to vector<16xf32>
      %mul3A_1693 = arith.mulf %max3A_1687, %get3A_1692 : vector<16xf32>
      %add3A_1694 = arith.addf %add3A_1670, %mul3A_1693 : vector<16xf32>
      %get3A_1695 = arith.constant 12 : i32
      %get3A_1696 = arith.index_cast %get3A_1695 : i32 to index
      %get3A_1697 = arith.constant 64 : index
      %get3A_1698 = tpu.vector_load %arg15[%get3A_1696, %get3A_1697] {strides = array<i32>} : memref<16x128xf32, #tpu.memory_space<vmem>>, vector<1x16xf32>,
      %get3A_1699 = vector.shape_cast %get3A_1698 : vector<1x16xf32> to vector<16xf32>
      %get3A_1700 = arith.constant 13 : i32
      %get3A_1701 = arith.index_cast %get3A_1700 : i32 to index
      %get3A_1702 = arith.constant 64 : index
      %get3A_1703 = tpu.vector_load %arg15[%get3A_1701, %get3A_1702] {strides = array<i32>} : memref<16x128xf32, #tpu.memory_space<vmem>>, vector<1x16xf32>,
      %get3A_1704 = vector.shape_cast %get3A_1703 : vector<1x16xf32> to vector<16xf32>
      %max3A_1705 = arith.maximumf %get3A_1699, %get3A_1704 : vector<16xf32>
      %get3A_1706 = arith.constant 6 : i32
      %get3A_1707 = arith.index_cast %get3A_1706 : i32 to index
      %get3A_1708 = arith.constant 64 : index
      %get3A_1709 = tpu.vector_load %arg18[%get3A_1707, %get3A_1708] {strides = array<i32>} : memref<8x128xf32, #tpu.memory_space<vmem>>, vector<1x16xf32>,
      %get3A_1710 = vector.shape_cast %get3A_1709 : vector<1x16xf32> to vector<16xf32>
      %max3A_1711 = arith.maximumf %max3A_1705, %get3A_1710 : vector<16xf32>
      %get3A_1712 = arith.constant 6 : i32
      %get3A_1713 = arith.index_cast %get3A_1712 : i32 to index
      %get3A_1714 = arith.constant 64 : index
      %get3A_1715 = tpu.vector_load %arg19[%get3A_1713, %get3A_1714] {strides = array<i32>} : memref<8x128xf32, #tpu.memory_space<vmem>>, vector<1x16xf32>,
      %get3A_1716 = vector.shape_cast %get3A_1715 : vector<1x16xf32> to vector<16xf32>
      %mul3A_1717 = arith.mulf %max3A_1711, %get3A_1716 : vector<16xf32>
      %add3A_1718 = arith.addf %add3A_1694, %mul3A_1717 : vector<16xf32>
      %get3A_1719 = arith.constant 12 : i32
      %get3A_1720 = arith.index_cast %get3A_1719 : i32 to index
      %get3A_1721 = arith.constant 80 : index
      %get3A_1722 = tpu.vector_load %arg15[%get3A_1720, %get3A_1721] {strides = array<i32>} : memref<16x128xf32, #tpu.memory_space<vmem>>, vector<1x16xf32>,
      %get3A_1723 = vector.shape_cast %get3A_1722 : vector<1x16xf32> to vector<16xf32>
      %get3A_1724 = arith.constant 13 : i32
      %get3A_1725 = arith.index_cast %get3A_1724 : i32 to index
      %get3A_1726 = arith.constant 80 : index
      %get3A_1727 = tpu.vector_load %arg15[%get3A_1725, %get3A_1726] {strides = array<i32>} : memref<16x128xf32, #tpu.memory_space<vmem>>, vector<1x16xf32>,
      %get3A_1728 = vector.shape_cast %get3A_1727 : vector<1x16xf32> to vector<16xf32>
      %max3A_1729 = arith.maximumf %get3A_1723, %get3A_1728 : vector<16xf32>
      %get3A_1730 = arith.constant 6 : i32
      %get3A_1731 = arith.index_cast %get3A_1730 : i32 to index
      %get3A_1732 = arith.constant 80 : index
      %get3A_1733 = tpu.vector_load %arg18[%get3A_1731, %get3A_1732] {strides = array<i32>} : memref<8x128xf32, #tpu.memory_space<vmem>>, vector<1x16xf32>,
      %get3A_1734 = vector.shape_cast %get3A_1733 : vector<1x16xf32> to vector<16xf32>
      %max3A_1735 = arith.maximumf %max3A_1729, %get3A_1734 : vector<16xf32>
      %get3A_1736 = arith.constant 6 : i32
      %get3A_1737 = arith.index_cast %get3A_1736 : i32 to index
      %get3A_1738 = arith.constant 80 : index
      %get3A_1739 = tpu.vector_load %arg19[%get3A_1737, %get3A_1738] {strides = array<i32>} : memref<8x128xf32, #tpu.memory_space<vmem>>, vector<1x16xf32>,
      %get3A_1740 = vector.shape_cast %get3A_1739 : vector<1x16xf32> to vector<16xf32>
      %mul3A_1741 = arith.mulf %max3A_1735, %get3A_1740 : vector<16xf32>
      %add3A_1742 = arith.addf %add3A_1718, %mul3A_1741 : vector<16xf32>
      %get3A_1743 = arith.constant 12 : i32
      %get3A_1744 = arith.index_cast %get3A_1743 : i32 to index
      %get3A_1745 = arith.constant 96 : index
      %get3A_1746 = tpu.vector_load %arg15[%get3A_1744, %get3A_1745] {strides = array<i32>} : memref<16x128xf32, #tpu.memory_space<vmem>>, vector<1x16xf32>,
      %get3A_1747 = vector.shape_cast %get3A_1746 : vector<1x16xf32> to vector<16xf32>
      %get3A_1748 = arith.constant 13 : i32
      %get3A_1749 = arith.index_cast %get3A_1748 : i32 to index
      %get3A_1750 = arith.constant 96 : index
      %get3A_1751 = tpu.vector_load %arg15[%get3A_1749, %get3A_1750] {strides = array<i32>} : memref<16x128xf32, #tpu.memory_space<vmem>>, vector<1x16xf32>,
      %get3A_1752 = vector.shape_cast %get3A_1751 : vector<1x16xf32> to vector<16xf32>
      %max3A_1753 = arith.maximumf %get3A_1747, %get3A_1752 : vector<16xf32>
      %get3A_1754 = arith.constant 6 : i32
      %get3A_1755 = arith.index_cast %get3A_1754 : i32 to index
      %get3A_1756 = arith.constant 96 : index
      %get3A_1757 = tpu.vector_load %arg18[%get3A_1755, %get3A_1756] {strides = array<i32>} : memref<8x128xf32, #tpu.memory_space<vmem>>, vector<1x16xf32>,
      %get3A_1758 = vector.shape_cast %get3A_1757 : vector<1x16xf32> to vector<16xf32>
      %max3A_1759 = arith.maximumf %max3A_1753, %get3A_1758 : vector<16xf32>
      %get3A_1760 = arith.constant 6 : i32
      %get3A_1761 = arith.index_cast %get3A_1760 : i32 to index
      %get3A_1762 = arith.constant 96 : index
      %get3A_1763 = tpu.vector_load %arg19[%get3A_1761, %get3A_1762] {strides = array<i32>} : memref<8x128xf32, #tpu.memory_space<vmem>>, vector<1x16xf32>,
      %get3A_1764 = vector.shape_cast %get3A_1763 : vector<1x16xf32> to vector<16xf32>
      %mul3A_1765 = arith.mulf %max3A_1759, %get3A_1764 : vector<16xf32>
      %add3A_1766 = arith.addf %add3A_1742, %mul3A_1765 : vector<16xf32>
      %get3A_1767 = arith.constant 12 : i32
      %get3A_1768 = arith.index_cast %get3A_1767 : i32 to index
      %get3A_1769 = arith.constant 112 : index
      %get3A_1770 = tpu.vector_load %arg15[%get3A_1768, %get3A_1769] {strides = array<i32>} : memref<16x128xf32, #tpu.memory_space<vmem>>, vector<1x16xf32>,
      %get3A_1771 = vector.shape_cast %get3A_1770 : vector<1x16xf32> to vector<16xf32>
      %get3A_1772 = arith.constant 13 : i32
      %get3A_1773 = arith.index_cast %get3A_1772 : i32 to index
      %get3A_1774 = arith.constant 112 : index
      %get3A_1775 = tpu.vector_load %arg15[%get3A_1773, %get3A_1774] {strides = array<i32>} : memref<16x128xf32, #tpu.memory_space<vmem>>, vector<1x16xf32>,
      %get3A_1776 = vector.shape_cast %get3A_1775 : vector<1x16xf32> to vector<16xf32>
      %max3A_1777 = arith.maximumf %get3A_1771, %get3A_1776 : vector<16xf32>
      %get3A_1778 = arith.constant 6 : i32
      %get3A_1779 = arith.index_cast %get3A_1778 : i32 to index
      %get3A_1780 = arith.constant 112 : index
      %get3A_1781 = tpu.vector_load %arg18[%get3A_1779, %get3A_1780] {strides = array<i32>} : memref<8x128xf32, #tpu.memory_space<vmem>>, vector<1x16xf32>,
      %get3A_1782 = vector.shape_cast %get3A_1781 : vector<1x16xf32> to vector<16xf32>
      %max3A_1783 = arith.maximumf %max3A_1777, %get3A_1782 : vector<16xf32>
      %get3A_1784 = arith.constant 6 : i32
      %get3A_1785 = arith.index_cast %get3A_1784 : i32 to index
      %get3A_1786 = arith.constant 112 : index
      %get3A_1787 = tpu.vector_load %arg19[%get3A_1785, %get3A_1786] {strides = array<i32>} : memref<8x128xf32, #tpu.memory_space<vmem>>, vector<1x16xf32>,
      %get3A_1788 = vector.shape_cast %get3A_1787 : vector<1x16xf32> to vector<16xf32>
      %mul3A_1789 = arith.mulf %max3A_1783, %get3A_1788 : vector<16xf32>
      %add3A_1790 = arith.addf %add3A_1766, %mul3A_1789 : vector<16xf32>
      %xor3A_1791 = arith.constant 8 : i32
      %xor3A_1792 = vector.broadcast %xor3A_1791 : i32 to vector<16xi32>
      %xor3A_1793 = arith.xori %iota3A, %xor3A_1792 : vector<16xi32>
      %lt3A_1794 = arith.constant 0 : i32
      %lt3A_1795 = vector.broadcast %lt3A_1794 : i32 to vector<16xi32>
      %lt3A_1796 = arith.cmpi slt, %xor3A_1793, %lt3A_1795 : vector<16xi32>
      %add3A_1797 = arith.constant 16 : i32
      %add3A_1798 = vector.broadcast %add3A_1797 : i32 to vector<16xi32>
      %add3A_1799 = arith.addi %xor3A_1793, %add3A_1798 : vector<16xi32>
      %select_n3A_1800 = arith.select %lt3A_1796, %add3A_1799, %xor3A_1793 : vector<16xi1>, vector<16xi32>
      %broadcast_in_dim3A_1801 = vector.shape_cast %select_n3A_1800 : vector<16xi32> to vector<16x1xi32>
      %gather3A_1802 = vector.shape_cast %broadcast_in_dim3A_1801 : vector<16x1xi32> to vector<16xi32>
      %gather3A_1803 = tpu.dynamic_gather %add3A_1790[%gather3A_1802] in [0] : vector<16xf32>, vector<16xi32> -> vector<16xf32>
      %add3A_1804 = arith.addf %add3A_1790, %gather3A_1803 : vector<16xf32>
      %xor3A_1805 = arith.constant 4 : i32
      %xor3A_1806 = vector.broadcast %xor3A_1805 : i32 to vector<16xi32>
      %xor3A_1807 = arith.xori %iota3A, %xor3A_1806 : vector<16xi32>
      %lt3A_1808 = arith.constant 0 : i32
      %lt3A_1809 = vector.broadcast %lt3A_1808 : i32 to vector<16xi32>
      %lt3A_1810 = arith.cmpi slt, %xor3A_1807, %lt3A_1809 : vector<16xi32>
      %add3A_1811 = arith.constant 16 : i32
      %add3A_1812 = vector.broadcast %add3A_1811 : i32 to vector<16xi32>
      %add3A_1813 = arith.addi %xor3A_1807, %add3A_1812 : vector<16xi32>
      %select_n3A_1814 = arith.select %lt3A_1810, %add3A_1813, %xor3A_1807 : vector<16xi1>, vector<16xi32>
      %broadcast_in_dim3A_1815 = vector.shape_cast %select_n3A_1814 : vector<16xi32> to vector<16x1xi32>
      %gather3A_1816 = vector.shape_cast %broadcast_in_dim3A_1815 : vector<16x1xi32> to vector<16xi32>
      %gather3A_1817 = tpu.dynamic_gather %add3A_1804[%gather3A_1816] in [0] : vector<16xf32>, vector<16xi32> -> vector<16xf32>
      %add3A_1818 = arith.addf %add3A_1804, %gather3A_1817 : vector<16xf32>
      %xor3A_1819 = arith.constant 2 : i32
      %xor3A_1820 = vector.broadcast %xor3A_1819 : i32 to vector<16xi32>
      %xor3A_1821 = arith.xori %iota3A, %xor3A_1820 : vector<16xi32>
      %lt3A_1822 = arith.constant 0 : i32
      %lt3A_1823 = vector.broadcast %lt3A_1822 : i32 to vector<16xi32>
      %lt3A_1824 = arith.cmpi slt, %xor3A_1821, %lt3A_1823 : vector<16xi32>
      %add3A_1825 = arith.constant 16 : i32
      %add3A_1826 = vector.broadcast %add3A_1825 : i32 to vector<16xi32>
      %add3A_1827 = arith.addi %xor3A_1821, %add3A_1826 : vector<16xi32>
      %select_n3A_1828 = arith.select %lt3A_1824, %add3A_1827, %xor3A_1821 : vector<16xi1>, vector<16xi32>
      %broadcast_in_dim3A_1829 = vector.shape_cast %select_n3A_1828 : vector<16xi32> to vector<16x1xi32>
      %gather3A_1830 = vector.shape_cast %broadcast_in_dim3A_1829 : vector<16x1xi32> to vector<16xi32>
      %gather3A_1831 = tpu.dynamic_gather %add3A_1818[%gather3A_1830] in [0] : vector<16xf32>, vector<16xi32> -> vector<16xf32>
      %add3A_1832 = arith.addf %add3A_1818, %gather3A_1831 : vector<16xf32>
      %xor3A_1833 = arith.constant 1 : i32
      %xor3A_1834 = vector.broadcast %xor3A_1833 : i32 to vector<16xi32>
      %xor3A_1835 = arith.xori %iota3A, %xor3A_1834 : vector<16xi32>
      %lt3A_1836 = arith.constant 0 : i32
      %lt3A_1837 = vector.broadcast %lt3A_1836 : i32 to vector<16xi32>
      %lt3A_1838 = arith.cmpi slt, %xor3A_1835, %lt3A_1837 : vector<16xi32>
      %add3A_1839 = arith.constant 16 : i32
      %add3A_1840 = vector.broadcast %add3A_1839 : i32 to vector<16xi32>
      %add3A_1841 = arith.addi %xor3A_1835, %add3A_1840 : vector<16xi32>
      %select_n3A_1842 = arith.select %lt3A_1838, %add3A_1841, %xor3A_1835 : vector<16xi1>, vector<16xi32>
      %broadcast_in_dim3A_1843 = vector.shape_cast %select_n3A_1842 : vector<16xi32> to vector<16x1xi32>
      %gather3A_1844 = vector.shape_cast %broadcast_in_dim3A_1843 : vector<16x1xi32> to vector<16xi32>
      %gather3A_1845 = tpu.dynamic_gather %add3A_1832[%gather3A_1844] in [0] : vector<16xf32>, vector<16xi32> -> vector<16xf32>
      %add3A_1846 = arith.addf %add3A_1832, %gather3A_1845 : vector<16xf32>
      %eq3A_1847 = arith.constant 6 : i32
      %eq3A_1848 = vector.broadcast %eq3A_1847 : i32 to vector<16xi32>
      %eq3A_1849 = arith.cmpi eq, %iota3A, %eq3A_1848 : vector<16xi32>
      %select_n3A_1850 = arith.select %eq3A_1849, %add3A_1846, %select_n3A_1596 : vector<16xi1>, vector<16xf32>
      %broadcast_in_dim3A_1851 = arith.constant 0.000000e+00 : f32
      %broadcast_in_dim3A_1852 = vector.broadcast %broadcast_in_dim3A_1851 : f32 to vector<16xf32>
      %get3A_1853 = arith.constant 14 : i32
      %get3A_1854 = arith.index_cast %get3A_1853 : i32 to index
      %get3A_1855 = arith.constant 0 : index
      %get3A_1856 = tpu.vector_load %arg15[%get3A_1854, %get3A_1855] {strides = array<i32>} : memref<16x128xf32, #tpu.memory_space<vmem>>, vector<1x16xf32>,
      %get3A_1857 = vector.shape_cast %get3A_1856 : vector<1x16xf32> to vector<16xf32>
      %get3A_1858 = arith.constant 15 : i32
      %get3A_1859 = arith.index_cast %get3A_1858 : i32 to index
      %get3A_1860 = arith.constant 0 : index
      %get3A_1861 = tpu.vector_load %arg15[%get3A_1859, %get3A_1860] {strides = array<i32>} : memref<16x128xf32, #tpu.memory_space<vmem>>, vector<1x16xf32>,
      %get3A_1862 = vector.shape_cast %get3A_1861 : vector<1x16xf32> to vector<16xf32>
      %max3A_1863 = arith.maximumf %get3A_1857, %get3A_1862 : vector<16xf32>
      %get3A_1864 = arith.constant 7 : i32
      %get3A_1865 = arith.index_cast %get3A_1864 : i32 to index
      %get3A_1866 = arith.constant 0 : index
      %get3A_1867 = tpu.vector_load %arg18[%get3A_1865, %get3A_1866] {strides = array<i32>} : memref<8x128xf32, #tpu.memory_space<vmem>>, vector<1x16xf32>,
      %get3A_1868 = vector.shape_cast %get3A_1867 : vector<1x16xf32> to vector<16xf32>
      %max3A_1869 = arith.maximumf %max3A_1863, %get3A_1868 : vector<16xf32>
      %get3A_1870 = arith.constant 7 : i32
      %get3A_1871 = arith.index_cast %get3A_1870 : i32 to index
      %get3A_1872 = arith.constant 0 : index
      %get3A_1873 = tpu.vector_load %arg19[%get3A_1871, %get3A_1872] {strides = array<i32>} : memref<8x128xf32, #tpu.memory_space<vmem>>, vector<1x16xf32>,
      %get3A_1874 = vector.shape_cast %get3A_1873 : vector<1x16xf32> to vector<16xf32>
      %mul3A_1875 = arith.mulf %max3A_1869, %get3A_1874 : vector<16xf32>
      %add3A_1876 = arith.addf %broadcast_in_dim3A_1852, %mul3A_1875 : vector<16xf32>
      %get3A_1877 = arith.constant 14 : i32
      %get3A_1878 = arith.index_cast %get3A_1877 : i32 to index
      %get3A_1879 = arith.constant 16 : index
      %get3A_1880 = tpu.vector_load %arg15[%get3A_1878, %get3A_1879] {strides = array<i32>} : memref<16x128xf32, #tpu.memory_space<vmem>>, vector<1x16xf32>,
      %get3A_1881 = vector.shape_cast %get3A_1880 : vector<1x16xf32> to vector<16xf32>
      %get3A_1882 = arith.constant 15 : i32
      %get3A_1883 = arith.index_cast %get3A_1882 : i32 to index
      %get3A_1884 = arith.constant 16 : index
      %get3A_1885 = tpu.vector_load %arg15[%get3A_1883, %get3A_1884] {strides = array<i32>} : memref<16x128xf32, #tpu.memory_space<vmem>>, vector<1x16xf32>,
      %get3A_1886 = vector.shape_cast %get3A_1885 : vector<1x16xf32> to vector<16xf32>
      %max3A_1887 = arith.maximumf %get3A_1881, %get3A_1886 : vector<16xf32>
      %get3A_1888 = arith.constant 7 : i32
      %get3A_1889 = arith.index_cast %get3A_1888 : i32 to index
      %get3A_1890 = arith.constant 16 : index
      %get3A_1891 = tpu.vector_load %arg18[%get3A_1889, %get3A_1890] {strides = array<i32>} : memref<8x128xf32, #tpu.memory_space<vmem>>, vector<1x16xf32>,
      %get3A_1892 = vector.shape_cast %get3A_1891 : vector<1x16xf32> to vector<16xf32>
      %max3A_1893 = arith.maximumf %max3A_1887, %get3A_1892 : vector<16xf32>
      %get3A_1894 = arith.constant 7 : i32
      %get3A_1895 = arith.index_cast %get3A_1894 : i32 to index
      %get3A_1896 = arith.constant 16 : index
      %get3A_1897 = tpu.vector_load %arg19[%get3A_1895, %get3A_1896] {strides = array<i32>} : memref<8x128xf32, #tpu.memory_space<vmem>>, vector<1x16xf32>,
      %get3A_1898 = vector.shape_cast %get3A_1897 : vector<1x16xf32> to vector<16xf32>
      %mul3A_1899 = arith.mulf %max3A_1893, %get3A_1898 : vector<16xf32>
      %add3A_1900 = arith.addf %add3A_1876, %mul3A_1899 : vector<16xf32>
      %get3A_1901 = arith.constant 14 : i32
      %get3A_1902 = arith.index_cast %get3A_1901 : i32 to index
      %get3A_1903 = arith.constant 32 : index
      %get3A_1904 = tpu.vector_load %arg15[%get3A_1902, %get3A_1903] {strides = array<i32>} : memref<16x128xf32, #tpu.memory_space<vmem>>, vector<1x16xf32>,
      %get3A_1905 = vector.shape_cast %get3A_1904 : vector<1x16xf32> to vector<16xf32>
      %get3A_1906 = arith.constant 15 : i32
      %get3A_1907 = arith.index_cast %get3A_1906 : i32 to index
      %get3A_1908 = arith.constant 32 : index
      %get3A_1909 = tpu.vector_load %arg15[%get3A_1907, %get3A_1908] {strides = array<i32>} : memref<16x128xf32, #tpu.memory_space<vmem>>, vector<1x16xf32>,
      %get3A_1910 = vector.shape_cast %get3A_1909 : vector<1x16xf32> to vector<16xf32>
      %max3A_1911 = arith.maximumf %get3A_1905, %get3A_1910 : vector<16xf32>
      %get3A_1912 = arith.constant 7 : i32
      %get3A_1913 = arith.index_cast %get3A_1912 : i32 to index
      %get3A_1914 = arith.constant 32 : index
      %get3A_1915 = tpu.vector_load %arg18[%get3A_1913, %get3A_1914] {strides = array<i32>} : memref<8x128xf32, #tpu.memory_space<vmem>>, vector<1x16xf32>,
      %get3A_1916 = vector.shape_cast %get3A_1915 : vector<1x16xf32> to vector<16xf32>
      %max3A_1917 = arith.maximumf %max3A_1911, %get3A_1916 : vector<16xf32>
      %get3A_1918 = arith.constant 7 : i32
      %get3A_1919 = arith.index_cast %get3A_1918 : i32 to index
      %get3A_1920 = arith.constant 32 : index
      %get3A_1921 = tpu.vector_load %arg19[%get3A_1919, %get3A_1920] {strides = array<i32>} : memref<8x128xf32, #tpu.memory_space<vmem>>, vector<1x16xf32>,
      %get3A_1922 = vector.shape_cast %get3A_1921 : vector<1x16xf32> to vector<16xf32>
      %mul3A_1923 = arith.mulf %max3A_1917, %get3A_1922 : vector<16xf32>
      %add3A_1924 = arith.addf %add3A_1900, %mul3A_1923 : vector<16xf32>
      %get3A_1925 = arith.constant 14 : i32
      %get3A_1926 = arith.index_cast %get3A_1925 : i32 to index
      %get3A_1927 = arith.constant 48 : index
      %get3A_1928 = tpu.vector_load %arg15[%get3A_1926, %get3A_1927] {strides = array<i32>} : memref<16x128xf32, #tpu.memory_space<vmem>>, vector<1x16xf32>,
      %get3A_1929 = vector.shape_cast %get3A_1928 : vector<1x16xf32> to vector<16xf32>
      %get3A_1930 = arith.constant 15 : i32
      %get3A_1931 = arith.index_cast %get3A_1930 : i32 to index
      %get3A_1932 = arith.constant 48 : index
      %get3A_1933 = tpu.vector_load %arg15[%get3A_1931, %get3A_1932] {strides = array<i32>} : memref<16x128xf32, #tpu.memory_space<vmem>>, vector<1x16xf32>,
      %get3A_1934 = vector.shape_cast %get3A_1933 : vector<1x16xf32> to vector<16xf32>
      %max3A_1935 = arith.maximumf %get3A_1929, %get3A_1934 : vector<16xf32>
      %get3A_1936 = arith.constant 7 : i32
      %get3A_1937 = arith.index_cast %get3A_1936 : i32 to index
      %get3A_1938 = arith.constant 48 : index
      %get3A_1939 = tpu.vector_load %arg18[%get3A_1937, %get3A_1938] {strides = array<i32>} : memref<8x128xf32, #tpu.memory_space<vmem>>, vector<1x16xf32>,
      %get3A_1940 = vector.shape_cast %get3A_1939 : vector<1x16xf32> to vector<16xf32>
      %max3A_1941 = arith.maximumf %max3A_1935, %get3A_1940 : vector<16xf32>
      %get3A_1942 = arith.constant 7 : i32
      %get3A_1943 = arith.index_cast %get3A_1942 : i32 to index
      %get3A_1944 = arith.constant 48 : index
      %get3A_1945 = tpu.vector_load %arg19[%get3A_1943, %get3A_1944] {strides = array<i32>} : memref<8x128xf32, #tpu.memory_space<vmem>>, vector<1x16xf32>,
      %get3A_1946 = vector.shape_cast %get3A_1945 : vector<1x16xf32> to vector<16xf32>
      %mul3A_1947 = arith.mulf %max3A_1941, %get3A_1946 : vector<16xf32>
      %add3A_1948 = arith.addf %add3A_1924, %mul3A_1947 : vector<16xf32>
      %get3A_1949 = arith.constant 14 : i32
      %get3A_1950 = arith.index_cast %get3A_1949 : i32 to index
      %get3A_1951 = arith.constant 64 : index
      %get3A_1952 = tpu.vector_load %arg15[%get3A_1950, %get3A_1951] {strides = array<i32>} : memref<16x128xf32, #tpu.memory_space<vmem>>, vector<1x16xf32>,
      %get3A_1953 = vector.shape_cast %get3A_1952 : vector<1x16xf32> to vector<16xf32>
      %get3A_1954 = arith.constant 15 : i32
      %get3A_1955 = arith.index_cast %get3A_1954 : i32 to index
      %get3A_1956 = arith.constant 64 : index
      %get3A_1957 = tpu.vector_load %arg15[%get3A_1955, %get3A_1956] {strides = array<i32>} : memref<16x128xf32, #tpu.memory_space<vmem>>, vector<1x16xf32>,
      %get3A_1958 = vector.shape_cast %get3A_1957 : vector<1x16xf32> to vector<16xf32>
      %max3A_1959 = arith.maximumf %get3A_1953, %get3A_1958 : vector<16xf32>
      %get3A_1960 = arith.constant 7 : i32
      %get3A_1961 = arith.index_cast %get3A_1960 : i32 to index
      %get3A_1962 = arith.constant 64 : index
      %get3A_1963 = tpu.vector_load %arg18[%get3A_1961, %get3A_1962] {strides = array<i32>} : memref<8x128xf32, #tpu.memory_space<vmem>>, vector<1x16xf32>,
      %get3A_1964 = vector.shape_cast %get3A_1963 : vector<1x16xf32> to vector<16xf32>
      %max3A_1965 = arith.maximumf %max3A_1959, %get3A_1964 : vector<16xf32>
      %get3A_1966 = arith.constant 7 : i32
      %get3A_1967 = arith.index_cast %get3A_1966 : i32 to index
      %get3A_1968 = arith.constant 64 : index
      %get3A_1969 = tpu.vector_load %arg19[%get3A_1967, %get3A_1968] {strides = array<i32>} : memref<8x128xf32, #tpu.memory_space<vmem>>, vector<1x16xf32>,
      %get3A_1970 = vector.shape_cast %get3A_1969 : vector<1x16xf32> to vector<16xf32>
      %mul3A_1971 = arith.mulf %max3A_1965, %get3A_1970 : vector<16xf32>
      %add3A_1972 = arith.addf %add3A_1948, %mul3A_1971 : vector<16xf32>
      %get3A_1973 = arith.constant 14 : i32
      %get3A_1974 = arith.index_cast %get3A_1973 : i32 to index
      %get3A_1975 = arith.constant 80 : index
      %get3A_1976 = tpu.vector_load %arg15[%get3A_1974, %get3A_1975] {strides = array<i32>} : memref<16x128xf32, #tpu.memory_space<vmem>>, vector<1x16xf32>,
      %get3A_1977 = vector.shape_cast %get3A_1976 : vector<1x16xf32> to vector<16xf32>
      %get3A_1978 = arith.constant 15 : i32
      %get3A_1979 = arith.index_cast %get3A_1978 : i32 to index
      %get3A_1980 = arith.constant 80 : index
      %get3A_1981 = tpu.vector_load %arg15[%get3A_1979, %get3A_1980] {strides = array<i32>} : memref<16x128xf32, #tpu.memory_space<vmem>>, vector<1x16xf32>,
      %get3A_1982 = vector.shape_cast %get3A_1981 : vector<1x16xf32> to vector<16xf32>
      %max3A_1983 = arith.maximumf %get3A_1977, %get3A_1982 : vector<16xf32>
      %get3A_1984 = arith.constant 7 : i32
      %get3A_1985 = arith.index_cast %get3A_1984 : i32 to index
      %get3A_1986 = arith.constant 80 : index
      %get3A_1987 = tpu.vector_load %arg18[%get3A_1985, %get3A_1986] {strides = array<i32>} : memref<8x128xf32, #tpu.memory_space<vmem>>, vector<1x16xf32>,
      %get3A_1988 = vector.shape_cast %get3A_1987 : vector<1x16xf32> to vector<16xf32>
      %max3A_1989 = arith.maximumf %max3A_1983, %get3A_1988 : vector<16xf32>
      %get3A_1990 = arith.constant 7 : i32
      %get3A_1991 = arith.index_cast %get3A_1990 : i32 to index
      %get3A_1992 = arith.constant 80 : index
      %get3A_1993 = tpu.vector_load %arg19[%get3A_1991, %get3A_1992] {strides = array<i32>} : memref<8x128xf32, #tpu.memory_space<vmem>>, vector<1x16xf32>,
      %get3A_1994 = vector.shape_cast %get3A_1993 : vector<1x16xf32> to vector<16xf32>
      %mul3A_1995 = arith.mulf %max3A_1989, %get3A_1994 : vector<16xf32>
      %add3A_1996 = arith.addf %add3A_1972, %mul3A_1995 : vector<16xf32>
      %get3A_1997 = arith.constant 14 : i32
      %get3A_1998 = arith.index_cast %get3A_1997 : i32 to index
      %get3A_1999 = arith.constant 96 : index
      %get3A_2000 = tpu.vector_load %arg15[%get3A_1998, %get3A_1999] {strides = array<i32>} : memref<16x128xf32, #tpu.memory_space<vmem>>, vector<1x16xf32>,
      %get3A_2001 = vector.shape_cast %get3A_2000 : vector<1x16xf32> to vector<16xf32>
      %get3A_2002 = arith.constant 15 : i32
      %get3A_2003 = arith.index_cast %get3A_2002 : i32 to index
      %get3A_2004 = arith.constant 96 : index
      %get3A_2005 = tpu.vector_load %arg15[%get3A_2003, %get3A_2004] {strides = array<i32>} : memref<16x128xf32, #tpu.memory_space<vmem>>, vector<1x16xf32>,
      %get3A_2006 = vector.shape_cast %get3A_2005 : vector<1x16xf32> to vector<16xf32>
      %max3A_2007 = arith.maximumf %get3A_2001, %get3A_2006 : vector<16xf32>
      %get3A_2008 = arith.constant 7 : i32
      %get3A_2009 = arith.index_cast %get3A_2008 : i32 to index
      %get3A_2010 = arith.constant 96 : index
      %get3A_2011 = tpu.vector_load %arg18[%get3A_2009, %get3A_2010] {strides = array<i32>} : memref<8x128xf32, #tpu.memory_space<vmem>>, vector<1x16xf32>,
      %get3A_2012 = vector.shape_cast %get3A_2011 : vector<1x16xf32> to vector<16xf32>
      %max3A_2013 = arith.maximumf %max3A_2007, %get3A_2012 : vector<16xf32>
      %get3A_2014 = arith.constant 7 : i32
      %get3A_2015 = arith.index_cast %get3A_2014 : i32 to index
      %get3A_2016 = arith.constant 96 : index
      %get3A_2017 = tpu.vector_load %arg19[%get3A_2015, %get3A_2016] {strides = array<i32>} : memref<8x128xf32, #tpu.memory_space<vmem>>, vector<1x16xf32>,
      %get3A_2018 = vector.shape_cast %get3A_2017 : vector<1x16xf32> to vector<16xf32>
      %mul3A_2019 = arith.mulf %max3A_2013, %get3A_2018 : vector<16xf32>
      %add3A_2020 = arith.addf %add3A_1996, %mul3A_2019 : vector<16xf32>
      %get3A_2021 = arith.constant 14 : i32
      %get3A_2022 = arith.index_cast %get3A_2021 : i32 to index
      %get3A_2023 = arith.constant 112 : index
      %get3A_2024 = tpu.vector_load %arg15[%get3A_2022, %get3A_2023] {strides = array<i32>} : memref<16x128xf32, #tpu.memory_space<vmem>>, vector<1x16xf32>,
      %get3A_2025 = vector.shape_cast %get3A_2024 : vector<1x16xf32> to vector<16xf32>
      %get3A_2026 = arith.constant 15 : i32
      %get3A_2027 = arith.index_cast %get3A_2026 : i32 to index
      %get3A_2028 = arith.constant 112 : index
      %get3A_2029 = tpu.vector_load %arg15[%get3A_2027, %get3A_2028] {strides = array<i32>} : memref<16x128xf32, #tpu.memory_space<vmem>>, vector<1x16xf32>,
      %get3A_2030 = vector.shape_cast %get3A_2029 : vector<1x16xf32> to vector<16xf32>
      %max3A_2031 = arith.maximumf %get3A_2025, %get3A_2030 : vector<16xf32>
      %get3A_2032 = arith.constant 7 : i32
      %get3A_2033 = arith.index_cast %get3A_2032 : i32 to index
      %get3A_2034 = arith.constant 112 : index
      %get3A_2035 = tpu.vector_load %arg18[%get3A_2033, %get3A_2034] {strides = array<i32>} : memref<8x128xf32, #tpu.memory_space<vmem>>, vector<1x16xf32>,
      %get3A_2036 = vector.shape_cast %get3A_2035 : vector<1x16xf32> to vector<16xf32>
      %max3A_2037 = arith.maximumf %max3A_2031, %get3A_2036 : vector<16xf32>
      %get3A_2038 = arith.constant 7 : i32
      %get3A_2039 = arith.index_cast %get3A_2038 : i32 to index
      %get3A_2040 = arith.constant 112 : index
      %get3A_2041 = tpu.vector_load %arg19[%get3A_2039, %get3A_2040] {strides = array<i32>} : memref<8x128xf32, #tpu.memory_space<vmem>>, vector<1x16xf32>,
      %get3A_2042 = vector.shape_cast %get3A_2041 : vector<1x16xf32> to vector<16xf32>
      %mul3A_2043 = arith.mulf %max3A_2037, %get3A_2042 : vector<16xf32>
      %add3A_2044 = arith.addf %add3A_2020, %mul3A_2043 : vector<16xf32>
      %xor3A_2045 = arith.constant 8 : i32
      %xor3A_2046 = vector.broadcast %xor3A_2045 : i32 to vector<16xi32>
      %xor3A_2047 = arith.xori %iota3A, %xor3A_2046 : vector<16xi32>
      %lt3A_2048 = arith.constant 0 : i32
      %lt3A_2049 = vector.broadcast %lt3A_2048 : i32 to vector<16xi32>
      %lt3A_2050 = arith.cmpi slt, %xor3A_2047, %lt3A_2049 : vector<16xi32>
      %add3A_2051 = arith.constant 16 : i32
      %add3A_2052 = vector.broadcast %add3A_2051 : i32 to vector<16xi32>
      %add3A_2053 = arith.addi %xor3A_2047, %add3A_2052 : vector<16xi32>
      %select_n3A_2054 = arith.select %lt3A_2050, %add3A_2053, %xor3A_2047 : vector<16xi1>, vector<16xi32>
      %broadcast_in_dim3A_2055 = vector.shape_cast %select_n3A_2054 : vector<16xi32> to vector<16x1xi32>
      %gather3A_2056 = vector.shape_cast %broadcast_in_dim3A_2055 : vector<16x1xi32> to vector<16xi32>
      %gather3A_2057 = tpu.dynamic_gather %add3A_2044[%gather3A_2056] in [0] : vector<16xf32>, vector<16xi32> -> vector<16xf32>
      %add3A_2058 = arith.addf %add3A_2044, %gather3A_2057 : vector<16xf32>
      %xor3A_2059 = arith.constant 4 : i32
      %xor3A_2060 = vector.broadcast %xor3A_2059 : i32 to vector<16xi32>
      %xor3A_2061 = arith.xori %iota3A, %xor3A_2060 : vector<16xi32>
      %lt3A_2062 = arith.constant 0 : i32
      %lt3A_2063 = vector.broadcast %lt3A_2062 : i32 to vector<16xi32>
      %lt3A_2064 = arith.cmpi slt, %xor3A_2061, %lt3A_2063 : vector<16xi32>
      %add3A_2065 = arith.constant 16 : i32
      %add3A_2066 = vector.broadcast %add3A_2065 : i32 to vector<16xi32>
      %add3A_2067 = arith.addi %xor3A_2061, %add3A_2066 : vector<16xi32>
      %select_n3A_2068 = arith.select %lt3A_2064, %add3A_2067, %xor3A_2061 : vector<16xi1>, vector<16xi32>
      %broadcast_in_dim3A_2069 = vector.shape_cast %select_n3A_2068 : vector<16xi32> to vector<16x1xi32>
      %gather3A_2070 = vector.shape_cast %broadcast_in_dim3A_2069 : vector<16x1xi32> to vector<16xi32>
      %gather3A_2071 = tpu.dynamic_gather %add3A_2058[%gather3A_2070] in [0] : vector<16xf32>, vector<16xi32> -> vector<16xf32>
      %add3A_2072 = arith.addf %add3A_2058, %gather3A_2071 : vector<16xf32>
      %xor3A_2073 = arith.constant 2 : i32
      %xor3A_2074 = vector.broadcast %xor3A_2073 : i32 to vector<16xi32>
      %xor3A_2075 = arith.xori %iota3A, %xor3A_2074 : vector<16xi32>
      %lt3A_2076 = arith.constant 0 : i32
      %lt3A_2077 = vector.broadcast %lt3A_2076 : i32 to vector<16xi32>
      %lt3A_2078 = arith.cmpi slt, %xor3A_2075, %lt3A_2077 : vector<16xi32>
      %add3A_2079 = arith.constant 16 : i32
      %add3A_2080 = vector.broadcast %add3A_2079 : i32 to vector<16xi32>
      %add3A_2081 = arith.addi %xor3A_2075, %add3A_2080 : vector<16xi32>
      %select_n3A_2082 = arith.select %lt3A_2078, %add3A_2081, %xor3A_2075 : vector<16xi1>, vector<16xi32>
      %broadcast_in_dim3A_2083 = vector.shape_cast %select_n3A_2082 : vector<16xi32> to vector<16x1xi32>
      %gather3A_2084 = vector.shape_cast %broadcast_in_dim3A_2083 : vector<16x1xi32> to vector<16xi32>
      %gather3A_2085 = tpu.dynamic_gather %add3A_2072[%gather3A_2084] in [0] : vector<16xf32>, vector<16xi32> -> vector<16xf32>
      %add3A_2086 = arith.addf %add3A_2072, %gather3A_2085 : vector<16xf32>
      %xor3A_2087 = arith.constant 1 : i32
      %xor3A_2088 = vector.broadcast %xor3A_2087 : i32 to vector<16xi32>
      %xor3A_2089 = arith.xori %iota3A, %xor3A_2088 : vector<16xi32>
      %lt3A_2090 = arith.constant 0 : i32
      %lt3A_2091 = vector.broadcast %lt3A_2090 : i32 to vector<16xi32>
      %lt3A_2092 = arith.cmpi slt, %xor3A_2089, %lt3A_2091 : vector<16xi32>
      %add3A_2093 = arith.constant 16 : i32
      %add3A_2094 = vector.broadcast %add3A_2093 : i32 to vector<16xi32>
      %add3A_2095 = arith.addi %xor3A_2089, %add3A_2094 : vector<16xi32>
      %select_n3A_2096 = arith.select %lt3A_2092, %add3A_2095, %xor3A_2089 : vector<16xi1>, vector<16xi32>
      %broadcast_in_dim3A_2097 = vector.shape_cast %select_n3A_2096 : vector<16xi32> to vector<16x1xi32>
      %gather3A_2098 = vector.shape_cast %broadcast_in_dim3A_2097 : vector<16x1xi32> to vector<16xi32>
      %gather3A_2099 = tpu.dynamic_gather %add3A_2086[%gather3A_2098] in [0] : vector<16xf32>, vector<16xi32> -> vector<16xf32>
      %add3A_2100 = arith.addf %add3A_2086, %gather3A_2099 : vector<16xf32>
      %eq3A_2101 = arith.constant 7 : i32
      %eq3A_2102 = vector.broadcast %eq3A_2101 : i32 to vector<16xi32>
      %eq3A_2103 = arith.cmpi eq, %iota3A, %eq3A_2102 : vector<16xi32>
      %select_n3A_2104 = arith.select %eq3A_2103, %add3A_2100, %select_n3A_1850 : vector<16xi1>, vector<16xf32>
      %swap3A_2105 = arith.constant 0 : index
      %swap3A_2106 = tpu.vector_load %arg20[%swap3A_2105] {strides = array<i32>} : memref<16xf32, #tpu.memory_space<vmem>>, vector<16xf32>,
      %swap3A_2107 = vector.shape_cast %swap3A_2106 : vector<16xf32> to vector<16xf32>
      %swap3A_2108 = vector.shape_cast %select_n3A_2104 : vector<16xf32> to vector<16xf32>
      tpu.vector_store %arg20[%swap3A_2105], %swap3A_2108 {strides = array<i32>} : memref<16xf32, #tpu.memory_space<vmem>>, vector<16xf32>,
      %mul3A_2109 = arith.constant 8 : i32
      %mul3A_2110 = arith.muli %arg0, %mul3A_2109 : i32
      "tpu.region"() ({
        %run_scoped3A = tpu.sem_alloc : memref<!tpu.dma_semaphore, #tpu.memory_space<semaphore_mem>>
        %dma_start3A_2111 = arith.constant 0 : i32
        %dma_start3A_2112 = tpu.memref_slice %arg20[%dma_start3A_2111] : memref<16xf32, #tpu.memory_space<vmem>> -> memref<8xf32, #tpu.memory_space<vmem>>
        %dma_start3A_2113 = tpu.memref_slice %arg7[%mul3A_2110] : memref<16xf32, #tpu.memory_space<hbm>> -> memref<8xf32, #tpu.memory_space<hbm>>
        %dma_start3A_2114 = tpu.memref_slice %arg7[%mul3A_2110] : memref<16xf32, #tpu.memory_space<hbm>> -> memref<8xf32, #tpu.memory_space<hbm>>
        %dma_start3A_2115 = arith.constant 0 : i32
        %dma_start3A_2116 = tpu.memref_slice %arg20[%dma_start3A_2115] : memref<16xf32, #tpu.memory_space<vmem>> -> memref<8xf32, #tpu.memory_space<vmem>>
        tpu.enqueue_dma source(%dma_start3A_2116 : memref<8xf32, #tpu.memory_space<vmem>>) target(%dma_start3A_2114 : memref<8xf32, #tpu.memory_space<hbm>>) target_semaphore(%run_scoped3A : memref<!tpu.dma_semaphore, #tpu.memory_space<semaphore_mem>>)
        %dma_wait3A_2117 = arith.constant 0 : i32
        %dma_wait3A_2118 = tpu.memref_slice %arg20[%dma_wait3A_2117] : memref<16xf32, #tpu.memory_space<vmem>> -> memref<8xf32, #tpu.memory_space<vmem>>
        %dma_wait3A_2119 = tpu.memref_slice %arg7[%mul3A_2110] : memref<16xf32, #tpu.memory_space<hbm>> -> memref<8xf32, #tpu.memory_space<hbm>>
        %dma_wait3A_2120 = tpu.memref_slice %arg7[%mul3A_2110] : memref<16xf32, #tpu.memory_space<hbm>> -> memref<8xf32, #tpu.memory_space<hbm>>
        %dma_wait3A_2121 = arith.constant 0 : i32
        %dma_wait3A_2122 = tpu.memref_slice %arg20[%dma_wait3A_2121] : memref<16xf32, #tpu.memory_space<vmem>> -> memref<8xf32, #tpu.memory_space<vmem>>
        tpu.wait_dma2 semaphore(%run_scoped3A : memref<!tpu.dma_semaphore, #tpu.memory_space<semaphore_mem>>) src(%dma_wait3A_2122 : memref<8xf32, #tpu.memory_space<vmem>>) dst(%dma_wait3A_2120 : memref<8xf32, #tpu.memory_space<hbm>>)
        tpu.yield
      }) : () -> ()
    } else {
    }
    return
  }
}

</mosaic_0001>

<sc_bundles>
// kernel: kernel.3.cloned.1.call-start
scs
__scs_entry_jumppad:
0x0: {  	(pc) =	sbr.rel $0x88, $3  }
0x1: {  	(tag) =	ssettag $0x0;
	lr =	simm.s32 $0x1  }
0x2: {  	[smem:$0x3F9B] =	sst lr;
	_ =	strace $0xD0000000  }
0x3: {  	_ = 	snop  }
0x4: {  	_ = 	snop  }
0x5: {  	_ = 	snop  }
0x6: {  	_ = 	snop  }
0x7: {  	_ = 	snop  }
__scs_overlays_trampoline_lowered:
0x8: {  	[smem:$0x3FAA] =	sst s0  }
0x9: {  	[smem:$0x3FAB] =	sst s1  }
0xa: {  	[smem:$0x3FAC] =	sst s2  }
0xb: {  	[smem:$0x3FAD] =	sst s3  }
0xc: {  	[smem:$0x3FAE] =	sst s4  }
0xd: {  	[smem:$0x3FAF] =	sst s5  }
0xe: {  	[smem:$0x3FB0] =	sst s6  }
0xf: {  	[smem:$0x3FB1] =	sst s7  }
0x10: {  	[smem:$0x3FB2] =	sst s8  }
0x11: {  	[smem:$0x3FB3] =	sst s9;
	s0 =	simm.s32 @!p0 $0x0  }
0x12: {  	s1 =	sld [smem:$0x3F99];
	s0 =	simm.s32 @p0 $0x1  }
0x13: {  	[smem:$0x3FB4] =	sst s0;
	s0 =	simm.s32 @!p1 $0x0  }
0x14: {  	s2 =	sld [smem:$0x3F98];
	s0 =	simm.s32 @p1 $0x1  }
0x15: {  	[smem:$0x3FB5] =	sst s0;
	s0 =	simm.s32 @!p2 $0x0  }
0x16: {  	s3 =	sld [smem:$0x3FDB];
	s0 =	simm.s32 @p2 $0x1  }
0x17: {  	s4 =	simm.s32 $0x1BF5;
	[smem:$0x3FB7] =	sst s0  }
0x18: {  	s0 =	sld [smem:$0x3F9A];
	_ =	swait.ge [sflag:s4], $0x0  }
0x19: {  	s7 =	sld [smem:$0x3F9B]  }
0x1a: {  	s8 =	sadd.s32 $0xFFFFE003, lr  }
0x1b: {  	s9 =	sadd.s32 $0xFFFFFEF7, lr;
	s5 =	simm.s32 $0xFFFFFFFF;
	p2 =	slt.u32 s8, $0xFFFFF086  }
0x1c: {  	p1 =	slt.u32 s9, $0xF7A;
	s5 =	simm.s32 @!p2 $0x0  }
0x1d: {  	s5 =	simm.s32 @p1 $0x1;
	p0 =	seq.s32 s7, s2  }
0x1e: {  	s7 =	smul.u32 @!p0 $0xF7A, s2;
	p2 =	seq.s32 @!p0 s5, $0x0  }
0x1f: {  	s9 =	smul.u32 $0xF7A, s1;
	s8 =	simm.s32 @!p0 $0x1BF5;
	p2 =	por !p2, p0  }
0x20: {  	[sflag:s8] =	ssyncset.s32 @!p0 $0xFFFFF086;
	s6 =	sadd.s32 @!p0 s3, s7;
	s7 =	simm.s32 @!p0 $0x108  }
0x21: {  	s3 =	sadd.s32 s3, s9;
	s6 =	sadd.s32 @!p0 $0x88, s6;
	s7 =	simm.s32 @p2 $0x1082  }
0x22: {  	[simem:s7], [sflag:s8] =	dma.local @!p0 [hbm:s6], $0xF7A  }
0x23: {  	s9 =	sor.u32 $0xD0000000, s2;
	s6 =	simm.s32 $0x108;
	_ =	swait.ge @!p0 [sflag:s8], $0x0  }
0x24: {  	s3 =	sadd.s32 $0x88, s3;
	s6 =	simm.s32 @!p1 $0x1082;
	[sflag:s4] =	ssyncset.s32 $0xFFFFF086  }
0x25: {  	[simem:s6], [sflag:s4] =	dma.local [hbm:s3], $0xF7A  }
0x26: {  	[smem:$0x3F9B] =	sst s1;
	(tag) =	ssettag s2;
	_ =	strace s9  }
0x27: {  	s1 =	sld [smem:$0x3FAB]  }
0x28: {  	s2 =	sld [smem:$0x3FAC]  }
0x29: {  	s4 =	sld [smem:$0x3FAE]  }
0x2a: {  	p0 =	seq.s32 s5, $0x0;
	s5 =	sld [smem:$0x3FAF]  }
0x2b: {  	s6 =	sld [smem:$0x3FB0]  }
0x2c: {  	s7 =	sld [smem:$0x3FB1]  }
0x2d: {  	s3 =	simm.s32 $0x108;
	s8 =	sld [smem:$0x3FB2]  }
0x2e: {  	s3 =	simm.s32 @!p0 $0x1082;
	s9 =	sld [smem:$0x3FB3]  }
0x2f: {  	lr =	sadd.s32 s0, s3;
	s0 =	sld [smem:$0x3FAA]  }
0x30: {  	s3 =	sld [smem:$0x3FAD]  }
0x31: {  	[smem:$0x3FB6] =	sst s10  }
0x32: {  	s10 =	sld [smem:$0x3FB4];
	_ =	sdelay $0x3  }
0x33: {  	p0 =	seq.s32 s10, $0x1;
	s10 =	sld [smem:$0x3FB6];
	_ =	sdelay $0x3  }
0x34: {  	[smem:$0x3FB6] =	sst s10  }
0x35: {  	s10 =	sld [smem:$0x3FB5];
	_ =	sdelay $0x3  }
0x36: {  	p1 =	seq.s32 s10, $0x1;
	s10 =	sld [smem:$0x3FB6];
	_ =	sdelay $0x3  }
0x37: {  	[smem:$0x3FB6] =	sst s10  }
0x38: {  	s10 =	sld [smem:$0x3FB7]  }
0x39: {  	_ = 	snop;
	(pc) =	sbr.ind lr, $3  }
0x3a: {  	_ = 	snop  }
0x3b: {  	_ = 	snop  }
0x3c: {  	p2 =	seq.s32 s10, $0x1;
	s10 =	sld [smem:$0x3FB6]  }
0x3d: {  	_ =	shalt  }
0x3e: {  	_ =	shalt  }
0x3f: {  	_ =	shalt  }
0x40: {  	_ =	shalt  }
0x41: {  	_ =	shalt  }
0x42: {  	_ =	shalt  }
0x43: {  	_ =	shalt  }
0x44: {  	_ =	shalt  }
0x45: {  	_ =	shalt  }
0x46: {  	_ =	shalt  }
0x47: {  	_ =	shalt  }
0x48: {  	_ =	shalt  }
0x49: {  	_ =	shalt  }
0x4a: {  	_ =	shalt  }
0x4b: {  	_ =	shalt  }
0x4c: {  	_ =	shalt  }
0x4d: {  	_ =	shalt  }
0x4e: {  	_ =	shalt  }
0x4f: {  	_ =	shalt  }
0x50: {  	_ =	shalt  }
0x51: {  	_ =	shalt  }
0x52: {  	_ =	shalt  }
0x53: {  	_ =	shalt  }
0x54: {  	_ =	shalt  }
0x55: {  	_ =	shalt  }
0x56: {  	_ =	shalt  }
0x57: {  	_ =	shalt  }
0x58: {  	_ =	shalt  }
0x59: {  	_ =	shalt  }
0x5a: {  	_ =	shalt  }
0x5b: {  	_ =	shalt  }
0x5c: {  	_ =	shalt  }
0x5d: {  	_ =	shalt  }
0x5e: {  	_ =	shalt  }
0x5f: {  	_ =	shalt  }
0x60: {  	_ =	shalt  }
0x61: {  	_ =	shalt  }
0x62: {  	_ =	shalt  }
0x63: {  	_ =	shalt  }
0x64: {  	_ =	shalt  }
0x65: {  	_ =	shalt  }
0x66: {  	_ =	shalt  }
0x67: {  	_ =	shalt  }
0x68: {  	_ =	shalt  }
0x69: {  	_ =	shalt  }
0x6a: {  	_ =	shalt  }
0x6b: {  	_ =	shalt  }
0x6c: {  	_ =	shalt  }
0x6d: {  	_ =	shalt  }
0x6e: {  	_ =	shalt  }
0x6f: {  	_ =	shalt  }
0x70: {  	_ =	shalt  }
0x71: {  	_ =	shalt  }
0x72: {  	_ =	shalt  }
0x73: {  	_ =	shalt  }
0x74: {  	_ =	shalt  }
0x75: {  	_ =	shalt  }
0x76: {  	_ =	shalt  }
0x77: {  	_ =	shalt  }
0x78: {  	_ =	shalt  }
0x79: {  	_ =	shalt  }
0x7a: {  	_ =	shalt  }
0x7b: {  	_ =	shalt  }
0x7c: {  	_ =	shalt  }
0x7d: {  	_ =	shalt  }
0x7e: {  	_ =	shalt  }
0x7f: {  	_ =	shalt  }
0x80: {  	_ =	shalt  }
0x81: {  	_ =	shalt  }
0x82: {  	_ =	shalt  }
0x83: {  	_ =	shalt  }
0x84: {  	_ =	shalt  }
0x85: {  	_ =	shalt  }
0x86: {  	_ =	shalt  }
0x87: {  	_ =	shalt  }
.Lfunc_end0:
.L_simem_size_0:
called_computation_lowered:
.L_overlay_start_0:
0x88: {  	s2 =	sld [smem:$0x3FD9]  }
0x89: {  	s3 =	sld [smem:$0x3FFE];
	_ =	sdelay $0x1  }
0x8a: {  	s1 =	srdreg.scid  }
0x8b: {  	s0 =	sand.u32 $0x1, s1  }
0x8c: {  	s17 =	sshll.u32 s0, $0xA;
	s2 =	sadd.s32 s3, s2  }
0x8d: {  	s2 =	sadd.s32 s2, s17  }
0x8e: {  	[smem:$0x3FC2] =	sst s2  }
0x8f: {  	_ = 	snop  }
0x90: {  	s2 =	sld [smem:$0x3FC9]  }
0x91: {  	s18 =	sld [smem:$0x3FC8]  }
0x92: {  	s4 =	sld [smem:$0x3FC7]  }
0x93: {  	s5 =	sld [smem:$0x3FC4]  }
0x94: {  	s6 =	sld [smem:$0x3FD0];
	(tm) =	ssettm $0x1  }
0x95: {  	s7 =	sld [smem:$0x3FFB];
	_ =	sdelay $0x3  }
0x96: {  	_ =	strace s7  }
0x97: {  	s7 =	sld [smem:$0x3FFC];
	_ =	sdelay $0x3  }
0x98: {  	_ =	strace s7  }
0x99: {  	s7 =	sld [smem:$0x3FFD];
	_ =	sdelay $0x3  }
0x9a: {  	_ =	strace s7  }
0x9b: {  	_ =	strace $0x8FFFFFFF  }
0x9c: {  	s19 =	sld [smem:$0x3FDB];
	_ =	sdelay $0x1  }
0x9d: {  	s8 =	simm.s32 $_scs_section_size  }
0x9e: {  	s9 =	simm.s32 $_size__tile_overlayer_lowered;
	s10 =	simm.s32 $_tile_overlayer_lowered  }
0x9f: {  	s22 =	simm.s32 $0x1BFF;
	s21 =	sshll.u32 s10, $0x1;
	s7 =	sadd.s32 s8, s19  }
0xa0: {  	s11 =	simm.s32 $0x0;
	s20 =	sshll.u32 s9, $0x1;
	s9 =	sadd.s32 s21, s7  }
0xa1: {  	[timem:s11], [sflag:s22] =	dma.local [hbm:s9], s20  }
0xa2: {  	_ =	swait.ge [sflag:s22], s20  }
0xa3: {  	s8 =	ssub.s32 $0x0, s20;
	[sflag:s22] =	ssyncset.done $0x0  }
0xa4: {  	[sflag:s22] =	ssyncadd.s32 s8;
	_ =	sdelay $0x1  }
0xa5: {  	s23 =	simm.s32 $0x1B8B  }
0xa6: {  	_ =	swait.ge [sflag:s23], $0x1  }
0xa7: {  	[sflag:s23] =	ssyncset.done $0x0  }
0xa8: {  	s25 =	simm.s32 $0x1B8E;
	s24 =	sld [smem:$0x3FFE];
	[sflag:s23] =	ssyncadd.s32 $0xFFFFFFFF  }
0xa9: {  	s26 =	simm.s32 $execute0_lowered;
	[smem:$0x3FD2] =	sst s25  }
0xaa: {  	s9 =	sshll.u32 s26, $0x1;
	_ =	strace $0x80000046;
	[dreg:$0x1] =	wrdreg $0xFFFFFFFF  }
0xab: {  	s28 =	simm.s32 $_size_execute0_lowered;
	s7 =	sadd.s32 s7, s9;
	[dreg:$0x0] =	wrdreg $0x0  }
0xac: {  	s9 =	sshll.u32 s28, $0x1;
	[dreg:$0x2] =	wrdreg s7  }
0xad: {  	[dreg:$0x3] =	wrdreg s9  }
0xae: {  	[dreg:$0x4] =	wrdreg $0xC0  }
0xaf: {  	_ =	task [dreg:s11], $0x5FFFF  }
0xb0: {  	[dreg:$0x1] =	wrdreg $0xFFFFFFFF  }
0xb1: {  	[dreg:$0x0] =	wrdreg $0x60  }
0xb2: {  	[dreg:$0x2] =	wrdreg s18  }
0xb3: {  	[dreg:$0x3] =	wrdreg s2  }
0xb4: {  	[dreg:$0x4] =	wrdreg s24  }
0xb5: {  	[dreg:$0x5] =	wrdreg s4  }
0xb6: {  	[dreg:$0x6] =	wrdreg s5  }
0xb7: {  	[dreg:$0x7] =	wrdreg s6  }
0xb8: {  	[dreg:$0x8] =	wrdreg $0x108800  }
0xb9: {  	[dreg:$0x9] =	wrdreg $0x9  }
0xba: {  	_ =	task.clear_ibuf [dreg:s11], $0xAFFFF;
	_ =	strace $0x90000046  }
0xbb: {  	s29 =	simm.s32 $0x9;
	_ =	strace $0x80000048  }
0xbc: {  	_ =	swait.ge [sflag:s29], $0x1  }
0xbd: {  	[sflag:s29] =	ssyncadd.s32 $0xFFFFFFFF  }
0xbe: {  	_ =	strace $0x90000048  }
0xbf: {  	_ =	sfence  }
0xc0: {  	s30 =	sld [smem:$0x0];
	_ =	sdelay $0x2  }
0xc1: {  	s31 =	sshll.u32 s1, $0xD;
	s1 =	sshrl.u32 s1, $0x2  }
0xc2: {  	s3 =	sand.u32 $0x4000, s31;
	s1 =	sadd.s32 s1, s30  }
0xc3: {  	s0 =	sor.u32 s3, s0;
	s1 =	sshll.u32 s1, $0x11  }
0xc4: {  	s0 =	sor.u32 s1, s0  }
0xc5: {  	s0 =	sadd.s32 $0x8F2B, s0  }
0xc6: {  	[sflag:s0] =	ssyncadd.remote.s32 $0x1  }
0xc7: {  	_ =	sfence.sel $0xFFFF  }
0xc8: {  	[dreg:$0x0] =	wrdreg $0xFFFFFFFF;
	(pc) =	sbr.abs _section_cstart, $3  }
0xc9: {  	[dreg:$0x1] =	wrdreg $0xFFFFFFFF  }
0xca: {  	_ =	task.clear_ibuf [dreg:s11], $0x2FFFF;
	_ =	strace $0x9FFFFFFF  }
0xcb: {  	(tm) =	ssettm $0x7FFFFFFF  }
tec
execute0_lowered:
.L_overlay_start_1:
0x0: {  	(tag) =	ssettag $0x1  }
0x1: {  	s0 =	rddreg [dreg:$0x0]  }
0x2: {  	s1 =	rddreg [dreg:$0x1]  }
0x3: {  	s2 =	rddreg [dreg:$0x2]  }
0x4: {  	s6 =	rddreg [dreg:$0x3]  }
0x5: {  	s7 =	rddreg [dreg:$0x4]  }
0x6: {  	s9 =	rddreg [dreg:$0x5];
	v0 =	vimm.s32 $0x76543210;
	v1 =	vimm.s32 $0xFEDCBA98;
	v2 =	vimm.s32 $0xBA98FEDC  }
0x7: {  	s3 =	rddreg [dreg:$0x6];
	s4 =	simm.s32 $0x0;
	s11 =	stileid.u32;
	v3 =	vimm.s32 $0x32107654;
	v4 =	vimm.s32 $0xDCFE98BA;
	v5 =	vimm.s32 $0x54761032  }
0x8: {  	s5 =	srdreg.scid;
	v6 =	vimm.s32 $0xEFCDAB89;
	v7 =	vimm.s32 $0x67452301;
	s13 =	simm.s32 $0x800;
	s14 =	simm.s32 $0x4800;
	v0 =	vunpack.c.l.s4.s8 v0  }
0x9: {  	s15 =	simm.s32 $0x100;
	s16 =	simm.s32 $0x8800;
	s17 =	simm.s32 $0x180;
	v1 =	vunpack.c.l.s4.s8 v1;
	v2 =	vunpack.c.l.s4.s8 v2;
	v3 =	vunpack.c.l.s4.s8 v3  }
0xa: {  	s18 =	simm.s32 $0xC800;
	s19 =	simm.s32 $0x1;
	s20 =	simm.s32 $0x2;
	v4 =	vunpack.c.l.s4.s8 v4;
	v5 =	vunpack.c.l.s4.s8 v5;
	v6 =	vunpack.c.l.s4.s8 v6  }
0xb: {  	s21 =	simm.s32 $0x3;
	s22 =	simm.s32 $0x4;
	s23 =	simm.s32 $0x10800;
	v7 =	vunpack.c.l.s4.s8 v7;
	v2 =	vunpack.c.0.s8.s32 v2;
	v1 =	vunpack.c.0.s8.s32 v1  }
0xc: {  	s25 =	simm.s32 $0x5;
	s26 =	simm.s32 $0x6;
	s29 =	simm.s32 $0x0;
	v3 =	vunpack.c.0.s8.s32 v3;
	v4 =	vunpack.c.0.s8.s32 v4;
	v0 =	vunpack.c.0.s8.s32 v0  }
0xd: {  	[smem:$0x7FF] =	sst s4;
	s8 =	sshll.u32 s11, $0x8;
	s10 =	sand.u32 $0x1, s5;
	v5 =	vunpack.c.0.s8.s32 v5;
	v6 =	vunpack.c.0.s8.s32 v6;
	v1 =	vand.u32 $0xF, v1  }
0xe: {  	s31 =	sshll.u32 s11, $0x7;
	p0 =	sne.s32 s11, $0x0;
	s11 =	simm.s32 $0x7;
	v7 =	vunpack.c.0.s8.s32 v7;
	v2 =	vcombine.low v3, v2;
	v0 =	vcombine.low v1, v0  }
.Ltmp0:
0xf: {  	s2 =	sadd.s32 s8, s2;
	s5 =	ssub.s32 $0x2, s10;
	v59 =	vcombine.low v5, v4;
	(pc) =	sbr.rel .LBB2_1-.Ltmp0, $4  }
0x10: {  	vm0 =	vmmov $0x1;
	s30 =	sshll.u32 s10, $0xC;
	_ =	strace $0x80000047;
	s6 =	sadd.s32 s6, s10;
	v60 =	vcombine.low v7, v6;
	v61 =	vand.u32 $0xF, v2;
	[tilespmem:$0x1FFC0] =	vst v0  }
0x11: {  	vm1 =	vcmask $0x320;
	vm2 =	vcmask $0x720;
	s7 =	sadd.s32 s7, s10;
	s8 =	sadd.s32 s31, s3;
	s12 =	sshrl.u32 s5, $0x1;
	v62 =	vand.u32 $0xF, v59;
	[tilespmem:$0x1FFD0] =	vst v61  }
0x12: {  	vm3 =	vcmask $0xB20;
	vm4 =	vcmask $0xF20;
	s9 =	sadd.s32 s9, s10;
	s2 =	sadd.s32 s30, s2;
	s12 =	ssub.s32 s5, s12;
	v63 =	vand.u32 $0xF, v60;
	[tilespmem:$0x1FFE0] =	vst v62  }
0x13: {  	vm5 =	vcmask $0x1320;
	vm6 =	vcmask $0x1720;
	vm7 =	vcmask $0x1B20;
	s5 =	sadd.s32 $0x400, s2;
	s10 =	smax.u32 s12, $0x1;
	s12 =	simm.s32 $0x80;
	[tilespmem:$0x1FFF0] =	vst v63  }
.LBB2_12:
0x14: {  	[tilespmem:$0x10800] =	vst v23  }
0x15: {  	[tilespmem:$0x10810] =	vst v22  }
0x16: {  	[tilespmem:$0x10820] =	vst v11  }
0x17: {  	[tilespmem:$0x10830] =	vst v8  }
0x18: {  	[tilespmem:$0x10840] =	vst v6  }
0x19: {  	[tilespmem:$0x10850] =	vst v4  }
0x1a: {  	[tilespmem:$0x10860] =	vst v3  }
0x1b: {  	[tilespmem:$0x10870] =	vst v1  }
0x1c: {  	[spmem:s8] =	stream.linear.scatter [tilespmem:s23], [sflag:$0x7], $0x80, $0x38;
	[tilespmem:$0x11A80] =	vst v63  }
.Ltmp1:
0x1d: {  	_ =	swait.ge [sflag:s11], $0x80;
	(pc) =	sbr.rel @!p0 .LBB2_13-.Ltmp1, $3  }
0x1e: {  	[sflag:s11] =	ssyncset.done $0x0  }
0x1f: {  	[sflag:s11] =	ssyncadd.s32 $0xFFFFFF80  }
0x20: {  	[bflag:$0x0] =	sbarrier.arrive $0xFFFF;
	_ =	sdelay $0x1  }
.LBB2_14:
0x21: {  	s29 =	sadd.s32 $0x1, s29  }
0x22: {  	p1 =	sne.s32 s29, s10  }
.Ltmp2:
0x23: {  	_ = 	snop;
	(pc) =	sbr.rel @!p1 .LBB2_15-.Ltmp2, $1  }
0x24: {  	_ =	sdelay $0x3  }
.LBB2_1:
0x25: {  	[tilespmem:s4], [sflag:$0x7] =	stream.linear.gather [hbm4b:s5+s4], $0x800, $0x38;
	[tilespmem:$0x11A80] =	vst v63  }
0x26: {  	_ =	swait.ge [sflag:s11], $0x800  }
0x27: {  	[sflag:s11] =	ssyncset.done $0x0  }
0x28: {  	[sflag:s11] =	ssyncadd.s32 $0xFFFFF800  }
0x29: {  	[tilespmem:s13], [sflag:$0x1] =	stream.indirect.gather [hbm4b:s0+s12], $0x80, s4, s12, $0xb8;
	[tilespmem:$0x11A80] =	vst v63  }
0x2a: {  	_ = 	snop  }
0x2b: {  	[tilespmem:s14], [sflag:$0x2] =	stream.indirect.gather [hbm4b:s0+s12], $0x80, s12, s12, $0xb8;
	[tilespmem:$0x11A80] =	vst v63  }
0x2c: {  	_ = 	snop  }
0x2d: {  	[tilespmem:s16], [sflag:$0x3] =	stream.indirect.gather [hbm4b:s0+s12], $0x80, s15, s12, $0xb8;
	[tilespmem:$0x11A80] =	vst v63  }
0x2e: {  	_ = 	snop  }
0x2f: {  	[tilespmem:s18], [sflag:$0x4] =	stream.indirect.gather [hbm4b:s0+s12], $0x80, s17, s12, $0xb8;
	[tilespmem:$0x11A80] =	vst v63  }
0x30: {  	s2 =	simm.s32 @!p0 $0x0;
	s24 =	simm.s32 @!p0 $0x11100;
	s28 =	simm.s32 @!p0 $0x7  }
0x31: {  	[tilespmem:s24], [sflag:$0x7] =	stream.linear.gather @!p0 [hbm4b:s6+s2], $0x8, $0x38;
	[tilespmem:$0x11A80] =	vst v63  }
0x32: {  	_ =	swait.ge @!p0 [sflag:s28], $0x8  }
0x33: {  	[sflag:s28] =	ssyncset.done @!p0 $0x0  }
0x34: {  	s30 =	simm.s32 @!p0 $0x11180;
	[sflag:s28] =	ssyncadd.s32 @!p0 $0xFFFFFFF8  }
0x35: {  	[tilespmem:s30], [sflag:$0x7] =	stream.linear.gather @!p0 [hbm4b:s7+s2], $0x8, $0x38;
	[tilespmem:$0x11A80] =	vst v63  }
0x36: {  	_ =	swait.ge @!p0 [sflag:s28], $0x8  }
0x37: {  	[sflag:s28] =	ssyncset.done @!p0 $0x0  }
0x38: {  	s2 =	simm.s32 @!p0 $0x8;
	[sflag:s28] =	ssyncadd.s32 @!p0 $0xFFFFFFF8;
	s28 =	simm.s32 @!p0 $0x11200  }
0x39: {  	[tilespmem:s28], [sflag:$0x5] =	stream.indirect.gather @!p0 [hbm4b:s1+s2], $0x80, s24, s2, $0xb8;
	[tilespmem:$0x11A80] =	vst v63  }
0x3a: {  	v1 =	vimm.f32 $-Inf;
	v3 =	vimm.f32 $-Inf;
	s24 =	simm.s32 @!p0 $0x11600  }
0x3b: {  	v4 =	vimm.f32 $-Inf;
	v6 =	vimm.f32 $-Inf;
	v8 =	vimm.f32 $-Inf;
	[tilespmem:s24], [sflag:$0x6] =	stream.indirect.gather @!p0 [hbm4b:s0+s2], $0x80, s30, s2, $0xb8;
	[tilespmem:$0x11A80] =	vst v63  }
0x3c: {  	v11 =	vimm.f32 $-Inf;
	v22 =	vimm.f32 $-Inf;
	v23 =	vimm.f32 $-Inf;
	s30 =	simm.s32 $0x0  }
.LBB2_2:
0x3d: {  	_ =	swait.ge [sflag:s19], $0x4000  }
0x3e: {  	[sflag:s19] =	ssyncset.done $0x0  }
0x3f: {  	s24 =	simm.s32 $0x0;
	[sflag:s19] =	ssyncadd.s32 $0xFFFFC000  }
0x40: {  	v25 =	vld [tilespmem:s24+$0x980]  }
0x41: {  	v26 =	vld [tilespmem:s24+$0x990]  }
0x42: {  	v15 =	vld [tilespmem:s24+$0x9A0]  }
0x43: {  	v17 =	vld [tilespmem:s24+$0x9B0]  }
0x44: {  	v19 =	vld [tilespmem:s24+$0x9C0]  }
0x45: {  	v10 =	vld [tilespmem:s24+$0x9D0]  }
0x46: {  	v7 =	vld [tilespmem:s24+$0x9E0]  }
0x47: {  	v0 =	vld [tilespmem:s24+$0x900]  }
0x48: {  	v2 =	vld [tilespmem:s24+$0x910]  }
0x49: {  	v27 =	vld [tilespmem:s24+$0x920]  }
0x4a: {  	v28 =	vld [tilespmem:s24+$0x930]  }
0x4b: {  	v29 =	vld [tilespmem:s24+$0x940]  }
0x4c: {  	v20 =	vld [tilespmem:s24+$0x950]  }
0x4d: {  	v21 =	vld [tilespmem:s24+$0x960]  }
0x4e: {  	v5 =	vld [tilespmem:s24+$0x880]  }
0x4f: {  	v9 =	vld [tilespmem:s24+$0x890]  }
0x50: {  	v30 =	vld [tilespmem:s24+$0x8A0]  }
0x51: {  	v36 =	vld [tilespmem:s24+$0x8B0]  }
0x52: {  	v37 =	vld [tilespmem:s24+$0x8C0]  }
0x53: {  	v12 =	vld [tilespmem:s24+$0x800]  }
0x54: {  	v13 =	vld [tilespmem:s24+$0x810]  }
0x55: {  	v31 =	vld [tilespmem:s24+$0x8D0]  }
0x56: {  	v35 =	vld [tilespmem:s24+$0x820]  }
0x57: {  	v40 =	vld [tilespmem:s24+$0x830]  }
0x58: {  	v41 =	vld [tilespmem:s24+$0x840]  }
0x59: {  	v34 =	vld [tilespmem:s24+$0x8E0];
	v12 =	vmax.f32 v23, v12;
	v13 =	vmax.f32 v22, v13  }
0x5a: {  	v38 =	vld [tilespmem:s24+$0x850];
	v5 =	vmax.f32 v12, v5;
	v9 =	vmax.f32 v13, v9  }
0x5b: {  	s2 =	simm.s32 $0x800;
	v39 =	vld [tilespmem:s24+$0x860];
	v33 =	vmax.f32 v5, v0;
	v42 =	vmax.f32 v9, v2  }
.LBB2_3:
0x5c: {  	p1 =	sne.s32 s2, $0xF800;
	v0 =	vld [tilespmem:s24+$0x870];
	v2 =	vmax.f32 v33, v25;
	v5 =	vmax.f32 v42, v26  }
0x5d: {  	v9 =	vmax.f32 v11, v35;
	v8 =	vmax.f32 v8, v40;
	v6 =	vmax.f32 v6, v41;
	v12 =	vld [tilespmem:s24+$0x8F0]  }
0x5e: {  	v9 =	vmax.f32 v9, v30;
	v8 =	vmax.f32 v8, v36;
	v6 =	vmax.f32 v6, v37;
	v13 =	vld [tilespmem:s24+$0x970]  }
0x5f: {  	v9 =	vmax.f32 v9, v27;
	v8 =	vmax.f32 v8, v28;
	v6 =	vmax.f32 v6, v29;
	v14 =	vld [tilespmem:s24+$0x9F0];
	s24 =	sshra.s32 s2, $0x2  }
0x60: {  	v11 =	vmax.f32 v9, v15;
	v8 =	vmax.f32 v8, v17;
	v25 =	vld [tilespmem:s24+$0x980];
	v6 =	vmax.f32 v6, v19  }
0x61: {  	v4 =	vmax.f32 v4, v38;
	v3 =	vmax.f32 v3, v39;
	v26 =	vld [tilespmem:s24+$0x990];
	v0 =	vmax.f32 v1, v0  }
0x62: {  	v1 =	vmax.f32 v4, v31;
	v3 =	vmax.f32 v3, v34;
	v15 =	vld [tilespmem:s24+$0x9A0];
	v0 =	vmax.f32 v0, v12  }
0x63: {  	v1 =	vmax.f32 v1, v20;
	v3 =	vmax.f32 v3, v21;
	v17 =	vld [tilespmem:s24+$0x9B0];
	v0 =	vmax.f32 v0, v13  }
0x64: {  	v4 =	vmax.f32 v1, v10;
	v3 =	vmax.f32 v3, v7;
	v19 =	vld [tilespmem:s24+$0x9C0];
	v1 =	vmax.f32 v0, v14  }
0x65: {  	v10 =	vld [tilespmem:s24+$0x9D0]  }
0x66: {  	v7 =	vld [tilespmem:s24+$0x9E0]  }
0x67: {  	v0 =	vld [tilespmem:s24+$0x900]  }
0x68: {  	v9 =	vld [tilespmem:s24+$0x910]  }
0x69: {  	v27 =	vld [tilespmem:s24+$0x920]  }
0x6a: {  	v28 =	vld [tilespmem:s24+$0x930]  }
0x6b: {  	v29 =	vld [tilespmem:s24+$0x940]  }
0x6c: {  	v20 =	vld [tilespmem:s24+$0x950]  }
0x6d: {  	v21 =	vld [tilespmem:s24+$0x960]  }
0x6e: {  	v12 =	vld [tilespmem:s24+$0x880]  }
0x6f: {  	v13 =	vld [tilespmem:s24+$0x890]  }
0x70: {  	v30 =	vld [tilespmem:s24+$0x8A0]  }
0x71: {  	v36 =	vld [tilespmem:s24+$0x8B0]  }
0x72: {  	v37 =	vld [tilespmem:s24+$0x8C0]  }
0x73: {  	v14 =	vld [tilespmem:s24+$0x800]  }
0x74: {  	v16 =	vld [tilespmem:s24+$0x810]  }
0x75: {  	v31 =	vld [tilespmem:s24+$0x8D0]  }
0x76: {  	v35 =	vld [tilespmem:s24+$0x820]  }
.Ltmp3:
0x77: {  	v40 =	vld [tilespmem:s24+$0x830];
	(pc) =	sbr.rel @p1 .LBB2_3-.Ltmp3, $4  }
0x78: {  	v41 =	vld [tilespmem:s24+$0x840]  }
0x79: {  	v2 =	vmax.f32 v2, v14;
	v5 =	vmax.f32 v5, v16;
	v34 =	vld [tilespmem:s24+$0x8E0]  }
0x7a: {  	v2 =	vmax.f32 v2, v12;
	v38 =	vld [tilespmem:s24+$0x850];
	v5 =	vmax.f32 v5, v13  }
0x7b: {  	s2 =	sadd.s32 $0x800, s2;
	v33 =	vmax.f32 v2, v0;
	v39 =	vld [tilespmem:s24+$0x860];
	v42 =	vmax.f32 v5, v9  }
0x7c: {  	v43 =	vld [tilespmem:s24+$0x870]  }
0x7d: {  	v44 =	vld [tilespmem:s24+$0x8F0];
	s31 =	sshll.u32 s30, $0xB;
	p1 =	seq.s32 s30, $0x3  }
0x7e: {  	v45 =	vld [tilespmem:s24+$0x970];
	s2 =	sshrl.u32 @!p1 s31, $0x2  }
0x7f: {  	v46 =	vld [tilespmem:s24+$0x9F0];
	s28 =	simm.s32 @!p1 $0x80;
	s3 =	simm.s32 @!p1 $0x800;
	s24 =	sadd.s32 @!p1 $0x200, s2  }
0x80: {  	[tilespmem:s3], [sflag:$0x1] =	stream.indirect.gather @!p1 [hbm4b:s0+s28], $0x80, s24, s28, $0xb8;
	[tilespmem:$0x11A80] =	vst v63  }
0x81: {  	_ =	swait.ge [sflag:s20], $0x4000  }
0x82: {  	[sflag:s20] =	ssyncset.done $0x0  }
0x83: {  	s24 =	simm.s32 $0x0;
	[sflag:s20] =	ssyncadd.s32 $0xFFFFC000  }
0x84: {  	v16 =	vld [tilespmem:s24+$0x4980]  }
0x85: {  	v18 =	vld [tilespmem:s24+$0x4990]  }
0x86: {  	v5 =	vld [tilespmem:s24+$0x49A0]  }
0x87: {  	v9 =	vld [tilespmem:s24+$0x49B0]  }
0x88: {  	v12 =	vld [tilespmem:s24+$0x49C0]  }
0x89: {  	v2 =	vld [tilespmem:s24+$0x49D0]  }
0x8a: {  	v0 =	vld [tilespmem:s24+$0x49E0]  }
0x8b: {  	v47 =	vld [tilespmem:s24+$0x4900]  }
0x8c: {  	v48 =	vld [tilespmem:s24+$0x4910]  }
0x8d: {  	v22 =	vld [tilespmem:s24+$0x4920]  }
0x8e: {  	v23 =	vld [tilespmem:s24+$0x4930]  }
0x8f: {  	v24 =	vld [tilespmem:s24+$0x4940]  }
0x90: {  	v13 =	vld [tilespmem:s24+$0x4950]  }
0x91: {  	v14 =	vld [tilespmem:s24+$0x4960]  }
0x92: {  	v49 =	vld [tilespmem:s24+$0x4880]  }
0x93: {  	v50 =	vld [tilespmem:s24+$0x4890]  }
0x94: {  	v32 =	vld [tilespmem:s24+$0x48A0]  }
0x95: {  	v51 =	vmax.f32 v33, v25;
	v42 =	vmax.f32 v42, v26;
	v33 =	vld [tilespmem:s24+$0x48B0]  }
0x96: {  	v11 =	vmax.f32 v11, v35;
	v8 =	vmax.f32 v8, v40;
	v6 =	vmax.f32 v6, v41;
	v35 =	vld [tilespmem:s24+$0x48C0]  }
0x97: {  	v11 =	vmax.f32 v11, v30;
	v8 =	vmax.f32 v8, v36;
	v6 =	vmax.f32 v6, v37;
	v63 =	vld [tilespmem:s24+$0x4800]  }
0x98: {  	v11 =	vmax.f32 v11, v27;
	v8 =	vmax.f32 v8, v28;
	v6 =	vmax.f32 v6, v29;
	v28 =	vld [tilespmem:s24+$0x4810]  }
0x99: {  	v25 =	vmax.f32 v11, v15;
	v26 =	vmax.f32 v8, v17;
	v4 =	vmax.f32 v4, v38;
	v30 =	vld [tilespmem:s24+$0x48D0]  }
0x9a: {  	v27 =	vmax.f32 v6, v19;
	v3 =	vmax.f32 v3, v39;
	v4 =	vmax.f32 v4, v31;
	v36 =	vld [tilespmem:s24+$0x4820]  }
0x9b: {  	v1 =	vmax.f32 v1, v43;
	v3 =	vmax.f32 v3, v34;
	v4 =	vmax.f32 v4, v20;
	v40 =	vld [tilespmem:s24+$0x4830]  }
0x9c: {  	v1 =	vmax.f32 v1, v44;
	v3 =	vmax.f32 v3, v21;
	v21 =	vmax.f32 v4, v10;
	v41 =	vld [tilespmem:s24+$0x4840]  }
0x9d: {  	v1 =	vmax.f32 v1, v45;
	v37 =	vld [tilespmem:s24+$0x48E0];
	v4 =	vmax.f32 v51, v63;
	v6 =	vmax.f32 v42, v28  }
0x9e: {  	v38 =	vld [tilespmem:s24+$0x4850];
	v28 =	vmax.f32 v3, v7;
	v3 =	vmax.f32 v4, v49;
	v4 =	vmax.f32 v6, v50  }
0x9f: {  	s28 =	simm.s32 $0x800;
	v39 =	vld [tilespmem:s24+$0x4860];
	v29 =	vmax.f32 v1, v46;
	v34 =	vmax.f32 v3, v47;
	v42 =	vmax.f32 v4, v48  }
.LBB2_5:
0xa0: {  	p2 =	sne.s32 s28, $0xF800;
	v1 =	vld [tilespmem:s24+$0x4870];
	v3 =	vmax.f32 v34, v16;
	v4 =	vmax.f32 v42, v18  }
0xa1: {  	v6 =	vmax.f32 v25, v36;
	v7 =	vmax.f32 v26, v40;
	v8 =	vmax.f32 v27, v41;
	v10 =	vld [tilespmem:s24+$0x48F0]  }
0xa2: {  	v6 =	vmax.f32 v6, v32;
	v7 =	vmax.f32 v7, v33;
	v8 =	vmax.f32 v8, v35;
	v11 =	vld [tilespmem:s24+$0x4970]  }
0xa3: {  	v6 =	vmax.f32 v6, v22;
	v7 =	vmax.f32 v7, v23;
	v8 =	vmax.f32 v8, v24;
	v15 =	vld [tilespmem:s24+$0x49F0];
	s24 =	sshra.s32 s28, $0x2  }
0xa4: {  	v25 =	vmax.f32 v6, v5;
	v26 =	vmax.f32 v7, v9;
	v16 =	vld [tilespmem:s24+$0x4980];
	v27 =	vmax.f32 v8, v12  }
0xa5: {  	v6 =	vmax.f32 v21, v38;
	v7 =	vmax.f32 v28, v39;
	v18 =	vld [tilespmem:s24+$0x4990];
	v1 =	vmax.f32 v29, v1  }
0xa6: {  	v6 =	vmax.f32 v6, v30;
	v7 =	vmax.f32 v7, v37;
	v5 =	vld [tilespmem:s24+$0x49A0];
	v1 =	vmax.f32 v1, v10  }
0xa7: {  	v6 =	vmax.f32 v6, v13;
	v7 =	vmax.f32 v7, v14;
	v9 =	vld [tilespmem:s24+$0x49B0];
	v1 =	vmax.f32 v1, v11  }
0xa8: {  	v21 =	vmax.f32 v6, v2;
	v28 =	vmax.f32 v7, v0;
	v12 =	vld [tilespmem:s24+$0x49C0];
	v29 =	vmax.f32 v1, v15  }
0xa9: {  	v2 =	vld [tilespmem:s24+$0x49D0]  }
0xaa: {  	v0 =	vld [tilespmem:s24+$0x49E0]  }
0xab: {  	v1 =	vld [tilespmem:s24+$0x4900]  }
0xac: {  	v6 =	vld [tilespmem:s24+$0x4910]  }
0xad: {  	v22 =	vld [tilespmem:s24+$0x4920]  }
0xae: {  	v23 =	vld [tilespmem:s24+$0x4930]  }
0xaf: {  	v24 =	vld [tilespmem:s24+$0x4940]  }
0xb0: {  	v13 =	vld [tilespmem:s24+$0x4950]  }
0xb1: {  	v14 =	vld [tilespmem:s24+$0x4960]  }
0xb2: {  	v7 =	vld [tilespmem:s24+$0x4880]  }
0xb3: {  	v8 =	vld [tilespmem:s24+$0x4890]  }
0xb4: {  	v32 =	vld [tilespmem:s24+$0x48A0]  }
0xb5: {  	v33 =	vld [tilespmem:s24+$0x48B0]  }
0xb6: {  	v35 =	vld [tilespmem:s24+$0x48C0]  }
0xb7: {  	v10 =	vld [tilespmem:s24+$0x4800]  }
0xb8: {  	v11 =	vld [tilespmem:s24+$0x4810]  }
0xb9: {  	v30 =	vld [tilespmem:s24+$0x48D0]  }
0xba: {  	v36 =	vld [tilespmem:s24+$0x4820]  }
.Ltmp4:
0xbb: {  	v40 =	vld [tilespmem:s24+$0x4830];
	(pc) =	sbr.rel @p2 .LBB2_5-.Ltmp4, $4  }
0xbc: {  	v41 =	vld [tilespmem:s24+$0x4840]  }
0xbd: {  	v3 =	vmax.f32 v3, v10;
	v4 =	vmax.f32 v4, v11;
	v37 =	vld [tilespmem:s24+$0x48E0]  }
0xbe: {  	v3 =	vmax.f32 v3, v7;
	v38 =	vld [tilespmem:s24+$0x4850];
	v4 =	vmax.f32 v4, v8  }
0xbf: {  	s28 =	sadd.s32 $0x800, s28;
	v34 =	vmax.f32 v3, v1;
	v39 =	vld [tilespmem:s24+$0x4860];
	v42 =	vmax.f32 v4, v6  }
0xc0: {  	v43 =	vld [tilespmem:s24+$0x4870]  }
0xc1: {  	v44 =	vld [tilespmem:s24+$0x48F0]  }
0xc2: {  	v45 =	vld [tilespmem:s24+$0x4970]  }
0xc3: {  	v46 =	vld [tilespmem:s24+$0x49F0];
	s3 =	sadd.s32 @!p1 $0x280, s2;
	s24 =	simm.s32 @!p1 $0x80;
	s28 =	simm.s32 @!p1 $0x4800  }
0xc4: {  	[tilespmem:s28], [sflag:$0x2] =	stream.indirect.gather @!p1 [hbm4b:s0+s24], $0x80, s3, s24, $0xb8;
	[tilespmem:$0x11A80] =	vst v63  }
0xc5: {  	_ =	swait.ge [sflag:s21], $0x4000  }
0xc6: {  	[sflag:s21] =	ssyncset.done $0x0  }
0xc7: {  	s24 =	simm.s32 $0x0;
	[sflag:s21] =	ssyncadd.s32 $0xFFFFC000  }
0xc8: {  	v11 =	vld [tilespmem:s24+$0x8980]  }
0xc9: {  	v15 =	vld [tilespmem:s24+$0x8990]  }
0xca: {  	v4 =	vld [tilespmem:s24+$0x89A0]  }
0xcb: {  	v6 =	vld [tilespmem:s24+$0x89B0]  }
0xcc: {  	v7 =	vld [tilespmem:s24+$0x89C0]  }
0xcd: {  	v3 =	vld [tilespmem:s24+$0x89D0]  }
0xce: {  	v1 =	vld [tilespmem:s24+$0x89E0]  }
0xcf: {  	v47 =	vld [tilespmem:s24+$0x8900]  }
0xd0: {  	v48 =	vld [tilespmem:s24+$0x8910]  }
0xd1: {  	v17 =	vld [tilespmem:s24+$0x8920]  }
0xd2: {  	v19 =	vld [tilespmem:s24+$0x8930]  }
0xd3: {  	v20 =	vld [tilespmem:s24+$0x8940]  }
0xd4: {  	v8 =	vld [tilespmem:s24+$0x8950]  }
0xd5: {  	v10 =	vld [tilespmem:s24+$0x8960]  }
0xd6: {  	v49 =	vld [tilespmem:s24+$0x8880]  }
0xd7: {  	v50 =	vld [tilespmem:s24+$0x8890]  }
0xd8: {  	v31 =	vld [tilespmem:s24+$0x88A0]  }
0xd9: {  	v51 =	vmax.f32 v34, v16;
	v42 =	vmax.f32 v42, v18;
	v34 =	vld [tilespmem:s24+$0x88B0]  }
0xda: {  	v16 =	vmax.f32 v25, v36;
	v18 =	vmax.f32 v26, v40;
	v25 =	vmax.f32 v27, v41;
	v36 =	vld [tilespmem:s24+$0x88C0]  }
0xdb: {  	v16 =	vmax.f32 v16, v32;
	v18 =	vmax.f32 v18, v33;
	v25 =	vmax.f32 v25, v35;
	v26 =	vld [tilespmem:s24+$0x8800]  }
0xdc: {  	v16 =	vmax.f32 v16, v22;
	v22 =	vmax.f32 v18, v23;
	v23 =	vmax.f32 v25, v24;
	v24 =	vld [tilespmem:s24+$0x8810]  }
0xdd: {  	v18 =	vmax.f32 v16, v5;
	v22 =	vmax.f32 v22, v9;
	v5 =	vmax.f32 v21, v38;
	v27 =	vld [tilespmem:s24+$0x88D0]  }
0xde: {  	v23 =	vmax.f32 v23, v12;
	v9 =	vmax.f32 v28, v39;
	v5 =	vmax.f32 v5, v30;
	v38 =	vld [tilespmem:s24+$0x8820]  }
0xdf: {  	v12 =	vmax.f32 v29, v43;
	v9 =	vmax.f32 v9, v37;
	v39 =	vld [tilespmem:s24+$0x8830];
	v5 =	vmax.f32 v5, v13  }
0xe0: {  	v40 =	vld [tilespmem:s24+$0x8840];
	v12 =	vmax.f32 v12, v44;
	v9 =	vmax.f32 v9, v14;
	v16 =	vmax.f32 v5, v2  }
0xe1: {  	v32 =	vld [tilespmem:s24+$0x88E0];
	v12 =	vmax.f32 v12, v45;
	v2 =	vmax.f32 v51, v26;
	v5 =	vmax.f32 v42, v24  }
0xe2: {  	v35 =	vld [tilespmem:s24+$0x8850];
	v21 =	vmax.f32 v9, v0;
	v0 =	vmax.f32 v2, v49;
	v2 =	vmax.f32 v5, v50  }
0xe3: {  	s28 =	simm.s32 $0x800;
	v37 =	vld [tilespmem:s24+$0x8860];
	v25 =	vmax.f32 v12, v46;
	v41 =	vmax.f32 v0, v47;
	v42 =	vmax.f32 v2, v48  }
.LBB2_7:
0xe4: {  	p2 =	sne.s32 s28, $0xF800;
	v0 =	vld [tilespmem:s24+$0x8870];
	v2 =	vmax.f32 v41, v11;
	v5 =	vmax.f32 v42, v15  }
0xe5: {  	v9 =	vmax.f32 v18, v38;
	v11 =	vmax.f32 v22, v39;
	v12 =	vmax.f32 v23, v40;
	v13 =	vld [tilespmem:s24+$0x88F0]  }
0xe6: {  	v9 =	vmax.f32 v9, v31;
	v11 =	vmax.f32 v11, v34;
	v12 =	vmax.f32 v12, v36;
	v14 =	vld [tilespmem:s24+$0x8970]  }
0xe7: {  	v9 =	vmax.f32 v9, v17;
	v15 =	vmax.f32 v11, v19;
	v12 =	vmax.f32 v12, v20;
	v17 =	vld [tilespmem:s24+$0x89F0];
	s24 =	sshra.s32 s28, $0x2  }
0xe8: {  	v18 =	vmax.f32 v9, v4;
	v22 =	vmax.f32 v15, v6;
	v11 =	vld [tilespmem:s24+$0x8980];
	v23 =	vmax.f32 v12, v7  }
0xe9: {  	v6 =	vmax.f32 v16, v35;
	v7 =	vmax.f32 v21, v37;
	v15 =	vld [tilespmem:s24+$0x8990];
	v0 =	vmax.f32 v25, v0  }
0xea: {  	v9 =	vmax.f32 v6, v27;
	v7 =	vmax.f32 v7, v32;
	v4 =	vld [tilespmem:s24+$0x89A0];
	v0 =	vmax.f32 v0, v13  }
0xeb: {  	v8 =	vmax.f32 v9, v8;
	v9 =	vmax.f32 v7, v10;
	v6 =	vld [tilespmem:s24+$0x89B0];
	v0 =	vmax.f32 v0, v14  }
0xec: {  	v16 =	vmax.f32 v8, v3;
	v21 =	vmax.f32 v9, v1;
	v7 =	vld [tilespmem:s24+$0x89C0];
	v25 =	vmax.f32 v0, v17  }
0xed: {  	v3 =	vld [tilespmem:s24+$0x89D0]  }
0xee: {  	v1 =	vld [tilespmem:s24+$0x89E0]  }
0xef: {  	v0 =	vld [tilespmem:s24+$0x8900]  }
0xf0: {  	v9 =	vld [tilespmem:s24+$0x8910]  }
0xf1: {  	v17 =	vld [tilespmem:s24+$0x8920]  }
0xf2: {  	v19 =	vld [tilespmem:s24+$0x8930]  }
0xf3: {  	v20 =	vld [tilespmem:s24+$0x8940]  }
0xf4: {  	v8 =	vld [tilespmem:s24+$0x8950]  }
0xf5: {  	v10 =	vld [tilespmem:s24+$0x8960]  }
0xf6: {  	v12 =	vld [tilespmem:s24+$0x8880]  }
0xf7: {  	v13 =	vld [tilespmem:s24+$0x8890]  }
0xf8: {  	v31 =	vld [tilespmem:s24+$0x88A0]  }
0xf9: {  	v34 =	vld [tilespmem:s24+$0x88B0]  }
0xfa: {  	v36 =	vld [tilespmem:s24+$0x88C0]  }
0xfb: {  	v14 =	vld [tilespmem:s24+$0x8800]  }
0xfc: {  	v24 =	vld [tilespmem:s24+$0x8810]  }
0xfd: {  	v27 =	vld [tilespmem:s24+$0x88D0]  }
0xfe: {  	v38 =	vld [tilespmem:s24+$0x8820]  }
.Ltmp5:
0xff: {  	v39 =	vld [tilespmem:s24+$0x8830];
	(pc) =	sbr.rel @p2 .LBB2_7-.Ltmp5, $4  }
0x100: {  	v40 =	vld [tilespmem:s24+$0x8840]  }
0x101: {  	v2 =	vmax.f32 v2, v14;
	v5 =	vmax.f32 v5, v24;
	v32 =	vld [tilespmem:s24+$0x88E0]  }
0x102: {  	v2 =	vmax.f32 v2, v12;
	v35 =	vld [tilespmem:s24+$0x8850];
	v5 =	vmax.f32 v5, v13  }
0x103: {  	s28 =	sadd.s32 $0x800, s28;
	v41 =	vmax.f32 v2, v0;
	v37 =	vld [tilespmem:s24+$0x8860];
	v42 =	vmax.f32 v5, v9  }
0x104: {  	v43 =	vld [tilespmem:s24+$0x8870]  }
0x105: {  	v44 =	vld [tilespmem:s24+$0x88F0]  }
0x106: {  	v45 =	vld [tilespmem:s24+$0x8970]  }
0x107: {  	v46 =	vld [tilespmem:s24+$0x89F0];
	s2 =	sadd.s32 @!p1 $0x300, s2;
	s3 =	simm.s32 @!p1 $0x80;
	s24 =	simm.s32 @!p1 $0x8800  }
0x108: {  	[tilespmem:s24], [sflag:$0x3] =	stream.indirect.gather @!p1 [hbm4b:s0+s3], $0x80, s2, s3, $0xb8;
	[tilespmem:$0x11A80] =	vst v63  }
0x109: {  	_ =	swait.ge [sflag:s22], $0x4000  }
0x10a: {  	[sflag:s22] =	ssyncset.done $0x0  }
0x10b: {  	s2 =	simm.s32 $0x0;
	[sflag:s22] =	ssyncadd.s32 $0xFFFFC000  }
0x10c: {  	v24 =	vld [tilespmem:s2+$0xC980]  }
0x10d: {  	v26 =	vld [tilespmem:s2+$0xC990]  }
0x10e: {  	v5 =	vld [tilespmem:s2+$0xC9A0]  }
0x10f: {  	v9 =	vld [tilespmem:s2+$0xC9B0]  }
0x110: {  	v12 =	vld [tilespmem:s2+$0xC9C0]  }
0x111: {  	v0 =	vld [tilespmem:s2+$0xC9D0]  }
0x112: {  	v2 =	vld [tilespmem:s2+$0xC9E0]  }
0x113: {  	v47 =	vld [tilespmem:s2+$0xC900]  }
0x114: {  	v48 =	vld [tilespmem:s2+$0xC910]  }
0x115: {  	v28 =	vld [tilespmem:s2+$0xC920]  }
0x116: {  	v29 =	vld [tilespmem:s2+$0xC930]  }
0x117: {  	v30 =	vld [tilespmem:s2+$0xC940]  }
0x118: {  	v13 =	vld [tilespmem:s2+$0xC950]  }
0x119: {  	v14 =	vld [tilespmem:s2+$0xC960]  }
0x11a: {  	v49 =	vld [tilespmem:s2+$0xC880]  }
0x11b: {  	v50 =	vld [tilespmem:s2+$0xC890]  }
0x11c: {  	v33 =	vld [tilespmem:s2+$0xC8A0]  }
0x11d: {  	v41 =	vmax.f32 v41, v11;
	v42 =	vmax.f32 v42, v15;
	v15 =	vmax.f32 v18, v38;
	v11 =	vld [tilespmem:s2+$0xC8B0]  }
0x11e: {  	v22 =	vmax.f32 v22, v39;
	v23 =	vmax.f32 v23, v40;
	v15 =	vmax.f32 v15, v31;
	v18 =	vld [tilespmem:s2+$0xC8C0]  }
0x11f: {  	v22 =	vmax.f32 v22, v34;
	v23 =	vmax.f32 v23, v36;
	v15 =	vmax.f32 v15, v17;
	v31 =	vld [tilespmem:s2+$0xC800]  }
0x120: {  	v17 =	vmax.f32 v22, v19;
	v19 =	vmax.f32 v23, v20;
	v4 =	vmax.f32 v15, v4;
	v22 =	vld [tilespmem:s2+$0xC810]  }
0x121: {  	v6 =	vmax.f32 v17, v6;
	v16 =	vmax.f32 v16, v35;
	v7 =	vmax.f32 v19, v7;
	v15 =	vld [tilespmem:s2+$0xC8D0]  }
0x122: {  	v17 =	vmax.f32 v21, v37;
	v16 =	vmax.f32 v16, v27;
	v19 =	vmax.f32 v25, v43;
	v20 =	vld [tilespmem:s2+$0xC820]  }
0x123: {  	v17 =	vmax.f32 v17, v32;
	v21 =	vld [tilespmem:s2+$0xC830];
	v16 =	vmax.f32 v16, v8;
	v19 =	vmax.f32 v19, v44  }
0x124: {  	v8 =	vld [tilespmem:s2+$0xC840];
	v10 =	vmax.f32 v17, v10;
	v3 =	vmax.f32 v16, v3;
	v19 =	vmax.f32 v19, v45  }
0x125: {  	v16 =	vld [tilespmem:s2+$0xC8E0];
	v1 =	vmax.f32 v10, v1;
	v17 =	vmax.f32 v41, v31;
	v22 =	vmax.f32 v42, v22  }
0x126: {  	v10 =	vmax.f32 v19, v46;
	v19 =	vld [tilespmem:s2+$0xC860];
	v23 =	vmax.f32 v17, v49;
	v25 =	vmax.f32 v22, v50  }
0x127: {  	s24 =	simm.s32 $0x800;
	v17 =	vld [tilespmem:s2+$0xC850];
	v22 =	vmax.f32 v23, v47;
	v25 =	vmax.f32 v25, v48  }
.LBB2_9:
0x128: {  	p2 =	sne.s32 s24, $0xF800;
	v23 =	vld [tilespmem:s2+$0xC870];
	v22 =	vmax.f32 v22, v24;
	v25 =	vmax.f32 v25, v26  }
0x129: {  	v4 =	vmax.f32 v4, v20;
	v6 =	vmax.f32 v6, v21;
	v7 =	vmax.f32 v7, v8;
	v8 =	vld [tilespmem:s2+$0xC8F0]  }
0x12a: {  	v4 =	vmax.f32 v4, v33;
	v6 =	vmax.f32 v6, v11;
	v7 =	vmax.f32 v7, v18;
	v11 =	vld [tilespmem:s2+$0xC970]  }
0x12b: {  	v4 =	vmax.f32 v4, v28;
	v6 =	vmax.f32 v6, v29;
	v7 =	vmax.f32 v7, v30;
	v18 =	vld [tilespmem:s2+$0xC9F0];
	s2 =	sshra.s32 s24, $0x2  }
0x12c: {  	v4 =	vmax.f32 v4, v5;
	v6 =	vmax.f32 v6, v9;
	v24 =	vld [tilespmem:s2+$0xC980];
	v7 =	vmax.f32 v7, v12  }
0x12d: {  	v3 =	vmax.f32 v3, v17;
	v1 =	vmax.f32 v1, v19;
	v26 =	vld [tilespmem:s2+$0xC990];
	v9 =	vmax.f32 v10, v23  }
0x12e: {  	v3 =	vmax.f32 v3, v15;
	v1 =	vmax.f32 v1, v16;
	v5 =	vld [tilespmem:s2+$0xC9A0];
	v8 =	vmax.f32 v9, v8  }
0x12f: {  	v3 =	vmax.f32 v3, v13;
	v1 =	vmax.f32 v1, v14;
	v9 =	vld [tilespmem:s2+$0xC9B0];
	v8 =	vmax.f32 v8, v11  }
0x130: {  	v3 =	vmax.f32 v3, v0;
	v1 =	vmax.f32 v1, v2;
	v12 =	vld [tilespmem:s2+$0xC9C0];
	v10 =	vmax.f32 v8, v18  }
0x131: {  	v0 =	vld [tilespmem:s2+$0xC9D0]  }
0x132: {  	v2 =	vld [tilespmem:s2+$0xC9E0]  }
0x133: {  	v23 =	vld [tilespmem:s2+$0xC900]  }
0x134: {  	v27 =	vld [tilespmem:s2+$0xC910]  }
0x135: {  	v28 =	vld [tilespmem:s2+$0xC920]  }
0x136: {  	v29 =	vld [tilespmem:s2+$0xC930]  }
0x137: {  	v30 =	vld [tilespmem:s2+$0xC940]  }
0x138: {  	v13 =	vld [tilespmem:s2+$0xC950]  }
0x139: {  	v14 =	vld [tilespmem:s2+$0xC960]  }
0x13a: {  	v19 =	vld [tilespmem:s2+$0xC880]  }
0x13b: {  	v31 =	vld [tilespmem:s2+$0xC890]  }
0x13c: {  	v33 =	vld [tilespmem:s2+$0xC8A0]  }
0x13d: {  	v11 =	vld [tilespmem:s2+$0xC8B0]  }
0x13e: {  	v18 =	vld [tilespmem:s2+$0xC8C0]  }
0x13f: {  	v16 =	vld [tilespmem:s2+$0xC800]  }
0x140: {  	v17 =	vld [tilespmem:s2+$0xC810]  }
0x141: {  	v15 =	vld [tilespmem:s2+$0xC8D0]  }
0x142: {  	v20 =	vld [tilespmem:s2+$0xC820]  }
.Ltmp6:
0x143: {  	v21 =	vld [tilespmem:s2+$0xC830];
	(pc) =	sbr.rel @p2 .LBB2_9-.Ltmp6, $4  }
0x144: {  	v8 =	vld [tilespmem:s2+$0xC840]  }
0x145: {  	v22 =	vmax.f32 v22, v16;
	v25 =	vmax.f32 v25, v17;
	v16 =	vld [tilespmem:s2+$0xC8E0]  }
0x146: {  	v22 =	vmax.f32 v22, v19;
	v17 =	vld [tilespmem:s2+$0xC850];
	v25 =	vmax.f32 v25, v31  }
0x147: {  	s24 =	sadd.s32 $0x800, s24;
	v22 =	vmax.f32 v22, v23;
	v19 =	vld [tilespmem:s2+$0xC860];
	v25 =	vmax.f32 v25, v27  }
0x148: {  	v27 =	vld [tilespmem:s2+$0xC870];
	v23 =	vmax.f32 v22, v24;
	v22 =	vmax.f32 v25, v26  }
0x149: {  	v4 =	vmax.f32 v4, v20;
	v6 =	vmax.f32 v6, v21;
	v20 =	vld [tilespmem:s2+$0xC8F0];
	v7 =	vmax.f32 v7, v8  }
0x14a: {  	v63 =	vld [tilespmem:s2+$0xC970];
	v4 =	vmax.f32 v4, v33;
	v6 =	vmax.f32 v6, v11;
	v7 =	vmax.f32 v7, v18  }
0x14b: {  	v21 =	vld [tilespmem:s2+$0xC9F0];
	v4 =	vmax.f32 v4, v28;
	v6 =	vmax.f32 v6, v29;
	v7 =	vmax.f32 v7, v30  }
.Ltmp7:
0x14c: {  	v11 =	vmax.f32 v4, v5;
	v8 =	vmax.f32 v6, v9;
	v3 =	vmax.f32 v3, v17;
	(pc) =	sbr.rel @p1 .LBB2_12-.Ltmp7, $4  }
0x14d: {  	v6 =	vmax.f32 v7, v12;
	v1 =	vmax.f32 v1, v19;
	v4 =	vmax.f32 v10, v27  }
0x14e: {  	v3 =	vmax.f32 v3, v15;
	v1 =	vmax.f32 v1, v16;
	v4 =	vmax.f32 v4, v20  }
0x14f: {  	v3 =	vmax.f32 v3, v13;
	v1 =	vmax.f32 v1, v14;
	v5 =	vmax.f32 v4, v63  }
0x150: {  	v4 =	vmax.f32 v3, v0;
	v3 =	vmax.f32 v1, v2;
	v1 =	vmax.f32 v5, v21  }
.Ltmp8:
0x151: {  	(pc) =	sbr.rel .LBB2_2-.Ltmp8, $4  }
0x152: {  	_ = 	snop  }
0x153: {  	s2 =	sshrl.u32 s31, $0x2  }
0x154: {  	s30 =	sadd.s32 $0x1, s30;
	s2 =	sadd.s32 $0x380, s2  }
0x155: {  	[tilespmem:s18], [sflag:$0x4] =	stream.indirect.gather [hbm4b:s0+s12], $0x80, s2, s12, $0xb8;
	[tilespmem:$0x11A80] =	vst v63  }
.LBB2_13:
0x156: {  	s2 =	rddreg [dreg:$0x6];
	s3 =	simm.s32 $0x10900  }
0x157: {  	[tilespmem:s3], [sflag:$0x7] =	stream.linear.gather [spmem:s2], $0x800, $0x38;
	[tilespmem:$0x11A80] =	vst v63  }
0x158: {  	_ =	swait.ge [sflag:s11], $0x800  }
0x159: {  	[sflag:s11] =	ssyncset.done $0x0  }
0x15a: {  	[sflag:s11] =	ssyncadd.s32 $0xFFFFF800  }
0x15b: {  	_ =	swait.ge [sflag:s25], $0x400  }
0x15c: {  	[sflag:s25] =	ssyncset.done $0x0  }
0x15d: {  	[sflag:s25] =	ssyncadd.s32 $0xFFFFFC00  }
0x15e: {  	_ =	swait.ge [sflag:s26], $0x400  }
0x15f: {  	[sflag:s26] =	ssyncset.done $0x0  }
0x160: {  	[sflag:s26] =	ssyncadd.s32 $0xFFFFFC00  }
0x161: {  	v62 =	vld [tilespmem:$0x11310];
	_ =	sdelay $0x4  }
0x162: {  	[tilespmem:$0x1F910] =	vst v62;
	v62 =	vld [tilespmem:$0x11710];
	_ =	sdelay $0x4  }
0x163: {  	[tilespmem:$0x1F920] =	vst v62;
	v62 =	vld [tilespmem:$0x10B20];
	_ =	sdelay $0x4  }
0x164: {  	[tilespmem:$0x1F930] =	vst v62;
	v62 =	vld [tilespmem:$0x10BA0];
	_ =	sdelay $0x4  }
0x165: {  	[tilespmem:$0x1F940] =	vst v62;
	v62 =	vld [tilespmem:$0x11320];
	_ =	sdelay $0x4  }
0x166: {  	[tilespmem:$0x1F950] =	vst v62;
	v62 =	vld [tilespmem:$0x11720];
	_ =	sdelay $0x4  }
0x167: {  	[tilespmem:$0x1F960] =	vst v62;
	v62 =	vld [tilespmem:$0x10B30];
	_ =	sdelay $0x4  }
0x168: {  	[tilespmem:$0x1F970] =	vst v62;
	v62 =	vld [tilespmem:$0x10BB0];
	_ =	sdelay $0x4  }
0x169: {  	[tilespmem:$0x1F980] =	vst v62;
	v62 =	vld [tilespmem:$0x11330];
	_ =	sdelay $0x4  }
0x16a: {  	[tilespmem:$0x1F990] =	vst v62;
	v62 =	vld [tilespmem:$0x11730];
	_ =	sdelay $0x4  }
0x16b: {  	[tilespmem:$0x1F9A0] =	vst v62;
	v62 =	vld [tilespmem:$0x10B40];
	_ =	sdelay $0x4  }
0x16c: {  	[tilespmem:$0x1F9B0] =	vst v62;
	v62 =	vld [tilespmem:$0x10BC0];
	_ =	sdelay $0x4  }
0x16d: {  	[tilespmem:$0x1F9C0] =	vst v62;
	v62 =	vld [tilespmem:$0x11340];
	_ =	sdelay $0x4  }
0x16e: {  	[tilespmem:$0x1F9D0] =	vst v62;
	v62 =	vld [tilespmem:$0x11740];
	_ =	sdelay $0x4  }
0x16f: {  	[tilespmem:$0x1F9E0] =	vst v62;
	v62 =	vld [tilespmem:$0x10B50];
	_ =	sdelay $0x4  }
0x170: {  	[tilespmem:$0x1F9F0] =	vst v62;
	v62 =	vld [tilespmem:$0x10BD0];
	_ =	sdelay $0x4  }
0x171: {  	[tilespmem:$0x1FA00] =	vst v62;
	v62 =	vld [tilespmem:$0x11350];
	_ =	sdelay $0x4  }
0x172: {  	[tilespmem:$0x1FA10] =	vst v62;
	v62 =	vld [tilespmem:$0x11750];
	_ =	sdelay $0x4  }
0x173: {  	[tilespmem:$0x1FA40] =	vst v62;
	v62 =	vld [tilespmem:$0x10B60];
	_ =	sdelay $0x4  }
0x174: {  	[tilespmem:$0x1FA90] =	vst v62;
	v62 =	vld [tilespmem:$0x10BE0];
	_ =	sdelay $0x4  }
0x175: {  	[tilespmem:$0x1FAA0] =	vst v62;
	v62 =	vld [tilespmem:$0x11360];
	_ =	sdelay $0x4  }
0x176: {  	[tilespmem:$0x1FAF0] =	vst v62;
	v62 =	vld [tilespmem:$0x11760];
	_ =	sdelay $0x4  }
0x177: {  	[tilespmem:$0x1FB60] =	vst v62;
	v62 =	vld [tilespmem:$0x10B70];
	_ =	sdelay $0x4  }
0x178: {  	[tilespmem:$0x1FB00] =	vst v62;
	v62 =	vld [tilespmem:$0x10BF0];
	_ =	sdelay $0x4  }
0x179: {  	[tilespmem:$0x1FB10] =	vst v62;
	v62 =	vld [tilespmem:$0x11370];
	_ =	sdelay $0x4  }
0x17a: {  	[tilespmem:$0x1FB70] =	vst v62;
	v62 =	vld [tilespmem:$0x11770];
	_ =	sdelay $0x4  }
0x17b: {  	[tilespmem:$0x1FBC0] =	vst v62;
	v62 =	vld [tilespmem:$0x10C00];
	_ =	sdelay $0x4  }
0x17c: {  	[tilespmem:$0x1FA20] =	vst v62;
	v62 =	vld [tilespmem:$0x10C80];
	_ =	sdelay $0x4  }
0x17d: {  	[tilespmem:$0x1FA30] =	vst v62;
	v62 =	vld [tilespmem:$0x11380];
	_ =	sdelay $0x4  }
0x17e: {  	[tilespmem:$0x1FA50] =	vst v62;
	v62 =	vld [tilespmem:$0x11780];
	_ =	sdelay $0x4  }
0x17f: {  	[tilespmem:$0x1FA60] =	vst v62;
	v62 =	vld [tilespmem:$0x10C10];
	_ =	sdelay $0x4  }
0x180: {  	[tilespmem:$0x1FA70] =	vst v62;
	v62 =	vld [tilespmem:$0x10C90];
	_ =	sdelay $0x4  }
0x181: {  	[tilespmem:$0x1FA80] =	vst v62;
	v62 =	vld [tilespmem:$0x11390];
	_ =	sdelay $0x4  }
0x182: {  	[tilespmem:$0x1FAB0] =	vst v62;
	v62 =	vld [tilespmem:$0x11790];
	_ =	sdelay $0x4  }
0x183: {  	[tilespmem:$0x1FAC0] =	vst v62;
	v62 =	vld [tilespmem:$0x10C20];
	_ =	sdelay $0x4  }
0x184: {  	[tilespmem:$0x1FAD0] =	vst v62;
	v62 =	vld [tilespmem:$0x10CA0];
	_ =	sdelay $0x4  }
0x185: {  	[tilespmem:$0x1FAE0] =	vst v62;
	v62 =	vld [tilespmem:$0x113A0];
	_ =	sdelay $0x4  }
0x186: {  	[tilespmem:$0x1FB20] =	vst v62;
	v62 =	vld [tilespmem:$0x117A0];
	_ =	sdelay $0x4  }
0x187: {  	[tilespmem:$0x1FB30] =	vst v62;
	v62 =	vld [tilespmem:$0x10C30];
	_ =	sdelay $0x4  }
0x188: {  	[tilespmem:$0x1FB40] =	vst v62;
	v62 =	vld [tilespmem:$0x10CB0];
	_ =	sdelay $0x4  }
0x189: {  	[tilespmem:$0x1FB50] =	vst v62;
	v62 =	vld [tilespmem:$0x113B0];
	_ =	sdelay $0x4  }
0x18a: {  	[tilespmem:$0x1FB80] =	vst v62;
	v62 =	vld [tilespmem:$0x117B0];
	_ =	sdelay $0x4  }
0x18b: {  	[tilespmem:$0x1FB90] =	vst v62;
	v62 =	vld [tilespmem:$0x10C40];
	_ =	sdelay $0x4  }
0x18c: {  	[tilespmem:$0x1FBA0] =	vst v62;
	v62 =	vld [tilespmem:$0x10CC0];
	_ =	sdelay $0x3  }
0x18d: {  	v15 =	vld [tilespmem:$0x10900]  }
0x18e: {  	[tilespmem:$0x1FBB0] =	vst v62;
	v62 =	vld [tilespmem:$0x113C0]  }
0x18f: {  	v12 =	vld [tilespmem:$0x10980]  }
0x190: {  	v16 =	vld [tilespmem:$0x11200]  }
0x191: {  	v20 =	vld [tilespmem:$0x11600]  }
0x192: {  	v21 =	vld [tilespmem:$0x10910]  }
0x193: {  	[tilespmem:$0x1FBD0] =	vst v62;
	v62 =	vld [tilespmem:$0x117C0]  }
0x194: {  	v17 =	vld [tilespmem:$0x10990]  }
0x195: {  	v18 =	vld [tilespmem:$0x11210]  }
0x196: {  	v24 =	vld [tilespmem:$0x11610]  }
0x197: {  	v22 =	vld [tilespmem:$0x10920]  }
0x198: {  	[tilespmem:$0x1FBE0] =	vst v62;
	v62 =	vld [tilespmem:$0x10C50]  }
0x199: {  	v19 =	vld [tilespmem:$0x109A0]  }
0x19a: {  	v26 =	vld [tilespmem:$0x11220]  }
0x19b: {  	v52 =	vld [tilespmem:$0x11620]  }
0x19c: {  	v58 =	vld [tilespmem:$0x10930]  }
0x19d: {  	[tilespmem:$0x1FBF0] =	vst v62;
	v62 =	vld [tilespmem:$0x10CD0]  }
0x19e: {  	v27 =	vld [tilespmem:$0x109B0]  }
0x19f: {  	v30 =	vld [tilespmem:$0x11230]  }
0x1a0: {  	v47 =	vld [tilespmem:$0x11630]  }
0x1a1: {  	v36 =	vld [tilespmem:$0x10940]  }
0x1a2: {  	[tilespmem:$0x1FC00] =	vst v62;
	v62 =	vld [tilespmem:$0x113D0]  }
0x1a3: {  	v48 =	vld [tilespmem:$0x109C0]  }
0x1a4: {  	v40 =	vld [tilespmem:$0x11240]  }
0x1a5: {  	v49 =	vld [tilespmem:$0x11640]  }
0x1a6: {  	v50 =	vld [tilespmem:$0x10950]  }
0x1a7: {  	[tilespmem:$0x1FC10] =	vst v62;
	v62 =	vld [tilespmem:$0x117D0]  }
0x1a8: {  	v46 =	vld [tilespmem:$0x109D0]  }
0x1a9: {  	v53 =	vld [tilespmem:$0x11250]  }
0x1aa: {  	v56 =	vld [tilespmem:$0x11650]  }
0x1ab: {  	v55 =	vld [tilespmem:$0x10960]  }
0x1ac: {  	[tilespmem:$0x1FC40] =	vst v62;
	v62 =	vld [tilespmem:$0x10C60]  }
0x1ad: {  	v54 =	vld [tilespmem:$0x109E0]  }
0x1ae: {  	v0 =	vld [tilespmem:$0x11260]  }
0x1af: {  	v9 =	vld [tilespmem:$0x11660]  }
0x1b0: {  	v10 =	vld [tilespmem:$0x10970]  }
0x1b1: {  	[tilespmem:$0x1FC60] =	vst v62;
	v62 =	vld [tilespmem:$0x10CE0]  }
0x1b2: {  	v11 =	vld [tilespmem:$0x109F0]  }
0x1b3: {  	v13 =	vld [tilespmem:$0x11270]  }
0x1b4: {  	v14 =	vld [tilespmem:$0x11670]  }
0x1b5: {  	v1 =	vld [tilespmem:$0x10A00]  }
0x1b6: {  	[tilespmem:$0x1FC70] =	vst v62;
	v62 =	vld [tilespmem:$0x113E0]  }
0x1b7: {  	v2 =	vld [tilespmem:$0x11280]  }
0x1b8: {  	v4 =	vld [tilespmem:$0x11680]  }
0x1b9: {  	v5 =	vld [tilespmem:$0x10A10]  }
0x1ba: {  	v3 =	vld [tilespmem:$0x10A90]  }
0x1bb: {  	[tilespmem:$0x1FCB0] =	vst v62;
	v62 =	vld [tilespmem:$0x117E0]  }
0x1bc: {  	v6 =	vld [tilespmem:$0x11290]  }
0x1bd: {  	v8 =	vld [tilespmem:$0x11690]  }
0x1be: {  	v7 =	vld [tilespmem:$0x10AA0]  }
0x1bf: {  	v23 =	vld [tilespmem:$0x112B0]  }
0x1c0: {  	[tilespmem:$0x1FD00] =	vst v62;
	v62 =	vld [tilespmem:$0x10C70]  }
0x1c1: {  	v28 =	vld [tilespmem:$0x116B0]  }
0x1c2: {  	v29 =	vld [tilespmem:$0x10A40]  }
0x1c3: {  	v25 =	vld [tilespmem:$0x10AC0]  }
0x1c4: {  	v31 =	vld [tilespmem:$0x112C0]  }
0x1c5: {  	[tilespmem:$0x1FD10] =	vst v62;
	v62 =	vld [tilespmem:$0x10CF0]  }
0x1c6: {  	v33 =	vld [tilespmem:$0x116C0]  }
0x1c7: {  	v34 =	vld [tilespmem:$0x10A50]  }
0x1c8: {  	v32 =	vld [tilespmem:$0x10AD0]  }
0x1c9: {  	v35 =	vld [tilespmem:$0x112D0]  }
0x1ca: {  	[tilespmem:$0x1FD20] =	vst v62;
	v62 =	vld [tilespmem:$0x113F0]  }
0x1cb: {  	v38 =	vld [tilespmem:$0x116D0]  }
0x1cc: {  	v39 =	vld [tilespmem:$0x10A60]  }
0x1cd: {  	v37 =	vld [tilespmem:$0x10AE0]  }
0x1ce: {  	v41 =	vld [tilespmem:$0x112E0]  }
0x1cf: {  	[tilespmem:$0x1FD40] =	vst v62;
	v62 =	vld [tilespmem:$0x117F0]  }
0x1d0: {  	v43 =	vld [tilespmem:$0x116E0]  }
0x1d1: {  	v44 =	vld [tilespmem:$0x10A70]  }
0x1d2: {  	v42 =	vld [tilespmem:$0x10AF0]  }
0x1d3: {  	v45 =	vld [tilespmem:$0x112F0]  }
0x1d4: {  	[tilespmem:$0x1FD60] =	vst v62;
	v62 =	vld [tilespmem:$0x10D00]  }
0x1d5: {  	v51 =	vld [tilespmem:$0x116F0]  }
0x1d6: {  	v60 =	vld [tilespmem:$0x10B00]  }
0x1d7: {  	v57 =	vld [tilespmem:$0x10B80]  }
0x1d8: {  	v59 =	vld [tilespmem:$0x11300]  }
0x1d9: {  	[tilespmem:$0x1FC20] =	vst v62;
	v62 =	vld [tilespmem:$0x10D80]  }
0x1da: {  	v61 =	vld [tilespmem:$0x11700]  }
0x1db: {  	v63 =	vld [tilespmem:$0x10B10]  }
0x1dc: {  	[tilespmem:$0x1F8A0] =	vst v0;
	v0 =	vld [tilespmem:$0x10A80]  }
0x1dd: {  	[tilespmem:$0x1F8B0] =	vst v9;
	v9 =	vld [tilespmem:$0x10A20]  }
0x1de: {  	[tilespmem:$0x1FC30] =	vst v62;
	v62 =	vld [tilespmem:$0x11400]  }
0x1df: {  	[tilespmem:$0x1F8C0] =	vst v10;
	v10 =	vld [tilespmem:$0x112A0]  }
0x1e0: {  	[tilespmem:$0x1F8E0] =	vst v13;
	v13 =	vld [tilespmem:$0x116A0]  }
0x1e1: {  	[tilespmem:$0x1F8F0] =	vst v14;
	v14 =	vld [tilespmem:$0x10A30]  }
0x1e2: {  	[tilespmem:$0x1F8D0] =	vst v11;
	v11 =	vld [tilespmem:$0x10AB0]  }
0x1e3: {  	[tilespmem:$0x1FC50] =	vst v62;
	v62 =	vld [tilespmem:$0x11800]  }
0x1e4: {  	v12 =	vmax.f32 v15, v12;
	v15 =	vld [tilespmem:$0x10E80]  }
0x1e5: {  	[tilespmem:$0x1F900] =	vst v61;
	v61 =	vld [tilespmem:$0x10B90]  }
0x1e6: {  	v3 =	vmax.f32 v5, v3;
	v5 =	vld [tilespmem:$0x114D0];
	v12 =	vmax.f32 v12, v16  }
0x1e7: {  	v12 =	vmul.f32 v20, v12;
	v20 =	vld [tilespmem:$0x11880]  }
0x1e8: {  	[tilespmem:$0x1FC80] =	vst v62;
	v62 =	vld [tilespmem:$0x10D10]  }
0x1e9: {  	[tilespmem:$0x1FDA0] =	vst v15;
	v15 =	vld [tilespmem:$0x11480]  }
0x1ea: {  	v48 =	vmax.f32 v36, v48;
	v36 =	vld [tilespmem:$0x1F8B0]  }
0x1eb: {  	v3 =	vmax.f32 v3, v6;
	v6 =	vld [tilespmem:$0x118D0];
	v0 =	vmax.f32 v1, v0  }
0x1ec: {  	v0 =	vmax.f32 v0, v2;
	v2 =	vmax.f32 v48, v40;
	v48 =	vld [tilespmem:$0x114C0];
	[tilespmem:$0x1FE00] =	vst v20  }
0x1ed: {  	v21 =	vmax.f32 v21, v17;
	[tilespmem:$0x1FC90] =	vst v62;
	v62 =	vld [tilespmem:$0x10D90]  }
0x1ee: {  	v20 =	vld [tilespmem:$0x10E90];
	[tilespmem:$0x1FDE0] =	vst v15;
	v15 =	vmax.f32 v21, v18  }
0x1ef: {  	v21 =	vld [tilespmem:$0x10E10];
	v15 =	vmul.f32 v24, v15;
	v24 =	vmax.f32 v22, v19  }
0x1f0: {  	v16 =	vmax.f32 v24, v26;
	v26 =	vld [tilespmem:$0x11890]  }
0x1f1: {  	v24 =	vmax.f32 v58, v27;
	v27 =	vld [tilespmem:$0x10E20]  }
0x1f2: {  	[tilespmem:$0x1FCA0] =	vst v62;
	v62 =	vld [tilespmem:$0x11410]  }
0x1f3: {  	v58 =	vld [tilespmem:$0x114A0]  }
0x1f4: {  	[tilespmem:$0x1FE20] =	vst v20;
	v20 =	vld [tilespmem:$0x114B0]  }
0x1f5: {  	v22 =	vmul.f32 v52, v16;
	v52 =	vld [tilespmem:$0x10EA0]  }
0x1f6: {  	v12 =	vadd.f32 $0.0e+00, v12;
	v16 =	vmax.f32 v24, v30;
	v24 =	vld [tilespmem:$0x118C0]  }
0x1f7: {  	[tilespmem:$0x1FCC0] =	vst v62;
	v62 =	vld [tilespmem:$0x11810]  }
0x1f8: {  	v12 =	vadd.f32 v15, v12;
	v15 =	vmax.f32 v9, v7;
	v47 =	vmul.f32 v47, v16;
	v16 =	vld [tilespmem:$0x10E30]  }
0x1f9: {  	v0 =	vmul.f32 v4, v0;
	v4 =	vmax.f32 v15, v10;
	v10 =	vld [tilespmem:$0x10F80]  }
0x1fa: {  	v15 =	vld [tilespmem:$0x10F10]  }
0x1fb: {  	[tilespmem:$0x1FE10] =	vst v21;
	v21 =	vld [tilespmem:$0x11490]  }
0x1fc: {  	[tilespmem:$0x1FCD0] =	vst v62;
	v62 =	vld [tilespmem:$0x10D20]  }
0x1fd: {  	v30 =	vadd.f32 v22, v12;
	v12 =	vld [tilespmem:$0x118A0]  }
0x1fe: {  	v19 =	vmax.f32 v14, v11;
	v22 =	vld [tilespmem:$0x118B0]  }
0x1ff: {  	v18 =	vmul.f32 v13, v4;
	v4 =	vmax.f32 v19, v23;
	v19 =	vld [tilespmem:$0x10EE0]  }
0x200: {  	v13 =	vld [tilespmem:$0x11900]  }
0x201: {  	v29 =	vmax.f32 v29, v25;
	[tilespmem:$0x1FCE0] =	vst v62;
	v62 =	vld [tilespmem:$0x10DA0]  }
0x202: {  	v23 =	vmul.f32 v28, v4;
	v4 =	vmax.f32 v29, v31;
	v31 =	vmax.f32 v34, v32;
	v32 =	vld [tilespmem:$0x1F8A0]  }
0x203: {  	v29 =	vld [tilespmem:$0x118F0]  }
0x204: {  	v17 =	vmax.f32 v50, v46;
	v50 =	vmax.f32 v44, v42;
	v44 =	vld [tilespmem:$0x1F940]  }
0x205: {  	v4 =	vmul.f32 v33, v4;
	v33 =	vmax.f32 v31, v35;
	v35 =	vmax.f32 v39, v37;
	v39 =	vld [tilespmem:$0x1F8D0]  }
0x206: {  	v3 =	vmul.f32 v8, v3;
	v0 =	vadd.f32 $0.0e+00, v0;
	[tilespmem:$0x1FCF0] =	vst v62;
	v62 =	vld [tilespmem:$0x11420]  }
0x207: {  	v1 =	vadd.f32 v47, v30;
	v30 =	vmax.f32 v55, v54;
	v54 =	vld [tilespmem:$0x1F8F0]  }
0x208: {  	v0 =	vadd.f32 v3, v0;
	v34 =	vmul.f32 v38, v33;
	v38 =	vld [tilespmem:$0x1F8C0]  }
0x209: {  	v33 =	vld [tilespmem:$0x1F900]  }
0x20a: {  	v0 =	vadd.f32 v18, v0;
	v46 =	vmax.f32 v35, v41;
	v41 =	vld [tilespmem:$0x1F920]  }
0x20b: {  	v2 =	vmul.f32 v49, v2;
	[tilespmem:$0x1FD30] =	vst v62;
	v62 =	vld [tilespmem:$0x11820]  }
0x20c: {  	v3 =	vadd.f32 v23, v0;
	[tilespmem:$0x1FE40] =	vst v21;
	v21 =	vmax.f32 v17, v53;
	v53 =	vld [tilespmem:$0x1F8E0]  }
0x20d: {  	v1 =	vadd.f32 v2, v1;
	v49 =	vmul.f32 v43, v46;
	v43 =	vld [tilespmem:$0x1F930];
	v2 =	vmul.f32 v56, v21  }
0x20e: {  	v3 =	vadd.f32 v4, v3;
	v21 =	vld [tilespmem:$0x118E0]  }
0x20f: {  	v2 =	vadd.f32 v2, v1;
	v1 =	vmax.f32 v30, v32;
	v40 =	vmax.f32 v38, v39;
	v39 =	vld [tilespmem:$0x1F910]  }
0x210: {  	v37 =	vmul.f32 v36, v1;
	[tilespmem:$0x1FD50] =	vst v62;
	v62 =	vld [tilespmem:$0x10D30]  }
0x211: {  	v3 =	vadd.f32 v34, v3;
	v36 =	vld [tilespmem:$0x1FFC0];
	v9 =	vmax.f32 v40, v53  }
0x212: {  	v38 =	vld [tilespmem:$0x1FFD0];
	v8 =	vadd.f32 v37, v2;
	v9 =	vmul.f32 v54, v9  }
0x213: {  	v3 =	vadd.f32 v49, v3;
	v49 =	vld [tilespmem:$0x1F950]  }
0x214: {  	v7 =	vmax.f32 v50, v45;
	v53 =	vld [tilespmem:$0x1F960];
	v56 =	vadd.f32 v9, v8  }
0x215: {  	v55 =	vmul.f32 v51, v7;
	v35 =	vmax.f32 v63, v61;
	[tilespmem:$0x1FD70] =	vst v62;
	v62 =	vld [tilespmem:$0x10DB0]  }
0x216: {  	[tilespmem:$0x1FF00] =	vst v22;
	v40 =	vmax.f32 v35, v39;
	v35 =	vld [tilespmem:$0x1FFE0];
	v22 =	vperm.xlane v56, v36  }
0x217: {  	v4 =	vadd.f32 v55, v3;
	v55 =	vld [tilespmem:$0x1F970]  }
0x218: {  	v25 =	vadd.f32 v56, v22;
	v22 =	vld [tilespmem:$0x1FFF0]  }
0x219: {  	v56 =	vld [tilespmem:$0x1F980]  }
0x21a: {  	v28 =	vmax.f32 v60, v57;
	[tilespmem:$0x1FD80] =	vst v62;
	v62 =	vld [tilespmem:$0x11430]  }
0x21b: {  	v30 =	vmax.f32 v28, v59;
	v23 =	vperm.xlane v4, v36;
	v60 =	vld [tilespmem:$0x1F990]  }
0x21c: {  	v34 =	vmul.f32 v33, v30;
	v63 =	vld [tilespmem:$0x1F9A0]  }
0x21d: {  	v11 =	vadd.f32 v4, v23;
	v33 =	vld [tilespmem:$0x1F9B0]  }
0x21e: {  	v46 =	vadd.f32 $0.0e+00, v34;
	v34 =	vld [tilespmem:$0x1F9C0]  }
0x21f: {  	v32 =	vperm.xlane v11, v38;
	[tilespmem:$0x1FD90] =	vst v62;
	v62 =	vld [tilespmem:$0x11830]  }
0x220: {  	v31 =	vperm.xlane v25, v38;
	v39 =	vld [tilespmem:$0x1F9D0]  }
0x221: {  	v45 =	vmax.f32 v43, v44;
	v42 =	vmul.f32 v41, v40;
	v11 =	vadd.f32 v11, v32;
	v43 =	vld [tilespmem:$0x1F9E0]  }
0x222: {  	[tilespmem:$0x1FF90] =	vst v21;
	v21 =	vmax.f32 v45, v49;
	v37 =	vadd.f32 v25, v31;
	v45 =	vld [tilespmem:$0x1F9F0]  }
0x223: {  	v14 =	vadd.f32 v42, v46;
	v51 =	vperm.xlane v11, v35;
	v46 =	vld [tilespmem:$0x1FA00]  }
0x224: {  	v50 =	vperm.xlane v37, v35;
	[tilespmem:$0x1FDB0] =	vst v62;
	v62 =	vld [tilespmem:$0x10D40]  }
0x225: {  	v11 =	vadd.f32 v11, v51;
	v57 =	vmax.f32 v55, v56;
	v51 =	vld [tilespmem:$0x1FA10]  }
0x226: {  	v59 =	vadd.f32 v37, v50;
	v61 =	vmax.f32 v57, v60;
	v37 =	vmax.f32 v33, v34;
	v57 =	vld [tilespmem:$0x1FA40]  }
0x227: {  	v40 =	vmax.f32 v37, v39;
	v39 =	vld [tilespmem:$0x1FA90]  }
0x228: {  	v44 =	vmul.f32 v43, v40;
	v40 =	vld [tilespmem:$0x1FAA0]  }
0x229: {  	v54 =	vmul.f32 v53, v21;
	v49 =	vmax.f32 v45, v46;
	[tilespmem:$0x1FDC0] =	vst v62;
	v62 =	vld [tilespmem:$0x10DC0]  }
0x22a: {  	v53 =	vmax.f32 v49, v51;
	v51 =	vld [tilespmem:$0x1FAF0]  }
0x22b: {  	v14 =	vadd.f32 v54, v14;
	v54 =	vld [tilespmem:$0x1FA20]  }
0x22c: {  	v55 =	vld [tilespmem:$0x1FA30]  }
0x22d: {  	v42 =	vperm.xlane v11, v22;
	v60 =	vld [tilespmem:$0x1FA50]  }
0x22e: {  	v41 =	vperm.xlane v59, v22;
	[tilespmem:$0x1FDD0] =	vst v62;
	v62 =	vld [tilespmem:$0x11440]  }
0x22f: {  	v11 =	vadd.f32 v11, v42;
	v4 =	vmul.f32 v63, v61;
	v42 =	vmax.f32 v39, v40;
	v63 =	vld [tilespmem:$0x1FA60]  }
0x230: {  	v30 =	vadd.f32 v59, v41;
	v59 =	vmul.f32 v57, v53;
	v53 =	vmax.f32 v42, v51;
	v51 =	vld [tilespmem:$0x1FB70]  }
0x231: {  	v56 =	vmax.f32 v54, v55;
	v54 =	vld [tilespmem:$0x1FB00]  }
0x232: {  	v55 =	vld [tilespmem:$0x1FB10]  }
0x233: {  	v32 =	vmax.f32 v56, v60;
	[tilespmem:$0x1FDF0] =	vst v62;
	v62 =	vld [tilespmem:$0x11840]  }
0x234: {  	v14 =	vadd.f32 v4, v14;
	v4 =	vmul.f32 v63, v32;
	v32 =	vld [tilespmem:$0x1FA70]  }
0x235: {  	v34 =	vld [tilespmem:$0x1FA80]  }
0x236: {  	v46 =	vld [tilespmem:$0x1FAD0]  }
0x237: {  	v49 =	vld [tilespmem:$0x1FAE0]  }
0x238: {  	[tilespmem:$0x1FE30] =	vst v62;
	v62 =	vld [tilespmem:$0x10D50]  }
0x239: {  	v43 =	vld [tilespmem:$0x1FAB0]  }
0x23a: {  	v50 =	vadd.f32 v44, v14;
	v44 =	vld [tilespmem:$0x1FAC0]  }
0x23b: {  	v57 =	vld [tilespmem:$0x1FB20]  }
0x23c: {  	v41 =	vadd.f32 v59, v50;
	v50 =	vmax.f32 v46, v49;
	v49 =	vld [tilespmem:$0x1FB60]  }
0x23d: {  	v61 =	vnsel vm0, $0x0, v30;
	[tilespmem:$0x1FE70] =	vst v62;
	v62 =	vld [tilespmem:$0x10DD0]  }
0x23e: {  	v14 =	vsel vm1, v61, v11;
	v61 =	vld [tilespmem:$0x1FB40]  }
0x23f: {  	v63 =	vld [tilespmem:$0x1FB50]  }
0x240: {  	v59 =	vld [tilespmem:$0x1FB30]  }
0x241: {  	v39 =	vmax.f32 v50, v57;
	v50 =	vmul.f32 v49, v53;
	v53 =	vld [tilespmem:$0x1FB80]  }
0x242: {  	v37 =	vmax.f32 v32, v34;
	[tilespmem:$0x1FE80] =	vst v62;
	v62 =	vld [tilespmem:$0x11450]  }
0x243: {  	v56 =	vmax.f32 v54, v55;
	v34 =	vmax.f32 v37, v43;
	v55 =	vld [tilespmem:$0x1FB90]  }
0x244: {  	v11 =	vadd.f32 $0.0e+00, v4;
	v45 =	vmul.f32 v44, v34;
	v4 =	vmax.f32 v61, v63;
	v61 =	vld [tilespmem:$0x1FBC0]  }
0x245: {  	v57 =	vld [tilespmem:$0x1FBA0]  }
0x246: {  	v11 =	vadd.f32 v45, v11;
	v60 =	vmul.f32 v59, v39;
	v59 =	vld [tilespmem:$0x1FBB0]  }
0x247: {  	v54 =	vmax.f32 v4, v53;
	[tilespmem:$0x1FEC0] =	vst v62;
	v62 =	vld [tilespmem:$0x11850]  }
0x248: {  	v42 =	vmax.f32 v56, v51;
	v11 =	vadd.f32 v60, v11;
	v56 =	vmul.f32 v55, v54;
	v63 =	vld [tilespmem:$0x1FBD0]  }
0x249: {  	v55 =	vld [tilespmem:$0x1FBF0]  }
0x24a: {  	v45 =	vadd.f32 v56, v11;
	v56 =	vld [tilespmem:$0x1FC00]  }
0x24b: {  	v60 =	vmax.f32 v57, v59;
	v59 =	vld [tilespmem:$0x1FC10]  }
0x24c: {  	[tilespmem:$0x1FF10] =	vst v62;
	v62 =	vld [tilespmem:$0x10D60]  }
0x24d: {  	v49 =	vld [tilespmem:$0x1FBE0]  }
0x24e: {  	v51 =	vld [tilespmem:$0x1FC40]  }
0x24f: {  	v57 =	vmax.f32 v55, v56;
	v56 =	vld [tilespmem:$0x1FC60]  }
0x250: {  	v4 =	vmax.f32 v60, v63;
	v60 =	vmax.f32 v57, v59;
	v57 =	vld [tilespmem:$0x1FC70]  }
0x251: {  	[tilespmem:$0x1FED0] =	vst v62;
	v62 =	vld [tilespmem:$0x10DE0]  }
0x252: {  	v42 =	vmul.f32 v61, v42;
	v61 =	vld [tilespmem:$0x1FC20]  }
0x253: {  	v63 =	vld [tilespmem:$0x1FC30]  }
0x254: {  	v55 =	vld [tilespmem:$0x1FC50]  }
0x255: {  	v54 =	vmul.f32 v51, v60;
	v60 =	vld [tilespmem:$0x1FC80]  }
0x256: {  	[tilespmem:$0x1FEE0] =	vst v62;
	v62 =	vld [tilespmem:$0x11460]  }
0x257: {  	v41 =	vadd.f32 v50, v41;
	v59 =	vmax.f32 v56, v57;
	v56 =	vld [tilespmem:$0x1FCB0]  }
0x258: {  	[tilespmem:$0x1FE90] =	vst v58;
	v58 =	vld [tilespmem:$0x10EB0];
	v50 =	vmul.f32 v49, v4;
	v4 =	vmax.f32 v61, v63  }
0x259: {  	v11 =	vadd.f32 v42, v41;
	v42 =	vmax.f32 v4, v55;
	v61 =	vld [tilespmem:$0x1FC90]  }
0x25a: {  	v42 =	vmul.f32 v60, v42;
	v63 =	vld [tilespmem:$0x1FCA0]  }
0x25b: {  	[tilespmem:$0x1FF20] =	vst v62;
	v62 =	vld [tilespmem:$0x11860]  }
0x25c: {  	v49 =	vmax.f32 v59, v56;
	v56 =	vadd.f32 $0.0e+00, v42;
	v42 =	vld [tilespmem:$0x1FD00]  }
0x25d: {  	v57 =	vld [tilespmem:$0x1FCC0]  }
0x25e: {  	v60 =	vld [tilespmem:$0x1FCD0]  }
0x25f: {  	v4 =	vmax.f32 v61, v63;
	v61 =	vld [tilespmem:$0x1FCE0]  }
0x260: {  	[tilespmem:$0x1FF30] =	vst v62;
	v62 =	vld [tilespmem:$0x10D70]  }
0x261: {  	v63 =	vld [tilespmem:$0x1FCF0]  }
0x262: {  	v47 =	vld [tilespmem:$0x10E40]  }
0x263: {  	v59 =	vmax.f32 v4, v57;
	v57 =	vmul.f32 v42, v49;
	v49 =	vld [tilespmem:$0x1FD10]  }
0x264: {  	v46 =	vadd.f32 v50, v45;
	v50 =	vmul.f32 v60, v59;
	v59 =	vld [tilespmem:$0x1FD20]  }
0x265: {  	[tilespmem:$0x1FF40] =	vst v62;
	v62 =	vld [tilespmem:$0x10DF0]  }
0x266: {  	v4 =	vmax.f32 v61, v63;
	v61 =	vld [tilespmem:$0x1FD30]  }
0x267: {  	v63 =	vld [tilespmem:$0x1FD40]  }
0x268: {  	[tilespmem:$0x1FE60] =	vst v27;
	v27 =	vld [tilespmem:$0x10EC0]  }
0x269: {  	v18 =	vld [tilespmem:$0x10E50]  }
0x26a: {  	[tilespmem:$0x1FF50] =	vst v62;
	v62 =	vld [tilespmem:$0x11470]  }
0x26b: {  	v50 =	vadd.f32 v50, v56;
	v60 =	vmax.f32 v49, v59;
	v56 =	vld [tilespmem:$0x1FD50]  }
0x26c: {  	v51 =	vmax.f32 v4, v61;
	v4 =	vmax.f32 v60, v63;
	v60 =	vld [tilespmem:$0x1FD60]  }
0x26d: {  	v61 =	vld [tilespmem:$0x1FD70]  }
0x26e: {  	v63 =	vld [tilespmem:$0x1FD80]  }
0x26f: {  	[tilespmem:$0x1FF60] =	vst v62;
	v62 =	vld [tilespmem:$0x11870]  }
0x270: {  	[tilespmem:$0x1FEF0] =	vst v20;
	v20 =	vld [tilespmem:$0x10E60]  }
0x271: {  	[tilespmem:$0x1FE50] =	vst v26;
	v26 =	vld [tilespmem:$0x114F0];
	v55 =	vadd.f32 v54, v46  }
0x272: {  	v59 =	vld [tilespmem:$0x1FDA0];
	v51 =	vmul.f32 v56, v51  }
0x273: {  	v56 =	vadd.f32 v57, v55;
	v57 =	vmul.f32 v60, v4;
	v4 =	vmax.f32 v61, v63;
	v63 =	vld [tilespmem:$0x1FD90]  }
0x274: {  	[tilespmem:$0x1FF70] =	vst v62;
	v62 =	vld [tilespmem:$0x10E00]  }
0x275: {  	v7 =	vld [tilespmem:$0x11510]  }
0x276: {  	[tilespmem:$0x1FEB0] =	vst v16;
	v16 =	vld [tilespmem:$0x114E0]  }
0x277: {  	v61 =	vld [tilespmem:$0x1FDB0]  }
0x278: {  	v4 =	vmax.f32 v4, v63;
	v63 =	vld [tilespmem:$0x1FDD0]  }
0x279: {  	v59 =	vmax.f32 v62, v59;
	v62 =	vld [tilespmem:$0x1FDC0]  }
0x27a: {  	v0 =	vld [tilespmem:$0x1FE50]  }
0x27b: {  	v17 =	vld [tilespmem:$0x10ED0]  }
0x27c: {  	[tilespmem:$0x1FEA0] =	vst v12;
	v12 =	vld [tilespmem:$0x11500]  }
0x27d: {  	[tilespmem:$0x1FFB0] =	vst v29;
	v29 =	vld [tilespmem:$0x11920]  }
0x27e: {  	v61 =	vmul.f32 v61, v4;
	v4 =	vmax.f32 v62, v63;
	v63 =	vld [tilespmem:$0x1FDF0]  }
0x27f: {  	[tilespmem:$0x1FFA0] =	vst v26;
	v26 =	vld [tilespmem:$0x10FA0]  }
0x280: {  	v27 =	vmax.f32 v47, v27;
	v47 =	vld [tilespmem:$0x11590]  }
0x281: {  	v28 =	vld [tilespmem:$0x11520]  }
0x282: {  	v60 =	vadd.f32 v51, v50;
	v50 =	vld [tilespmem:$0x1FDE0]  }
0x283: {  	v62 =	vmax.f32 v4, v63;
	v4 =	vld [tilespmem:$0x1FE00]  }
0x284: {  	v60 =	vadd.f32 v61, v60;
	v61 =	vld [tilespmem:$0x1FE30]  }
0x285: {  	v27 =	vmax.f32 v27, v48;
	v48 =	vld [tilespmem:$0x11990]  }
0x286: {  	[tilespmem:$0x1FF80] =	vst v16;
	v16 =	vld [tilespmem:$0x10E70]  }
0x287: {  	v59 =	vmax.f32 v59, v50;
	v63 =	vld [tilespmem:$0x1FE10]  }
0x288: {  	v59 =	vmul.f32 v4, v59;
	v4 =	vld [tilespmem:$0x1FE20]  }
0x289: {  	v61 =	vmul.f32 v61, v62;
	v62 =	vld [tilespmem:$0x1FE40]  }
0x28a: {  	v17 =	vmax.f32 v18, v17;
	v18 =	vld [tilespmem:$0x11020]  }
0x28b: {  	v2 =	vld [tilespmem:$0x11980]  }
0x28c: {  	v5 =	vmax.f32 v17, v5;
	v17 =	vld [tilespmem:$0x110A0]  }
0x28d: {  	v3 =	vld [tilespmem:$0x11580];
	v63 =	vmax.f32 v63, v4  }
0x28e: {  	v5 =	vmul.f32 v6, v5;
	v6 =	vld [tilespmem:$0x115A0];
	v62 =	vmax.f32 v63, v62  }
0x28f: {  	v62 =	vmul.f32 v0, v62;
	v0 =	vld [tilespmem:$0x1FE60]  }
0x290: {  	v8 =	vld [tilespmem:$0x10EF0]  }
0x291: {  	v9 =	vld [tilespmem:$0x10F00]  }
0x292: {  	v21 =	vld [tilespmem:$0x10F90]  }
0x293: {  	v60 =	vadd.f32 v61, v60;
	v61 =	vld [tilespmem:$0x1FE80]  }
0x294: {  	v52 =	vmax.f32 v0, v52;
	v0 =	vld [tilespmem:$0x1FE70]  }
0x295: {  	v23 =	vld [tilespmem:$0x11910]  }
0x296: {  	v9 =	vmax.f32 v9, v10;
	v10 =	vld [tilespmem:$0x119A0]  }
0x297: {  	v8 =	vmax.f32 v16, v8;
	v16 =	vld [tilespmem:$0x115B0]  }
0x298: {  	v9 =	vmax.f32 v9, v12;
	v12 =	vld [tilespmem:$0x11030]  }
0x299: {  	v61 =	vmax.f32 v0, v61;
	v0 =	vld [tilespmem:$0x1FE90]  }
0x29a: {  	v25 =	vld [tilespmem:$0x10F20]  }
0x29b: {  	v31 =	vld [tilespmem:$0x10F40]  }
0x29c: {  	v30 =	vld [tilespmem:$0x10F30]  }
0x29d: {  	v33 =	vld [tilespmem:$0x11530]  }
0x29e: {  	v52 =	vmax.f32 v52, v0;
	v0 =	vld [tilespmem:$0x1FEC0]  }
0x29f: {  	v40 =	vld [tilespmem:$0x11940]  }
0x2a0: {  	v32 =	vld [tilespmem:$0x10FB0];
	v59 =	vadd.f32 $0.0e+00, v59  }
0x2a1: {  	v1 =	vld [tilespmem:$0x1FEE0]  }
0x2a2: {  	v59 =	vadd.f32 v62, v59;
	v62 =	vld [tilespmem:$0x1FEA0]  }
0x2a3: {  	v61 =	vmax.f32 v61, v0;
	v0 =	vld [tilespmem:$0x1FED0]  }
0x2a4: {  	v37 =	vld [tilespmem:$0x10FC0]  }
0x2a5: {  	v43 =	vld [tilespmem:$0x10F50]  }
0x2a6: {  	v53 =	vld [tilespmem:$0x10FD0]  }
0x2a7: {  	v52 =	vmul.f32 v62, v52;
	v62 =	vld [tilespmem:$0x1FEB0]  }
0x2a8: {  	v0 =	vmax.f32 v0, v1;
	v1 =	vld [tilespmem:$0x1FEF0]  }
0x2a9: {  	v52 =	vadd.f32 v52, v59;
	v59 =	vld [tilespmem:$0x1FF00]  }
0x2aa: {  	v34 =	vld [tilespmem:$0x11930]  }
0x2ab: {  	v44 =	vld [tilespmem:$0x11550]  }
0x2ac: {  	v39 =	vld [tilespmem:$0x11540];
	v58 =	vmax.f32 v62, v58  }
0x2ad: {  	v43 =	vmax.f32 v43, v53;
	v53 =	vld [tilespmem:$0x110E0];
	v58 =	vmax.f32 v58, v1  }
0x2ae: {  	v58 =	vmul.f32 v59, v58;
	v59 =	vld [tilespmem:$0x1FF10]  }
0x2af: {  	v41 =	vld [tilespmem:$0x11950]  }
0x2b0: {  	v45 =	vld [tilespmem:$0x10F60]  }
0x2b1: {  	v54 =	vld [tilespmem:$0x10FE0]  }
0x2b2: {  	v46 =	vld [tilespmem:$0x11560]  }
0x2b3: {  	v59 =	vmul.f32 v59, v61;
	v61 =	vld [tilespmem:$0x1FF20]  }
0x2b4: {  	v42 =	vld [tilespmem:$0x11960]  }
0x2b5: {  	v49 =	vld [tilespmem:$0x10F70]  }
0x2b6: {  	v55 =	vld [tilespmem:$0x10FF0]  }
0x2b7: {  	v51 =	vld [tilespmem:$0x11570]  }
0x2b8: {  	v0 =	vmax.f32 v0, v61;
	v61 =	vld [tilespmem:$0x1FF30]  }
0x2b9: {  	v50 =	vld [tilespmem:$0x11970]  }
0x2ba: {  	v4 =	vld [tilespmem:$0x11000]  }
0x2bb: {  	v63 =	vld [tilespmem:$0x11080]  }
0x2bc: {  	v24 =	vmul.f32 v24, v27;
	v27 =	vadd.f32 v59, v60;
	v60 =	vld [tilespmem:$0x1FF40]  }
0x2bd: {  	v0 =	vmul.f32 v61, v0;
	v61 =	vld [tilespmem:$0x1FF50]  }
0x2be: {  	v62 =	vld [tilespmem:$0x11010]  }
0x2bf: {  	v1 =	vld [tilespmem:$0x11090];
	v52 =	vadd.f32 v58, v52  }
0x2c0: {  	v4 =	vmax.f32 v4, v63;
	v63 =	vld [tilespmem:$0x11070]  }
0x2c1: {  	v24 =	vadd.f32 v24, v52;
	v52 =	vmax.f32 v15, v21;
	v15 =	vld [tilespmem:$0x110B0]  }
0x2c2: {  	v58 =	vmax.f32 v60, v61;
	v60 =	vld [tilespmem:$0x1FF60]  }
0x2c3: {  	v21 =	vld [tilespmem:$0x11040]  }
0x2c4: {  	v9 =	vmul.f32 v13, v9;
	v1 =	vmax.f32 v62, v1;
	v13 =	vmax.f32 v52, v7;
	v61 =	vld [tilespmem:$0x1FF70]  }
0x2c5: {  	v20 =	vmax.f32 v20, v19;
	v1 =	vmax.f32 v1, v47;
	v13 =	vmul.f32 v23, v13;
	v23 =	vld [tilespmem:$0x110C0]  }
0x2c6: {  	v17 =	vmax.f32 v18, v17;
	v3 =	vmax.f32 v4, v3;
	v1 =	vmul.f32 v48, v1;
	v48 =	vld [tilespmem:$0x11060]  }
0x2c7: {  	v2 =	vmul.f32 v2, v3;
	v0 =	vadd.f32 v0, v27;
	v27 =	vmax.f32 v58, v60;
	v58 =	vld [tilespmem:$0x1FF80]  }
0x2c8: {  	v6 =	vmax.f32 v17, v6;
	v9 =	vadd.f32 $0.0e+00, v9;
	v59 =	vmax.f32 v25, v26;
	v60 =	vld [tilespmem:$0x1FF90]  }
0x2c9: {  	v2 =	vadd.f32 $0.0e+00, v2;
	v7 =	vmax.f32 v59, v28;
	v27 =	vmul.f32 v61, v27;
	v61 =	vld [tilespmem:$0x1FFA0]  }
0x2ca: {  	v5 =	vadd.f32 v5, v24;
	v9 =	vadd.f32 v13, v9;
	v28 =	vld [tilespmem:$0x1FFB0];
	v24 =	vmul.f32 v29, v7  }
0x2cb: {  	v52 =	vmax.f32 v43, v44;
	v26 =	vld [tilespmem:$0x119B0];
	v25 =	vmax.f32 v30, v32;
	v1 =	vadd.f32 v1, v2  }
0x2cc: {  	v30 =	vld [tilespmem:$0x115C0];
	v59 =	vmax.f32 v45, v54;
	v29 =	vmax.f32 v25, v33;
	v9 =	vadd.f32 v24, v9  }
0x2cd: {  	v32 =	vld [tilespmem:$0x119C0];
	v62 =	vmax.f32 v21, v23;
	v21 =	vmax.f32 v59, v46;
	v20 =	vmax.f32 v20, v58  }
0x2ce: {  	v33 =	vld [tilespmem:$0x11050];
	v0 =	vadd.f32 v27, v0;
	v20 =	vmul.f32 v60, v20;
	v8 =	vmax.f32 v8, v61  }
0x2cf: {  	v23 =	vld [tilespmem:$0x110F0];
	v7 =	vmul.f32 v28, v8;
	v8 =	vmul.f32 v34, v29;
	v34 =	vmax.f32 v31, v37  }
0x2d0: {  	v37 =	vld [tilespmem:$0x110D0];
	v5 =	vadd.f32 v20, v5;
	v20 =	vadd.f32 v57, v56;
	v56 =	vmul.f32 v10, v6  }
0x2d1: {  	v57 =	vmax.f32 v12, v15;
	v8 =	vadd.f32 v8, v9;
	v9 =	vmax.f32 v34, v39;
	v39 =	vld [tilespmem:$0x115D0]  }
0x2d2: {  	v47 =	vld [tilespmem:$0x119D0];
	v27 =	vmul.f32 v42, v21;
	v28 =	vmax.f32 v49, v55;
	v6 =	vmax.f32 v57, v16  }
0x2d3: {  	v58 =	vld [tilespmem:$0x115E0];
	v31 =	vmax.f32 v48, v53;
	v1 =	vadd.f32 v56, v1;
	v61 =	vmul.f32 v26, v6  }
0x2d4: {  	v60 =	vld [tilespmem:$0x119E0];
	v34 =	vmax.f32 v63, v23;
	v9 =	vmul.f32 v40, v9;
	v6 =	vmax.f32 v62, v30  }
0x2d5: {  	v26 =	vld [tilespmem:$0x115F0];
	v24 =	vmul.f32 v32, v6;
	v1 =	vadd.f32 v61, v1;
	v4 =	vmax.f32 v33, v37  }
0x2d6: {  	v29 =	vld [tilespmem:$0x119F0];
	v8 =	vadd.f32 v9, v8;
	v9 =	vmul.f32 v41, v52;
	v3 =	vmax.f32 v4, v39  }
0x2d7: {  	v5 =	vadd.f32 v7, v5;
	v1 =	vadd.f32 v24, v1;
	v30 =	vmul.f32 v47, v3  }
0x2d8: {  	v32 =	vmax.f32 v28, v51;
	v8 =	vadd.f32 v9, v8;
	v3 =	vmax.f32 v31, v58  }
0x2d9: {  	v37 =	vperm.xlane v11, v36;
	v33 =	vmul.f32 v60, v3;
	v1 =	vadd.f32 v30, v1  }
0x2da: {  	v7 =	vadd.f32 v27, v8;
	v8 =	vmul.f32 v50, v32;
	v3 =	vmax.f32 v34, v26  }
0x2db: {  	v40 =	vperm.xlane v20, v36;
	v39 =	vmul.f32 v29, v3;
	v1 =	vadd.f32 v33, v1  }
0x2dc: {  	v42 =	vperm.xlane v0, v36;
	v41 =	vadd.f32 v11, v37;
	v7 =	vadd.f32 v8, v7  }
0x2dd: {  	v43 =	vperm.xlane v5, v36;
	v3 =	vadd.f32 v20, v40;
	v1 =	vadd.f32 v39, v1  }
0x2de: {  	v0 =	vadd.f32 v0, v42;
	v44 =	vperm.xlane v41, v38;
	v45 =	vperm.xlane v7, v36  }
0x2df: {  	v5 =	vadd.f32 v5, v43;
	v46 =	vperm.xlane v3, v38;
	v47 =	vperm.xlane v1, v36  }
0x2e0: {  	v48 =	vperm.xlane v0, v38;
	v2 =	vadd.f32 v41, v44;
	v6 =	vadd.f32 v7, v45  }
0x2e1: {  	v49 =	vperm.xlane v5, v38;
	v3 =	vadd.f32 v3, v46;
	v1 =	vadd.f32 v1, v47  }
0x2e2: {  	v0 =	vadd.f32 v0, v48;
	v50 =	vperm.xlane v2, v35;
	v51 =	vperm.xlane v6, v38  }
0x2e3: {  	v5 =	vadd.f32 v5, v49;
	v9 =	vperm.xlane v3, v35;
	v52 =	vperm.xlane v1, v38  }
0x2e4: {  	v53 =	vperm.xlane v0, v35;
	v2 =	vadd.f32 v2, v50;
	v4 =	vadd.f32 v6, v51  }
0x2e5: {  	v54 =	vperm.xlane v5, v35;
	v3 =	vadd.f32 v3, v9;
	v1 =	vadd.f32 v1, v52  }
0x2e6: {  	v0 =	vadd.f32 v0, v53;
	v55 =	vperm.xlane v2, v22;
	v56 =	vperm.xlane v4, v35  }
0x2e7: {  	v5 =	vadd.f32 v5, v54;
	v9 =	vperm.xlane v3, v22;
	v57 =	vperm.xlane v1, v35  }
0x2e8: {  	v58 =	vperm.xlane v0, v22;
	v2 =	vadd.f32 v2, v55;
	v4 =	vadd.f32 v4, v56  }
0x2e9: {  	v59 =	vperm.xlane v5, v22;
	v3 =	vadd.f32 v3, v9;
	v1 =	vadd.f32 v1, v57  }
0x2ea: {  	v0 =	vadd.f32 v0, v58;
	v2 =	vsel vm2, v14, v2;
	v60 =	vperm.xlane v4, v22  }
0x2eb: {  	v61 =	vadd.f32 v5, v59;
	v2 =	vsel vm3, v2, v3;
	v62 =	vperm.xlane v1, v22  }
0x2ec: {  	v0 =	vsel vm4, v2, v0;
	v63 =	vadd.f32 v4, v60  }
0x2ed: {  	v0 =	vsel vm5, v0, v61;
	v1 =	vadd.f32 v1, v62  }
0x2ee: {  	v0 =	vsel vm6, v0, v63  }
0x2ef: {  	v0 =	vsel vm7, v0, v1  }
.Ltmp9:
0x2f0: {  	s31 =	simm.s32 $0x11A00;
	[tilespmem:$0x11A00] =	vst v0;
	(pc) =	sbr.rel .LBB2_14-.Ltmp9, $4  }
0x2f1: {  	[hbm4b:s9+s4] =	stream.linear.scatter [tilespmem:s31], [sflag:$0x7], $0x8, $0x38;
	[tilespmem:$0x11A80] =	vst v63  }
0x2f2: {  	_ =	swait.ge [sflag:s11], $0x8  }
0x2f3: {  	[sflag:s11] =	ssyncset.done $0x0  }
0x2f4: {  	[sflag:s11] =	ssyncadd.s32 $0xFFFFFFF8  }
.LBB2_15:
0x2f5: {  	_ =	sfence.sel $0x180000  }
0x2f6: {  	[bflag:$0x0] =	sbarrier.arrive $0xFFFF  }
0x2f7: {  	_ =	strace $0x90000047  }
0x2f8: {  	[bflag:$0x2] =	sbarrier.arrive $0xFFFF  }
0x2f9: {  	s0 =	rddreg [dreg:$0x7]  }
0x2fa: {  	s0 =	sadd.s32 @!p0 $0x100000, s0  }
0x2fb: {  	[sflag:s0] =	ssyncadd.tile.s32 @!p0 $0x1;
	_ =	shalt  }
.Lfunc_end2:
_tile_overlayer_lowered:
.L_overlay_start_2:
0x2fc: {  	(tag) =	ssettag $0x2  }
0x2fd: {  	s0 =	rddreg [dreg:$0x0];
	s2 =	stileid.u32  }
0x2fe: {  	s1 =	rddreg [dreg:$0x1];
	p0 =	sne.s32 s2, $0x0  }
0x2ff: {  	s3 =	rddreg [dreg:$0x2];
	[bflag:$0x3] =	sbarrier.arrive $0xFFFF;
	s2 =	simm.s32 @!p0 $0x1C07  }
0x300: {  	[timem:s3], [sflag:s2] =	dma.local @!p0 [hbm:s0], s1  }
0x301: {  	s0 =	simm.s32 @!p0 $0x7  }
0x302: {  	_ =	swait.ge @!p0 [sflag:s0], s1  }
0x303: {  	s1 =	ssub.s32 @!p0 $0x0, s1;
	[sflag:s0] =	ssyncset.done @!p0 $0x0  }
0x304: {  	[sflag:s0] =	ssyncadd.s32 @!p0 s1  }
0x305: {  	[bflag:$0x3] =	sbarrier.arrive $0xFFFF  }
0x306: {  	_ =	shalt  }

</sc_bundles>
